<compile_context>
chip_gen: v7x
topology: tpu7x:2x2x1
jax: 0.10.2.dev20260603
libtpu: 0.0.44.dev20260713+nightly
codegen_flags: <defaults>
</compile_context>

<pallas_src>
import jax
import jax.numpy as jnp
from jax import lax
from jax.experimental import pallas as pl
from jax.experimental.pallas import tpu as pltpu
from jax.experimental.pallas import tpu_sc as plsc

N_NODES = 100000
N_EDGES = 1600000
EF_DIM = 16
R_MAX = 10.0

LANES = 16
NW = 32
G_TILES = 10

TN = 3200
NPADT = NW * TN
CHUNK = 2000
NGR = CHUNK // LANES
E_PER_W = N_EDGES // NW
NCH2 = E_PER_W // CHUNK
E_PER_G = N_EDGES // G_TILES
NCH1 = E_PER_G // CHUNK

_STEP = R_MAX / (EF_DIM - 1)
_COEFF = 0.5 / (_STEP * _STEP)
_SQC = _COEFF ** 0.5
_P = 6
_A = -(_P + 1) * (_P + 2) / 2.0
_B = float(_P * (_P + 2))
_C = -_P * (_P + 1) / 2.0

_D2 = 2.0 ** -0.5
_RD = [float(__import__("math").exp(-(2 * d + 1) / 2.0)) for d in range(15)]

_SC_PARAMS = pltpu.CompilerParams(needs_layout_passes=False)


def _sc_transpose_body(posf, px, py, pz, in_v, x_v, y_v, z_v):
    wid = lax.axis_index("c") * 16 + lax.axis_index("s")
    pltpu.sync_copy(posf.at[pl.ds(wid * (3 * TN), 3 * TN)], in_v)
    iota3 = lax.iota(jnp.int32, LANES) * 3
    cbufs = [x_v, y_v, z_v]

    def grp(g, carry):
        base = g * (3 * LANES)
        for c in range(3):
            v = plsc.load_gather(in_v, [iota3 + (base + c)])
            cbufs[c][pl.ds(g * LANES, LANES)] = v
        return carry

    lax.fori_loop(0, TN // LANES, grp, 0)
    for c, out in enumerate((px, py, pz)):
        pltpu.sync_copy(cbufs[c], out.at[pl.ds(wid * TN, TN)])


def _sc_dsq_body(ei, px, py, pz, d0, d1, d2,
                 table_v, si_a, si_b, di_a, di_b, dq_a, dq_b,
                 sin_a, sin_b, sout_a, sout_b):
    wid = lax.axis_index("c") * 16 + lax.axis_index("s")
    si = [si_a, si_b]
    di = [di_a, di_b]
    dq = [dq_a, dq_b]
    sin = [sin_a, sin_b]
    sout = [sout_a, sout_b]

    @pl.when(wid < 3 * G_TILES)
    def _():
        c = wid // G_TILES
        k = wid % G_TILES
        for cc, tab in enumerate((px, py, pz)):
            @pl.when(c == cc)
            def _():
                pltpu.sync_copy(tab, table_v)
        outs = [d0, d1, d2]

        def in_copies(cidx, b):
            base = k * E_PER_G + cidx * CHUNK
            return (
                pltpu.make_async_copy(ei.at[pl.ds(base, CHUNK)], si[b], sin[b]),
                pltpu.make_async_copy(
                    ei.at[pl.ds(N_EDGES + base, CHUNK)], di[b], sin[b]),
            )

        def compute(b):
            @plsc.parallel_loop(0, NGR, unroll=2)
            def _(g):
                o = g * LANES
                sv = si[b][pl.ds(o, LANES)]
                dv = di[b][pl.ds(o, LANES)]
                d = (plsc.load_gather(table_v, [sv])
                     - plsc.load_gather(table_v, [dv]))
                dq[b][pl.ds(o, LANES)] = d * d

        def out_copy(cidx, b, cc):
            base = k * E_PER_G + cidx * CHUNK
            return pltpu.make_async_copy(
                dq[b], outs[cc].at[pl.ds(base, CHUNK)], sout[b])

        def step(cidx, b):
            nxt = cidx + 1

            @pl.when(nxt < NCH1)
            def _():
                for cp in in_copies(nxt, 1 - b):
                    cp.start()

            for cp in in_copies(cidx, b):
                cp.wait()

            @pl.when(cidx >= 2)
            def _():
                for cc in range(3):
                    @pl.when(c == cc)
                    def _():
                        out_copy(cidx - 2, b, cc).wait()

            compute(b)
            for cc in range(3):
                @pl.when(c == cc)
                def _():
                    out_copy(cidx, b, cc).start()

        for cp in in_copies(0, 0):
            cp.start()

        def pair(p, carry):
            step(2 * p, 0)
            step(2 * p + 1, 1)
            return carry

        lax.fori_loop(0, NCH1 // 2, pair, 0)
        for cc in range(3):
            @pl.when(c == cc)
            def _():
                out_copy(NCH1 - 2, 0, cc).wait()
                out_copy(NCH1 - 1, 1, cc).wait()


def _sc_edge_body(d0, d1, d2, ef_out, sm_out,
                  d0a, d0b, d1a, d1b, d2a, d2b,
                  ef_a, ef_b, sm_a, sm_b,
                  sin_a, sin_b, sout_a, sout_b):
    wid = lax.axis_index("c") * 16 + lax.axis_index("s")
    dbufs = [[d0a, d1a, d2a], [d0b, d1b, d2b]]
    ef = [ef_a, ef_b]
    sm = [sm_a, sm_b]
    sin = [sin_a, sin_b]
    sout = [sout_a, sout_b]
    iota = lax.iota(jnp.int32, LANES)
    offs2 = iota.astype(jnp.float32) * (_STEP * _SQC)

    def in_copies(cidx, b):
        base = wid * E_PER_W + cidx * CHUNK
        return tuple(
            pltpu.make_async_copy(src.at[pl.ds(base, CHUNK)], dst, sin[b])
            for src, dst in zip((d0, d1, d2), dbufs[b]))

    def out_copies(cidx, b):
        base = wid * E_PER_W + cidx * CHUNK
        return (
            pltpu.make_async_copy(
                ef[b], ef_out.at[pl.ds(base * EF_DIM, CHUNK * EF_DIM)],
                sout[b]),
            pltpu.make_async_copy(sm[b], sm_out.at[pl.ds(base, CHUNK)],
                                  sout[b]),
        )

    def compute(b):
        da, db_, dc = dbufs[b]

        @plsc.parallel_loop(0, NGR, unroll=2)
        def _(g):
            o = g * LANES
            el2 = (da[pl.ds(o, LANES)] + db_[pl.ds(o, LANES)]
                   + dc[pl.ds(o, LANES)])
            ih = plsc.bitcast(el2, jnp.int32)
            ih = 0x5F3759DF - (ih >> 1)
            y = plsc.bitcast(ih, jnp.float32)
            h = 0.5 * el2
            y = y * (1.5 - (h * y) * y)
            y = y * (1.5 - (h * y) * y)
            y = y * (1.5 - (h * y) * y)
            el = el2 * y
            u = el * (1.0 / R_MAX)
            u2 = u * u
            u3 = u2 * u
            u6 = u3 * u3
            inner = _A + u * (_B + _C * u)
            poly = 1.0 + u6 * inner
            sm[b][pl.ds(o, LANES)] = jnp.where(
                u < 1.0, poly, jnp.zeros_like(poly))
            a = el * _SQC
            q = jnp.exp(el * (2.0 * _SQC * _D2))
            idxv = iota * EF_DIM + (o * EF_DIM)
            w = None
            for d in range(EF_DIM):
                if d % 4 == 0:
                    oo = d * _D2
                    w = jnp.exp((a - oo) * (oo - a))
                else:
                    w = w * (q * _RD[d - 1])
                plsc.store_scatter(ef[b], [idxv + d], w)

    def step(cidx, b):
        nxt = cidx + 1

        @pl.when(nxt < NCH2)
        def _():
            for cp in in_copies(nxt, 1 - b):
                cp.start()

        for cp in in_copies(cidx, b):
            cp.wait()

        @pl.when(cidx >= 2)
        def _():
            for cp in out_copies(cidx - 2, b):
                cp.wait()

        compute(b)
        for cp in out_copies(cidx, b):
            cp.start()

    for cp in in_copies(0, 0):
        cp.start()

    def pair(p, carry):
        step(2 * p, 0)
        step(2 * p + 1, 1)
        return carry

    lax.fori_loop(0, NCH2 // 2, pair, 0)
    step(NCH2 - 1, 0)
    for cp in out_copies(NCH2 - 3, 1):
        cp.wait()
    for cp in out_copies(NCH2 - 1, 0):
        cp.wait()


def _tc_emb_body(z_ref, zemb_ref, out_ref):
    zb = z_ref[...]
    oh = (zb == lax.broadcasted_iota(jnp.int32, (zb.shape[0], 128), 1))
    out_ref[...] = jnp.dot(oh.astype(jnp.float32), zemb_ref[...],
                           preferred_element_type=jnp.float32)


def kernel(z, pos, edge_index, z_emb):
    ei = edge_index.astype(jnp.int32).reshape(2 * N_EDGES)
    posf = jnp.concatenate(
        [pos.reshape(3 * N_NODES),
         jnp.zeros((3 * (NPADT - N_NODES),), jnp.float32)])

    mesh = plsc.VectorSubcoreMesh(core_axis_name="c", subcore_axis_name="s")

    tr_call = pl.kernel(
        _sc_transpose_body,
        out_type=(jax.ShapeDtypeStruct((NPADT,), jnp.float32),) * 3,
        mesh=mesh,
        compiler_params=_SC_PARAMS,
        scratch_types=[
            pltpu.VMEM((3 * TN,), jnp.float32),
            pltpu.VMEM((TN,), jnp.float32),
            pltpu.VMEM((TN,), jnp.float32),
            pltpu.VMEM((TN,), jnp.float32),
        ],
    )
    px, py, pz = tr_call(posf)

    dsq_call = pl.kernel(
        _sc_dsq_body,
        out_type=(
            jax.ShapeDtypeStruct((N_EDGES,), jnp.float32),
            jax.ShapeDtypeStruct((N_EDGES,), jnp.float32),
            jax.ShapeDtypeStruct((N_EDGES,), jnp.float32),
        ),
        mesh=mesh,
        compiler_params=_SC_PARAMS,
        scratch_types=(
            [pltpu.VMEM((NPADT,), jnp.float32)]
            + [pltpu.VMEM((CHUNK,), jnp.int32)] * 4
            + [pltpu.VMEM((CHUNK,), jnp.float32)] * 2
            + [pltpu.SemaphoreType.DMA] * 4
        ),
    )
    d0, d1, d2 = dsq_call(ei, px, py, pz)

    edge_call = pl.kernel(
        _sc_edge_body,
        out_type=(
            jax.ShapeDtypeStruct((N_EDGES * EF_DIM,), jnp.float32),
            jax.ShapeDtypeStruct((N_EDGES,), jnp.float32),
        ),
        mesh=mesh,
        compiler_params=_SC_PARAMS,
        scratch_types=(
            [pltpu.VMEM((CHUNK,), jnp.float32)] * 6
            + [pltpu.VMEM((CHUNK * EF_DIM,), jnp.float32)] * 2
            + [pltpu.VMEM((CHUNK,), jnp.float32)] * 2
            + [pltpu.SemaphoreType.DMA] * 4
        ),
    )
    ef_flat, smooth = edge_call(d0, d1, d2)

    NB = 1000
    z2 = z.astype(jnp.int32).reshape(N_NODES, 1)
    zemb_pad = jnp.concatenate(
        [z_emb, jnp.zeros((128 - z_emb.shape[0], 128), jnp.float32)], axis=0)
    emb1 = pl.pallas_call(
        _tc_emb_body,
        grid=(N_NODES // NB,),
        in_specs=[
            pl.BlockSpec((NB, 1), lambda i: (i, 0)),
            pl.BlockSpec((128, 128), lambda i: (0, 0)),
        ],
        out_specs=pl.BlockSpec((NB, 128), lambda i: (i, 0)),
        out_shape=jax.ShapeDtypeStruct((N_NODES, 128), jnp.float32),
    )(z2, zemb_pad)

    return (emb1, ef_flat.reshape(N_EDGES, EF_DIM), smooth.reshape(N_EDGES, 1))

# --- scband reference (transcript-rebuilt; emitter-appended) ---
"""Pipeline reference for scband-sparse-mol2-graph-67534065762906 (READ-ONLY COPY).

The authoritative reference and input builder live on the scoring server;
editing this copy changes nothing except your own understanding.
"""

import jax, jax.numpy as jnp
import numpy as np

N_NODES = 100000
N_EDGES = 1600000
Z_HIDDEN = 128
EF_DIM = 16
RBOUND_UPPER = 10.0
MAX_Z = 100
R_MAX = 10.0
P = 6


def setup_inputs(seed: int = 0) -> dict:
    key = jax.random.key(seed)
    k1, k2, k3, k4, k5 = jax.random.split(key, 5)
    z = jax.random.randint(k1, (N_NODES,), 0, MAX_Z + 1)
    pos = jax.random.normal(k2, (N_NODES, 3), dtype=jnp.float32)
    src = jax.random.randint(k3, (N_EDGES,), 0, N_NODES)
    dst = jax.random.randint(k4, (N_EDGES,), 0, N_NODES)
    # avoid self-loops (zero-length edges) which are degenerate for norm
    dst = jnp.where(src == dst, (dst + 1) % N_NODES, dst)
    edge_index = jnp.stack([src, dst], axis=0)
    z_emb = jax.random.normal(k5, (MAX_Z + 1, Z_HIDDEN), dtype=jnp.float32)
    z_emb = z_emb.at[0].set(0.0)  # padding_idx=0
    return {"z": z, "pos": pos, "edge_index": edge_index, "z_emb": z_emb}


def reference(z, pos, edge_index, z_emb):
    # z embedding lookup (gather)
    emb1 = jnp.take(z_emb, z, axis=0)  # (N, z_hidden_dim)
    # edge vector via node gathers
    src = jnp.take(pos, edge_index[0], axis=0)
    dst = jnp.take(pos, edge_index[1], axis=0)
    ev = src - dst  # (E, 3)
    el = jnp.linalg.norm(ev, axis=-1, keepdims=True)  # (E, 1)
    # Gaussian RBF expansion (non-trainable)
    offsets = jnp.linspace(0.0, RBOUND_UPPER, EF_DIM)
    coeff = -0.5 / (offsets[1] - offsets[0]) ** 2
    ef = jnp.exp(coeff * (el - offsets[None, :]) ** 2)  # (E, ef_dim)
    # polynomial envelope (smooth cutoff), p = 6
    u = el / R_MAX
    a = -(P + 1) * (P + 2) / 2.0
    b = float(P * (P + 2))
    c = -P * (P + 1) / 2.0
    poly = 1.0 + a * u ** P + b * u ** (P + 1) + c * u ** (P + 2)
    smooth_coef = jnp.where(u < 1.0, poly, jnp.zeros_like(poly))  # (E, 1)
    return (emb1, ef, smooth_coef)

if __name__ == "__main__":
    import jax
    _d = setup_inputs()
    print(jax.jit(kernel)(*tuple(_d.values())))

</pallas_src>

<mosaic_0001>
#map = affine_map<(d0, d1) -> (0)>
module attributes {stable_mosaic.version = 14 : i64} {
  func.func @_sc_edge_body(%arg0: i32, %arg1: i32, %arg2: memref<1600000xf32, #tpu.memory_space<hbm>>, %arg3: memref<1600000xf32, #tpu.memory_space<hbm>>, %arg4: memref<1600000xf32, #tpu.memory_space<hbm>>, %arg5: memref<25600000xf32, #tpu.memory_space<hbm>>, %arg6: memref<1600000xf32, #tpu.memory_space<hbm>>, %arg7: memref<2000xf32, #tpu.memory_space<vmem>>, %arg8: memref<2000xf32, #tpu.memory_space<vmem>>, %arg9: memref<2000xf32, #tpu.memory_space<vmem>>, %arg10: memref<2000xf32, #tpu.memory_space<vmem>>, %arg11: memref<2000xf32, #tpu.memory_space<vmem>>, %arg12: memref<2000xf32, #tpu.memory_space<vmem>>, %arg13: memref<32000xf32, #tpu.memory_space<vmem>>, %arg14: memref<32000xf32, #tpu.memory_space<vmem>>, %arg15: memref<2000xf32, #tpu.memory_space<vmem>>, %arg16: memref<2000xf32, #tpu.memory_space<vmem>>, %arg17: memref<!tpu.dma_semaphore, #tpu.memory_space<semaphore_mem>>, %arg18: memref<!tpu.dma_semaphore, #tpu.memory_space<semaphore_mem>>, %arg19: memref<!tpu.dma_semaphore, #tpu.memory_space<semaphore_mem>>, %arg20: memref<!tpu.dma_semaphore, #tpu.memory_space<semaphore_mem>>) attributes {dimension_semantics = [#tpu.dimension_semantics<core_parallel>, #tpu.dimension_semantics<subcore_parallel>], iteration_bounds = array<i64: 2, 16>, scalar_prefetch = 0 : i64, scratch_operands = 14 : i64, tpu.core_type = #tpu.core_type<sc_vector_subcore>, window_params = [{transform_indices = #map}, {transform_indices = #map}, {transform_indices = #map}, {transform_indices = #map}, {transform_indices = #map}]} {
    %mul3A = arith.constant 16 : i32
    %mul3A_0 = arith.muli %arg0, %mul3A : i32
    %add3A = arith.addi %mul3A_0, %arg1 : i32
    %iota3A = tpu.iota {dimensions = array<i32: 0>} : vector<16xi32>
    %convert_element_type3A = arith.sitofp %iota3A : vector<16xi32> to vector<16xf32>
    %mul3A_1 = arith.constant 0.707106769 : f32
    %mul3A_2 = vector.broadcast %mul3A_1 : f32 to vector<16xf32>
    %mul3A_3 = arith.mulf %convert_element_type3A, %mul3A_2 : vector<16xf32>
    %mul3A_4 = arith.constant 50000 : i32
    %mul3A_5 = arith.muli %add3A, %mul3A_4 : i32
    %add3A_6 = arith.constant 0 : i32
    %add3A_7 = arith.addi %mul3A_5, %add3A_6 : i32
    %dma_start3A = tpu.memref_slice %arg2[%add3A_7] : memref<1600000xf32, #tpu.memory_space<hbm>> -> memref<2000xf32, #tpu.memory_space<hbm>>
    %dma_start3A_8 = tpu.memref_slice %arg2[%add3A_7] : memref<1600000xf32, #tpu.memory_space<hbm>> -> memref<2000xf32, #tpu.memory_space<hbm>>
    tpu.enqueue_dma source(%dma_start3A_8 : memref<2000xf32, #tpu.memory_space<hbm>>) target(%arg7 : memref<2000xf32, #tpu.memory_space<vmem>>) target_semaphore(%arg17 : memref<!tpu.dma_semaphore, #tpu.memory_space<semaphore_mem>>)
    %dma_start3A_9 = tpu.memref_slice %arg3[%add3A_7] : memref<1600000xf32, #tpu.memory_space<hbm>> -> memref<2000xf32, #tpu.memory_space<hbm>>
    %dma_start3A_10 = tpu.memref_slice %arg3[%add3A_7] : memref<1600000xf32, #tpu.memory_space<hbm>> -> memref<2000xf32, #tpu.memory_space<hbm>>
    tpu.enqueue_dma source(%dma_start3A_10 : memref<2000xf32, #tpu.memory_space<hbm>>) target(%arg9 : memref<2000xf32, #tpu.memory_space<vmem>>) target_semaphore(%arg17 : memref<!tpu.dma_semaphore, #tpu.memory_space<semaphore_mem>>)
    %dma_start3A_11 = tpu.memref_slice %arg4[%add3A_7] : memref<1600000xf32, #tpu.memory_space<hbm>> -> memref<2000xf32, #tpu.memory_space<hbm>>
    %dma_start3A_12 = tpu.memref_slice %arg4[%add3A_7] : memref<1600000xf32, #tpu.memory_space<hbm>> -> memref<2000xf32, #tpu.memory_space<hbm>>
    tpu.enqueue_dma source(%dma_start3A_12 : memref<2000xf32, #tpu.memory_space<hbm>>) target(%arg11 : memref<2000xf32, #tpu.memory_space<vmem>>) target_semaphore(%arg17 : memref<!tpu.dma_semaphore, #tpu.memory_space<semaphore_mem>>)
    %scan3A = arith.constant 0 : i32
    %scan3A_13 = arith.constant 0 : i32
    %scan3A_14 = arith.constant 12 : i32
    %scan3A_15 = arith.addi %scan3A_13, %scan3A_14 : i32
    %scan3A_16 = arith.constant 1 : i32
    scf.for %scan3A_69 = %scan3A_13 to %scan3A_15 step %scan3A_16  : i32 {
      %mul3A_70 = arith.constant 2 : i32
      %mul3A_71 = arith.muli %mul3A_70, %scan3A_69 : i32
      %add3A_72 = arith.constant 1 : i32
      %add3A_73 = arith.addi %mul3A_71, %add3A_72 : i32
      %lt3A = arith.constant 25 : i32
      %lt3A_74 = arith.cmpi slt, %add3A_73, %lt3A : i32
      %convert_element_type3A_75 = arith.extui %lt3A_74 : i1 to i32
      %cond3A = arith.constant 0 : i32
      %cond3A_76 = arith.cmpi ne, %convert_element_type3A_75, %cond3A : i32
      scf.if %cond3A_76 {
        %mul3A_147 = arith.constant 50000 : i32
        %mul3A_148 = arith.muli %add3A, %mul3A_147 : i32
        %mul3A_149 = arith.constant 2000 : i32
        %mul3A_150 = arith.muli %add3A_73, %mul3A_149 : i32
        %add3A_151 = arith.addi %mul3A_148, %mul3A_150 : i32
        %dma_start3A_152 = tpu.memref_slice %arg2[%add3A_151] : memref<1600000xf32, #tpu.memory_space<hbm>> -> memref<2000xf32, #tpu.memory_space<hbm>>
        %dma_start3A_153 = tpu.memref_slice %arg2[%add3A_151] : memref<1600000xf32, #tpu.memory_space<hbm>> -> memref<2000xf32, #tpu.memory_space<hbm>>
        tpu.enqueue_dma source(%dma_start3A_153 : memref<2000xf32, #tpu.memory_space<hbm>>) target(%arg8 : memref<2000xf32, #tpu.memory_space<vmem>>) target_semaphore(%arg18 : memref<!tpu.dma_semaphore, #tpu.memory_space<semaphore_mem>>)
        %dma_start3A_154 = tpu.memref_slice %arg3[%add3A_151] : memref<1600000xf32, #tpu.memory_space<hbm>> -> memref<2000xf32, #tpu.memory_space<hbm>>
        %dma_start3A_155 = tpu.memref_slice %arg3[%add3A_151] : memref<1600000xf32, #tpu.memory_space<hbm>> -> memref<2000xf32, #tpu.memory_space<hbm>>
        tpu.enqueue_dma source(%dma_start3A_155 : memref<2000xf32, #tpu.memory_space<hbm>>) target(%arg10 : memref<2000xf32, #tpu.memory_space<vmem>>) target_semaphore(%arg18 : memref<!tpu.dma_semaphore, #tpu.memory_space<semaphore_mem>>)
        %dma_start3A_156 = tpu.memref_slice %arg4[%add3A_151] : memref<1600000xf32, #tpu.memory_space<hbm>> -> memref<2000xf32, #tpu.memory_space<hbm>>
        %dma_start3A_157 = tpu.memref_slice %arg4[%add3A_151] : memref<1600000xf32, #tpu.memory_space<hbm>> -> memref<2000xf32, #tpu.memory_space<hbm>>
        tpu.enqueue_dma source(%dma_start3A_157 : memref<2000xf32, #tpu.memory_space<hbm>>) target(%arg12 : memref<2000xf32, #tpu.memory_space<vmem>>) target_semaphore(%arg18 : memref<!tpu.dma_semaphore, #tpu.memory_space<semaphore_mem>>)
      } else {
      }
      %mul3A_77 = arith.constant 50000 : i32
      %mul3A_78 = arith.muli %add3A, %mul3A_77 : i32
      %mul3A_79 = arith.constant 2000 : i32
      %mul3A_80 = arith.muli %mul3A_71, %mul3A_79 : i32
      %add3A_81 = arith.addi %mul3A_78, %mul3A_80 : i32
      %dma_wait3A_82 = tpu.memref_slice %arg2[%add3A_81] : memref<1600000xf32, #tpu.memory_space<hbm>> -> memref<2000xf32, #tpu.memory_space<hbm>>
      %dma_wait3A_83 = tpu.memref_slice %arg2[%add3A_81] : memref<1600000xf32, #tpu.memory_space<hbm>> -> memref<2000xf32, #tpu.memory_space<hbm>>
      tpu.wait_dma2 semaphore(%arg17 : memref<!tpu.dma_semaphore, #tpu.memory_space<semaphore_mem>>) src(%dma_wait3A_83 : memref<2000xf32, #tpu.memory_space<hbm>>) dst(%arg7 : memref<2000xf32, #tpu.memory_space<vmem>>)
      %dma_wait3A_84 = tpu.memref_slice %arg3[%add3A_81] : memref<1600000xf32, #tpu.memory_space<hbm>> -> memref<2000xf32, #tpu.memory_space<hbm>>
      %dma_wait3A_85 = tpu.memref_slice %arg3[%add3A_81] : memref<1600000xf32, #tpu.memory_space<hbm>> -> memref<2000xf32, #tpu.memory_space<hbm>>
      tpu.wait_dma2 semaphore(%arg17 : memref<!tpu.dma_semaphore, #tpu.memory_space<semaphore_mem>>) src(%dma_wait3A_85 : memref<2000xf32, #tpu.memory_space<hbm>>) dst(%arg9 : memref<2000xf32, #tpu.memory_space<vmem>>)
      %dma_wait3A_86 = tpu.memref_slice %arg4[%add3A_81] : memref<1600000xf32, #tpu.memory_space<hbm>> -> memref<2000xf32, #tpu.memory_space<hbm>>
      %dma_wait3A_87 = tpu.memref_slice %arg4[%add3A_81] : memref<1600000xf32, #tpu.memory_space<hbm>> -> memref<2000xf32, #tpu.memory_space<hbm>>
      tpu.wait_dma2 semaphore(%arg17 : memref<!tpu.dma_semaphore, #tpu.memory_space<semaphore_mem>>) src(%dma_wait3A_87 : memref<2000xf32, #tpu.memory_space<hbm>>) dst(%arg11 : memref<2000xf32, #tpu.memory_space<vmem>>)
      %ge3A = arith.constant 2 : i32
      %ge3A_88 = arith.cmpi sge, %mul3A_71, %ge3A : i32
      %convert_element_type3A_89 = arith.extui %ge3A_88 : i1 to i32
      %cond3A_90 = arith.constant 0 : i32
      %cond3A_91 = arith.cmpi ne, %convert_element_type3A_89, %cond3A_90 : i32
      scf.if %cond3A_91 {
        %sub3A = arith.constant 2 : i32
        %sub3A_147 = arith.subi %mul3A_71, %sub3A : i32
        %mul3A_148 = arith.constant 50000 : i32
        %mul3A_149 = arith.muli %add3A, %mul3A_148 : i32
        %mul3A_150 = arith.constant 2000 : i32
        %mul3A_151 = arith.muli %sub3A_147, %mul3A_150 : i32
        %add3A_152 = arith.addi %mul3A_149, %mul3A_151 : i32
        %mul3A_153 = arith.constant 16 : i32
        %mul3A_154 = arith.muli %add3A_152, %mul3A_153 : i32
        %dma_wait3A_155 = tpu.memref_slice %arg5[%mul3A_154] : memref<25600000xf32, #tpu.memory_space<hbm>> -> memref<32000xf32, #tpu.memory_space<hbm>>
        %dma_wait3A_156 = tpu.memref_slice %arg5[%mul3A_154] : memref<25600000xf32, #tpu.memory_space<hbm>> -> memref<32000xf32, #tpu.memory_space<hbm>>
        tpu.wait_dma2 semaphore(%arg19 : memref<!tpu.dma_semaphore, #tpu.memory_space<semaphore_mem>>) src(%arg13 : memref<32000xf32, #tpu.memory_space<vmem>>) dst(%dma_wait3A_156 : memref<32000xf32, #tpu.memory_space<hbm>>)
        %dma_wait3A_157 = tpu.memref_slice %arg6[%add3A_152] : memref<1600000xf32, #tpu.memory_space<hbm>> -> memref<2000xf32, #tpu.memory_space<hbm>>
        %dma_wait3A_158 = tpu.memref_slice %arg6[%add3A_152] : memref<1600000xf32, #tpu.memory_space<hbm>> -> memref<2000xf32, #tpu.memory_space<hbm>>
        tpu.wait_dma2 semaphore(%arg19 : memref<!tpu.dma_semaphore, #tpu.memory_space<semaphore_mem>>) src(%arg15 : memref<2000xf32, #tpu.memory_space<vmem>>) dst(%dma_wait3A_158 : memref<2000xf32, #tpu.memory_space<hbm>>)
      } else {
      }
      %parallel_loop3A_92 = arith.constant 0 : i32
      %parallel_loop3A_93 = arith.constant 125 : i32
      %parallel_loop3A_94 = arith.constant 1 : i32
      scf.for %parallel_loop3A_147 = %parallel_loop3A_92 to %parallel_loop3A_93 step %parallel_loop3A_94  : i32 {
        %parallel_loop3A_148 = arith.constant 16 : i32
        %parallel_loop3A_149 = arith.muli %parallel_loop3A_147, %parallel_loop3A_148 : i32
        %parallel_loop3A_150 = arith.index_cast %parallel_loop3A_149 : i32 to index
        %parallel_loop3A_151 = tpu.vector_load %arg7[%parallel_loop3A_150] {strides = array<i32>} : memref<2000xf32, #tpu.memory_space<vmem>>, vector<16xf32>,
        %parallel_loop3A_152 = arith.index_cast %parallel_loop3A_149 : i32 to index
        %parallel_loop3A_153 = tpu.vector_load %arg9[%parallel_loop3A_152] {strides = array<i32>} : memref<2000xf32, #tpu.memory_space<vmem>>, vector<16xf32>,
        %parallel_loop3A_154 = arith.addf %parallel_loop3A_151, %parallel_loop3A_153 : vector<16xf32>
        %parallel_loop3A_155 = arith.index_cast %parallel_loop3A_149 : i32 to index
        %parallel_loop3A_156 = tpu.vector_load %arg11[%parallel_loop3A_155] {strides = array<i32>} : memref<2000xf32, #tpu.memory_space<vmem>>, vector<16xf32>,
        %parallel_loop3A_157 = arith.addf %parallel_loop3A_154, %parallel_loop3A_156 : vector<16xf32>
        %parallel_loop3A_158 = vector.bitcast %parallel_loop3A_157 : vector<16xf32> to vector<16xi32>
        %parallel_loop3A_159 = arith.constant 1 : i32
        %parallel_loop3A_160 = vector.broadcast %parallel_loop3A_159 : i32 to vector<16xi32>
        %parallel_loop3A_161 = arith.shrsi %parallel_loop3A_158, %parallel_loop3A_160 : vector<16xi32>
        %parallel_loop3A_162 = arith.constant 1597463007 : i32
        %parallel_loop3A_163 = vector.broadcast %parallel_loop3A_162 : i32 to vector<16xi32>
        %parallel_loop3A_164 = arith.subi %parallel_loop3A_163, %parallel_loop3A_161 : vector<16xi32>
        %parallel_loop3A_165 = vector.bitcast %parallel_loop3A_164 : vector<16xi32> to vector<16xf32>
        %parallel_loop3A_166 = arith.constant 5.000000e-01 : f32
        %parallel_loop3A_167 = vector.broadcast %parallel_loop3A_166 : f32 to vector<16xf32>
        %parallel_loop3A_168 = arith.mulf %parallel_loop3A_167, %parallel_loop3A_157 : vector<16xf32>
        %parallel_loop3A_169 = arith.mulf %parallel_loop3A_168, %parallel_loop3A_165 : vector<16xf32>
        %parallel_loop3A_170 = arith.mulf %parallel_loop3A_169, %parallel_loop3A_165 : vector<16xf32>
        %parallel_loop3A_171 = arith.constant 1.500000e+00 : f32
        %parallel_loop3A_172 = vector.broadcast %parallel_loop3A_171 : f32 to vector<16xf32>
        %parallel_loop3A_173 = arith.subf %parallel_loop3A_172, %parallel_loop3A_170 : vector<16xf32>
        %parallel_loop3A_174 = arith.mulf %parallel_loop3A_165, %parallel_loop3A_173 : vector<16xf32>
        %parallel_loop3A_175 = arith.mulf %parallel_loop3A_168, %parallel_loop3A_174 : vector<16xf32>
        %parallel_loop3A_176 = arith.mulf %parallel_loop3A_175, %parallel_loop3A_174 : vector<16xf32>
        %parallel_loop3A_177 = arith.constant 1.500000e+00 : f32
        %parallel_loop3A_178 = vector.broadcast %parallel_loop3A_177 : f32 to vector<16xf32>
        %parallel_loop3A_179 = arith.subf %parallel_loop3A_178, %parallel_loop3A_176 : vector<16xf32>
        %parallel_loop3A_180 = arith.mulf %parallel_loop3A_174, %parallel_loop3A_179 : vector<16xf32>
        %parallel_loop3A_181 = arith.mulf %parallel_loop3A_168, %parallel_loop3A_180 : vector<16xf32>
        %parallel_loop3A_182 = arith.mulf %parallel_loop3A_181, %parallel_loop3A_180 : vector<16xf32>
        %parallel_loop3A_183 = arith.constant 1.500000e+00 : f32
        %parallel_loop3A_184 = vector.broadcast %parallel_loop3A_183 : f32 to vector<16xf32>
        %parallel_loop3A_185 = arith.subf %parallel_loop3A_184, %parallel_loop3A_182 : vector<16xf32>
        %parallel_loop3A_186 = arith.mulf %parallel_loop3A_180, %parallel_loop3A_185 : vector<16xf32>
        %parallel_loop3A_187 = arith.mulf %parallel_loop3A_157, %parallel_loop3A_186 : vector<16xf32>
        %parallel_loop3A_188 = arith.constant 1.000000e-01 : f32
        %parallel_loop3A_189 = vector.broadcast %parallel_loop3A_188 : f32 to vector<16xf32>
        %parallel_loop3A_190 = arith.mulf %parallel_loop3A_187, %parallel_loop3A_189 : vector<16xf32>
        %parallel_loop3A_191 = arith.mulf %parallel_loop3A_190, %parallel_loop3A_190 : vector<16xf32>
        %parallel_loop3A_192 = arith.mulf %parallel_loop3A_191, %parallel_loop3A_190 : vector<16xf32>
        %parallel_loop3A_193 = arith.mulf %parallel_loop3A_192, %parallel_loop3A_192 : vector<16xf32>
        %parallel_loop3A_194 = arith.constant -2.100000e+01 : f32
        %parallel_loop3A_195 = vector.broadcast %parallel_loop3A_194 : f32 to vector<16xf32>
        %parallel_loop3A_196 = arith.mulf %parallel_loop3A_195, %parallel_loop3A_190 : vector<16xf32>
        %parallel_loop3A_197 = arith.constant 4.800000e+01 : f32
        %parallel_loop3A_198 = vector.broadcast %parallel_loop3A_197 : f32 to vector<16xf32>
        %parallel_loop3A_199 = arith.addf %parallel_loop3A_198, %parallel_loop3A_196 : vector<16xf32>
        %parallel_loop3A_200 = arith.mulf %parallel_loop3A_190, %parallel_loop3A_199 : vector<16xf32>
        %parallel_loop3A_201 = arith.constant -2.800000e+01 : f32
        %parallel_loop3A_202 = vector.broadcast %parallel_loop3A_201 : f32 to vector<16xf32>
        %parallel_loop3A_203 = arith.addf %parallel_loop3A_202, %parallel_loop3A_200 : vector<16xf32>
        %parallel_loop3A_204 = arith.mulf %parallel_loop3A_193, %parallel_loop3A_203 : vector<16xf32>
        %parallel_loop3A_205 = arith.constant 1.000000e+00 : f32
        %parallel_loop3A_206 = vector.broadcast %parallel_loop3A_205 : f32 to vector<16xf32>
        %parallel_loop3A_207 = arith.addf %parallel_loop3A_206, %parallel_loop3A_204 : vector<16xf32>
        %parallel_loop3A_208 = arith.constant 1.000000e+00 : f32
        %parallel_loop3A_209 = vector.broadcast %parallel_loop3A_208 : f32 to vector<16xf32>
        %parallel_loop3A_210 = arith.cmpf olt, %parallel_loop3A_190, %parallel_loop3A_209 : vector<16xf32>
        %parallel_loop3A_211 = arith.constant 0.000000e+00 : f32
        %parallel_loop3A_212 = vector.broadcast %parallel_loop3A_211 : f32 to vector<16xf32>
        %parallel_loop3A_213 = arith.select %parallel_loop3A_210, %parallel_loop3A_207, %parallel_loop3A_212 : vector<16xi1>, vector<16xf32>
        %parallel_loop3A_214 = arith.index_cast %parallel_loop3A_149 : i32 to index
        %parallel_loop3A_215 = tpu.vector_load %arg15[%parallel_loop3A_214] {strides = array<i32>} : memref<2000xf32, #tpu.memory_space<vmem>>, vector<16xf32>,
        tpu.vector_store %arg15[%parallel_loop3A_214], %parallel_loop3A_213 {strides = array<i32>} : memref<2000xf32, #tpu.memory_space<vmem>>, vector<16xf32>,
        %parallel_loop3A_216 = arith.constant 1.06066012 : f32
        %parallel_loop3A_217 = vector.broadcast %parallel_loop3A_216 : f32 to vector<16xf32>
        %parallel_loop3A_218 = arith.mulf %parallel_loop3A_187, %parallel_loop3A_217 : vector<16xf32>
        %parallel_loop3A_219 = arith.constant 1.500000e+00 : f32
        %parallel_loop3A_220 = vector.broadcast %parallel_loop3A_219 : f32 to vector<16xf32>
        %parallel_loop3A_221 = arith.mulf %parallel_loop3A_187, %parallel_loop3A_220 : vector<16xf32>
        %parallel_loop3A_222 = math.exp %parallel_loop3A_221 : vector<16xf32>
        %parallel_loop3A_223 = arith.constant 16 : i32
        %parallel_loop3A_224 = vector.broadcast %parallel_loop3A_223 : i32 to vector<16xi32>
        %parallel_loop3A_225 = arith.muli %iota3A, %parallel_loop3A_224 : vector<16xi32>
        %parallel_loop3A_226 = arith.constant 16 : i32
        %parallel_loop3A_227 = arith.muli %parallel_loop3A_149, %parallel_loop3A_226 : i32
        %parallel_loop3A_228 = vector.broadcast %parallel_loop3A_227 : i32 to vector<16xi32>
        %parallel_loop3A_229 = arith.addi %parallel_loop3A_225, %parallel_loop3A_228 : vector<16xi32>
        %parallel_loop3A_230 = arith.constant 0.000000e+00 : f32
        %parallel_loop3A_231 = vector.broadcast %parallel_loop3A_230 : f32 to vector<16xf32>
        %parallel_loop3A_232 = arith.subf %parallel_loop3A_218, %parallel_loop3A_231 : vector<16xf32>
        %parallel_loop3A_233 = arith.constant 0.000000e+00 : f32
        %parallel_loop3A_234 = vector.broadcast %parallel_loop3A_233 : f32 to vector<16xf32>
        %parallel_loop3A_235 = arith.subf %parallel_loop3A_234, %parallel_loop3A_218 : vector<16xf32>
        %parallel_loop3A_236 = arith.mulf %parallel_loop3A_232, %parallel_loop3A_235 : vector<16xf32>
        %parallel_loop3A_237 = math.exp %parallel_loop3A_236 : vector<16xf32>
        %parallel_loop3A_238 = arith.constant 0 : i32
        %parallel_loop3A_239 = vector.broadcast %parallel_loop3A_238 : i32 to vector<16xi32>
        %parallel_loop3A_240 = arith.addi %parallel_loop3A_229, %parallel_loop3A_239 : vector<16xi32>
        tpu.vector_store_idx %arg13[%parallel_loop3A_240], %parallel_loop3A_237 : memref<32000xf32, #tpu.memory_space<vmem>>[vector<16xi32>], vector<16xf32>,
        %parallel_loop3A_241 = arith.constant 0.606530666 : f32
        %parallel_loop3A_242 = vector.broadcast %parallel_loop3A_241 : f32 to vector<16xf32>
        %parallel_loop3A_243 = arith.mulf %parallel_loop3A_222, %parallel_loop3A_242 : vector<16xf32>
        %parallel_loop3A_244 = arith.mulf %parallel_loop3A_237, %parallel_loop3A_243 : vector<16xf32>
        %parallel_loop3A_245 = arith.constant 1 : i32
        %parallel_loop3A_246 = vector.broadcast %parallel_loop3A_245 : i32 to vector<16xi32>
        %parallel_loop3A_247 = arith.addi %parallel_loop3A_229, %parallel_loop3A_246 : vector<16xi32>
        tpu.vector_store_idx %arg13[%parallel_loop3A_247], %parallel_loop3A_244 : memref<32000xf32, #tpu.memory_space<vmem>>[vector<16xi32>], vector<16xf32>,
        %parallel_loop3A_248 = arith.constant 0.223130167 : f32
        %parallel_loop3A_249 = vector.broadcast %parallel_loop3A_248 : f32 to vector<16xf32>
        %parallel_loop3A_250 = arith.mulf %parallel_loop3A_222, %parallel_loop3A_249 : vector<16xf32>
        %parallel_loop3A_251 = arith.mulf %parallel_loop3A_244, %parallel_loop3A_250 : vector<16xf32>
        %parallel_loop3A_252 = arith.constant 2 : i32
        %parallel_loop3A_253 = vector.broadcast %parallel_loop3A_252 : i32 to vector<16xi32>
        %parallel_loop3A_254 = arith.addi %parallel_loop3A_229, %parallel_loop3A_253 : vector<16xi32>
        tpu.vector_store_idx %arg13[%parallel_loop3A_254], %parallel_loop3A_251 : memref<32000xf32, #tpu.memory_space<vmem>>[vector<16xi32>], vector<16xf32>,
        %parallel_loop3A_255 = arith.constant 8.208500e-02 : f32
        %parallel_loop3A_256 = vector.broadcast %parallel_loop3A_255 : f32 to vector<16xf32>
        %parallel_loop3A_257 = arith.mulf %parallel_loop3A_222, %parallel_loop3A_256 : vector<16xf32>
        %parallel_loop3A_258 = arith.mulf %parallel_loop3A_251, %parallel_loop3A_257 : vector<16xf32>
        %parallel_loop3A_259 = arith.constant 3 : i32
        %parallel_loop3A_260 = vector.broadcast %parallel_loop3A_259 : i32 to vector<16xi32>
        %parallel_loop3A_261 = arith.addi %parallel_loop3A_229, %parallel_loop3A_260 : vector<16xi32>
        tpu.vector_store_idx %arg13[%parallel_loop3A_261], %parallel_loop3A_258 : memref<32000xf32, #tpu.memory_space<vmem>>[vector<16xi32>], vector<16xf32>,
        %parallel_loop3A_262 = arith.constant 2.82842708 : f32
        %parallel_loop3A_263 = vector.broadcast %parallel_loop3A_262 : f32 to vector<16xf32>
        %parallel_loop3A_264 = arith.subf %parallel_loop3A_218, %parallel_loop3A_263 : vector<16xf32>
        %parallel_loop3A_265 = arith.constant 2.82842708 : f32
        %parallel_loop3A_266 = vector.broadcast %parallel_loop3A_265 : f32 to vector<16xf32>
        %parallel_loop3A_267 = arith.subf %parallel_loop3A_266, %parallel_loop3A_218 : vector<16xf32>
        %parallel_loop3A_268 = arith.mulf %parallel_loop3A_264, %parallel_loop3A_267 : vector<16xf32>
        %parallel_loop3A_269 = math.exp %parallel_loop3A_268 : vector<16xf32>
        %parallel_loop3A_270 = arith.constant 4 : i32
        %parallel_loop3A_271 = vector.broadcast %parallel_loop3A_270 : i32 to vector<16xi32>
        %parallel_loop3A_272 = arith.addi %parallel_loop3A_229, %parallel_loop3A_271 : vector<16xi32>
        tpu.vector_store_idx %arg13[%parallel_loop3A_272], %parallel_loop3A_269 : memref<32000xf32, #tpu.memory_space<vmem>>[vector<16xi32>], vector<16xf32>,
        %parallel_loop3A_273 = arith.constant 0.0111089963 : f32
        %parallel_loop3A_274 = vector.broadcast %parallel_loop3A_273 : f32 to vector<16xf32>
        %parallel_loop3A_275 = arith.mulf %parallel_loop3A_222, %parallel_loop3A_274 : vector<16xf32>
        %parallel_loop3A_276 = arith.mulf %parallel_loop3A_269, %parallel_loop3A_275 : vector<16xf32>
        %parallel_loop3A_277 = arith.constant 5 : i32
        %parallel_loop3A_278 = vector.broadcast %parallel_loop3A_277 : i32 to vector<16xi32>
        %parallel_loop3A_279 = arith.addi %parallel_loop3A_229, %parallel_loop3A_278 : vector<16xi32>
        tpu.vector_store_idx %arg13[%parallel_loop3A_279], %parallel_loop3A_276 : memref<32000xf32, #tpu.memory_space<vmem>>[vector<16xi32>], vector<16xf32>,
        %parallel_loop3A_280 = arith.constant 0.00408677151 : f32
        %parallel_loop3A_281 = vector.broadcast %parallel_loop3A_280 : f32 to vector<16xf32>
        %parallel_loop3A_282 = arith.mulf %parallel_loop3A_222, %parallel_loop3A_281 : vector<16xf32>
        %parallel_loop3A_283 = arith.mulf %parallel_loop3A_276, %parallel_loop3A_282 : vector<16xf32>
        %parallel_loop3A_284 = arith.constant 6 : i32
        %parallel_loop3A_285 = vector.broadcast %parallel_loop3A_284 : i32 to vector<16xi32>
        %parallel_loop3A_286 = arith.addi %parallel_loop3A_229, %parallel_loop3A_285 : vector<16xi32>
        tpu.vector_store_idx %arg13[%parallel_loop3A_286], %parallel_loop3A_283 : memref<32000xf32, #tpu.memory_space<vmem>>[vector<16xi32>], vector<16xf32>,
        %parallel_loop3A_287 = arith.constant 0.00150343915 : f32
        %parallel_loop3A_288 = vector.broadcast %parallel_loop3A_287 : f32 to vector<16xf32>
        %parallel_loop3A_289 = arith.mulf %parallel_loop3A_222, %parallel_loop3A_288 : vector<16xf32>
        %parallel_loop3A_290 = arith.mulf %parallel_loop3A_283, %parallel_loop3A_289 : vector<16xf32>
        %parallel_loop3A_291 = arith.constant 7 : i32
        %parallel_loop3A_292 = vector.broadcast %parallel_loop3A_291 : i32 to vector<16xi32>
        %parallel_loop3A_293 = arith.addi %parallel_loop3A_229, %parallel_loop3A_292 : vector<16xi32>
        tpu.vector_store_idx %arg13[%parallel_loop3A_293], %parallel_loop3A_290 : memref<32000xf32, #tpu.memory_space<vmem>>[vector<16xi32>], vector<16xf32>,
        %parallel_loop3A_294 = arith.constant 5.65685415 : f32
        %parallel_loop3A_295 = vector.broadcast %parallel_loop3A_294 : f32 to vector<16xf32>
        %parallel_loop3A_296 = arith.subf %parallel_loop3A_218, %parallel_loop3A_295 : vector<16xf32>
        %parallel_loop3A_297 = arith.constant 5.65685415 : f32
        %parallel_loop3A_298 = vector.broadcast %parallel_loop3A_297 : f32 to vector<16xf32>
        %parallel_loop3A_299 = arith.subf %parallel_loop3A_298, %parallel_loop3A_218 : vector<16xf32>
        %parallel_loop3A_300 = arith.mulf %parallel_loop3A_296, %parallel_loop3A_299 : vector<16xf32>
        %parallel_loop3A_301 = math.exp %parallel_loop3A_300 : vector<16xf32>
        %parallel_loop3A_302 = arith.constant 8 : i32
        %parallel_loop3A_303 = vector.broadcast %parallel_loop3A_302 : i32 to vector<16xi32>
        %parallel_loop3A_304 = arith.addi %parallel_loop3A_229, %parallel_loop3A_303 : vector<16xi32>
        tpu.vector_store_idx %arg13[%parallel_loop3A_304], %parallel_loop3A_301 : memref<32000xf32, #tpu.memory_space<vmem>>[vector<16xi32>], vector<16xf32>,
        %parallel_loop3A_305 = arith.constant 2.03468371E-4 : f32
        %parallel_loop3A_306 = vector.broadcast %parallel_loop3A_305 : f32 to vector<16xf32>
        %parallel_loop3A_307 = arith.mulf %parallel_loop3A_222, %parallel_loop3A_306 : vector<16xf32>
        %parallel_loop3A_308 = arith.mulf %parallel_loop3A_301, %parallel_loop3A_307 : vector<16xf32>
        %parallel_loop3A_309 = arith.constant 9 : i32
        %parallel_loop3A_310 = vector.broadcast %parallel_loop3A_309 : i32 to vector<16xi32>
        %parallel_loop3A_311 = arith.addi %parallel_loop3A_229, %parallel_loop3A_310 : vector<16xi32>
        tpu.vector_store_idx %arg13[%parallel_loop3A_311], %parallel_loop3A_308 : memref<32000xf32, #tpu.memory_space<vmem>>[vector<16xi32>], vector<16xf32>,
        %parallel_loop3A_312 = arith.constant 7.48518286E-5 : f32
        %parallel_loop3A_313 = vector.broadcast %parallel_loop3A_312 : f32 to vector<16xf32>
        %parallel_loop3A_314 = arith.mulf %parallel_loop3A_222, %parallel_loop3A_313 : vector<16xf32>
        %parallel_loop3A_315 = arith.mulf %parallel_loop3A_308, %parallel_loop3A_314 : vector<16xf32>
        %parallel_loop3A_316 = arith.constant 10 : i32
        %parallel_loop3A_317 = vector.broadcast %parallel_loop3A_316 : i32 to vector<16xi32>
        %parallel_loop3A_318 = arith.addi %parallel_loop3A_229, %parallel_loop3A_317 : vector<16xi32>
        tpu.vector_store_idx %arg13[%parallel_loop3A_318], %parallel_loop3A_315 : memref<32000xf32, #tpu.memory_space<vmem>>[vector<16xi32>], vector<16xf32>,
        %parallel_loop3A_319 = arith.constant 2.75364491E-5 : f32
        %parallel_loop3A_320 = vector.broadcast %parallel_loop3A_319 : f32 to vector<16xf32>
        %parallel_loop3A_321 = arith.mulf %parallel_loop3A_222, %parallel_loop3A_320 : vector<16xf32>
        %parallel_loop3A_322 = arith.mulf %parallel_loop3A_315, %parallel_loop3A_321 : vector<16xf32>
        %parallel_loop3A_323 = arith.constant 11 : i32
        %parallel_loop3A_324 = vector.broadcast %parallel_loop3A_323 : i32 to vector<16xi32>
        %parallel_loop3A_325 = arith.addi %parallel_loop3A_229, %parallel_loop3A_324 : vector<16xi32>
        tpu.vector_store_idx %arg13[%parallel_loop3A_325], %parallel_loop3A_322 : memref<32000xf32, #tpu.memory_space<vmem>>[vector<16xi32>], vector<16xf32>,
        %parallel_loop3A_326 = arith.constant 8.48528099 : f32
        %parallel_loop3A_327 = vector.broadcast %parallel_loop3A_326 : f32 to vector<16xf32>
        %parallel_loop3A_328 = arith.subf %parallel_loop3A_218, %parallel_loop3A_327 : vector<16xf32>
        %parallel_loop3A_329 = arith.constant 8.48528099 : f32
        %parallel_loop3A_330 = vector.broadcast %parallel_loop3A_329 : f32 to vector<16xf32>
        %parallel_loop3A_331 = arith.subf %parallel_loop3A_330, %parallel_loop3A_218 : vector<16xf32>
        %parallel_loop3A_332 = arith.mulf %parallel_loop3A_328, %parallel_loop3A_331 : vector<16xf32>
        %parallel_loop3A_333 = math.exp %parallel_loop3A_332 : vector<16xf32>
        %parallel_loop3A_334 = arith.constant 12 : i32
        %parallel_loop3A_335 = vector.broadcast %parallel_loop3A_334 : i32 to vector<16xi32>
        %parallel_loop3A_336 = arith.addi %parallel_loop3A_229, %parallel_loop3A_335 : vector<16xi32>
        tpu.vector_store_idx %arg13[%parallel_loop3A_336], %parallel_loop3A_333 : memref<32000xf32, #tpu.memory_space<vmem>>[vector<16xi32>], vector<16xf32>,
        %parallel_loop3A_337 = arith.constant 3.72665318E-6 : f32
        %parallel_loop3A_338 = vector.broadcast %parallel_loop3A_337 : f32 to vector<16xf32>
        %parallel_loop3A_339 = arith.mulf %parallel_loop3A_222, %parallel_loop3A_338 : vector<16xf32>
        %parallel_loop3A_340 = arith.mulf %parallel_loop3A_333, %parallel_loop3A_339 : vector<16xf32>
        %parallel_loop3A_341 = arith.constant 13 : i32
        %parallel_loop3A_342 = vector.broadcast %parallel_loop3A_341 : i32 to vector<16xi32>
        %parallel_loop3A_343 = arith.addi %parallel_loop3A_229, %parallel_loop3A_342 : vector<16xi32>
        tpu.vector_store_idx %arg13[%parallel_loop3A_343], %parallel_loop3A_340 : memref<32000xf32, #tpu.memory_space<vmem>>[vector<16xi32>], vector<16xf32>,
        %parallel_loop3A_344 = arith.constant 1.37095913E-6 : f32
        %parallel_loop3A_345 = vector.broadcast %parallel_loop3A_344 : f32 to vector<16xf32>
        %parallel_loop3A_346 = arith.mulf %parallel_loop3A_222, %parallel_loop3A_345 : vector<16xf32>
        %parallel_loop3A_347 = arith.mulf %parallel_loop3A_340, %parallel_loop3A_346 : vector<16xf32>
        %parallel_loop3A_348 = arith.constant 14 : i32
        %parallel_loop3A_349 = vector.broadcast %parallel_loop3A_348 : i32 to vector<16xi32>
        %parallel_loop3A_350 = arith.addi %parallel_loop3A_229, %parallel_loop3A_349 : vector<16xi32>
        tpu.vector_store_idx %arg13[%parallel_loop3A_350], %parallel_loop3A_347 : memref<32000xf32, #tpu.memory_space<vmem>>[vector<16xi32>], vector<16xf32>,
        %parallel_loop3A_351 = arith.constant 5.04347668E-7 : f32
        %parallel_loop3A_352 = vector.broadcast %parallel_loop3A_351 : f32 to vector<16xf32>
        %parallel_loop3A_353 = arith.mulf %parallel_loop3A_222, %parallel_loop3A_352 : vector<16xf32>
        %parallel_loop3A_354 = arith.mulf %parallel_loop3A_347, %parallel_loop3A_353 : vector<16xf32>
        %parallel_loop3A_355 = arith.constant 15 : i32
        %parallel_loop3A_356 = vector.broadcast %parallel_loop3A_355 : i32 to vector<16xi32>
        %parallel_loop3A_357 = arith.addi %parallel_loop3A_229, %parallel_loop3A_356 : vector<16xi32>
        tpu.vector_store_idx %arg13[%parallel_loop3A_357], %parallel_loop3A_354 : memref<32000xf32, #tpu.memory_space<vmem>>[vector<16xi32>], vector<16xf32>,
      } {sc.loop_unroll_factor = 2 : i64, sc.parallel_access}
      %mul3A_95 = arith.constant 50000 : i32
      %mul3A_96 = arith.muli %add3A, %mul3A_95 : i32
      %mul3A_97 = arith.constant 2000 : i32
      %mul3A_98 = arith.muli %mul3A_71, %mul3A_97 : i32
      %add3A_99 = arith.addi %mul3A_96, %mul3A_98 : i32
      %mul3A_100 = arith.constant 16 : i32
      %mul3A_101 = arith.muli %add3A_99, %mul3A_100 : i32
      %dma_start3A_102 = tpu.memref_slice %arg5[%mul3A_101] : memref<25600000xf32, #tpu.memory_space<hbm>> -> memref<32000xf32, #tpu.memory_space<hbm>>
      %dma_start3A_103 = tpu.memref_slice %arg5[%mul3A_101] : memref<25600000xf32, #tpu.memory_space<hbm>> -> memref<32000xf32, #tpu.memory_space<hbm>>
      tpu.enqueue_dma source(%arg13 : memref<32000xf32, #tpu.memory_space<vmem>>) target(%dma_start3A_103 : memref<32000xf32, #tpu.memory_space<hbm>>) target_semaphore(%arg19 : memref<!tpu.dma_semaphore, #tpu.memory_space<semaphore_mem>>)
      %dma_start3A_104 = tpu.memref_slice %arg6[%add3A_99] : memref<1600000xf32, #tpu.memory_space<hbm>> -> memref<2000xf32, #tpu.memory_space<hbm>>
      %dma_start3A_105 = tpu.memref_slice %arg6[%add3A_99] : memref<1600000xf32, #tpu.memory_space<hbm>> -> memref<2000xf32, #tpu.memory_space<hbm>>
      tpu.enqueue_dma source(%arg15 : memref<2000xf32, #tpu.memory_space<vmem>>) target(%dma_start3A_105 : memref<2000xf32, #tpu.memory_space<hbm>>) target_semaphore(%arg19 : memref<!tpu.dma_semaphore, #tpu.memory_space<semaphore_mem>>)
      %mul3A_106 = arith.constant 2 : i32
      %mul3A_107 = arith.muli %mul3A_106, %scan3A_69 : i32
      %add3A_108 = arith.constant 1 : i32
      %add3A_109 = arith.addi %mul3A_107, %add3A_108 : i32
      %add3A_110 = arith.constant 1 : i32
      %add3A_111 = arith.addi %add3A_109, %add3A_110 : i32
      %lt3A_112 = arith.constant 25 : i32
      %lt3A_113 = arith.cmpi slt, %add3A_111, %lt3A_112 : i32
      %convert_element_type3A_114 = arith.extui %lt3A_113 : i1 to i32
      %cond3A_115 = arith.constant 0 : i32
      %cond3A_116 = arith.cmpi ne, %convert_element_type3A_114, %cond3A_115 : i32
      scf.if %cond3A_116 {
        %mul3A_147 = arith.constant 50000 : i32
        %mul3A_148 = arith.muli %add3A, %mul3A_147 : i32
        %mul3A_149 = arith.constant 2000 : i32
        %mul3A_150 = arith.muli %add3A_111, %mul3A_149 : i32
        %add3A_151 = arith.addi %mul3A_148, %mul3A_150 : i32
        %dma_start3A_152 = tpu.memref_slice %arg2[%add3A_151] : memref<1600000xf32, #tpu.memory_space<hbm>> -> memref<2000xf32, #tpu.memory_space<hbm>>
        %dma_start3A_153 = tpu.memref_slice %arg2[%add3A_151] : memref<1600000xf32, #tpu.memory_space<hbm>> -> memref<2000xf32, #tpu.memory_space<hbm>>
        tpu.enqueue_dma source(%dma_start3A_153 : memref<2000xf32, #tpu.memory_space<hbm>>) target(%arg7 : memref<2000xf32, #tpu.memory_space<vmem>>) target_semaphore(%arg17 : memref<!tpu.dma_semaphore, #tpu.memory_space<semaphore_mem>>)
        %dma_start3A_154 = tpu.memref_slice %arg3[%add3A_151] : memref<1600000xf32, #tpu.memory_space<hbm>> -> memref<2000xf32, #tpu.memory_space<hbm>>
        %dma_start3A_155 = tpu.memref_slice %arg3[%add3A_151] : memref<1600000xf32, #tpu.memory_space<hbm>> -> memref<2000xf32, #tpu.memory_space<hbm>>
        tpu.enqueue_dma source(%dma_start3A_155 : memref<2000xf32, #tpu.memory_space<hbm>>) target(%arg9 : memref<2000xf32, #tpu.memory_space<vmem>>) target_semaphore(%arg17 : memref<!tpu.dma_semaphore, #tpu.memory_space<semaphore_mem>>)
        %dma_start3A_156 = tpu.memref_slice %arg4[%add3A_151] : memref<1600000xf32, #tpu.memory_space<hbm>> -> memref<2000xf32, #tpu.memory_space<hbm>>
        %dma_start3A_157 = tpu.memref_slice %arg4[%add3A_151] : memref<1600000xf32, #tpu.memory_space<hbm>> -> memref<2000xf32, #tpu.memory_space<hbm>>
        tpu.enqueue_dma source(%dma_start3A_157 : memref<2000xf32, #tpu.memory_space<hbm>>) target(%arg11 : memref<2000xf32, #tpu.memory_space<vmem>>) target_semaphore(%arg17 : memref<!tpu.dma_semaphore, #tpu.memory_space<semaphore_mem>>)
      } else {
      }
      %mul3A_117 = arith.constant 50000 : i32
      %mul3A_118 = arith.muli %add3A, %mul3A_117 : i32
      %mul3A_119 = arith.constant 2000 : i32
      %mul3A_120 = arith.muli %add3A_109, %mul3A_119 : i32
      %add3A_121 = arith.addi %mul3A_118, %mul3A_120 : i32
      %dma_wait3A_122 = tpu.memref_slice %arg2[%add3A_121] : memref<1600000xf32, #tpu.memory_space<hbm>> -> memref<2000xf32, #tpu.memory_space<hbm>>
      %dma_wait3A_123 = tpu.memref_slice %arg2[%add3A_121] : memref<1600000xf32, #tpu.memory_space<hbm>> -> memref<2000xf32, #tpu.memory_space<hbm>>
      tpu.wait_dma2 semaphore(%arg18 : memref<!tpu.dma_semaphore, #tpu.memory_space<semaphore_mem>>) src(%dma_wait3A_123 : memref<2000xf32, #tpu.memory_space<hbm>>) dst(%arg8 : memref<2000xf32, #tpu.memory_space<vmem>>)
      %dma_wait3A_124 = tpu.memref_slice %arg3[%add3A_121] : memref<1600000xf32, #tpu.memory_space<hbm>> -> memref<2000xf32, #tpu.memory_space<hbm>>
      %dma_wait3A_125 = tpu.memref_slice %arg3[%add3A_121] : memref<1600000xf32, #tpu.memory_space<hbm>> -> memref<2000xf32, #tpu.memory_space<hbm>>
      tpu.wait_dma2 semaphore(%arg18 : memref<!tpu.dma_semaphore, #tpu.memory_space<semaphore_mem>>) src(%dma_wait3A_125 : memref<2000xf32, #tpu.memory_space<hbm>>) dst(%arg10 : memref<2000xf32, #tpu.memory_space<vmem>>)
      %dma_wait3A_126 = tpu.memref_slice %arg4[%add3A_121] : memref<1600000xf32, #tpu.memory_space<hbm>> -> memref<2000xf32, #tpu.memory_space<hbm>>
      %dma_wait3A_127 = tpu.memref_slice %arg4[%add3A_121] : memref<1600000xf32, #tpu.memory_space<hbm>> -> memref<2000xf32, #tpu.memory_space<hbm>>
      tpu.wait_dma2 semaphore(%arg18 : memref<!tpu.dma_semaphore, #tpu.memory_space<semaphore_mem>>) src(%dma_wait3A_127 : memref<2000xf32, #tpu.memory_space<hbm>>) dst(%arg12 : memref<2000xf32, #tpu.memory_space<vmem>>)
      %ge3A_128 = arith.constant 2 : i32
      %ge3A_129 = arith.cmpi sge, %add3A_109, %ge3A_128 : i32
      %convert_element_type3A_130 = arith.extui %ge3A_129 : i1 to i32
      %cond3A_131 = arith.constant 0 : i32
      %cond3A_132 = arith.cmpi ne, %convert_element_type3A_130, %cond3A_131 : i32
      scf.if %cond3A_132 {
        %sub3A = arith.constant 2 : i32
        %sub3A_147 = arith.subi %add3A_109, %sub3A : i32
        %mul3A_148 = arith.constant 50000 : i32
        %mul3A_149 = arith.muli %add3A, %mul3A_148 : i32
        %mul3A_150 = arith.constant 2000 : i32
        %mul3A_151 = arith.muli %sub3A_147, %mul3A_150 : i32
        %add3A_152 = arith.addi %mul3A_149, %mul3A_151 : i32
        %mul3A_153 = arith.constant 16 : i32
        %mul3A_154 = arith.muli %add3A_152, %mul3A_153 : i32
        %dma_wait3A_155 = tpu.memref_slice %arg5[%mul3A_154] : memref<25600000xf32, #tpu.memory_space<hbm>> -> memref<32000xf32, #tpu.memory_space<hbm>>
        %dma_wait3A_156 = tpu.memref_slice %arg5[%mul3A_154] : memref<25600000xf32, #tpu.memory_space<hbm>> -> memref<32000xf32, #tpu.memory_space<hbm>>
        tpu.wait_dma2 semaphore(%arg20 : memref<!tpu.dma_semaphore, #tpu.memory_space<semaphore_mem>>) src(%arg14 : memref<32000xf32, #tpu.memory_space<vmem>>) dst(%dma_wait3A_156 : memref<32000xf32, #tpu.memory_space<hbm>>)
        %dma_wait3A_157 = tpu.memref_slice %arg6[%add3A_152] : memref<1600000xf32, #tpu.memory_space<hbm>> -> memref<2000xf32, #tpu.memory_space<hbm>>
        %dma_wait3A_158 = tpu.memref_slice %arg6[%add3A_152] : memref<1600000xf32, #tpu.memory_space<hbm>> -> memref<2000xf32, #tpu.memory_space<hbm>>
        tpu.wait_dma2 semaphore(%arg20 : memref<!tpu.dma_semaphore, #tpu.memory_space<semaphore_mem>>) src(%arg16 : memref<2000xf32, #tpu.memory_space<vmem>>) dst(%dma_wait3A_158 : memref<2000xf32, #tpu.memory_space<hbm>>)
      } else {
      }
      %parallel_loop3A_133 = arith.constant 0 : i32
      %parallel_loop3A_134 = arith.constant 125 : i32
      %parallel_loop3A_135 = arith.constant 1 : i32
      scf.for %parallel_loop3A_147 = %parallel_loop3A_133 to %parallel_loop3A_134 step %parallel_loop3A_135  : i32 {
        %parallel_loop3A_148 = arith.constant 16 : i32
        %parallel_loop3A_149 = arith.muli %parallel_loop3A_147, %parallel_loop3A_148 : i32
        %parallel_loop3A_150 = arith.index_cast %parallel_loop3A_149 : i32 to index
        %parallel_loop3A_151 = tpu.vector_load %arg8[%parallel_loop3A_150] {strides = array<i32>} : memref<2000xf32, #tpu.memory_space<vmem>>, vector<16xf32>,
        %parallel_loop3A_152 = arith.index_cast %parallel_loop3A_149 : i32 to index
        %parallel_loop3A_153 = tpu.vector_load %arg10[%parallel_loop3A_152] {strides = array<i32>} : memref<2000xf32, #tpu.memory_space<vmem>>, vector<16xf32>,
        %parallel_loop3A_154 = arith.addf %parallel_loop3A_151, %parallel_loop3A_153 : vector<16xf32>
        %parallel_loop3A_155 = arith.index_cast %parallel_loop3A_149 : i32 to index
        %parallel_loop3A_156 = tpu.vector_load %arg12[%parallel_loop3A_155] {strides = array<i32>} : memref<2000xf32, #tpu.memory_space<vmem>>, vector<16xf32>,
        %parallel_loop3A_157 = arith.addf %parallel_loop3A_154, %parallel_loop3A_156 : vector<16xf32>
        %parallel_loop3A_158 = vector.bitcast %parallel_loop3A_157 : vector<16xf32> to vector<16xi32>
        %parallel_loop3A_159 = arith.constant 1 : i32
        %parallel_loop3A_160 = vector.broadcast %parallel_loop3A_159 : i32 to vector<16xi32>
        %parallel_loop3A_161 = arith.shrsi %parallel_loop3A_158, %parallel_loop3A_160 : vector<16xi32>
        %parallel_loop3A_162 = arith.constant 1597463007 : i32
        %parallel_loop3A_163 = vector.broadcast %parallel_loop3A_162 : i32 to vector<16xi32>
        %parallel_loop3A_164 = arith.subi %parallel_loop3A_163, %parallel_loop3A_161 : vector<16xi32>
        %parallel_loop3A_165 = vector.bitcast %parallel_loop3A_164 : vector<16xi32> to vector<16xf32>
        %parallel_loop3A_166 = arith.constant 5.000000e-01 : f32
        %parallel_loop3A_167 = vector.broadcast %parallel_loop3A_166 : f32 to vector<16xf32>
        %parallel_loop3A_168 = arith.mulf %parallel_loop3A_167, %parallel_loop3A_157 : vector<16xf32>
        %parallel_loop3A_169 = arith.mulf %parallel_loop3A_168, %parallel_loop3A_165 : vector<16xf32>
        %parallel_loop3A_170 = arith.mulf %parallel_loop3A_169, %parallel_loop3A_165 : vector<16xf32>
        %parallel_loop3A_171 = arith.constant 1.500000e+00 : f32
        %parallel_loop3A_172 = vector.broadcast %parallel_loop3A_171 : f32 to vector<16xf32>
        %parallel_loop3A_173 = arith.subf %parallel_loop3A_172, %parallel_loop3A_170 : vector<16xf32>
        %parallel_loop3A_174 = arith.mulf %parallel_loop3A_165, %parallel_loop3A_173 : vector<16xf32>
        %parallel_loop3A_175 = arith.mulf %parallel_loop3A_168, %parallel_loop3A_174 : vector<16xf32>
        %parallel_loop3A_176 = arith.mulf %parallel_loop3A_175, %parallel_loop3A_174 : vector<16xf32>
        %parallel_loop3A_177 = arith.constant 1.500000e+00 : f32
        %parallel_loop3A_178 = vector.broadcast %parallel_loop3A_177 : f32 to vector<16xf32>
        %parallel_loop3A_179 = arith.subf %parallel_loop3A_178, %parallel_loop3A_176 : vector<16xf32>
        %parallel_loop3A_180 = arith.mulf %parallel_loop3A_174, %parallel_loop3A_179 : vector<16xf32>
        %parallel_loop3A_181 = arith.mulf %parallel_loop3A_168, %parallel_loop3A_180 : vector<16xf32>
        %parallel_loop3A_182 = arith.mulf %parallel_loop3A_181, %parallel_loop3A_180 : vector<16xf32>
        %parallel_loop3A_183 = arith.constant 1.500000e+00 : f32
        %parallel_loop3A_184 = vector.broadcast %parallel_loop3A_183 : f32 to vector<16xf32>
        %parallel_loop3A_185 = arith.subf %parallel_loop3A_184, %parallel_loop3A_182 : vector<16xf32>
        %parallel_loop3A_186 = arith.mulf %parallel_loop3A_180, %parallel_loop3A_185 : vector<16xf32>
        %parallel_loop3A_187 = arith.mulf %parallel_loop3A_157, %parallel_loop3A_186 : vector<16xf32>
        %parallel_loop3A_188 = arith.constant 1.000000e-01 : f32
        %parallel_loop3A_189 = vector.broadcast %parallel_loop3A_188 : f32 to vector<16xf32>
        %parallel_loop3A_190 = arith.mulf %parallel_loop3A_187, %parallel_loop3A_189 : vector<16xf32>
        %parallel_loop3A_191 = arith.mulf %parallel_loop3A_190, %parallel_loop3A_190 : vector<16xf32>
        %parallel_loop3A_192 = arith.mulf %parallel_loop3A_191, %parallel_loop3A_190 : vector<16xf32>
        %parallel_loop3A_193 = arith.mulf %parallel_loop3A_192, %parallel_loop3A_192 : vector<16xf32>
        %parallel_loop3A_194 = arith.constant -2.100000e+01 : f32
        %parallel_loop3A_195 = vector.broadcast %parallel_loop3A_194 : f32 to vector<16xf32>
        %parallel_loop3A_196 = arith.mulf %parallel_loop3A_195, %parallel_loop3A_190 : vector<16xf32>
        %parallel_loop3A_197 = arith.constant 4.800000e+01 : f32
        %parallel_loop3A_198 = vector.broadcast %parallel_loop3A_197 : f32 to vector<16xf32>
        %parallel_loop3A_199 = arith.addf %parallel_loop3A_198, %parallel_loop3A_196 : vector<16xf32>
        %parallel_loop3A_200 = arith.mulf %parallel_loop3A_190, %parallel_loop3A_199 : vector<16xf32>
        %parallel_loop3A_201 = arith.constant -2.800000e+01 : f32
        %parallel_loop3A_202 = vector.broadcast %parallel_loop3A_201 : f32 to vector<16xf32>
        %parallel_loop3A_203 = arith.addf %parallel_loop3A_202, %parallel_loop3A_200 : vector<16xf32>
        %parallel_loop3A_204 = arith.mulf %parallel_loop3A_193, %parallel_loop3A_203 : vector<16xf32>
        %parallel_loop3A_205 = arith.constant 1.000000e+00 : f32
        %parallel_loop3A_206 = vector.broadcast %parallel_loop3A_205 : f32 to vector<16xf32>
        %parallel_loop3A_207 = arith.addf %parallel_loop3A_206, %parallel_loop3A_204 : vector<16xf32>
        %parallel_loop3A_208 = arith.constant 1.000000e+00 : f32
        %parallel_loop3A_209 = vector.broadcast %parallel_loop3A_208 : f32 to vector<16xf32>
        %parallel_loop3A_210 = arith.cmpf olt, %parallel_loop3A_190, %parallel_loop3A_209 : vector<16xf32>
        %parallel_loop3A_211 = arith.constant 0.000000e+00 : f32
        %parallel_loop3A_212 = vector.broadcast %parallel_loop3A_211 : f32 to vector<16xf32>
        %parallel_loop3A_213 = arith.select %parallel_loop3A_210, %parallel_loop3A_207, %parallel_loop3A_212 : vector<16xi1>, vector<16xf32>
        %parallel_loop3A_214 = arith.index_cast %parallel_loop3A_149 : i32 to index
        %parallel_loop3A_215 = tpu.vector_load %arg16[%parallel_loop3A_214] {strides = array<i32>} : memref<2000xf32, #tpu.memory_space<vmem>>, vector<16xf32>,
        tpu.vector_store %arg16[%parallel_loop3A_214], %parallel_loop3A_213 {strides = array<i32>} : memref<2000xf32, #tpu.memory_space<vmem>>, vector<16xf32>,
        %parallel_loop3A_216 = arith.constant 1.06066012 : f32
        %parallel_loop3A_217 = vector.broadcast %parallel_loop3A_216 : f32 to vector<16xf32>
        %parallel_loop3A_218 = arith.mulf %parallel_loop3A_187, %parallel_loop3A_217 : vector<16xf32>
        %parallel_loop3A_219 = arith.constant 1.500000e+00 : f32
        %parallel_loop3A_220 = vector.broadcast %parallel_loop3A_219 : f32 to vector<16xf32>
        %parallel_loop3A_221 = arith.mulf %parallel_loop3A_187, %parallel_loop3A_220 : vector<16xf32>
        %parallel_loop3A_222 = math.exp %parallel_loop3A_221 : vector<16xf32>
        %parallel_loop3A_223 = arith.constant 16 : i32
        %parallel_loop3A_224 = vector.broadcast %parallel_loop3A_223 : i32 to vector<16xi32>
        %parallel_loop3A_225 = arith.muli %iota3A, %parallel_loop3A_224 : vector<16xi32>
        %parallel_loop3A_226 = arith.constant 16 : i32
        %parallel_loop3A_227 = arith.muli %parallel_loop3A_149, %parallel_loop3A_226 : i32
        %parallel_loop3A_228 = vector.broadcast %parallel_loop3A_227 : i32 to vector<16xi32>
        %parallel_loop3A_229 = arith.addi %parallel_loop3A_225, %parallel_loop3A_228 : vector<16xi32>
        %parallel_loop3A_230 = arith.constant 0.000000e+00 : f32
        %parallel_loop3A_231 = vector.broadcast %parallel_loop3A_230 : f32 to vector<16xf32>
        %parallel_loop3A_232 = arith.subf %parallel_loop3A_218, %parallel_loop3A_231 : vector<16xf32>
        %parallel_loop3A_233 = arith.constant 0.000000e+00 : f32
        %parallel_loop3A_234 = vector.broadcast %parallel_loop3A_233 : f32 to vector<16xf32>
        %parallel_loop3A_235 = arith.subf %parallel_loop3A_234, %parallel_loop3A_218 : vector<16xf32>
        %parallel_loop3A_236 = arith.mulf %parallel_loop3A_232, %parallel_loop3A_235 : vector<16xf32>
        %parallel_loop3A_237 = math.exp %parallel_loop3A_236 : vector<16xf32>
        %parallel_loop3A_238 = arith.constant 0 : i32
        %parallel_loop3A_239 = vector.broadcast %parallel_loop3A_238 : i32 to vector<16xi32>
        %parallel_loop3A_240 = arith.addi %parallel_loop3A_229, %parallel_loop3A_239 : vector<16xi32>
        tpu.vector_store_idx %arg14[%parallel_loop3A_240], %parallel_loop3A_237 : memref<32000xf32, #tpu.memory_space<vmem>>[vector<16xi32>], vector<16xf32>,
        %parallel_loop3A_241 = arith.constant 0.606530666 : f32
        %parallel_loop3A_242 = vector.broadcast %parallel_loop3A_241 : f32 to vector<16xf32>
        %parallel_loop3A_243 = arith.mulf %parallel_loop3A_222, %parallel_loop3A_242 : vector<16xf32>
        %parallel_loop3A_244 = arith.mulf %parallel_loop3A_237, %parallel_loop3A_243 : vector<16xf32>
        %parallel_loop3A_245 = arith.constant 1 : i32
        %parallel_loop3A_246 = vector.broadcast %parallel_loop3A_245 : i32 to vector<16xi32>
        %parallel_loop3A_247 = arith.addi %parallel_loop3A_229, %parallel_loop3A_246 : vector<16xi32>
        tpu.vector_store_idx %arg14[%parallel_loop3A_247], %parallel_loop3A_244 : memref<32000xf32, #tpu.memory_space<vmem>>[vector<16xi32>], vector<16xf32>,
        %parallel_loop3A_248 = arith.constant 0.223130167 : f32
        %parallel_loop3A_249 = vector.broadcast %parallel_loop3A_248 : f32 to vector<16xf32>
        %parallel_loop3A_250 = arith.mulf %parallel_loop3A_222, %parallel_loop3A_249 : vector<16xf32>
        %parallel_loop3A_251 = arith.mulf %parallel_loop3A_244, %parallel_loop3A_250 : vector<16xf32>
        %parallel_loop3A_252 = arith.constant 2 : i32
        %parallel_loop3A_253 = vector.broadcast %parallel_loop3A_252 : i32 to vector<16xi32>
        %parallel_loop3A_254 = arith.addi %parallel_loop3A_229, %parallel_loop3A_253 : vector<16xi32>
        tpu.vector_store_idx %arg14[%parallel_loop3A_254], %parallel_loop3A_251 : memref<32000xf32, #tpu.memory_space<vmem>>[vector<16xi32>], vector<16xf32>,
        %parallel_loop3A_255 = arith.constant 8.208500e-02 : f32
        %parallel_loop3A_256 = vector.broadcast %parallel_loop3A_255 : f32 to vector<16xf32>
        %parallel_loop3A_257 = arith.mulf %parallel_loop3A_222, %parallel_loop3A_256 : vector<16xf32>
        %parallel_loop3A_258 = arith.mulf %parallel_loop3A_251, %parallel_loop3A_257 : vector<16xf32>
        %parallel_loop3A_259 = arith.constant 3 : i32
        %parallel_loop3A_260 = vector.broadcast %parallel_loop3A_259 : i32 to vector<16xi32>
        %parallel_loop3A_261 = arith.addi %parallel_loop3A_229, %parallel_loop3A_260 : vector<16xi32>
        tpu.vector_store_idx %arg14[%parallel_loop3A_261], %parallel_loop3A_258 : memref<32000xf32, #tpu.memory_space<vmem>>[vector<16xi32>], vector<16xf32>,
        %parallel_loop3A_262 = arith.constant 2.82842708 : f32
        %parallel_loop3A_263 = vector.broadcast %parallel_loop3A_262 : f32 to vector<16xf32>
        %parallel_loop3A_264 = arith.subf %parallel_loop3A_218, %parallel_loop3A_263 : vector<16xf32>
        %parallel_loop3A_265 = arith.constant 2.82842708 : f32
        %parallel_loop3A_266 = vector.broadcast %parallel_loop3A_265 : f32 to vector<16xf32>
        %parallel_loop3A_267 = arith.subf %parallel_loop3A_266, %parallel_loop3A_218 : vector<16xf32>
        %parallel_loop3A_268 = arith.mulf %parallel_loop3A_264, %parallel_loop3A_267 : vector<16xf32>
        %parallel_loop3A_269 = math.exp %parallel_loop3A_268 : vector<16xf32>
        %parallel_loop3A_270 = arith.constant 4 : i32
        %parallel_loop3A_271 = vector.broadcast %parallel_loop3A_270 : i32 to vector<16xi32>
        %parallel_loop3A_272 = arith.addi %parallel_loop3A_229, %parallel_loop3A_271 : vector<16xi32>
        tpu.vector_store_idx %arg14[%parallel_loop3A_272], %parallel_loop3A_269 : memref<32000xf32, #tpu.memory_space<vmem>>[vector<16xi32>], vector<16xf32>,
        %parallel_loop3A_273 = arith.constant 0.0111089963 : f32
        %parallel_loop3A_274 = vector.broadcast %parallel_loop3A_273 : f32 to vector<16xf32>
        %parallel_loop3A_275 = arith.mulf %parallel_loop3A_222, %parallel_loop3A_274 : vector<16xf32>
        %parallel_loop3A_276 = arith.mulf %parallel_loop3A_269, %parallel_loop3A_275 : vector<16xf32>
        %parallel_loop3A_277 = arith.constant 5 : i32
        %parallel_loop3A_278 = vector.broadcast %parallel_loop3A_277 : i32 to vector<16xi32>
        %parallel_loop3A_279 = arith.addi %parallel_loop3A_229, %parallel_loop3A_278 : vector<16xi32>
        tpu.vector_store_idx %arg14[%parallel_loop3A_279], %parallel_loop3A_276 : memref<32000xf32, #tpu.memory_space<vmem>>[vector<16xi32>], vector<16xf32>,
        %parallel_loop3A_280 = arith.constant 0.00408677151 : f32
        %parallel_loop3A_281 = vector.broadcast %parallel_loop3A_280 : f32 to vector<16xf32>
        %parallel_loop3A_282 = arith.mulf %parallel_loop3A_222, %parallel_loop3A_281 : vector<16xf32>
        %parallel_loop3A_283 = arith.mulf %parallel_loop3A_276, %parallel_loop3A_282 : vector<16xf32>
        %parallel_loop3A_284 = arith.constant 6 : i32
        %parallel_loop3A_285 = vector.broadcast %parallel_loop3A_284 : i32 to vector<16xi32>
        %parallel_loop3A_286 = arith.addi %parallel_loop3A_229, %parallel_loop3A_285 : vector<16xi32>
        tpu.vector_store_idx %arg14[%parallel_loop3A_286], %parallel_loop3A_283 : memref<32000xf32, #tpu.memory_space<vmem>>[vector<16xi32>], vector<16xf32>,
        %parallel_loop3A_287 = arith.constant 0.00150343915 : f32
        %parallel_loop3A_288 = vector.broadcast %parallel_loop3A_287 : f32 to vector<16xf32>
        %parallel_loop3A_289 = arith.mulf %parallel_loop3A_222, %parallel_loop3A_288 : vector<16xf32>
        %parallel_loop3A_290 = arith.mulf %parallel_loop3A_283, %parallel_loop3A_289 : vector<16xf32>
        %parallel_loop3A_291 = arith.constant 7 : i32
        %parallel_loop3A_292 = vector.broadcast %parallel_loop3A_291 : i32 to vector<16xi32>
        %parallel_loop3A_293 = arith.addi %parallel_loop3A_229, %parallel_loop3A_292 : vector<16xi32>
        tpu.vector_store_idx %arg14[%parallel_loop3A_293], %parallel_loop3A_290 : memref<32000xf32, #tpu.memory_space<vmem>>[vector<16xi32>], vector<16xf32>,
        %parallel_loop3A_294 = arith.constant 5.65685415 : f32
        %parallel_loop3A_295 = vector.broadcast %parallel_loop3A_294 : f32 to vector<16xf32>
        %parallel_loop3A_296 = arith.subf %parallel_loop3A_218, %parallel_loop3A_295 : vector<16xf32>
        %parallel_loop3A_297 = arith.constant 5.65685415 : f32
        %parallel_loop3A_298 = vector.broadcast %parallel_loop3A_297 : f32 to vector<16xf32>
        %parallel_loop3A_299 = arith.subf %parallel_loop3A_298, %parallel_loop3A_218 : vector<16xf32>
        %parallel_loop3A_300 = arith.mulf %parallel_loop3A_296, %parallel_loop3A_299 : vector<16xf32>
        %parallel_loop3A_301 = math.exp %parallel_loop3A_300 : vector<16xf32>
        %parallel_loop3A_302 = arith.constant 8 : i32
        %parallel_loop3A_303 = vector.broadcast %parallel_loop3A_302 : i32 to vector<16xi32>
        %parallel_loop3A_304 = arith.addi %parallel_loop3A_229, %parallel_loop3A_303 : vector<16xi32>
        tpu.vector_store_idx %arg14[%parallel_loop3A_304], %parallel_loop3A_301 : memref<32000xf32, #tpu.memory_space<vmem>>[vector<16xi32>], vector<16xf32>,
        %parallel_loop3A_305 = arith.constant 2.03468371E-4 : f32
        %parallel_loop3A_306 = vector.broadcast %parallel_loop3A_305 : f32 to vector<16xf32>
        %parallel_loop3A_307 = arith.mulf %parallel_loop3A_222, %parallel_loop3A_306 : vector<16xf32>
        %parallel_loop3A_308 = arith.mulf %parallel_loop3A_301, %parallel_loop3A_307 : vector<16xf32>
        %parallel_loop3A_309 = arith.constant 9 : i32
        %parallel_loop3A_310 = vector.broadcast %parallel_loop3A_309 : i32 to vector<16xi32>
        %parallel_loop3A_311 = arith.addi %parallel_loop3A_229, %parallel_loop3A_310 : vector<16xi32>
        tpu.vector_store_idx %arg14[%parallel_loop3A_311], %parallel_loop3A_308 : memref<32000xf32, #tpu.memory_space<vmem>>[vector<16xi32>], vector<16xf32>,
        %parallel_loop3A_312 = arith.constant 7.48518286E-5 : f32
        %parallel_loop3A_313 = vector.broadcast %parallel_loop3A_312 : f32 to vector<16xf32>
        %parallel_loop3A_314 = arith.mulf %parallel_loop3A_222, %parallel_loop3A_313 : vector<16xf32>
        %parallel_loop3A_315 = arith.mulf %parallel_loop3A_308, %parallel_loop3A_314 : vector<16xf32>
        %parallel_loop3A_316 = arith.constant 10 : i32
        %parallel_loop3A_317 = vector.broadcast %parallel_loop3A_316 : i32 to vector<16xi32>
        %parallel_loop3A_318 = arith.addi %parallel_loop3A_229, %parallel_loop3A_317 : vector<16xi32>
        tpu.vector_store_idx %arg14[%parallel_loop3A_318], %parallel_loop3A_315 : memref<32000xf32, #tpu.memory_space<vmem>>[vector<16xi32>], vector<16xf32>,
        %parallel_loop3A_319 = arith.constant 2.75364491E-5 : f32
        %parallel_loop3A_320 = vector.broadcast %parallel_loop3A_319 : f32 to vector<16xf32>
        %parallel_loop3A_321 = arith.mulf %parallel_loop3A_222, %parallel_loop3A_320 : vector<16xf32>
        %parallel_loop3A_322 = arith.mulf %parallel_loop3A_315, %parallel_loop3A_321 : vector<16xf32>
        %parallel_loop3A_323 = arith.constant 11 : i32
        %parallel_loop3A_324 = vector.broadcast %parallel_loop3A_323 : i32 to vector<16xi32>
        %parallel_loop3A_325 = arith.addi %parallel_loop3A_229, %parallel_loop3A_324 : vector<16xi32>
        tpu.vector_store_idx %arg14[%parallel_loop3A_325], %parallel_loop3A_322 : memref<32000xf32, #tpu.memory_space<vmem>>[vector<16xi32>], vector<16xf32>,
        %parallel_loop3A_326 = arith.constant 8.48528099 : f32
        %parallel_loop3A_327 = vector.broadcast %parallel_loop3A_326 : f32 to vector<16xf32>
        %parallel_loop3A_328 = arith.subf %parallel_loop3A_218, %parallel_loop3A_327 : vector<16xf32>
        %parallel_loop3A_329 = arith.constant 8.48528099 : f32
        %parallel_loop3A_330 = vector.broadcast %parallel_loop3A_329 : f32 to vector<16xf32>
        %parallel_loop3A_331 = arith.subf %parallel_loop3A_330, %parallel_loop3A_218 : vector<16xf32>
        %parallel_loop3A_332 = arith.mulf %parallel_loop3A_328, %parallel_loop3A_331 : vector<16xf32>
        %parallel_loop3A_333 = math.exp %parallel_loop3A_332 : vector<16xf32>
        %parallel_loop3A_334 = arith.constant 12 : i32
        %parallel_loop3A_335 = vector.broadcast %parallel_loop3A_334 : i32 to vector<16xi32>
        %parallel_loop3A_336 = arith.addi %parallel_loop3A_229, %parallel_loop3A_335 : vector<16xi32>
        tpu.vector_store_idx %arg14[%parallel_loop3A_336], %parallel_loop3A_333 : memref<32000xf32, #tpu.memory_space<vmem>>[vector<16xi32>], vector<16xf32>,
        %parallel_loop3A_337 = arith.constant 3.72665318E-6 : f32
        %parallel_loop3A_338 = vector.broadcast %parallel_loop3A_337 : f32 to vector<16xf32>
        %parallel_loop3A_339 = arith.mulf %parallel_loop3A_222, %parallel_loop3A_338 : vector<16xf32>
        %parallel_loop3A_340 = arith.mulf %parallel_loop3A_333, %parallel_loop3A_339 : vector<16xf32>
        %parallel_loop3A_341 = arith.constant 13 : i32
        %parallel_loop3A_342 = vector.broadcast %parallel_loop3A_341 : i32 to vector<16xi32>
        %parallel_loop3A_343 = arith.addi %parallel_loop3A_229, %parallel_loop3A_342 : vector<16xi32>
        tpu.vector_store_idx %arg14[%parallel_loop3A_343], %parallel_loop3A_340 : memref<32000xf32, #tpu.memory_space<vmem>>[vector<16xi32>], vector<16xf32>,
        %parallel_loop3A_344 = arith.constant 1.37095913E-6 : f32
        %parallel_loop3A_345 = vector.broadcast %parallel_loop3A_344 : f32 to vector<16xf32>
        %parallel_loop3A_346 = arith.mulf %parallel_loop3A_222, %parallel_loop3A_345 : vector<16xf32>
        %parallel_loop3A_347 = arith.mulf %parallel_loop3A_340, %parallel_loop3A_346 : vector<16xf32>
        %parallel_loop3A_348 = arith.constant 14 : i32
        %parallel_loop3A_349 = vector.broadcast %parallel_loop3A_348 : i32 to vector<16xi32>
        %parallel_loop3A_350 = arith.addi %parallel_loop3A_229, %parallel_loop3A_349 : vector<16xi32>
        tpu.vector_store_idx %arg14[%parallel_loop3A_350], %parallel_loop3A_347 : memref<32000xf32, #tpu.memory_space<vmem>>[vector<16xi32>], vector<16xf32>,
        %parallel_loop3A_351 = arith.constant 5.04347668E-7 : f32
        %parallel_loop3A_352 = vector.broadcast %parallel_loop3A_351 : f32 to vector<16xf32>
        %parallel_loop3A_353 = arith.mulf %parallel_loop3A_222, %parallel_loop3A_352 : vector<16xf32>
        %parallel_loop3A_354 = arith.mulf %parallel_loop3A_347, %parallel_loop3A_353 : vector<16xf32>
        %parallel_loop3A_355 = arith.constant 15 : i32
        %parallel_loop3A_356 = vector.broadcast %parallel_loop3A_355 : i32 to vector<16xi32>
        %parallel_loop3A_357 = arith.addi %parallel_loop3A_229, %parallel_loop3A_356 : vector<16xi32>
        tpu.vector_store_idx %arg14[%parallel_loop3A_357], %parallel_loop3A_354 : memref<32000xf32, #tpu.memory_space<vmem>>[vector<16xi32>], vector<16xf32>,
      } {sc.loop_unroll_factor = 2 : i64, sc.parallel_access}
      %mul3A_136 = arith.constant 50000 : i32
      %mul3A_137 = arith.muli %add3A, %mul3A_136 : i32
      %mul3A_138 = arith.constant 2000 : i32
      %mul3A_139 = arith.muli %add3A_109, %mul3A_138 : i32
      %add3A_140 = arith.addi %mul3A_137, %mul3A_139 : i32
      %mul3A_141 = arith.constant 16 : i32
      %mul3A_142 = arith.muli %add3A_140, %mul3A_141 : i32
      %dma_start3A_143 = tpu.memref_slice %arg5[%mul3A_142] : memref<25600000xf32, #tpu.memory_space<hbm>> -> memref<32000xf32, #tpu.memory_space<hbm>>
      %dma_start3A_144 = tpu.memref_slice %arg5[%mul3A_142] : memref<25600000xf32, #tpu.memory_space<hbm>> -> memref<32000xf32, #tpu.memory_space<hbm>>
      tpu.enqueue_dma source(%arg14 : memref<32000xf32, #tpu.memory_space<vmem>>) target(%dma_start3A_144 : memref<32000xf32, #tpu.memory_space<hbm>>) target_semaphore(%arg20 : memref<!tpu.dma_semaphore, #tpu.memory_space<semaphore_mem>>)
      %dma_start3A_145 = tpu.memref_slice %arg6[%add3A_140] : memref<1600000xf32, #tpu.memory_space<hbm>> -> memref<2000xf32, #tpu.memory_space<hbm>>
      %dma_start3A_146 = tpu.memref_slice %arg6[%add3A_140] : memref<1600000xf32, #tpu.memory_space<hbm>> -> memref<2000xf32, #tpu.memory_space<hbm>>
      tpu.enqueue_dma source(%arg16 : memref<2000xf32, #tpu.memory_space<vmem>>) target(%dma_start3A_146 : memref<2000xf32, #tpu.memory_space<hbm>>) target_semaphore(%arg20 : memref<!tpu.dma_semaphore, #tpu.memory_space<semaphore_mem>>)
    }
    %scan3A_17 = arith.constant 12 : i32
    %mul3A_18 = arith.constant 50000 : i32
    %mul3A_19 = arith.muli %add3A, %mul3A_18 : i32
    %add3A_20 = arith.constant 48000 : i32
    %add3A_21 = arith.addi %mul3A_19, %add3A_20 : i32
    %dma_wait3A = tpu.memref_slice %arg2[%add3A_21] : memref<1600000xf32, #tpu.memory_space<hbm>> -> memref<2000xf32, #tpu.memory_space<hbm>>
    %dma_wait3A_22 = tpu.memref_slice %arg2[%add3A_21] : memref<1600000xf32, #tpu.memory_space<hbm>> -> memref<2000xf32, #tpu.memory_space<hbm>>
    tpu.wait_dma2 semaphore(%arg17 : memref<!tpu.dma_semaphore, #tpu.memory_space<semaphore_mem>>) src(%dma_wait3A_22 : memref<2000xf32, #tpu.memory_space<hbm>>) dst(%arg7 : memref<2000xf32, #tpu.memory_space<vmem>>)
    %dma_wait3A_23 = tpu.memref_slice %arg3[%add3A_21] : memref<1600000xf32, #tpu.memory_space<hbm>> -> memref<2000xf32, #tpu.memory_space<hbm>>
    %dma_wait3A_24 = tpu.memref_slice %arg3[%add3A_21] : memref<1600000xf32, #tpu.memory_space<hbm>> -> memref<2000xf32, #tpu.memory_space<hbm>>
    tpu.wait_dma2 semaphore(%arg17 : memref<!tpu.dma_semaphore, #tpu.memory_space<semaphore_mem>>) src(%dma_wait3A_24 : memref<2000xf32, #tpu.memory_space<hbm>>) dst(%arg9 : memref<2000xf32, #tpu.memory_space<vmem>>)
    %dma_wait3A_25 = tpu.memref_slice %arg4[%add3A_21] : memref<1600000xf32, #tpu.memory_space<hbm>> -> memref<2000xf32, #tpu.memory_space<hbm>>
    %dma_wait3A_26 = tpu.memref_slice %arg4[%add3A_21] : memref<1600000xf32, #tpu.memory_space<hbm>> -> memref<2000xf32, #tpu.memory_space<hbm>>
    tpu.wait_dma2 semaphore(%arg17 : memref<!tpu.dma_semaphore, #tpu.memory_space<semaphore_mem>>) src(%dma_wait3A_26 : memref<2000xf32, #tpu.memory_space<hbm>>) dst(%arg11 : memref<2000xf32, #tpu.memory_space<vmem>>)
    %mul3A_27 = arith.constant 50000 : i32
    %mul3A_28 = arith.muli %add3A, %mul3A_27 : i32
    %add3A_29 = arith.constant 44000 : i32
    %add3A_30 = arith.addi %mul3A_28, %add3A_29 : i32
    %mul3A_31 = arith.constant 16 : i32
    %mul3A_32 = arith.muli %add3A_30, %mul3A_31 : i32
    %dma_wait3A_33 = tpu.memref_slice %arg5[%mul3A_32] : memref<25600000xf32, #tpu.memory_space<hbm>> -> memref<32000xf32, #tpu.memory_space<hbm>>
    %dma_wait3A_34 = tpu.memref_slice %arg5[%mul3A_32] : memref<25600000xf32, #tpu.memory_space<hbm>> -> memref<32000xf32, #tpu.memory_space<hbm>>
    tpu.wait_dma2 semaphore(%arg19 : memref<!tpu.dma_semaphore, #tpu.memory_space<semaphore_mem>>) src(%arg13 : memref<32000xf32, #tpu.memory_space<vmem>>) dst(%dma_wait3A_34 : memref<32000xf32, #tpu.memory_space<hbm>>)
    %dma_wait3A_35 = tpu.memref_slice %arg6[%add3A_30] : memref<1600000xf32, #tpu.memory_space<hbm>> -> memref<2000xf32, #tpu.memory_space<hbm>>
    %dma_wait3A_36 = tpu.memref_slice %arg6[%add3A_30] : memref<1600000xf32, #tpu.memory_space<hbm>> -> memref<2000xf32, #tpu.memory_space<hbm>>
    tpu.wait_dma2 semaphore(%arg19 : memref<!tpu.dma_semaphore, #tpu.memory_space<semaphore_mem>>) src(%arg15 : memref<2000xf32, #tpu.memory_space<vmem>>) dst(%dma_wait3A_36 : memref<2000xf32, #tpu.memory_space<hbm>>)
    %parallel_loop3A = arith.constant 0 : i32
    %parallel_loop3A_37 = arith.constant 125 : i32
    %parallel_loop3A_38 = arith.constant 1 : i32
    scf.for %parallel_loop3A_69 = %parallel_loop3A to %parallel_loop3A_37 step %parallel_loop3A_38  : i32 {
      %parallel_loop3A_70 = arith.constant 16 : i32
      %parallel_loop3A_71 = arith.muli %parallel_loop3A_69, %parallel_loop3A_70 : i32
      %parallel_loop3A_72 = arith.index_cast %parallel_loop3A_71 : i32 to index
      %parallel_loop3A_73 = tpu.vector_load %arg7[%parallel_loop3A_72] {strides = array<i32>} : memref<2000xf32, #tpu.memory_space<vmem>>, vector<16xf32>,
      %parallel_loop3A_74 = arith.index_cast %parallel_loop3A_71 : i32 to index
      %parallel_loop3A_75 = tpu.vector_load %arg9[%parallel_loop3A_74] {strides = array<i32>} : memref<2000xf32, #tpu.memory_space<vmem>>, vector<16xf32>,
      %parallel_loop3A_76 = arith.addf %parallel_loop3A_73, %parallel_loop3A_75 : vector<16xf32>
      %parallel_loop3A_77 = arith.index_cast %parallel_loop3A_71 : i32 to index
      %parallel_loop3A_78 = tpu.vector_load %arg11[%parallel_loop3A_77] {strides = array<i32>} : memref<2000xf32, #tpu.memory_space<vmem>>, vector<16xf32>,
      %parallel_loop3A_79 = arith.addf %parallel_loop3A_76, %parallel_loop3A_78 : vector<16xf32>
      %parallel_loop3A_80 = vector.bitcast %parallel_loop3A_79 : vector<16xf32> to vector<16xi32>
      %parallel_loop3A_81 = arith.constant 1 : i32
      %parallel_loop3A_82 = vector.broadcast %parallel_loop3A_81 : i32 to vector<16xi32>
      %parallel_loop3A_83 = arith.shrsi %parallel_loop3A_80, %parallel_loop3A_82 : vector<16xi32>
      %parallel_loop3A_84 = arith.constant 1597463007 : i32
      %parallel_loop3A_85 = vector.broadcast %parallel_loop3A_84 : i32 to vector<16xi32>
      %parallel_loop3A_86 = arith.subi %parallel_loop3A_85, %parallel_loop3A_83 : vector<16xi32>
      %parallel_loop3A_87 = vector.bitcast %parallel_loop3A_86 : vector<16xi32> to vector<16xf32>
      %parallel_loop3A_88 = arith.constant 5.000000e-01 : f32
      %parallel_loop3A_89 = vector.broadcast %parallel_loop3A_88 : f32 to vector<16xf32>
      %parallel_loop3A_90 = arith.mulf %parallel_loop3A_89, %parallel_loop3A_79 : vector<16xf32>
      %parallel_loop3A_91 = arith.mulf %parallel_loop3A_90, %parallel_loop3A_87 : vector<16xf32>
      %parallel_loop3A_92 = arith.mulf %parallel_loop3A_91, %parallel_loop3A_87 : vector<16xf32>
      %parallel_loop3A_93 = arith.constant 1.500000e+00 : f32
      %parallel_loop3A_94 = vector.broadcast %parallel_loop3A_93 : f32 to vector<16xf32>
      %parallel_loop3A_95 = arith.subf %parallel_loop3A_94, %parallel_loop3A_92 : vector<16xf32>
      %parallel_loop3A_96 = arith.mulf %parallel_loop3A_87, %parallel_loop3A_95 : vector<16xf32>
      %parallel_loop3A_97 = arith.mulf %parallel_loop3A_90, %parallel_loop3A_96 : vector<16xf32>
      %parallel_loop3A_98 = arith.mulf %parallel_loop3A_97, %parallel_loop3A_96 : vector<16xf32>
      %parallel_loop3A_99 = arith.constant 1.500000e+00 : f32
      %parallel_loop3A_100 = vector.broadcast %parallel_loop3A_99 : f32 to vector<16xf32>
      %parallel_loop3A_101 = arith.subf %parallel_loop3A_100, %parallel_loop3A_98 : vector<16xf32>
      %parallel_loop3A_102 = arith.mulf %parallel_loop3A_96, %parallel_loop3A_101 : vector<16xf32>
      %parallel_loop3A_103 = arith.mulf %parallel_loop3A_90, %parallel_loop3A_102 : vector<16xf32>
      %parallel_loop3A_104 = arith.mulf %parallel_loop3A_103, %parallel_loop3A_102 : vector<16xf32>
      %parallel_loop3A_105 = arith.constant 1.500000e+00 : f32
      %parallel_loop3A_106 = vector.broadcast %parallel_loop3A_105 : f32 to vector<16xf32>
      %parallel_loop3A_107 = arith.subf %parallel_loop3A_106, %parallel_loop3A_104 : vector<16xf32>
      %parallel_loop3A_108 = arith.mulf %parallel_loop3A_102, %parallel_loop3A_107 : vector<16xf32>
      %parallel_loop3A_109 = arith.mulf %parallel_loop3A_79, %parallel_loop3A_108 : vector<16xf32>
      %parallel_loop3A_110 = arith.constant 1.000000e-01 : f32
      %parallel_loop3A_111 = vector.broadcast %parallel_loop3A_110 : f32 to vector<16xf32>
      %parallel_loop3A_112 = arith.mulf %parallel_loop3A_109, %parallel_loop3A_111 : vector<16xf32>
      %parallel_loop3A_113 = arith.mulf %parallel_loop3A_112, %parallel_loop3A_112 : vector<16xf32>
      %parallel_loop3A_114 = arith.mulf %parallel_loop3A_113, %parallel_loop3A_112 : vector<16xf32>
      %parallel_loop3A_115 = arith.mulf %parallel_loop3A_114, %parallel_loop3A_114 : vector<16xf32>
      %parallel_loop3A_116 = arith.constant -2.100000e+01 : f32
      %parallel_loop3A_117 = vector.broadcast %parallel_loop3A_116 : f32 to vector<16xf32>
      %parallel_loop3A_118 = arith.mulf %parallel_loop3A_117, %parallel_loop3A_112 : vector<16xf32>
      %parallel_loop3A_119 = arith.constant 4.800000e+01 : f32
      %parallel_loop3A_120 = vector.broadcast %parallel_loop3A_119 : f32 to vector<16xf32>
      %parallel_loop3A_121 = arith.addf %parallel_loop3A_120, %parallel_loop3A_118 : vector<16xf32>
      %parallel_loop3A_122 = arith.mulf %parallel_loop3A_112, %parallel_loop3A_121 : vector<16xf32>
      %parallel_loop3A_123 = arith.constant -2.800000e+01 : f32
      %parallel_loop3A_124 = vector.broadcast %parallel_loop3A_123 : f32 to vector<16xf32>
      %parallel_loop3A_125 = arith.addf %parallel_loop3A_124, %parallel_loop3A_122 : vector<16xf32>
      %parallel_loop3A_126 = arith.mulf %parallel_loop3A_115, %parallel_loop3A_125 : vector<16xf32>
      %parallel_loop3A_127 = arith.constant 1.000000e+00 : f32
      %parallel_loop3A_128 = vector.broadcast %parallel_loop3A_127 : f32 to vector<16xf32>
      %parallel_loop3A_129 = arith.addf %parallel_loop3A_128, %parallel_loop3A_126 : vector<16xf32>
      %parallel_loop3A_130 = arith.constant 1.000000e+00 : f32
      %parallel_loop3A_131 = vector.broadcast %parallel_loop3A_130 : f32 to vector<16xf32>
      %parallel_loop3A_132 = arith.cmpf olt, %parallel_loop3A_112, %parallel_loop3A_131 : vector<16xf32>
      %parallel_loop3A_133 = arith.constant 0.000000e+00 : f32
      %parallel_loop3A_134 = vector.broadcast %parallel_loop3A_133 : f32 to vector<16xf32>
      %parallel_loop3A_135 = arith.select %parallel_loop3A_132, %parallel_loop3A_129, %parallel_loop3A_134 : vector<16xi1>, vector<16xf32>
      %parallel_loop3A_136 = arith.index_cast %parallel_loop3A_71 : i32 to index
      %parallel_loop3A_137 = tpu.vector_load %arg15[%parallel_loop3A_136] {strides = array<i32>} : memref<2000xf32, #tpu.memory_space<vmem>>, vector<16xf32>,
      tpu.vector_store %arg15[%parallel_loop3A_136], %parallel_loop3A_135 {strides = array<i32>} : memref<2000xf32, #tpu.memory_space<vmem>>, vector<16xf32>,
      %parallel_loop3A_138 = arith.constant 1.06066012 : f32
      %parallel_loop3A_139 = vector.broadcast %parallel_loop3A_138 : f32 to vector<16xf32>
      %parallel_loop3A_140 = arith.mulf %parallel_loop3A_109, %parallel_loop3A_139 : vector<16xf32>
      %parallel_loop3A_141 = arith.constant 1.500000e+00 : f32
      %parallel_loop3A_142 = vector.broadcast %parallel_loop3A_141 : f32 to vector<16xf32>
      %parallel_loop3A_143 = arith.mulf %parallel_loop3A_109, %parallel_loop3A_142 : vector<16xf32>
      %parallel_loop3A_144 = math.exp %parallel_loop3A_143 : vector<16xf32>
      %parallel_loop3A_145 = arith.constant 16 : i32
      %parallel_loop3A_146 = vector.broadcast %parallel_loop3A_145 : i32 to vector<16xi32>
      %parallel_loop3A_147 = arith.muli %iota3A, %parallel_loop3A_146 : vector<16xi32>
      %parallel_loop3A_148 = arith.constant 16 : i32
      %parallel_loop3A_149 = arith.muli %parallel_loop3A_71, %parallel_loop3A_148 : i32
      %parallel_loop3A_150 = vector.broadcast %parallel_loop3A_149 : i32 to vector<16xi32>
      %parallel_loop3A_151 = arith.addi %parallel_loop3A_147, %parallel_loop3A_150 : vector<16xi32>
      %parallel_loop3A_152 = arith.constant 0.000000e+00 : f32
      %parallel_loop3A_153 = vector.broadcast %parallel_loop3A_152 : f32 to vector<16xf32>
      %parallel_loop3A_154 = arith.subf %parallel_loop3A_140, %parallel_loop3A_153 : vector<16xf32>
      %parallel_loop3A_155 = arith.constant 0.000000e+00 : f32
      %parallel_loop3A_156 = vector.broadcast %parallel_loop3A_155 : f32 to vector<16xf32>
      %parallel_loop3A_157 = arith.subf %parallel_loop3A_156, %parallel_loop3A_140 : vector<16xf32>
      %parallel_loop3A_158 = arith.mulf %parallel_loop3A_154, %parallel_loop3A_157 : vector<16xf32>
      %parallel_loop3A_159 = math.exp %parallel_loop3A_158 : vector<16xf32>
      %parallel_loop3A_160 = arith.constant 0 : i32
      %parallel_loop3A_161 = vector.broadcast %parallel_loop3A_160 : i32 to vector<16xi32>
      %parallel_loop3A_162 = arith.addi %parallel_loop3A_151, %parallel_loop3A_161 : vector<16xi32>
      tpu.vector_store_idx %arg13[%parallel_loop3A_162], %parallel_loop3A_159 : memref<32000xf32, #tpu.memory_space<vmem>>[vector<16xi32>], vector<16xf32>,
      %parallel_loop3A_163 = arith.constant 0.606530666 : f32
      %parallel_loop3A_164 = vector.broadcast %parallel_loop3A_163 : f32 to vector<16xf32>
      %parallel_loop3A_165 = arith.mulf %parallel_loop3A_144, %parallel_loop3A_164 : vector<16xf32>
      %parallel_loop3A_166 = arith.mulf %parallel_loop3A_159, %parallel_loop3A_165 : vector<16xf32>
      %parallel_loop3A_167 = arith.constant 1 : i32
      %parallel_loop3A_168 = vector.broadcast %parallel_loop3A_167 : i32 to vector<16xi32>
      %parallel_loop3A_169 = arith.addi %parallel_loop3A_151, %parallel_loop3A_168 : vector<16xi32>
      tpu.vector_store_idx %arg13[%parallel_loop3A_169], %parallel_loop3A_166 : memref<32000xf32, #tpu.memory_space<vmem>>[vector<16xi32>], vector<16xf32>,
      %parallel_loop3A_170 = arith.constant 0.223130167 : f32
      %parallel_loop3A_171 = vector.broadcast %parallel_loop3A_170 : f32 to vector<16xf32>
      %parallel_loop3A_172 = arith.mulf %parallel_loop3A_144, %parallel_loop3A_171 : vector<16xf32>
      %parallel_loop3A_173 = arith.mulf %parallel_loop3A_166, %parallel_loop3A_172 : vector<16xf32>
      %parallel_loop3A_174 = arith.constant 2 : i32
      %parallel_loop3A_175 = vector.broadcast %parallel_loop3A_174 : i32 to vector<16xi32>
      %parallel_loop3A_176 = arith.addi %parallel_loop3A_151, %parallel_loop3A_175 : vector<16xi32>
      tpu.vector_store_idx %arg13[%parallel_loop3A_176], %parallel_loop3A_173 : memref<32000xf32, #tpu.memory_space<vmem>>[vector<16xi32>], vector<16xf32>,
      %parallel_loop3A_177 = arith.constant 8.208500e-02 : f32
      %parallel_loop3A_178 = vector.broadcast %parallel_loop3A_177 : f32 to vector<16xf32>
      %parallel_loop3A_179 = arith.mulf %parallel_loop3A_144, %parallel_loop3A_178 : vector<16xf32>
      %parallel_loop3A_180 = arith.mulf %parallel_loop3A_173, %parallel_loop3A_179 : vector<16xf32>
      %parallel_loop3A_181 = arith.constant 3 : i32
      %parallel_loop3A_182 = vector.broadcast %parallel_loop3A_181 : i32 to vector<16xi32>
      %parallel_loop3A_183 = arith.addi %parallel_loop3A_151, %parallel_loop3A_182 : vector<16xi32>
      tpu.vector_store_idx %arg13[%parallel_loop3A_183], %parallel_loop3A_180 : memref<32000xf32, #tpu.memory_space<vmem>>[vector<16xi32>], vector<16xf32>,
      %parallel_loop3A_184 = arith.constant 2.82842708 : f32
      %parallel_loop3A_185 = vector.broadcast %parallel_loop3A_184 : f32 to vector<16xf32>
      %parallel_loop3A_186 = arith.subf %parallel_loop3A_140, %parallel_loop3A_185 : vector<16xf32>
      %parallel_loop3A_187 = arith.constant 2.82842708 : f32
      %parallel_loop3A_188 = vector.broadcast %parallel_loop3A_187 : f32 to vector<16xf32>
      %parallel_loop3A_189 = arith.subf %parallel_loop3A_188, %parallel_loop3A_140 : vector<16xf32>
      %parallel_loop3A_190 = arith.mulf %parallel_loop3A_186, %parallel_loop3A_189 : vector<16xf32>
      %parallel_loop3A_191 = math.exp %parallel_loop3A_190 : vector<16xf32>
      %parallel_loop3A_192 = arith.constant 4 : i32
      %parallel_loop3A_193 = vector.broadcast %parallel_loop3A_192 : i32 to vector<16xi32>
      %parallel_loop3A_194 = arith.addi %parallel_loop3A_151, %parallel_loop3A_193 : vector<16xi32>
      tpu.vector_store_idx %arg13[%parallel_loop3A_194], %parallel_loop3A_191 : memref<32000xf32, #tpu.memory_space<vmem>>[vector<16xi32>], vector<16xf32>,
      %parallel_loop3A_195 = arith.constant 0.0111089963 : f32
      %parallel_loop3A_196 = vector.broadcast %parallel_loop3A_195 : f32 to vector<16xf32>
      %parallel_loop3A_197 = arith.mulf %parallel_loop3A_144, %parallel_loop3A_196 : vector<16xf32>
      %parallel_loop3A_198 = arith.mulf %parallel_loop3A_191, %parallel_loop3A_197 : vector<16xf32>
      %parallel_loop3A_199 = arith.constant 5 : i32
      %parallel_loop3A_200 = vector.broadcast %parallel_loop3A_199 : i32 to vector<16xi32>
      %parallel_loop3A_201 = arith.addi %parallel_loop3A_151, %parallel_loop3A_200 : vector<16xi32>
      tpu.vector_store_idx %arg13[%parallel_loop3A_201], %parallel_loop3A_198 : memref<32000xf32, #tpu.memory_space<vmem>>[vector<16xi32>], vector<16xf32>,
      %parallel_loop3A_202 = arith.constant 0.00408677151 : f32
      %parallel_loop3A_203 = vector.broadcast %parallel_loop3A_202 : f32 to vector<16xf32>
      %parallel_loop3A_204 = arith.mulf %parallel_loop3A_144, %parallel_loop3A_203 : vector<16xf32>
      %parallel_loop3A_205 = arith.mulf %parallel_loop3A_198, %parallel_loop3A_204 : vector<16xf32>
      %parallel_loop3A_206 = arith.constant 6 : i32
      %parallel_loop3A_207 = vector.broadcast %parallel_loop3A_206 : i32 to vector<16xi32>
      %parallel_loop3A_208 = arith.addi %parallel_loop3A_151, %parallel_loop3A_207 : vector<16xi32>
      tpu.vector_store_idx %arg13[%parallel_loop3A_208], %parallel_loop3A_205 : memref<32000xf32, #tpu.memory_space<vmem>>[vector<16xi32>], vector<16xf32>,
      %parallel_loop3A_209 = arith.constant 0.00150343915 : f32
      %parallel_loop3A_210 = vector.broadcast %parallel_loop3A_209 : f32 to vector<16xf32>
      %parallel_loop3A_211 = arith.mulf %parallel_loop3A_144, %parallel_loop3A_210 : vector<16xf32>
      %parallel_loop3A_212 = arith.mulf %parallel_loop3A_205, %parallel_loop3A_211 : vector<16xf32>
      %parallel_loop3A_213 = arith.constant 7 : i32
      %parallel_loop3A_214 = vector.broadcast %parallel_loop3A_213 : i32 to vector<16xi32>
      %parallel_loop3A_215 = arith.addi %parallel_loop3A_151, %parallel_loop3A_214 : vector<16xi32>
      tpu.vector_store_idx %arg13[%parallel_loop3A_215], %parallel_loop3A_212 : memref<32000xf32, #tpu.memory_space<vmem>>[vector<16xi32>], vector<16xf32>,
      %parallel_loop3A_216 = arith.constant 5.65685415 : f32
      %parallel_loop3A_217 = vector.broadcast %parallel_loop3A_216 : f32 to vector<16xf32>
      %parallel_loop3A_218 = arith.subf %parallel_loop3A_140, %parallel_loop3A_217 : vector<16xf32>
      %parallel_loop3A_219 = arith.constant 5.65685415 : f32
      %parallel_loop3A_220 = vector.broadcast %parallel_loop3A_219 : f32 to vector<16xf32>
      %parallel_loop3A_221 = arith.subf %parallel_loop3A_220, %parallel_loop3A_140 : vector<16xf32>
      %parallel_loop3A_222 = arith.mulf %parallel_loop3A_218, %parallel_loop3A_221 : vector<16xf32>
      %parallel_loop3A_223 = math.exp %parallel_loop3A_222 : vector<16xf32>
      %parallel_loop3A_224 = arith.constant 8 : i32
      %parallel_loop3A_225 = vector.broadcast %parallel_loop3A_224 : i32 to vector<16xi32>
      %parallel_loop3A_226 = arith.addi %parallel_loop3A_151, %parallel_loop3A_225 : vector<16xi32>
      tpu.vector_store_idx %arg13[%parallel_loop3A_226], %parallel_loop3A_223 : memref<32000xf32, #tpu.memory_space<vmem>>[vector<16xi32>], vector<16xf32>,
      %parallel_loop3A_227 = arith.constant 2.03468371E-4 : f32
      %parallel_loop3A_228 = vector.broadcast %parallel_loop3A_227 : f32 to vector<16xf32>
      %parallel_loop3A_229 = arith.mulf %parallel_loop3A_144, %parallel_loop3A_228 : vector<16xf32>
      %parallel_loop3A_230 = arith.mulf %parallel_loop3A_223, %parallel_loop3A_229 : vector<16xf32>
      %parallel_loop3A_231 = arith.constant 9 : i32
      %parallel_loop3A_232 = vector.broadcast %parallel_loop3A_231 : i32 to vector<16xi32>
      %parallel_loop3A_233 = arith.addi %parallel_loop3A_151, %parallel_loop3A_232 : vector<16xi32>
      tpu.vector_store_idx %arg13[%parallel_loop3A_233], %parallel_loop3A_230 : memref<32000xf32, #tpu.memory_space<vmem>>[vector<16xi32>], vector<16xf32>,
      %parallel_loop3A_234 = arith.constant 7.48518286E-5 : f32
      %parallel_loop3A_235 = vector.broadcast %parallel_loop3A_234 : f32 to vector<16xf32>
      %parallel_loop3A_236 = arith.mulf %parallel_loop3A_144, %parallel_loop3A_235 : vector<16xf32>
      %parallel_loop3A_237 = arith.mulf %parallel_loop3A_230, %parallel_loop3A_236 : vector<16xf32>
      %parallel_loop3A_238 = arith.constant 10 : i32
      %parallel_loop3A_239 = vector.broadcast %parallel_loop3A_238 : i32 to vector<16xi32>
      %parallel_loop3A_240 = arith.addi %parallel_loop3A_151, %parallel_loop3A_239 : vector<16xi32>
      tpu.vector_store_idx %arg13[%parallel_loop3A_240], %parallel_loop3A_237 : memref<32000xf32, #tpu.memory_space<vmem>>[vector<16xi32>], vector<16xf32>,
      %parallel_loop3A_241 = arith.constant 2.75364491E-5 : f32
      %parallel_loop3A_242 = vector.broadcast %parallel_loop3A_241 : f32 to vector<16xf32>
      %parallel_loop3A_243 = arith.mulf %parallel_loop3A_144, %parallel_loop3A_242 : vector<16xf32>
      %parallel_loop3A_244 = arith.mulf %parallel_loop3A_237, %parallel_loop3A_243 : vector<16xf32>
      %parallel_loop3A_245 = arith.constant 11 : i32
      %parallel_loop3A_246 = vector.broadcast %parallel_loop3A_245 : i32 to vector<16xi32>
      %parallel_loop3A_247 = arith.addi %parallel_loop3A_151, %parallel_loop3A_246 : vector<16xi32>
      tpu.vector_store_idx %arg13[%parallel_loop3A_247], %parallel_loop3A_244 : memref<32000xf32, #tpu.memory_space<vmem>>[vector<16xi32>], vector<16xf32>,
      %parallel_loop3A_248 = arith.constant 8.48528099 : f32
      %parallel_loop3A_249 = vector.broadcast %parallel_loop3A_248 : f32 to vector<16xf32>
      %parallel_loop3A_250 = arith.subf %parallel_loop3A_140, %parallel_loop3A_249 : vector<16xf32>
      %parallel_loop3A_251 = arith.constant 8.48528099 : f32
      %parallel_loop3A_252 = vector.broadcast %parallel_loop3A_251 : f32 to vector<16xf32>
      %parallel_loop3A_253 = arith.subf %parallel_loop3A_252, %parallel_loop3A_140 : vector<16xf32>
      %parallel_loop3A_254 = arith.mulf %parallel_loop3A_250, %parallel_loop3A_253 : vector<16xf32>
      %parallel_loop3A_255 = math.exp %parallel_loop3A_254 : vector<16xf32>
      %parallel_loop3A_256 = arith.constant 12 : i32
      %parallel_loop3A_257 = vector.broadcast %parallel_loop3A_256 : i32 to vector<16xi32>
      %parallel_loop3A_258 = arith.addi %parallel_loop3A_151, %parallel_loop3A_257 : vector<16xi32>
      tpu.vector_store_idx %arg13[%parallel_loop3A_258], %parallel_loop3A_255 : memref<32000xf32, #tpu.memory_space<vmem>>[vector<16xi32>], vector<16xf32>,
      %parallel_loop3A_259 = arith.constant 3.72665318E-6 : f32
      %parallel_loop3A_260 = vector.broadcast %parallel_loop3A_259 : f32 to vector<16xf32>
      %parallel_loop3A_261 = arith.mulf %parallel_loop3A_144, %parallel_loop3A_260 : vector<16xf32>
      %parallel_loop3A_262 = arith.mulf %parallel_loop3A_255, %parallel_loop3A_261 : vector<16xf32>
      %parallel_loop3A_263 = arith.constant 13 : i32
      %parallel_loop3A_264 = vector.broadcast %parallel_loop3A_263 : i32 to vector<16xi32>
      %parallel_loop3A_265 = arith.addi %parallel_loop3A_151, %parallel_loop3A_264 : vector<16xi32>
      tpu.vector_store_idx %arg13[%parallel_loop3A_265], %parallel_loop3A_262 : memref<32000xf32, #tpu.memory_space<vmem>>[vector<16xi32>], vector<16xf32>,
      %parallel_loop3A_266 = arith.constant 1.37095913E-6 : f32
      %parallel_loop3A_267 = vector.broadcast %parallel_loop3A_266 : f32 to vector<16xf32>
      %parallel_loop3A_268 = arith.mulf %parallel_loop3A_144, %parallel_loop3A_267 : vector<16xf32>
      %parallel_loop3A_269 = arith.mulf %parallel_loop3A_262, %parallel_loop3A_268 : vector<16xf32>
      %parallel_loop3A_270 = arith.constant 14 : i32
      %parallel_loop3A_271 = vector.broadcast %parallel_loop3A_270 : i32 to vector<16xi32>
      %parallel_loop3A_272 = arith.addi %parallel_loop3A_151, %parallel_loop3A_271 : vector<16xi32>
      tpu.vector_store_idx %arg13[%parallel_loop3A_272], %parallel_loop3A_269 : memref<32000xf32, #tpu.memory_space<vmem>>[vector<16xi32>], vector<16xf32>,
      %parallel_loop3A_273 = arith.constant 5.04347668E-7 : f32
      %parallel_loop3A_274 = vector.broadcast %parallel_loop3A_273 : f32 to vector<16xf32>
      %parallel_loop3A_275 = arith.mulf %parallel_loop3A_144, %parallel_loop3A_274 : vector<16xf32>
      %parallel_loop3A_276 = arith.mulf %parallel_loop3A_269, %parallel_loop3A_275 : vector<16xf32>
      %parallel_loop3A_277 = arith.constant 15 : i32
      %parallel_loop3A_278 = vector.broadcast %parallel_loop3A_277 : i32 to vector<16xi32>
      %parallel_loop3A_279 = arith.addi %parallel_loop3A_151, %parallel_loop3A_278 : vector<16xi32>
      tpu.vector_store_idx %arg13[%parallel_loop3A_279], %parallel_loop3A_276 : memref<32000xf32, #tpu.memory_space<vmem>>[vector<16xi32>], vector<16xf32>,
    } {sc.loop_unroll_factor = 2 : i64, sc.parallel_access}
    %mul3A_39 = arith.constant 50000 : i32
    %mul3A_40 = arith.muli %add3A, %mul3A_39 : i32
    %add3A_41 = arith.constant 48000 : i32
    %add3A_42 = arith.addi %mul3A_40, %add3A_41 : i32
    %mul3A_43 = arith.constant 16 : i32
    %mul3A_44 = arith.muli %add3A_42, %mul3A_43 : i32
    %dma_start3A_45 = tpu.memref_slice %arg5[%mul3A_44] : memref<25600000xf32, #tpu.memory_space<hbm>> -> memref<32000xf32, #tpu.memory_space<hbm>>
    %dma_start3A_46 = tpu.memref_slice %arg5[%mul3A_44] : memref<25600000xf32, #tpu.memory_space<hbm>> -> memref<32000xf32, #tpu.memory_space<hbm>>
    tpu.enqueue_dma source(%arg13 : memref<32000xf32, #tpu.memory_space<vmem>>) target(%dma_start3A_46 : memref<32000xf32, #tpu.memory_space<hbm>>) target_semaphore(%arg19 : memref<!tpu.dma_semaphore, #tpu.memory_space<semaphore_mem>>)
    %dma_start3A_47 = tpu.memref_slice %arg6[%add3A_42] : memref<1600000xf32, #tpu.memory_space<hbm>> -> memref<2000xf32, #tpu.memory_space<hbm>>
    %dma_start3A_48 = tpu.memref_slice %arg6[%add3A_42] : memref<1600000xf32, #tpu.memory_space<hbm>> -> memref<2000xf32, #tpu.memory_space<hbm>>
    tpu.enqueue_dma source(%arg15 : memref<2000xf32, #tpu.memory_space<vmem>>) target(%dma_start3A_48 : memref<2000xf32, #tpu.memory_space<hbm>>) target_semaphore(%arg19 : memref<!tpu.dma_semaphore, #tpu.memory_space<semaphore_mem>>)
    %mul3A_49 = arith.constant 50000 : i32
    %mul3A_50 = arith.muli %add3A, %mul3A_49 : i32
    %add3A_51 = arith.constant 44000 : i32
    %add3A_52 = arith.addi %mul3A_50, %add3A_51 : i32
    %mul3A_53 = arith.constant 16 : i32
    %mul3A_54 = arith.muli %add3A_52, %mul3A_53 : i32
    %dma_wait3A_55 = tpu.memref_slice %arg5[%mul3A_54] : memref<25600000xf32, #tpu.memory_space<hbm>> -> memref<32000xf32, #tpu.memory_space<hbm>>
    %dma_wait3A_56 = tpu.memref_slice %arg5[%mul3A_54] : memref<25600000xf32, #tpu.memory_space<hbm>> -> memref<32000xf32, #tpu.memory_space<hbm>>
    tpu.wait_dma2 semaphore(%arg20 : memref<!tpu.dma_semaphore, #tpu.memory_space<semaphore_mem>>) src(%arg14 : memref<32000xf32, #tpu.memory_space<vmem>>) dst(%dma_wait3A_56 : memref<32000xf32, #tpu.memory_space<hbm>>)
    %dma_wait3A_57 = tpu.memref_slice %arg6[%add3A_52] : memref<1600000xf32, #tpu.memory_space<hbm>> -> memref<2000xf32, #tpu.memory_space<hbm>>
    %dma_wait3A_58 = tpu.memref_slice %arg6[%add3A_52] : memref<1600000xf32, #tpu.memory_space<hbm>> -> memref<2000xf32, #tpu.memory_space<hbm>>
    tpu.wait_dma2 semaphore(%arg20 : memref<!tpu.dma_semaphore, #tpu.memory_space<semaphore_mem>>) src(%arg16 : memref<2000xf32, #tpu.memory_space<vmem>>) dst(%dma_wait3A_58 : memref<2000xf32, #tpu.memory_space<hbm>>)
    %mul3A_59 = arith.constant 50000 : i32
    %mul3A_60 = arith.muli %add3A, %mul3A_59 : i32
    %add3A_61 = arith.constant 48000 : i32
    %add3A_62 = arith.addi %mul3A_60, %add3A_61 : i32
    %mul3A_63 = arith.constant 16 : i32
    %mul3A_64 = arith.muli %add3A_62, %mul3A_63 : i32
    %dma_wait3A_65 = tpu.memref_slice %arg5[%mul3A_64] : memref<25600000xf32, #tpu.memory_space<hbm>> -> memref<32000xf32, #tpu.memory_space<hbm>>
    %dma_wait3A_66 = tpu.memref_slice %arg5[%mul3A_64] : memref<25600000xf32, #tpu.memory_space<hbm>> -> memref<32000xf32, #tpu.memory_space<hbm>>
    tpu.wait_dma2 semaphore(%arg19 : memref<!tpu.dma_semaphore, #tpu.memory_space<semaphore_mem>>) src(%arg13 : memref<32000xf32, #tpu.memory_space<vmem>>) dst(%dma_wait3A_66 : memref<32000xf32, #tpu.memory_space<hbm>>)
    %dma_wait3A_67 = tpu.memref_slice %arg6[%add3A_62] : memref<1600000xf32, #tpu.memory_space<hbm>> -> memref<2000xf32, #tpu.memory_space<hbm>>
    %dma_wait3A_68 = tpu.memref_slice %arg6[%add3A_62] : memref<1600000xf32, #tpu.memory_space<hbm>> -> memref<2000xf32, #tpu.memory_space<hbm>>
    tpu.wait_dma2 semaphore(%arg19 : memref<!tpu.dma_semaphore, #tpu.memory_space<semaphore_mem>>) src(%arg15 : memref<2000xf32, #tpu.memory_space<vmem>>) dst(%dma_wait3A_68 : memref<2000xf32, #tpu.memory_space<hbm>>)
    return
  }
}

#map = affine_map<(d0, d1) -> (0)>
module attributes {stable_mosaic.version = 14 : i64} {
  func.func @_sc_transpose_body(%arg0: i32, %arg1: i32, %arg2: memref<307200xf32, #tpu.memory_space<hbm>>, %arg3: memref<102400xf32, #tpu.memory_space<hbm>>, %arg4: memref<102400xf32, #tpu.memory_space<hbm>>, %arg5: memref<102400xf32, #tpu.memory_space<hbm>>, %arg6: memref<9600xf32, #tpu.memory_space<vmem>>, %arg7: memref<3200xf32, #tpu.memory_space<vmem>>, %arg8: memref<3200xf32, #tpu.memory_space<vmem>>, %arg9: memref<3200xf32, #tpu.memory_space<vmem>>) attributes {dimension_semantics = [#tpu.dimension_semantics<core_parallel>, #tpu.dimension_semantics<subcore_parallel>], iteration_bounds = array<i64: 2, 16>, scalar_prefetch = 0 : i64, scratch_operands = 4 : i64, tpu.core_type = #tpu.core_type<sc_vector_subcore>, window_params = [{transform_indices = #map}, {transform_indices = #map}, {transform_indices = #map}, {transform_indices = #map}]} {
    %mul3A = arith.constant 16 : i32
    %mul3A_0 = arith.muli %arg0, %mul3A : i32
    %add3A = arith.addi %mul3A_0, %arg1 : i32
    %mul3A_1 = arith.constant 9600 : i32
    %mul3A_2 = arith.muli %add3A, %mul3A_1 : i32
    "tpu.region"() ({
      %run_scoped3A = tpu.sem_alloc : memref<!tpu.dma_semaphore, #tpu.memory_space<semaphore_mem>>
      %dma_start3A = tpu.memref_slice %arg2[%mul3A_2] : memref<307200xf32, #tpu.memory_space<hbm>> -> memref<9600xf32, #tpu.memory_space<hbm>>
      %dma_start3A_17 = tpu.memref_slice %arg2[%mul3A_2] : memref<307200xf32, #tpu.memory_space<hbm>> -> memref<9600xf32, #tpu.memory_space<hbm>>
      tpu.enqueue_dma source(%dma_start3A_17 : memref<9600xf32, #tpu.memory_space<hbm>>) target(%arg6 : memref<9600xf32, #tpu.memory_space<vmem>>) target_semaphore(%run_scoped3A : memref<!tpu.dma_semaphore, #tpu.memory_space<semaphore_mem>>)
      %dma_wait3A = tpu.memref_slice %arg2[%mul3A_2] : memref<307200xf32, #tpu.memory_space<hbm>> -> memref<9600xf32, #tpu.memory_space<hbm>>
      %dma_wait3A_18 = tpu.memref_slice %arg2[%mul3A_2] : memref<307200xf32, #tpu.memory_space<hbm>> -> memref<9600xf32, #tpu.memory_space<hbm>>
      tpu.wait_dma2 semaphore(%run_scoped3A : memref<!tpu.dma_semaphore, #tpu.memory_space<semaphore_mem>>) src(%dma_wait3A_18 : memref<9600xf32, #tpu.memory_space<hbm>>) dst(%arg6 : memref<9600xf32, #tpu.memory_space<vmem>>)
      tpu.yield
    }) : () -> ()
    %iota3A = tpu.iota {dimensions = array<i32: 0>} : vector<16xi32>
    %mul3A_3 = arith.constant 3 : i32
    %mul3A_4 = vector.broadcast %mul3A_3 : i32 to vector<16xi32>
    %mul3A_5 = arith.muli %iota3A, %mul3A_4 : vector<16xi32>
    %scan3A = arith.constant 0 : i32
    %scan3A_6 = arith.constant 0 : i32
    %scan3A_7 = arith.constant 200 : i32
    %scan3A_8 = arith.addi %scan3A_6, %scan3A_7 : i32
    %scan3A_9 = arith.constant 1 : i32
    scf.for %scan3A_17 = %scan3A_6 to %scan3A_8 step %scan3A_9  : i32 {
      %mul3A_18 = arith.constant 48 : i32
      %mul3A_19 = arith.muli %scan3A_17, %mul3A_18 : i32
      %add3A_20 = arith.constant 0 : i32
      %add3A_21 = arith.addi %mul3A_19, %add3A_20 : i32
      %add3A_22 = vector.broadcast %add3A_21 : i32 to vector<16xi32>
      %add3A_23 = arith.addi %mul3A_5, %add3A_22 : vector<16xi32>
      %gather3A = tpu.vector_load_idx %arg6[%add3A_23] : memref<9600xf32, #tpu.memory_space<vmem>>[vector<16xi32>], vector<16xf32>,
      %mul3A_24 = arith.constant 16 : i32
      %mul3A_25 = arith.muli %scan3A_17, %mul3A_24 : i32
      %swap3A = arith.index_cast %mul3A_25 : i32 to index
      %swap3A_26 = tpu.vector_load %arg7[%swap3A] {strides = array<i32>} : memref<3200xf32, #tpu.memory_space<vmem>>, vector<16xf32>,
      tpu.vector_store %arg7[%swap3A], %gather3A {strides = array<i32>} : memref<3200xf32, #tpu.memory_space<vmem>>, vector<16xf32>,
      %add3A_27 = arith.constant 1 : i32
      %add3A_28 = arith.addi %mul3A_19, %add3A_27 : i32
      %add3A_29 = vector.broadcast %add3A_28 : i32 to vector<16xi32>
      %add3A_30 = arith.addi %mul3A_5, %add3A_29 : vector<16xi32>
      %gather3A_31 = tpu.vector_load_idx %arg6[%add3A_30] : memref<9600xf32, #tpu.memory_space<vmem>>[vector<16xi32>], vector<16xf32>,
      %mul3A_32 = arith.constant 16 : i32
      %mul3A_33 = arith.muli %scan3A_17, %mul3A_32 : i32
      %swap3A_34 = arith.index_cast %mul3A_33 : i32 to index
      %swap3A_35 = tpu.vector_load %arg8[%swap3A_34] {strides = array<i32>} : memref<3200xf32, #tpu.memory_space<vmem>>, vector<16xf32>,
      tpu.vector_store %arg8[%swap3A_34], %gather3A_31 {strides = array<i32>} : memref<3200xf32, #tpu.memory_space<vmem>>, vector<16xf32>,
      %add3A_36 = arith.constant 2 : i32
      %add3A_37 = arith.addi %mul3A_19, %add3A_36 : i32
      %add3A_38 = vector.broadcast %add3A_37 : i32 to vector<16xi32>
      %add3A_39 = arith.addi %mul3A_5, %add3A_38 : vector<16xi32>
      %gather3A_40 = tpu.vector_load_idx %arg6[%add3A_39] : memref<9600xf32, #tpu.memory_space<vmem>>[vector<16xi32>], vector<16xf32>,
      %mul3A_41 = arith.constant 16 : i32
      %mul3A_42 = arith.muli %scan3A_17, %mul3A_41 : i32
      %swap3A_43 = arith.index_cast %mul3A_42 : i32 to index
      %swap3A_44 = tpu.vector_load %arg9[%swap3A_43] {strides = array<i32>} : memref<3200xf32, #tpu.memory_space<vmem>>, vector<16xf32>,
      tpu.vector_store %arg9[%swap3A_43], %gather3A_40 {strides = array<i32>} : memref<3200xf32, #tpu.memory_space<vmem>>, vector<16xf32>,
    }
    %scan3A_10 = arith.constant 200 : i32
    %mul3A_11 = arith.constant 3200 : i32
    %mul3A_12 = arith.muli %add3A, %mul3A_11 : i32
    "tpu.region"() ({
      %run_scoped3A = tpu.sem_alloc : memref<!tpu.dma_semaphore, #tpu.memory_space<semaphore_mem>>
      %dma_start3A = tpu.memref_slice %arg3[%mul3A_12] : memref<102400xf32, #tpu.memory_space<hbm>> -> memref<3200xf32, #tpu.memory_space<hbm>>
      %dma_start3A_17 = tpu.memref_slice %arg3[%mul3A_12] : memref<102400xf32, #tpu.memory_space<hbm>> -> memref<3200xf32, #tpu.memory_space<hbm>>
      tpu.enqueue_dma source(%arg7 : memref<3200xf32, #tpu.memory_space<vmem>>) target(%dma_start3A_17 : memref<3200xf32, #tpu.memory_space<hbm>>) target_semaphore(%run_scoped3A : memref<!tpu.dma_semaphore, #tpu.memory_space<semaphore_mem>>)
      %dma_wait3A = tpu.memref_slice %arg3[%mul3A_12] : memref<102400xf32, #tpu.memory_space<hbm>> -> memref<3200xf32, #tpu.memory_space<hbm>>
      %dma_wait3A_18 = tpu.memref_slice %arg3[%mul3A_12] : memref<102400xf32, #tpu.memory_space<hbm>> -> memref<3200xf32, #tpu.memory_space<hbm>>
      tpu.wait_dma2 semaphore(%run_scoped3A : memref<!tpu.dma_semaphore, #tpu.memory_space<semaphore_mem>>) src(%arg7 : memref<3200xf32, #tpu.memory_space<vmem>>) dst(%dma_wait3A_18 : memref<3200xf32, #tpu.memory_space<hbm>>)
      tpu.yield
    }) : () -> ()
    %mul3A_13 = arith.constant 3200 : i32
    %mul3A_14 = arith.muli %add3A, %mul3A_13 : i32
    "tpu.region"() ({
      %run_scoped3A = tpu.sem_alloc : memref<!tpu.dma_semaphore, #tpu.memory_space<semaphore_mem>>
      %dma_start3A = tpu.memref_slice %arg4[%mul3A_14] : memref<102400xf32, #tpu.memory_space<hbm>> -> memref<3200xf32, #tpu.memory_space<hbm>>
      %dma_start3A_17 = tpu.memref_slice %arg4[%mul3A_14] : memref<102400xf32, #tpu.memory_space<hbm>> -> memref<3200xf32, #tpu.memory_space<hbm>>
      tpu.enqueue_dma source(%arg8 : memref<3200xf32, #tpu.memory_space<vmem>>) target(%dma_start3A_17 : memref<3200xf32, #tpu.memory_space<hbm>>) target_semaphore(%run_scoped3A : memref<!tpu.dma_semaphore, #tpu.memory_space<semaphore_mem>>)
      %dma_wait3A = tpu.memref_slice %arg4[%mul3A_14] : memref<102400xf32, #tpu.memory_space<hbm>> -> memref<3200xf32, #tpu.memory_space<hbm>>
      %dma_wait3A_18 = tpu.memref_slice %arg4[%mul3A_14] : memref<102400xf32, #tpu.memory_space<hbm>> -> memref<3200xf32, #tpu.memory_space<hbm>>
      tpu.wait_dma2 semaphore(%run_scoped3A : memref<!tpu.dma_semaphore, #tpu.memory_space<semaphore_mem>>) src(%arg8 : memref<3200xf32, #tpu.memory_space<vmem>>) dst(%dma_wait3A_18 : memref<3200xf32, #tpu.memory_space<hbm>>)
      tpu.yield
    }) : () -> ()
    %mul3A_15 = arith.constant 3200 : i32
    %mul3A_16 = arith.muli %add3A, %mul3A_15 : i32
    "tpu.region"() ({
      %run_scoped3A = tpu.sem_alloc : memref<!tpu.dma_semaphore, #tpu.memory_space<semaphore_mem>>
      %dma_start3A = tpu.memref_slice %arg5[%mul3A_16] : memref<102400xf32, #tpu.memory_space<hbm>> -> memref<3200xf32, #tpu.memory_space<hbm>>
      %dma_start3A_17 = tpu.memref_slice %arg5[%mul3A_16] : memref<102400xf32, #tpu.memory_space<hbm>> -> memref<3200xf32, #tpu.memory_space<hbm>>
      tpu.enqueue_dma source(%arg9 : memref<3200xf32, #tpu.memory_space<vmem>>) target(%dma_start3A_17 : memref<3200xf32, #tpu.memory_space<hbm>>) target_semaphore(%run_scoped3A : memref<!tpu.dma_semaphore, #tpu.memory_space<semaphore_mem>>)
      %dma_wait3A = tpu.memref_slice %arg5[%mul3A_16] : memref<102400xf32, #tpu.memory_space<hbm>> -> memref<3200xf32, #tpu.memory_space<hbm>>
      %dma_wait3A_18 = tpu.memref_slice %arg5[%mul3A_16] : memref<102400xf32, #tpu.memory_space<hbm>> -> memref<3200xf32, #tpu.memory_space<hbm>>
      tpu.wait_dma2 semaphore(%run_scoped3A : memref<!tpu.dma_semaphore, #tpu.memory_space<semaphore_mem>>) src(%arg9 : memref<3200xf32, #tpu.memory_space<vmem>>) dst(%dma_wait3A_18 : memref<3200xf32, #tpu.memory_space<hbm>>)
      tpu.yield
    }) : () -> ()
    return
  }
}

#map = affine_map<(d0, d1) -> (0)>
module attributes {stable_mosaic.version = 14 : i64} {
  func.func @_sc_dsq_body(%arg0: i32, %arg1: i32, %arg2: memref<3200000xi32, #tpu.memory_space<hbm>>, %arg3: memref<102400xf32, #tpu.memory_space<hbm>>, %arg4: memref<102400xf32, #tpu.memory_space<hbm>>, %arg5: memref<102400xf32, #tpu.memory_space<hbm>>, %arg6: memref<1600000xf32, #tpu.memory_space<hbm>>, %arg7: memref<1600000xf32, #tpu.memory_space<hbm>>, %arg8: memref<1600000xf32, #tpu.memory_space<hbm>>, %arg9: memref<102400xf32, #tpu.memory_space<vmem>>, %arg10: memref<2000xi32, #tpu.memory_space<vmem>>, %arg11: memref<2000xi32, #tpu.memory_space<vmem>>, %arg12: memref<2000xi32, #tpu.memory_space<vmem>>, %arg13: memref<2000xi32, #tpu.memory_space<vmem>>, %arg14: memref<2000xf32, #tpu.memory_space<vmem>>, %arg15: memref<2000xf32, #tpu.memory_space<vmem>>, %arg16: memref<!tpu.dma_semaphore, #tpu.memory_space<semaphore_mem>>, %arg17: memref<!tpu.dma_semaphore, #tpu.memory_space<semaphore_mem>>, %arg18: memref<!tpu.dma_semaphore, #tpu.memory_space<semaphore_mem>>, %arg19: memref<!tpu.dma_semaphore, #tpu.memory_space<semaphore_mem>>) attributes {dimension_semantics = [#tpu.dimension_semantics<core_parallel>, #tpu.dimension_semantics<subcore_parallel>], iteration_bounds = array<i64: 2, 16>, scalar_prefetch = 0 : i64, scratch_operands = 11 : i64, tpu.core_type = #tpu.core_type<sc_vector_subcore>, window_params = [{transform_indices = #map}, {transform_indices = #map}, {transform_indices = #map}, {transform_indices = #map}, {transform_indices = #map}, {transform_indices = #map}, {transform_indices = #map}]} {
    %mul3A = arith.constant 16 : i32
    %mul3A_0 = arith.muli %arg0, %mul3A : i32
    %add3A = arith.addi %mul3A_0, %arg1 : i32
    %lt3A = arith.constant 30 : i32
    %lt3A_1 = arith.cmpi slt, %add3A, %lt3A : i32
    %convert_element_type3A = arith.extui %lt3A_1 : i1 to i32
    %cond3A = arith.constant 0 : i32
    %cond3A_2 = arith.cmpi ne, %convert_element_type3A, %cond3A : i32
    scf.if %cond3A_2 {
      %jit3A = arith.constant 10 : i32
      %div3A = arith.divsi %add3A, %jit3A : i32
      %sign3A = arith.constant 0 : i32
      %sign3A_3 = arith.cmpi sgt, %add3A, %sign3A : i32
      %sign3A_4 = arith.extui %sign3A_3 : i1 to i32
      %sign3A_5 = arith.constant 0 : i32
      %sign3A_6 = arith.cmpi slt, %add3A, %sign3A_5 : i32
      %sign3A_7 = arith.extui %sign3A_6 : i1 to i32
      %sign3A_8 = arith.subi %sign3A_4, %sign3A_7 : i32
      %sign3A_9 = arith.constant 0 : i32
      %sign3A_10 = arith.cmpi sgt, %jit3A, %sign3A_9 : i32
      %sign3A_11 = arith.extui %sign3A_10 : i1 to i32
      %sign3A_12 = arith.constant 0 : i32
      %sign3A_13 = arith.cmpi slt, %jit3A, %sign3A_12 : i32
      %sign3A_14 = arith.extui %sign3A_13 : i1 to i32
      %sign3A_15 = arith.subi %sign3A_11, %sign3A_14 : i32
      %ne3A = arith.cmpi ne, %sign3A_8, %sign3A_15 : i32
      %rem3A = arith.remsi %add3A, %jit3A : i32
      %ne3A_16 = arith.constant 0 : i32
      %ne3A_17 = arith.cmpi ne, %rem3A, %ne3A_16 : i32
      %and3A = arith.andi %ne3A, %ne3A_17 : i1
      %sub3A = arith.constant 1 : i32
      %sub3A_18 = arith.subi %div3A, %sub3A : i32
      %select_n3A = arith.select %and3A, %sub3A_18, %div3A : i32
      %jit3A_19 = arith.constant 10 : i32
      %eq3A = arith.constant 0 : i32
      %eq3A_20 = arith.cmpi eq, %jit3A_19, %eq3A : i32
      %jit3A_21 = arith.constant 1 : i32
      %select_n3A_22 = arith.select %eq3A_20, %jit3A_21, %jit3A_19 : i32
      %rem3A_23 = arith.remsi %add3A, %select_n3A_22 : i32
      %ne3A_24 = arith.constant 0 : i32
      %ne3A_25 = arith.cmpi ne, %rem3A_23, %ne3A_24 : i32
      %lt3A_26 = arith.constant 0 : i32
      %lt3A_27 = arith.cmpi slt, %rem3A_23, %lt3A_26 : i32
      %lt3A_28 = arith.constant 0 : i32
      %lt3A_29 = arith.cmpi slt, %select_n3A_22, %lt3A_28 : i32
      %ne3A_30 = arith.xori %lt3A_27, %lt3A_29 : i1
      %and3A_31 = arith.andi %ne3A_30, %ne3A_25 : i1
      %add3A_32 = arith.addi %rem3A_23, %select_n3A_22 : i32
      %select_n3A_33 = arith.select %and3A_31, %add3A_32, %rem3A_23 : i32
      %eq3A_34 = arith.constant 0 : i32
      %eq3A_35 = arith.cmpi eq, %select_n3A, %eq3A_34 : i32
      %convert_element_type3A_36 = arith.extui %eq3A_35 : i1 to i32
      %cond3A_37 = arith.constant 0 : i32
      %cond3A_38 = arith.cmpi ne, %convert_element_type3A_36, %cond3A_37 : i32
      scf.if %cond3A_38 {
        "tpu.region"() ({
          %run_scoped3A = tpu.sem_alloc : memref<!tpu.dma_semaphore, #tpu.memory_space<semaphore_mem>>
          tpu.enqueue_dma source(%arg3 : memref<102400xf32, #tpu.memory_space<hbm>>) target(%arg9 : memref<102400xf32, #tpu.memory_space<vmem>>) target_semaphore(%run_scoped3A : memref<!tpu.dma_semaphore, #tpu.memory_space<semaphore_mem>>)
          tpu.wait_dma2 semaphore(%run_scoped3A : memref<!tpu.dma_semaphore, #tpu.memory_space<semaphore_mem>>) src(%arg3 : memref<102400xf32, #tpu.memory_space<hbm>>) dst(%arg9 : memref<102400xf32, #tpu.memory_space<vmem>>)
          tpu.yield
        }) : () -> ()
      } else {
      }
      %eq3A_39 = arith.constant 1 : i32
      %eq3A_40 = arith.cmpi eq, %select_n3A, %eq3A_39 : i32
      %convert_element_type3A_41 = arith.extui %eq3A_40 : i1 to i32
      %cond3A_42 = arith.constant 0 : i32
      %cond3A_43 = arith.cmpi ne, %convert_element_type3A_41, %cond3A_42 : i32
      scf.if %cond3A_43 {
        "tpu.region"() ({
          %run_scoped3A = tpu.sem_alloc : memref<!tpu.dma_semaphore, #tpu.memory_space<semaphore_mem>>
          tpu.enqueue_dma source(%arg4 : memref<102400xf32, #tpu.memory_space<hbm>>) target(%arg9 : memref<102400xf32, #tpu.memory_space<vmem>>) target_semaphore(%run_scoped3A : memref<!tpu.dma_semaphore, #tpu.memory_space<semaphore_mem>>)
          tpu.wait_dma2 semaphore(%run_scoped3A : memref<!tpu.dma_semaphore, #tpu.memory_space<semaphore_mem>>) src(%arg4 : memref<102400xf32, #tpu.memory_space<hbm>>) dst(%arg9 : memref<102400xf32, #tpu.memory_space<vmem>>)
          tpu.yield
        }) : () -> ()
      } else {
      }
      %eq3A_44 = arith.constant 2 : i32
      %eq3A_45 = arith.cmpi eq, %select_n3A, %eq3A_44 : i32
      %convert_element_type3A_46 = arith.extui %eq3A_45 : i1 to i32
      %cond3A_47 = arith.constant 0 : i32
      %cond3A_48 = arith.cmpi ne, %convert_element_type3A_46, %cond3A_47 : i32
      scf.if %cond3A_48 {
        "tpu.region"() ({
          %run_scoped3A = tpu.sem_alloc : memref<!tpu.dma_semaphore, #tpu.memory_space<semaphore_mem>>
          tpu.enqueue_dma source(%arg5 : memref<102400xf32, #tpu.memory_space<hbm>>) target(%arg9 : memref<102400xf32, #tpu.memory_space<vmem>>) target_semaphore(%run_scoped3A : memref<!tpu.dma_semaphore, #tpu.memory_space<semaphore_mem>>)
          tpu.wait_dma2 semaphore(%run_scoped3A : memref<!tpu.dma_semaphore, #tpu.memory_space<semaphore_mem>>) src(%arg5 : memref<102400xf32, #tpu.memory_space<hbm>>) dst(%arg9 : memref<102400xf32, #tpu.memory_space<vmem>>)
          tpu.yield
        }) : () -> ()
      } else {
      }
      %mul3A_49 = arith.constant 160000 : i32
      %mul3A_50 = arith.muli %select_n3A_33, %mul3A_49 : i32
      %add3A_51 = arith.constant 0 : i32
      %add3A_52 = arith.addi %mul3A_50, %add3A_51 : i32
      %add3A_53 = arith.constant 1600000 : i32
      %add3A_54 = arith.addi %add3A_53, %add3A_52 : i32
      %dma_start3A = tpu.memref_slice %arg2[%add3A_52] : memref<3200000xi32, #tpu.memory_space<hbm>> -> memref<2000xi32, #tpu.memory_space<hbm>>
      %dma_start3A_55 = tpu.memref_slice %arg2[%add3A_52] : memref<3200000xi32, #tpu.memory_space<hbm>> -> memref<2000xi32, #tpu.memory_space<hbm>>
      tpu.enqueue_dma source(%dma_start3A_55 : memref<2000xi32, #tpu.memory_space<hbm>>) target(%arg10 : memref<2000xi32, #tpu.memory_space<vmem>>) target_semaphore(%arg16 : memref<!tpu.dma_semaphore, #tpu.memory_space<semaphore_mem>>)
      %dma_start3A_56 = tpu.memref_slice %arg2[%add3A_54] : memref<3200000xi32, #tpu.memory_space<hbm>> -> memref<2000xi32, #tpu.memory_space<hbm>>
      %dma_start3A_57 = tpu.memref_slice %arg2[%add3A_54] : memref<3200000xi32, #tpu.memory_space<hbm>> -> memref<2000xi32, #tpu.memory_space<hbm>>
      tpu.enqueue_dma source(%dma_start3A_57 : memref<2000xi32, #tpu.memory_space<hbm>>) target(%arg12 : memref<2000xi32, #tpu.memory_space<vmem>>) target_semaphore(%arg16 : memref<!tpu.dma_semaphore, #tpu.memory_space<semaphore_mem>>)
      %scan3A = arith.constant 0 : i32
      %scan3A_58 = arith.constant 0 : i32
      %scan3A_59 = arith.constant 40 : i32
      %scan3A_60 = arith.addi %scan3A_58, %scan3A_59 : i32
      %scan3A_61 = arith.constant 1 : i32
      scf.for %scan3A_78 = %scan3A_58 to %scan3A_60 step %scan3A_61  : i32 {
        %mul3A_79 = arith.constant 2 : i32
        %mul3A_80 = arith.muli %mul3A_79, %scan3A_78 : i32
        %add3A_81 = arith.constant 1 : i32
        %add3A_82 = arith.addi %mul3A_80, %add3A_81 : i32
        %lt3A_83 = arith.constant 80 : i32
        %lt3A_84 = arith.cmpi slt, %add3A_82, %lt3A_83 : i32
        %convert_element_type3A_85 = arith.extui %lt3A_84 : i1 to i32
        %cond3A_86 = arith.constant 0 : i32
        %cond3A_87 = arith.cmpi ne, %convert_element_type3A_85, %cond3A_86 : i32
        scf.if %cond3A_87 {
          %mul3A_164 = arith.constant 160000 : i32
          %mul3A_165 = arith.muli %select_n3A_33, %mul3A_164 : i32
          %mul3A_166 = arith.constant 2000 : i32
          %mul3A_167 = arith.muli %add3A_82, %mul3A_166 : i32
          %add3A_168 = arith.addi %mul3A_165, %mul3A_167 : i32
          %add3A_169 = arith.constant 1600000 : i32
          %add3A_170 = arith.addi %add3A_169, %add3A_168 : i32
          %dma_start3A_171 = tpu.memref_slice %arg2[%add3A_168] : memref<3200000xi32, #tpu.memory_space<hbm>> -> memref<2000xi32, #tpu.memory_space<hbm>>
          %dma_start3A_172 = tpu.memref_slice %arg2[%add3A_168] : memref<3200000xi32, #tpu.memory_space<hbm>> -> memref<2000xi32, #tpu.memory_space<hbm>>
          tpu.enqueue_dma source(%dma_start3A_172 : memref<2000xi32, #tpu.memory_space<hbm>>) target(%arg11 : memref<2000xi32, #tpu.memory_space<vmem>>) target_semaphore(%arg17 : memref<!tpu.dma_semaphore, #tpu.memory_space<semaphore_mem>>)
          %dma_start3A_173 = tpu.memref_slice %arg2[%add3A_170] : memref<3200000xi32, #tpu.memory_space<hbm>> -> memref<2000xi32, #tpu.memory_space<hbm>>
          %dma_start3A_174 = tpu.memref_slice %arg2[%add3A_170] : memref<3200000xi32, #tpu.memory_space<hbm>> -> memref<2000xi32, #tpu.memory_space<hbm>>
          tpu.enqueue_dma source(%dma_start3A_174 : memref<2000xi32, #tpu.memory_space<hbm>>) target(%arg13 : memref<2000xi32, #tpu.memory_space<vmem>>) target_semaphore(%arg17 : memref<!tpu.dma_semaphore, #tpu.memory_space<semaphore_mem>>)
        } else {
        }
        %mul3A_88 = arith.constant 160000 : i32
        %mul3A_89 = arith.muli %select_n3A_33, %mul3A_88 : i32
        %mul3A_90 = arith.constant 2000 : i32
        %mul3A_91 = arith.muli %mul3A_80, %mul3A_90 : i32
        %add3A_92 = arith.addi %mul3A_89, %mul3A_91 : i32
        %add3A_93 = arith.constant 1600000 : i32
        %add3A_94 = arith.addi %add3A_93, %add3A_92 : i32
        %dma_wait3A = tpu.memref_slice %arg2[%add3A_92] : memref<3200000xi32, #tpu.memory_space<hbm>> -> memref<2000xi32, #tpu.memory_space<hbm>>
        %dma_wait3A_95 = tpu.memref_slice %arg2[%add3A_92] : memref<3200000xi32, #tpu.memory_space<hbm>> -> memref<2000xi32, #tpu.memory_space<hbm>>
        tpu.wait_dma2 semaphore(%arg16 : memref<!tpu.dma_semaphore, #tpu.memory_space<semaphore_mem>>) src(%dma_wait3A_95 : memref<2000xi32, #tpu.memory_space<hbm>>) dst(%arg10 : memref<2000xi32, #tpu.memory_space<vmem>>)
        %dma_wait3A_96 = tpu.memref_slice %arg2[%add3A_94] : memref<3200000xi32, #tpu.memory_space<hbm>> -> memref<2000xi32, #tpu.memory_space<hbm>>
        %dma_wait3A_97 = tpu.memref_slice %arg2[%add3A_94] : memref<3200000xi32, #tpu.memory_space<hbm>> -> memref<2000xi32, #tpu.memory_space<hbm>>
        tpu.wait_dma2 semaphore(%arg16 : memref<!tpu.dma_semaphore, #tpu.memory_space<semaphore_mem>>) src(%dma_wait3A_97 : memref<2000xi32, #tpu.memory_space<hbm>>) dst(%arg12 : memref<2000xi32, #tpu.memory_space<vmem>>)
        %ge3A = arith.constant 2 : i32
        %ge3A_98 = arith.cmpi sge, %mul3A_80, %ge3A : i32
        %convert_element_type3A_99 = arith.extui %ge3A_98 : i1 to i32
        %cond3A_100 = arith.constant 0 : i32
        %cond3A_101 = arith.cmpi ne, %convert_element_type3A_99, %cond3A_100 : i32
        scf.if %cond3A_101 {
          %eq3A_164 = arith.constant 0 : i32
          %eq3A_165 = arith.cmpi eq, %select_n3A, %eq3A_164 : i32
          %convert_element_type3A_166 = arith.extui %eq3A_165 : i1 to i32
          %cond3A_167 = arith.constant 0 : i32
          %cond3A_168 = arith.cmpi ne, %convert_element_type3A_166, %cond3A_167 : i32
          scf.if %cond3A_168 {
            %sub3A_179 = arith.constant 2 : i32
            %sub3A_180 = arith.subi %mul3A_80, %sub3A_179 : i32
            %mul3A_181 = arith.constant 160000 : i32
            %mul3A_182 = arith.muli %select_n3A_33, %mul3A_181 : i32
            %mul3A_183 = arith.constant 2000 : i32
            %mul3A_184 = arith.muli %sub3A_180, %mul3A_183 : i32
            %add3A_185 = arith.addi %mul3A_182, %mul3A_184 : i32
            %dma_wait3A_186 = tpu.memref_slice %arg6[%add3A_185] : memref<1600000xf32, #tpu.memory_space<hbm>> -> memref<2000xf32, #tpu.memory_space<hbm>>
            %dma_wait3A_187 = tpu.memref_slice %arg6[%add3A_185] : memref<1600000xf32, #tpu.memory_space<hbm>> -> memref<2000xf32, #tpu.memory_space<hbm>>
            tpu.wait_dma2 semaphore(%arg18 : memref<!tpu.dma_semaphore, #tpu.memory_space<semaphore_mem>>) src(%arg14 : memref<2000xf32, #tpu.memory_space<vmem>>) dst(%dma_wait3A_187 : memref<2000xf32, #tpu.memory_space<hbm>>)
          } else {
          }
          %eq3A_169 = arith.constant 1 : i32
          %eq3A_170 = arith.cmpi eq, %select_n3A, %eq3A_169 : i32
          %convert_element_type3A_171 = arith.extui %eq3A_170 : i1 to i32
          %cond3A_172 = arith.constant 0 : i32
          %cond3A_173 = arith.cmpi ne, %convert_element_type3A_171, %cond3A_172 : i32
          scf.if %cond3A_173 {
            %sub3A_179 = arith.constant 2 : i32
            %sub3A_180 = arith.subi %mul3A_80, %sub3A_179 : i32
            %mul3A_181 = arith.constant 160000 : i32
            %mul3A_182 = arith.muli %select_n3A_33, %mul3A_181 : i32
            %mul3A_183 = arith.constant 2000 : i32
            %mul3A_184 = arith.muli %sub3A_180, %mul3A_183 : i32
            %add3A_185 = arith.addi %mul3A_182, %mul3A_184 : i32
            %dma_wait3A_186 = tpu.memref_slice %arg7[%add3A_185] : memref<1600000xf32, #tpu.memory_space<hbm>> -> memref<2000xf32, #tpu.memory_space<hbm>>
            %dma_wait3A_187 = tpu.memref_slice %arg7[%add3A_185] : memref<1600000xf32, #tpu.memory_space<hbm>> -> memref<2000xf32, #tpu.memory_space<hbm>>
            tpu.wait_dma2 semaphore(%arg18 : memref<!tpu.dma_semaphore, #tpu.memory_space<semaphore_mem>>) src(%arg14 : memref<2000xf32, #tpu.memory_space<vmem>>) dst(%dma_wait3A_187 : memref<2000xf32, #tpu.memory_space<hbm>>)
          } else {
          }
          %eq3A_174 = arith.constant 2 : i32
          %eq3A_175 = arith.cmpi eq, %select_n3A, %eq3A_174 : i32
          %convert_element_type3A_176 = arith.extui %eq3A_175 : i1 to i32
          %cond3A_177 = arith.constant 0 : i32
          %cond3A_178 = arith.cmpi ne, %convert_element_type3A_176, %cond3A_177 : i32
          scf.if %cond3A_178 {
            %sub3A_179 = arith.constant 2 : i32
            %sub3A_180 = arith.subi %mul3A_80, %sub3A_179 : i32
            %mul3A_181 = arith.constant 160000 : i32
            %mul3A_182 = arith.muli %select_n3A_33, %mul3A_181 : i32
            %mul3A_183 = arith.constant 2000 : i32
            %mul3A_184 = arith.muli %sub3A_180, %mul3A_183 : i32
            %add3A_185 = arith.addi %mul3A_182, %mul3A_184 : i32
            %dma_wait3A_186 = tpu.memref_slice %arg8[%add3A_185] : memref<1600000xf32, #tpu.memory_space<hbm>> -> memref<2000xf32, #tpu.memory_space<hbm>>
            %dma_wait3A_187 = tpu.memref_slice %arg8[%add3A_185] : memref<1600000xf32, #tpu.memory_space<hbm>> -> memref<2000xf32, #tpu.memory_space<hbm>>
            tpu.wait_dma2 semaphore(%arg18 : memref<!tpu.dma_semaphore, #tpu.memory_space<semaphore_mem>>) src(%arg14 : memref<2000xf32, #tpu.memory_space<vmem>>) dst(%dma_wait3A_187 : memref<2000xf32, #tpu.memory_space<hbm>>)
          } else {
          }
        } else {
        }
        %parallel_loop3A = arith.constant 0 : i32
        %parallel_loop3A_102 = arith.constant 125 : i32
        %parallel_loop3A_103 = arith.constant 1 : i32
        scf.for %parallel_loop3A_164 = %parallel_loop3A to %parallel_loop3A_102 step %parallel_loop3A_103  : i32 {
          %parallel_loop3A_165 = arith.constant 16 : i32
          %parallel_loop3A_166 = arith.muli %parallel_loop3A_164, %parallel_loop3A_165 : i32
          %parallel_loop3A_167 = arith.index_cast %parallel_loop3A_166 : i32 to index
          %parallel_loop3A_168 = tpu.vector_load %arg10[%parallel_loop3A_167] {strides = array<i32>} : memref<2000xi32, #tpu.memory_space<vmem>>, vector<16xi32>,
          %parallel_loop3A_169 = arith.index_cast %parallel_loop3A_166 : i32 to index
          %parallel_loop3A_170 = tpu.vector_load %arg12[%parallel_loop3A_169] {strides = array<i32>} : memref<2000xi32, #tpu.memory_space<vmem>>, vector<16xi32>,
          %parallel_loop3A_171 = tpu.vector_load_idx %arg9[%parallel_loop3A_168] : memref<102400xf32, #tpu.memory_space<vmem>>[vector<16xi32>], vector<16xf32>,
          %parallel_loop3A_172 = tpu.vector_load_idx %arg9[%parallel_loop3A_170] : memref<102400xf32, #tpu.memory_space<vmem>>[vector<16xi32>], vector<16xf32>,
          %parallel_loop3A_173 = arith.subf %parallel_loop3A_171, %parallel_loop3A_172 : vector<16xf32>
          %parallel_loop3A_174 = arith.mulf %parallel_loop3A_173, %parallel_loop3A_173 : vector<16xf32>
          %parallel_loop3A_175 = arith.index_cast %parallel_loop3A_166 : i32 to index
          %parallel_loop3A_176 = tpu.vector_load %arg14[%parallel_loop3A_175] {strides = array<i32>} : memref<2000xf32, #tpu.memory_space<vmem>>, vector<16xf32>,
          tpu.vector_store %arg14[%parallel_loop3A_175], %parallel_loop3A_174 {strides = array<i32>} : memref<2000xf32, #tpu.memory_space<vmem>>, vector<16xf32>,
        } {sc.loop_unroll_factor = 2 : i64, sc.parallel_access}
        %eq3A_104 = arith.constant 0 : i32
        %eq3A_105 = arith.cmpi eq, %select_n3A, %eq3A_104 : i32
        %convert_element_type3A_106 = arith.extui %eq3A_105 : i1 to i32
        %cond3A_107 = arith.constant 0 : i32
        %cond3A_108 = arith.cmpi ne, %convert_element_type3A_106, %cond3A_107 : i32
        scf.if %cond3A_108 {
          %mul3A_164 = arith.constant 160000 : i32
          %mul3A_165 = arith.muli %select_n3A_33, %mul3A_164 : i32
          %mul3A_166 = arith.constant 2000 : i32
          %mul3A_167 = arith.muli %mul3A_80, %mul3A_166 : i32
          %add3A_168 = arith.addi %mul3A_165, %mul3A_167 : i32
          %dma_start3A_169 = tpu.memref_slice %arg6[%add3A_168] : memref<1600000xf32, #tpu.memory_space<hbm>> -> memref<2000xf32, #tpu.memory_space<hbm>>
          %dma_start3A_170 = tpu.memref_slice %arg6[%add3A_168] : memref<1600000xf32, #tpu.memory_space<hbm>> -> memref<2000xf32, #tpu.memory_space<hbm>>
          tpu.enqueue_dma source(%arg14 : memref<2000xf32, #tpu.memory_space<vmem>>) target(%dma_start3A_170 : memref<2000xf32, #tpu.memory_space<hbm>>) target_semaphore(%arg18 : memref<!tpu.dma_semaphore, #tpu.memory_space<semaphore_mem>>)
        } else {
        }
        %eq3A_109 = arith.constant 1 : i32
        %eq3A_110 = arith.cmpi eq, %select_n3A, %eq3A_109 : i32
        %convert_element_type3A_111 = arith.extui %eq3A_110 : i1 to i32
        %cond3A_112 = arith.constant 0 : i32
        %cond3A_113 = arith.cmpi ne, %convert_element_type3A_111, %cond3A_112 : i32
        scf.if %cond3A_113 {
          %mul3A_164 = arith.constant 160000 : i32
          %mul3A_165 = arith.muli %select_n3A_33, %mul3A_164 : i32
          %mul3A_166 = arith.constant 2000 : i32
          %mul3A_167 = arith.muli %mul3A_80, %mul3A_166 : i32
          %add3A_168 = arith.addi %mul3A_165, %mul3A_167 : i32
          %dma_start3A_169 = tpu.memref_slice %arg7[%add3A_168] : memref<1600000xf32, #tpu.memory_space<hbm>> -> memref<2000xf32, #tpu.memory_space<hbm>>
          %dma_start3A_170 = tpu.memref_slice %arg7[%add3A_168] : memref<1600000xf32, #tpu.memory_space<hbm>> -> memref<2000xf32, #tpu.memory_space<hbm>>
          tpu.enqueue_dma source(%arg14 : memref<2000xf32, #tpu.memory_space<vmem>>) target(%dma_start3A_170 : memref<2000xf32, #tpu.memory_space<hbm>>) target_semaphore(%arg18 : memref<!tpu.dma_semaphore, #tpu.memory_space<semaphore_mem>>)
        } else {
        }
        %eq3A_114 = arith.constant 2 : i32
        %eq3A_115 = arith.cmpi eq, %select_n3A, %eq3A_114 : i32
        %convert_element_type3A_116 = arith.extui %eq3A_115 : i1 to i32
        %cond3A_117 = arith.constant 0 : i32
        %cond3A_118 = arith.cmpi ne, %convert_element_type3A_116, %cond3A_117 : i32
        scf.if %cond3A_118 {
          %mul3A_164 = arith.constant 160000 : i32
          %mul3A_165 = arith.muli %select_n3A_33, %mul3A_164 : i32
          %mul3A_166 = arith.constant 2000 : i32
          %mul3A_167 = arith.muli %mul3A_80, %mul3A_166 : i32
          %add3A_168 = arith.addi %mul3A_165, %mul3A_167 : i32
          %dma_start3A_169 = tpu.memref_slice %arg8[%add3A_168] : memref<1600000xf32, #tpu.memory_space<hbm>> -> memref<2000xf32, #tpu.memory_space<hbm>>
          %dma_start3A_170 = tpu.memref_slice %arg8[%add3A_168] : memref<1600000xf32, #tpu.memory_space<hbm>> -> memref<2000xf32, #tpu.memory_space<hbm>>
          tpu.enqueue_dma source(%arg14 : memref<2000xf32, #tpu.memory_space<vmem>>) target(%dma_start3A_170 : memref<2000xf32, #tpu.memory_space<hbm>>) target_semaphore(%arg18 : memref<!tpu.dma_semaphore, #tpu.memory_space<semaphore_mem>>)
        } else {
        }
        %mul3A_119 = arith.constant 2 : i32
        %mul3A_120 = arith.muli %mul3A_119, %scan3A_78 : i32
        %add3A_121 = arith.constant 1 : i32
        %add3A_122 = arith.addi %mul3A_120, %add3A_121 : i32
        %add3A_123 = arith.constant 1 : i32
        %add3A_124 = arith.addi %add3A_122, %add3A_123 : i32
        %lt3A_125 = arith.constant 80 : i32
        %lt3A_126 = arith.cmpi slt, %add3A_124, %lt3A_125 : i32
        %convert_element_type3A_127 = arith.extui %lt3A_126 : i1 to i32
        %cond3A_128 = arith.constant 0 : i32
        %cond3A_129 = arith.cmpi ne, %convert_element_type3A_127, %cond3A_128 : i32
        scf.if %cond3A_129 {
          %mul3A_164 = arith.constant 160000 : i32
          %mul3A_165 = arith.muli %select_n3A_33, %mul3A_164 : i32
          %mul3A_166 = arith.constant 2000 : i32
          %mul3A_167 = arith.muli %add3A_124, %mul3A_166 : i32
          %add3A_168 = arith.addi %mul3A_165, %mul3A_167 : i32
          %add3A_169 = arith.constant 1600000 : i32
          %add3A_170 = arith.addi %add3A_169, %add3A_168 : i32
          %dma_start3A_171 = tpu.memref_slice %arg2[%add3A_168] : memref<3200000xi32, #tpu.memory_space<hbm>> -> memref<2000xi32, #tpu.memory_space<hbm>>
          %dma_start3A_172 = tpu.memref_slice %arg2[%add3A_168] : memref<3200000xi32, #tpu.memory_space<hbm>> -> memref<2000xi32, #tpu.memory_space<hbm>>
          tpu.enqueue_dma source(%dma_start3A_172 : memref<2000xi32, #tpu.memory_space<hbm>>) target(%arg10 : memref<2000xi32, #tpu.memory_space<vmem>>) target_semaphore(%arg16 : memref<!tpu.dma_semaphore, #tpu.memory_space<semaphore_mem>>)
          %dma_start3A_173 = tpu.memref_slice %arg2[%add3A_170] : memref<3200000xi32, #tpu.memory_space<hbm>> -> memref<2000xi32, #tpu.memory_space<hbm>>
          %dma_start3A_174 = tpu.memref_slice %arg2[%add3A_170] : memref<3200000xi32, #tpu.memory_space<hbm>> -> memref<2000xi32, #tpu.memory_space<hbm>>
          tpu.enqueue_dma source(%dma_start3A_174 : memref<2000xi32, #tpu.memory_space<hbm>>) target(%arg12 : memref<2000xi32, #tpu.memory_space<vmem>>) target_semaphore(%arg16 : memref<!tpu.dma_semaphore, #tpu.memory_space<semaphore_mem>>)
        } else {
        }
        %mul3A_130 = arith.constant 160000 : i32
        %mul3A_131 = arith.muli %select_n3A_33, %mul3A_130 : i32
        %mul3A_132 = arith.constant 2000 : i32
        %mul3A_133 = arith.muli %add3A_122, %mul3A_132 : i32
        %add3A_134 = arith.addi %mul3A_131, %mul3A_133 : i32
        %add3A_135 = arith.constant 1600000 : i32
        %add3A_136 = arith.addi %add3A_135, %add3A_134 : i32
        %dma_wait3A_137 = tpu.memref_slice %arg2[%add3A_134] : memref<3200000xi32, #tpu.memory_space<hbm>> -> memref<2000xi32, #tpu.memory_space<hbm>>
        %dma_wait3A_138 = tpu.memref_slice %arg2[%add3A_134] : memref<3200000xi32, #tpu.memory_space<hbm>> -> memref<2000xi32, #tpu.memory_space<hbm>>
        tpu.wait_dma2 semaphore(%arg17 : memref<!tpu.dma_semaphore, #tpu.memory_space<semaphore_mem>>) src(%dma_wait3A_138 : memref<2000xi32, #tpu.memory_space<hbm>>) dst(%arg11 : memref<2000xi32, #tpu.memory_space<vmem>>)
        %dma_wait3A_139 = tpu.memref_slice %arg2[%add3A_136] : memref<3200000xi32, #tpu.memory_space<hbm>> -> memref<2000xi32, #tpu.memory_space<hbm>>
        %dma_wait3A_140 = tpu.memref_slice %arg2[%add3A_136] : memref<3200000xi32, #tpu.memory_space<hbm>> -> memref<2000xi32, #tpu.memory_space<hbm>>
        tpu.wait_dma2 semaphore(%arg17 : memref<!tpu.dma_semaphore, #tpu.memory_space<semaphore_mem>>) src(%dma_wait3A_140 : memref<2000xi32, #tpu.memory_space<hbm>>) dst(%arg13 : memref<2000xi32, #tpu.memory_space<vmem>>)
        %ge3A_141 = arith.constant 2 : i32
        %ge3A_142 = arith.cmpi sge, %add3A_122, %ge3A_141 : i32
        %convert_element_type3A_143 = arith.extui %ge3A_142 : i1 to i32
        %cond3A_144 = arith.constant 0 : i32
        %cond3A_145 = arith.cmpi ne, %convert_element_type3A_143, %cond3A_144 : i32
        scf.if %cond3A_145 {
          %eq3A_164 = arith.constant 0 : i32
          %eq3A_165 = arith.cmpi eq, %select_n3A, %eq3A_164 : i32
          %convert_element_type3A_166 = arith.extui %eq3A_165 : i1 to i32
          %cond3A_167 = arith.constant 0 : i32
          %cond3A_168 = arith.cmpi ne, %convert_element_type3A_166, %cond3A_167 : i32
          scf.if %cond3A_168 {
            %sub3A_179 = arith.constant 2 : i32
            %sub3A_180 = arith.subi %add3A_122, %sub3A_179 : i32
            %mul3A_181 = arith.constant 160000 : i32
            %mul3A_182 = arith.muli %select_n3A_33, %mul3A_181 : i32
            %mul3A_183 = arith.constant 2000 : i32
            %mul3A_184 = arith.muli %sub3A_180, %mul3A_183 : i32
            %add3A_185 = arith.addi %mul3A_182, %mul3A_184 : i32
            %dma_wait3A_186 = tpu.memref_slice %arg6[%add3A_185] : memref<1600000xf32, #tpu.memory_space<hbm>> -> memref<2000xf32, #tpu.memory_space<hbm>>
            %dma_wait3A_187 = tpu.memref_slice %arg6[%add3A_185] : memref<1600000xf32, #tpu.memory_space<hbm>> -> memref<2000xf32, #tpu.memory_space<hbm>>
            tpu.wait_dma2 semaphore(%arg19 : memref<!tpu.dma_semaphore, #tpu.memory_space<semaphore_mem>>) src(%arg15 : memref<2000xf32, #tpu.memory_space<vmem>>) dst(%dma_wait3A_187 : memref<2000xf32, #tpu.memory_space<hbm>>)
          } else {
          }
          %eq3A_169 = arith.constant 1 : i32
          %eq3A_170 = arith.cmpi eq, %select_n3A, %eq3A_169 : i32
          %convert_element_type3A_171 = arith.extui %eq3A_170 : i1 to i32
          %cond3A_172 = arith.constant 0 : i32
          %cond3A_173 = arith.cmpi ne, %convert_element_type3A_171, %cond3A_172 : i32
          scf.if %cond3A_173 {
            %sub3A_179 = arith.constant 2 : i32
            %sub3A_180 = arith.subi %add3A_122, %sub3A_179 : i32
            %mul3A_181 = arith.constant 160000 : i32
            %mul3A_182 = arith.muli %select_n3A_33, %mul3A_181 : i32
            %mul3A_183 = arith.constant 2000 : i32
            %mul3A_184 = arith.muli %sub3A_180, %mul3A_183 : i32
            %add3A_185 = arith.addi %mul3A_182, %mul3A_184 : i32
            %dma_wait3A_186 = tpu.memref_slice %arg7[%add3A_185] : memref<1600000xf32, #tpu.memory_space<hbm>> -> memref<2000xf32, #tpu.memory_space<hbm>>
            %dma_wait3A_187 = tpu.memref_slice %arg7[%add3A_185] : memref<1600000xf32, #tpu.memory_space<hbm>> -> memref<2000xf32, #tpu.memory_space<hbm>>
            tpu.wait_dma2 semaphore(%arg19 : memref<!tpu.dma_semaphore, #tpu.memory_space<semaphore_mem>>) src(%arg15 : memref<2000xf32, #tpu.memory_space<vmem>>) dst(%dma_wait3A_187 : memref<2000xf32, #tpu.memory_space<hbm>>)
          } else {
          }
          %eq3A_174 = arith.constant 2 : i32
          %eq3A_175 = arith.cmpi eq, %select_n3A, %eq3A_174 : i32
          %convert_element_type3A_176 = arith.extui %eq3A_175 : i1 to i32
          %cond3A_177 = arith.constant 0 : i32
          %cond3A_178 = arith.cmpi ne, %convert_element_type3A_176, %cond3A_177 : i32
          scf.if %cond3A_178 {
            %sub3A_179 = arith.constant 2 : i32
            %sub3A_180 = arith.subi %add3A_122, %sub3A_179 : i32
            %mul3A_181 = arith.constant 160000 : i32
            %mul3A_182 = arith.muli %select_n3A_33, %mul3A_181 : i32
            %mul3A_183 = arith.constant 2000 : i32
            %mul3A_184 = arith.muli %sub3A_180, %mul3A_183 : i32
            %add3A_185 = arith.addi %mul3A_182, %mul3A_184 : i32
            %dma_wait3A_186 = tpu.memref_slice %arg8[%add3A_185] : memref<1600000xf32, #tpu.memory_space<hbm>> -> memref<2000xf32, #tpu.memory_space<hbm>>
            %dma_wait3A_187 = tpu.memref_slice %arg8[%add3A_185] : memref<1600000xf32, #tpu.memory_space<hbm>> -> memref<2000xf32, #tpu.memory_space<hbm>>
            tpu.wait_dma2 semaphore(%arg19 : memref<!tpu.dma_semaphore, #tpu.memory_space<semaphore_mem>>) src(%arg15 : memref<2000xf32, #tpu.memory_space<vmem>>) dst(%dma_wait3A_187 : memref<2000xf32, #tpu.memory_space<hbm>>)
          } else {
          }
        } else {
        }
        %parallel_loop3A_146 = arith.constant 0 : i32
        %parallel_loop3A_147 = arith.constant 125 : i32
        %parallel_loop3A_148 = arith.constant 1 : i32
        scf.for %parallel_loop3A_164 = %parallel_loop3A_146 to %parallel_loop3A_147 step %parallel_loop3A_148  : i32 {
          %parallel_loop3A_165 = arith.constant 16 : i32
          %parallel_loop3A_166 = arith.muli %parallel_loop3A_164, %parallel_loop3A_165 : i32
          %parallel_loop3A_167 = arith.index_cast %parallel_loop3A_166 : i32 to index
          %parallel_loop3A_168 = tpu.vector_load %arg11[%parallel_loop3A_167] {strides = array<i32>} : memref<2000xi32, #tpu.memory_space<vmem>>, vector<16xi32>,
          %parallel_loop3A_169 = arith.index_cast %parallel_loop3A_166 : i32 to index
          %parallel_loop3A_170 = tpu.vector_load %arg13[%parallel_loop3A_169] {strides = array<i32>} : memref<2000xi32, #tpu.memory_space<vmem>>, vector<16xi32>,
          %parallel_loop3A_171 = tpu.vector_load_idx %arg9[%parallel_loop3A_168] : memref<102400xf32, #tpu.memory_space<vmem>>[vector<16xi32>], vector<16xf32>,
          %parallel_loop3A_172 = tpu.vector_load_idx %arg9[%parallel_loop3A_170] : memref<102400xf32, #tpu.memory_space<vmem>>[vector<16xi32>], vector<16xf32>,
          %parallel_loop3A_173 = arith.subf %parallel_loop3A_171, %parallel_loop3A_172 : vector<16xf32>
          %parallel_loop3A_174 = arith.mulf %parallel_loop3A_173, %parallel_loop3A_173 : vector<16xf32>
          %parallel_loop3A_175 = arith.index_cast %parallel_loop3A_166 : i32 to index
          %parallel_loop3A_176 = tpu.vector_load %arg15[%parallel_loop3A_175] {strides = array<i32>} : memref<2000xf32, #tpu.memory_space<vmem>>, vector<16xf32>,
          tpu.vector_store %arg15[%parallel_loop3A_175], %parallel_loop3A_174 {strides = array<i32>} : memref<2000xf32, #tpu.memory_space<vmem>>, vector<16xf32>,
        } {sc.loop_unroll_factor = 2 : i64, sc.parallel_access}
        %eq3A_149 = arith.constant 0 : i32
        %eq3A_150 = arith.cmpi eq, %select_n3A, %eq3A_149 : i32
        %convert_element_type3A_151 = arith.extui %eq3A_150 : i1 to i32
        %cond3A_152 = arith.constant 0 : i32
        %cond3A_153 = arith.cmpi ne, %convert_element_type3A_151, %cond3A_152 : i32
        scf.if %cond3A_153 {
          %mul3A_164 = arith.constant 160000 : i32
          %mul3A_165 = arith.muli %select_n3A_33, %mul3A_164 : i32
          %mul3A_166 = arith.constant 2000 : i32
          %mul3A_167 = arith.muli %add3A_122, %mul3A_166 : i32
          %add3A_168 = arith.addi %mul3A_165, %mul3A_167 : i32
          %dma_start3A_169 = tpu.memref_slice %arg6[%add3A_168] : memref<1600000xf32, #tpu.memory_space<hbm>> -> memref<2000xf32, #tpu.memory_space<hbm>>
          %dma_start3A_170 = tpu.memref_slice %arg6[%add3A_168] : memref<1600000xf32, #tpu.memory_space<hbm>> -> memref<2000xf32, #tpu.memory_space<hbm>>
          tpu.enqueue_dma source(%arg15 : memref<2000xf32, #tpu.memory_space<vmem>>) target(%dma_start3A_170 : memref<2000xf32, #tpu.memory_space<hbm>>) target_semaphore(%arg19 : memref<!tpu.dma_semaphore, #tpu.memory_space<semaphore_mem>>)
        } else {
        }
        %eq3A_154 = arith.constant 1 : i32
        %eq3A_155 = arith.cmpi eq, %select_n3A, %eq3A_154 : i32
        %convert_element_type3A_156 = arith.extui %eq3A_155 : i1 to i32
        %cond3A_157 = arith.constant 0 : i32
        %cond3A_158 = arith.cmpi ne, %convert_element_type3A_156, %cond3A_157 : i32
        scf.if %cond3A_158 {
          %mul3A_164 = arith.constant 160000 : i32
          %mul3A_165 = arith.muli %select_n3A_33, %mul3A_164 : i32
          %mul3A_166 = arith.constant 2000 : i32
          %mul3A_167 = arith.muli %add3A_122, %mul3A_166 : i32
          %add3A_168 = arith.addi %mul3A_165, %mul3A_167 : i32
          %dma_start3A_169 = tpu.memref_slice %arg7[%add3A_168] : memref<1600000xf32, #tpu.memory_space<hbm>> -> memref<2000xf32, #tpu.memory_space<hbm>>
          %dma_start3A_170 = tpu.memref_slice %arg7[%add3A_168] : memref<1600000xf32, #tpu.memory_space<hbm>> -> memref<2000xf32, #tpu.memory_space<hbm>>
          tpu.enqueue_dma source(%arg15 : memref<2000xf32, #tpu.memory_space<vmem>>) target(%dma_start3A_170 : memref<2000xf32, #tpu.memory_space<hbm>>) target_semaphore(%arg19 : memref<!tpu.dma_semaphore, #tpu.memory_space<semaphore_mem>>)
        } else {
        }
        %eq3A_159 = arith.constant 2 : i32
        %eq3A_160 = arith.cmpi eq, %select_n3A, %eq3A_159 : i32
        %convert_element_type3A_161 = arith.extui %eq3A_160 : i1 to i32
        %cond3A_162 = arith.constant 0 : i32
        %cond3A_163 = arith.cmpi ne, %convert_element_type3A_161, %cond3A_162 : i32
        scf.if %cond3A_163 {
          %mul3A_164 = arith.constant 160000 : i32
          %mul3A_165 = arith.muli %select_n3A_33, %mul3A_164 : i32
          %mul3A_166 = arith.constant 2000 : i32
          %mul3A_167 = arith.muli %add3A_122, %mul3A_166 : i32
          %add3A_168 = arith.addi %mul3A_165, %mul3A_167 : i32
          %dma_start3A_169 = tpu.memref_slice %arg8[%add3A_168] : memref<1600000xf32, #tpu.memory_space<hbm>> -> memref<2000xf32, #tpu.memory_space<hbm>>
          %dma_start3A_170 = tpu.memref_slice %arg8[%add3A_168] : memref<1600000xf32, #tpu.memory_space<hbm>> -> memref<2000xf32, #tpu.memory_space<hbm>>
          tpu.enqueue_dma source(%arg15 : memref<2000xf32, #tpu.memory_space<vmem>>) target(%dma_start3A_170 : memref<2000xf32, #tpu.memory_space<hbm>>) target_semaphore(%arg19 : memref<!tpu.dma_semaphore, #tpu.memory_space<semaphore_mem>>)
        } else {
        }
      }
      %scan3A_62 = arith.constant 40 : i32
      %eq3A_63 = arith.constant 0 : i32
      %eq3A_64 = arith.cmpi eq, %select_n3A, %eq3A_63 : i32
      %convert_element_type3A_65 = arith.extui %eq3A_64 : i1 to i32
      %cond3A_66 = arith.constant 0 : i32
      %cond3A_67 = arith.cmpi ne, %convert_element_type3A_65, %cond3A_66 : i32
      scf.if %cond3A_67 {
        %mul3A_78 = arith.constant 160000 : i32
        %mul3A_79 = arith.muli %select_n3A_33, %mul3A_78 : i32
        %add3A_80 = arith.constant 156000 : i32
        %add3A_81 = arith.addi %mul3A_79, %add3A_80 : i32
        %dma_wait3A = tpu.memref_slice %arg6[%add3A_81] : memref<1600000xf32, #tpu.memory_space<hbm>> -> memref<2000xf32, #tpu.memory_space<hbm>>
        %dma_wait3A_82 = tpu.memref_slice %arg6[%add3A_81] : memref<1600000xf32, #tpu.memory_space<hbm>> -> memref<2000xf32, #tpu.memory_space<hbm>>
        tpu.wait_dma2 semaphore(%arg18 : memref<!tpu.dma_semaphore, #tpu.memory_space<semaphore_mem>>) src(%arg14 : memref<2000xf32, #tpu.memory_space<vmem>>) dst(%dma_wait3A_82 : memref<2000xf32, #tpu.memory_space<hbm>>)
        %mul3A_83 = arith.constant 160000 : i32
        %mul3A_84 = arith.muli %select_n3A_33, %mul3A_83 : i32
        %add3A_85 = arith.constant 158000 : i32
        %add3A_86 = arith.addi %mul3A_84, %add3A_85 : i32
        %dma_wait3A_87 = tpu.memref_slice %arg6[%add3A_86] : memref<1600000xf32, #tpu.memory_space<hbm>> -> memref<2000xf32, #tpu.memory_space<hbm>>
        %dma_wait3A_88 = tpu.memref_slice %arg6[%add3A_86] : memref<1600000xf32, #tpu.memory_space<hbm>> -> memref<2000xf32, #tpu.memory_space<hbm>>
        tpu.wait_dma2 semaphore(%arg19 : memref<!tpu.dma_semaphore, #tpu.memory_space<semaphore_mem>>) src(%arg15 : memref<2000xf32, #tpu.memory_space<vmem>>) dst(%dma_wait3A_88 : memref<2000xf32, #tpu.memory_space<hbm>>)
      } else {
      }
      %eq3A_68 = arith.constant 1 : i32
      %eq3A_69 = arith.cmpi eq, %select_n3A, %eq3A_68 : i32
      %convert_element_type3A_70 = arith.extui %eq3A_69 : i1 to i32
      %cond3A_71 = arith.constant 0 : i32
      %cond3A_72 = arith.cmpi ne, %convert_element_type3A_70, %cond3A_71 : i32
      scf.if %cond3A_72 {
        %mul3A_78 = arith.constant 160000 : i32
        %mul3A_79 = arith.muli %select_n3A_33, %mul3A_78 : i32
        %add3A_80 = arith.constant 156000 : i32
        %add3A_81 = arith.addi %mul3A_79, %add3A_80 : i32
        %dma_wait3A = tpu.memref_slice %arg7[%add3A_81] : memref<1600000xf32, #tpu.memory_space<hbm>> -> memref<2000xf32, #tpu.memory_space<hbm>>
        %dma_wait3A_82 = tpu.memref_slice %arg7[%add3A_81] : memref<1600000xf32, #tpu.memory_space<hbm>> -> memref<2000xf32, #tpu.memory_space<hbm>>
        tpu.wait_dma2 semaphore(%arg18 : memref<!tpu.dma_semaphore, #tpu.memory_space<semaphore_mem>>) src(%arg14 : memref<2000xf32, #tpu.memory_space<vmem>>) dst(%dma_wait3A_82 : memref<2000xf32, #tpu.memory_space<hbm>>)
        %mul3A_83 = arith.constant 160000 : i32
        %mul3A_84 = arith.muli %select_n3A_33, %mul3A_83 : i32
        %add3A_85 = arith.constant 158000 : i32
        %add3A_86 = arith.addi %mul3A_84, %add3A_85 : i32
        %dma_wait3A_87 = tpu.memref_slice %arg7[%add3A_86] : memref<1600000xf32, #tpu.memory_space<hbm>> -> memref<2000xf32, #tpu.memory_space<hbm>>
        %dma_wait3A_88 = tpu.memref_slice %arg7[%add3A_86] : memref<1600000xf32, #tpu.memory_space<hbm>> -> memref<2000xf32, #tpu.memory_space<hbm>>
        tpu.wait_dma2 semaphore(%arg19 : memref<!tpu.dma_semaphore, #tpu.memory_space<semaphore_mem>>) src(%arg15 : memref<2000xf32, #tpu.memory_space<vmem>>) dst(%dma_wait3A_88 : memref<2000xf32, #tpu.memory_space<hbm>>)
      } else {
      }
      %eq3A_73 = arith.constant 2 : i32
      %eq3A_74 = arith.cmpi eq, %select_n3A, %eq3A_73 : i32
      %convert_element_type3A_75 = arith.extui %eq3A_74 : i1 to i32
      %cond3A_76 = arith.constant 0 : i32
      %cond3A_77 = arith.cmpi ne, %convert_element_type3A_75, %cond3A_76 : i32
      scf.if %cond3A_77 {
        %mul3A_78 = arith.constant 160000 : i32
        %mul3A_79 = arith.muli %select_n3A_33, %mul3A_78 : i32
        %add3A_80 = arith.constant 156000 : i32
        %add3A_81 = arith.addi %mul3A_79, %add3A_80 : i32
        %dma_wait3A = tpu.memref_slice %arg8[%add3A_81] : memref<1600000xf32, #tpu.memory_space<hbm>> -> memref<2000xf32, #tpu.memory_space<hbm>>
        %dma_wait3A_82 = tpu.memref_slice %arg8[%add3A_81] : memref<1600000xf32, #tpu.memory_space<hbm>> -> memref<2000xf32, #tpu.memory_space<hbm>>
        tpu.wait_dma2 semaphore(%arg18 : memref<!tpu.dma_semaphore, #tpu.memory_space<semaphore_mem>>) src(%arg14 : memref<2000xf32, #tpu.memory_space<vmem>>) dst(%dma_wait3A_82 : memref<2000xf32, #tpu.memory_space<hbm>>)
        %mul3A_83 = arith.constant 160000 : i32
        %mul3A_84 = arith.muli %select_n3A_33, %mul3A_83 : i32
        %add3A_85 = arith.constant 158000 : i32
        %add3A_86 = arith.addi %mul3A_84, %add3A_85 : i32
        %dma_wait3A_87 = tpu.memref_slice %arg8[%add3A_86] : memref<1600000xf32, #tpu.memory_space<hbm>> -> memref<2000xf32, #tpu.memory_space<hbm>>
        %dma_wait3A_88 = tpu.memref_slice %arg8[%add3A_86] : memref<1600000xf32, #tpu.memory_space<hbm>> -> memref<2000xf32, #tpu.memory_space<hbm>>
        tpu.wait_dma2 semaphore(%arg19 : memref<!tpu.dma_semaphore, #tpu.memory_space<semaphore_mem>>) src(%arg15 : memref<2000xf32, #tpu.memory_space<vmem>>) dst(%dma_wait3A_88 : memref<2000xf32, #tpu.memory_space<hbm>>)
      } else {
      }
    } else {
    }
    return
  }
}

module attributes {stable_mosaic.version = 14 : i64} {
  func.func @_tc_emb_body(%arg0: i32, %arg1: memref<1000x1xi32, #tpu.memory_space<vmem>>, %arg2: memref<128x128xf32, #tpu.memory_space<vmem>>, %arg3: memref<1000x128xf32, #tpu.memory_space<vmem>>) attributes {dimension_semantics = [#tpu.dimension_semantics<arbitrary>], iteration_bounds = array<i64: 100>, scalar_prefetch = 0 : i64, scratch_operands = 0 : i64, tpu.core_type = #tpu.core_type<tc>, window_params = [{transform_indices = @transform_0, window_bounds = array<i64: 1000, 1>}, {pipeline_mode = #tpu.pipeline_mode<synchronous>, transform_indices = @transform_1, window_bounds = array<i64: 128, 128>}, {transform_indices = @transform_2, window_bounds = array<i64: 1000, 128>}]} {
    %get3A = arith.constant 0 : index
    %get3A_0 = arith.constant 0 : index
    %get3A_1 = vector.load %arg1[%get3A, %get3A_0] : memref<1000x1xi32, #tpu.memory_space<vmem>>, vector<1000x1xi32>
    %iota3A = tpu.iota {dimensions = array<i32: 1>} : vector<1000x128xi32>
    %eq3A = vector.broadcast %get3A_1 : vector<1000x1xi32> to vector<1000x128xi32>
    %eq3A_2 = arith.cmpi eq, %eq3A, %iota3A : vector<1000x128xi32>
    %convert_element_type3A = arith.extui %eq3A_2 : vector<1000x128xi1> to vector<1000x128xi32>
    %convert_element_type3A_3 = arith.sitofp %convert_element_type3A : vector<1000x128xi32> to vector<1000x128xf32>
    %get3A_4 = arith.constant 0 : index
    %get3A_5 = arith.constant 0 : index
    %get3A_6 = vector.load %arg2[%get3A_4, %get3A_5] : memref<128x128xf32, #tpu.memory_space<vmem>>, vector<128x128xf32>
    %dot_general3A = arith.constant dense<0.000000e+00> : vector<1000x128xf32>
    %dot_general3A_7 = tpu.matmul %convert_element_type3A_3, %get3A_6, %dot_general3A {dimension_numbers = #tpu.dot_dimension_numbers<[1], [0], [0], [1], [0, 0, 1, 1], [], []>, transpose_lhs_hint = false} : vector<1000x128xf32>, vector<128x128xf32>, vector<1000x128xf32> -> vector<1000x128xf32>
    %swap3A = arith.constant 0 : index
    %swap3A_8 = arith.constant 0 : index
    %swap3A_9 = vector.load %arg3[%swap3A, %swap3A_8] : memref<1000x128xf32, #tpu.memory_space<vmem>>, vector<1000x128xf32>
    tpu.vector_store %arg3[%swap3A, %swap3A_8], %dot_general3A_7 {strides = array<i32>} : memref<1000x128xf32, #tpu.memory_space<vmem>>, vector<1000x128xf32>,
    return
  }
  func.func @transform_0(%arg0: i32) -> (i32, i32) {
    %c0_i32 = arith.constant 0 : i32
    %c0_i32_0 = arith.constant 0 : i32
    return %arg0, %c0_i32 : i32, i32
  }
  func.func @transform_1(%arg0: i32) -> (i32, i32) {
    %c0_i32 = arith.constant 0 : i32
    %c0_i32_0 = arith.constant 0 : i32
    %c0_i32_1 = arith.constant 0 : i32
    return %c0_i32, %c0_i32_0 : i32, i32
  }
  func.func @transform_2(%arg0: i32) -> (i32, i32) {
    %c0_i32 = arith.constant 0 : i32
    %c0_i32_0 = arith.constant 0 : i32
    return %arg0, %c0_i32 : i32, i32
  }
}

</mosaic_0001>

<sc_bundles>
// kernel: kernel.12.cloned.1.call-start
scs
__scs_entry_jumppad:
0x0: {  	(pc) =	sbr.rel $0x88, $3  }
0x1: {  	(tag) =	ssettag $0x0;
	lr =	simm.s32 $0x1  }
0x2: {  	[smem:$0x3F9D] =	sst lr;
	_ =	strace $0xD0000000  }
0x3: {  	_ = 	snop  }
0x4: {  	_ = 	snop  }
0x5: {  	_ = 	snop  }
0x6: {  	_ = 	snop  }
0x7: {  	_ = 	snop  }
__scs_overlays_trampoline_lowered:
0x8: {  	[smem:$0x3FAC] =	sst s0  }
0x9: {  	[smem:$0x3FAD] =	sst s1  }
0xa: {  	[smem:$0x3FAE] =	sst s2  }
0xb: {  	[smem:$0x3FAF] =	sst s3  }
0xc: {  	[smem:$0x3FB0] =	sst s4  }
0xd: {  	[smem:$0x3FB1] =	sst s5  }
0xe: {  	[smem:$0x3FB2] =	sst s6  }
0xf: {  	[smem:$0x3FB3] =	sst s7  }
0x10: {  	[smem:$0x3FB4] =	sst s8  }
0x11: {  	[smem:$0x3FB5] =	sst s9;
	s0 =	simm.s32 @!p0 $0x0  }
0x12: {  	s1 =	sld [smem:$0x3F9B];
	s0 =	simm.s32 @p0 $0x1  }
0x13: {  	[smem:$0x3FB6] =	sst s0;
	s0 =	simm.s32 @!p1 $0x0  }
0x14: {  	s2 =	sld [smem:$0x3F9A];
	s0 =	simm.s32 @p1 $0x1  }
0x15: {  	[smem:$0x3FB7] =	sst s0;
	s0 =	simm.s32 @!p2 $0x0  }
0x16: {  	s3 =	sld [smem:$0x3FDB];
	s0 =	simm.s32 @p2 $0x1  }
0x17: {  	s4 =	simm.s32 $0x1BF5;
	[smem:$0x3FB9] =	sst s0  }
0x18: {  	s0 =	sld [smem:$0x3F9C];
	_ =	swait.ge [sflag:s4], $0x0  }
0x19: {  	s7 =	sld [smem:$0x3F9D]  }
0x1a: {  	s8 =	sadd.s32 $0xFFFFE003, lr  }
0x1b: {  	s9 =	sadd.s32 $0xFFFFFEF7, lr;
	s5 =	simm.s32 $0xFFFFFFFF;
	p2 =	slt.u32 s8, $0xFFFFF086  }
0x1c: {  	p1 =	slt.u32 s9, $0xF7A;
	s5 =	simm.s32 @!p2 $0x0  }
0x1d: {  	s5 =	simm.s32 @p1 $0x1;
	p0 =	seq.s32 s7, s2  }
0x1e: {  	s7 =	smul.u32 @!p0 $0xF7A, s2;
	p2 =	seq.s32 @!p0 s5, $0x0  }
0x1f: {  	s9 =	smul.u32 $0xF7A, s1;
	s8 =	simm.s32 @!p0 $0x1BF5;
	p2 =	por !p2, p0  }
0x20: {  	[sflag:s8] =	ssyncset.s32 @!p0 $0xFFFFF086;
	s6 =	sadd.s32 @!p0 s3, s7;
	s7 =	simm.s32 @!p0 $0x108  }
0x21: {  	s3 =	sadd.s32 s3, s9;
	s6 =	sadd.s32 @!p0 $0x88, s6;
	s7 =	simm.s32 @p2 $0x1082  }
0x22: {  	[simem:s7], [sflag:s8] =	dma.local @!p0 [hbm:s6], $0xF7A  }
0x23: {  	s9 =	sor.u32 $0xD0000000, s2;
	s6 =	simm.s32 $0x108;
	_ =	swait.ge @!p0 [sflag:s8], $0x0  }
0x24: {  	s3 =	sadd.s32 $0x88, s3;
	s6 =	simm.s32 @!p1 $0x1082;
	[sflag:s4] =	ssyncset.s32 $0xFFFFF086  }
0x25: {  	[simem:s6], [sflag:s4] =	dma.local [hbm:s3], $0xF7A  }
0x26: {  	[smem:$0x3F9D] =	sst s1;
	(tag) =	ssettag s2;
	_ =	strace s9  }
0x27: {  	s1 =	sld [smem:$0x3FAD]  }
0x28: {  	s2 =	sld [smem:$0x3FAE]  }
0x29: {  	s4 =	sld [smem:$0x3FB0]  }
0x2a: {  	p0 =	seq.s32 s5, $0x0;
	s5 =	sld [smem:$0x3FB1]  }
0x2b: {  	s6 =	sld [smem:$0x3FB2]  }
0x2c: {  	s7 =	sld [smem:$0x3FB3]  }
0x2d: {  	s3 =	simm.s32 $0x108;
	s8 =	sld [smem:$0x3FB4]  }
0x2e: {  	s3 =	simm.s32 @!p0 $0x1082;
	s9 =	sld [smem:$0x3FB5]  }
0x2f: {  	lr =	sadd.s32 s0, s3;
	s0 =	sld [smem:$0x3FAC]  }
0x30: {  	s3 =	sld [smem:$0x3FAF]  }
0x31: {  	[smem:$0x3FB8] =	sst s10  }
0x32: {  	s10 =	sld [smem:$0x3FB6];
	_ =	sdelay $0x3  }
0x33: {  	p0 =	seq.s32 s10, $0x1;
	s10 =	sld [smem:$0x3FB8];
	_ =	sdelay $0x3  }
0x34: {  	[smem:$0x3FB8] =	sst s10  }
0x35: {  	s10 =	sld [smem:$0x3FB7];
	_ =	sdelay $0x3  }
0x36: {  	p1 =	seq.s32 s10, $0x1;
	s10 =	sld [smem:$0x3FB8];
	_ =	sdelay $0x3  }
0x37: {  	[smem:$0x3FB8] =	sst s10  }
0x38: {  	s10 =	sld [smem:$0x3FB9]  }
0x39: {  	_ = 	snop;
	(pc) =	sbr.ind lr, $3  }
0x3a: {  	_ = 	snop  }
0x3b: {  	_ = 	snop  }
0x3c: {  	p2 =	seq.s32 s10, $0x1;
	s10 =	sld [smem:$0x3FB8]  }
0x3d: {  	_ =	shalt  }
0x3e: {  	_ =	shalt  }
0x3f: {  	_ =	shalt  }
0x40: {  	_ =	shalt  }
0x41: {  	_ =	shalt  }
0x42: {  	_ =	shalt  }
0x43: {  	_ =	shalt  }
0x44: {  	_ =	shalt  }
0x45: {  	_ =	shalt  }
0x46: {  	_ =	shalt  }
0x47: {  	_ =	shalt  }
0x48: {  	_ =	shalt  }
0x49: {  	_ =	shalt  }
0x4a: {  	_ =	shalt  }
0x4b: {  	_ =	shalt  }
0x4c: {  	_ =	shalt  }
0x4d: {  	_ =	shalt  }
0x4e: {  	_ =	shalt  }
0x4f: {  	_ =	shalt  }
0x50: {  	_ =	shalt  }
0x51: {  	_ =	shalt  }
0x52: {  	_ =	shalt  }
0x53: {  	_ =	shalt  }
0x54: {  	_ =	shalt  }
0x55: {  	_ =	shalt  }
0x56: {  	_ =	shalt  }
0x57: {  	_ =	shalt  }
0x58: {  	_ =	shalt  }
0x59: {  	_ =	shalt  }
0x5a: {  	_ =	shalt  }
0x5b: {  	_ =	shalt  }
0x5c: {  	_ =	shalt  }
0x5d: {  	_ =	shalt  }
0x5e: {  	_ =	shalt  }
0x5f: {  	_ =	shalt  }
0x60: {  	_ =	shalt  }
0x61: {  	_ =	shalt  }
0x62: {  	_ =	shalt  }
0x63: {  	_ =	shalt  }
0x64: {  	_ =	shalt  }
0x65: {  	_ =	shalt  }
0x66: {  	_ =	shalt  }
0x67: {  	_ =	shalt  }
0x68: {  	_ =	shalt  }
0x69: {  	_ =	shalt  }
0x6a: {  	_ =	shalt  }
0x6b: {  	_ =	shalt  }
0x6c: {  	_ =	shalt  }
0x6d: {  	_ =	shalt  }
0x6e: {  	_ =	shalt  }
0x6f: {  	_ =	shalt  }
0x70: {  	_ =	shalt  }
0x71: {  	_ =	shalt  }
0x72: {  	_ =	shalt  }
0x73: {  	_ =	shalt  }
0x74: {  	_ =	shalt  }
0x75: {  	_ =	shalt  }
0x76: {  	_ =	shalt  }
0x77: {  	_ =	shalt  }
0x78: {  	_ =	shalt  }
0x79: {  	_ =	shalt  }
0x7a: {  	_ =	shalt  }
0x7b: {  	_ =	shalt  }
0x7c: {  	_ =	shalt  }
0x7d: {  	_ =	shalt  }
0x7e: {  	_ =	shalt  }
0x7f: {  	_ =	shalt  }
0x80: {  	_ =	shalt  }
0x81: {  	_ =	shalt  }
0x82: {  	_ =	shalt  }
0x83: {  	_ =	shalt  }
0x84: {  	_ =	shalt  }
0x85: {  	_ =	shalt  }
0x86: {  	_ =	shalt  }
0x87: {  	_ =	shalt  }
.Lfunc_end0:
.L_simem_size_0:
called_computation.3_lowered:
.L_overlay_start_0:
0x88: {  	s2 =	sld [smem:$0x3FD9]  }
0x89: {  	s3 =	sld [smem:$0x3FFE];
	_ =	sdelay $0x1  }
0x8a: {  	s1 =	srdreg.scid  }
0x8b: {  	s0 =	sand.u32 $0x1, s1  }
0x8c: {  	s14 =	sshll.u32 s0, $0xA;
	s2 =	sadd.s32 s3, s2  }
0x8d: {  	s2 =	sadd.s32 s2, s14  }
0x8e: {  	[smem:$0x3FC4] =	sst s2  }
0x8f: {  	_ = 	snop  }
0x90: {  	s2 =	sld [smem:$0x3FD0];
	_ =	sdelay $0x2  }
0x91: {  	s15 =	simm.s32 $0xA;
	s4 =	simm.s32 $0x10  }
0x92: {  	[smem:s4], [sflag:s15] =	dma.local [hbm:s2], $0x1  }
0x93: {  	_ =	swait.eq [sflag:s15], $0x1  }
0x94: {  	[sflag:s15] =	ssyncset.done $0x0  }
0x95: {  	[sflag:s15] =	ssyncadd.s32 $0xFFFFFFFF  }
0x96: {  	s16 =	sld [smem:$0x11];
	(tm) =	ssettm $0x1  }
0x97: {  	s17 =	sld [smem:$0x3FFB];
	_ =	sdelay $0x3  }
0x98: {  	_ =	strace s17  }
0x99: {  	s3 =	sld [smem:$0x3FFC];
	_ =	sdelay $0x3  }
0x9a: {  	_ =	strace s3  }
0x9b: {  	s3 =	sld [smem:$0x3FFD];
	_ =	sdelay $0x3  }
0x9c: {  	_ =	strace s3  }
0x9d: {  	_ =	strace $0x8FFFFFFF  }
0x9e: {  	s18 =	sld [smem:$0x3FDB];
	_ =	sdelay $0x1  }
0x9f: {  	s19 =	simm.s32 $_scs_section_size  }
0xa0: {  	s5 =	simm.s32 $_size__tile_overlayer_lowered;
	s6 =	simm.s32 $_tile_overlayer_lowered  }
0xa1: {  	s22 =	simm.s32 $0x1BFF;
	s21 =	sshll.u32 s6, $0x1;
	s3 =	sadd.s32 s19, s18  }
0xa2: {  	s7 =	simm.s32 $0x0;
	s20 =	sshll.u32 s5, $0x1;
	s5 =	sadd.s32 s21, s3  }
0xa3: {  	[timem:s7], [sflag:s22] =	dma.local [hbm:s5], s20  }
0xa4: {  	_ =	swait.ge [sflag:s22], s20  }
0xa5: {  	s4 =	ssub.s32 $0x0, s20;
	[sflag:s22] =	ssyncset.done $0x0  }
0xa6: {  	[sflag:s22] =	ssyncadd.s32 s4;
	_ =	sdelay $0x1  }
0xa7: {  	s23 =	simm.s32 $0x1B8B  }
0xa8: {  	_ =	swait.ge [sflag:s23], $0x1  }
0xa9: {  	[sflag:s23] =	ssyncset.done $0x0  }
0xaa: {  	s25 =	simm.s32 $0x1B8E;
	s24 =	sld [smem:$0x3FFE];
	[sflag:s23] =	ssyncadd.s32 $0xFFFFFFFF  }
0xab: {  	s26 =	simm.s32 $execute0_lowered;
	[smem:$0x3FD2] =	sst s25  }
0xac: {  	s5 =	sshll.u32 s26, $0x1;
	_ =	strace $0x8000004C;
	[dreg:$0x1] =	wrdreg $0xFFFFFFFF  }
0xad: {  	s28 =	simm.s32 $_size_execute0_lowered;
	s3 =	sadd.s32 s3, s5;
	[dreg:$0x0] =	wrdreg $0x0  }
0xae: {  	s5 =	sshll.u32 s28, $0x1;
	[dreg:$0x2] =	wrdreg s3  }
0xaf: {  	[dreg:$0x3] =	wrdreg s5  }
0xb0: {  	[dreg:$0x4] =	wrdreg $0xC0  }
0xb1: {  	_ =	task [dreg:s7], $0x5FFFF  }
0xb2: {  	[dreg:$0x1] =	wrdreg $0xFFFFFFFF  }
0xb3: {  	[dreg:$0x0] =	wrdreg $0x60  }
0xb4: {  	[dreg:$0x2] =	wrdreg s24  }
0xb5: {  	[dreg:$0x3] =	wrdreg s16  }
0xb6: {  	[dreg:$0x4] =	wrdreg $0x9  }
0xb7: {  	_ =	task.clear_ibuf [dreg:s7], $0x5FFFF;
	_ =	strace $0x9000004C  }
0xb8: {  	s29 =	simm.s32 $0x9;
	_ =	strace $0x8000004E  }
0xb9: {  	_ =	swait.ge [sflag:s29], $0x1  }
0xba: {  	[sflag:s29] =	ssyncadd.s32 $0xFFFFFFFF  }
0xbb: {  	_ =	strace $0x9000004E  }
0xbc: {  	_ =	sfence  }
0xbd: {  	s30 =	sld [smem:$0x0];
	_ =	sdelay $0x2  }
0xbe: {  	s31 =	sshll.u32 s1, $0xD;
	s1 =	sshrl.u32 s1, $0x2  }
0xbf: {  	s3 =	sand.u32 $0x4000, s31;
	s1 =	sadd.s32 s1, s30  }
0xc0: {  	s0 =	sor.u32 s3, s0;
	s1 =	sshll.u32 s1, $0x11  }
0xc1: {  	s0 =	sor.u32 s1, s0  }
0xc2: {  	s0 =	sadd.s32 $0x8F2B, s0  }
0xc3: {  	[sflag:s0] =	ssyncadd.remote.s32 $0x1  }
0xc4: {  	_ =	sfence.sel $0xFFFF  }
0xc5: {  	[dreg:$0x0] =	wrdreg $0xFFFFFFFF;
	(pc) =	sbr.abs _section_cstart, $3  }
0xc6: {  	[dreg:$0x1] =	wrdreg $0xFFFFFFFF  }
0xc7: {  	_ =	task.clear_ibuf [dreg:s7], $0x2FFFF;
	_ =	strace $0x9FFFFFFF  }
0xc8: {  	(tm) =	ssettm $0x7FFFFFFF  }
0xc9: {  	_ =	shalt  }
tec
execute0_lowered:
.L_overlay_start_1:
0x0: {  	(tag) =	ssettag $0x1  }
0x1: {  	v0 =	vlaneseq.u32  }
0x2: {  	s0 =	rddreg [dreg:$0x0];
	s3 =	simm.s32 $0x0;
	v4 =	vmul.u32 $0x10, v0  }
0x3: {  	[smem:$0x7FF] =	sst s3  }
0x4: {  	s1 =	rddreg [dreg:$0x1];
	v1 =	vand.u32 $0x7, v0;
	_ =	strace $0x8000004D;
	v0 =	vor.u32 $0x7C00, v4;
	[tilespmem:$0x1FFF0] =	vst v4  }
0x5: {  	v63 =	vor.u32 $0x7C01, v4;
	[tilespmem:$0x1FEC0] =	vst v0  }
0x6: {  	v33 =	vor.u32 $0x5, v4;
	[tilespmem:$0x1FED0] =	vst v63  }
0x7: {  	v34 =	vor.u32 $0x7, v4;
	[tilespmem:$0x1FEE0] =	vst v33  }
0x8: {  	v35 =	vor.u32 $0x4, v4;
	[tilespmem:$0x1FEF0] =	vst v34  }
0x9: {  	v10 =	vor.u32 $0x6, v4;
	[tilespmem:$0x1FF00] =	vst v35  }
0xa: {  	s2 =	srdreg.scid;
	s5 =	stileid.u32;
	s17 =	simm.s32 $0x1000;
	v12 =	vor.u32 $0x8, v4;
	[tilespmem:$0x1FF10] =	vst v10  }
0xb: {  	s18 =	simm.s32 $0x2000;
	s20 =	simm.s32 $0x1800;
	s21 =	simm.s32 $0x2800;
	v52 =	vor.u32 $0x9, v4;
	[tilespmem:$0x1FF20] =	vst v12  }
0xc: {  	s22 =	simm.s32 $0x1;
	s23 =	simm.s32 $0x3000;
	s2 =	sand.u32 $0x1, s2;
	v39 =	vor.u32 $0xA, v4;
	[tilespmem:$0x1FF40] =	vst v52  }
0xd: {  	s28 =	simm.s32 $0x13200;
	s4 =	sshll.u32 s2, $0x4;
	s2 =	ssub.s32 $0x2, s2;
	v15 =	vor.u32 $0xB, v4;
	[tilespmem:$0x1FF50] =	vst v39  }
0xe: {  	s6 =	sadd.s32 $0x3AA00, s0;
	s4 =	sor.u32 s5, s4;
	s9 =	sshrl.u32 s2, $0x1;
	v16 =	vor.u32 $0xC, v4;
	[tilespmem:$0x1FF60] =	vst v15  }
0xf: {  	s7 =	sadd.s32 $0x6B800, s0;
	v8 =	vor.u32 $0xD, v4;
	s4 =	smul.u32 $0xC350, s4;
	s24 =	ssub.s32 s2, s9;
	[tilespmem:$0x1FF70] =	vst v16  }
0x10: {  	s8 =	sadd.s32 $0x9C600, s0;
	s5 =	sadd.s32 $0x9C00, s0;
	v9 =	vor.u32 $0xE, v4;
	[tilespmem:$0x1FF80] =	vst v8;
	s0 =	smax.u32 s24, $0x1  }
0x11: {  	v51 =	vor.u32 $0xF, v4;
	[tilespmem:$0x1FF90] =	vst v9;
	s24 =	simm.s32 $0x12A00;
	s10 =	sshrl.u32 s4, $0x3;
	s30 =	sadd.s32 $0xBB80, s4  }
0x12: {  	v17 =	vor.u32 $0x1, v4;
	[tilespmem:$0x1FFA0] =	vst v51;
	s12 =	sadd.s32 $0xFA0, s4;
	[dreg:$0x8] =	wrdreg s0;
	s25 =	sadd.s32 s5, s10  }
0x13: {  	v1 =	vmul.u32 $0x10, v1;
	v5 =	vor.u32 $0x3, v4;
	[tilespmem:$0x1FFC0] =	vst v17;
	s16 =	sadd.s32 $0x7D0, s4;
	s26 =	sadd.s32 s6, s10;
	[dreg:$0x3] =	wrdreg s25  }
0x14: {  	v53 =	vor.u32 $0x2, v4;
	[tilespmem:$0x1FFD0] =	vst v5;
	s29 =	sadd.s32 s7, s10;
	s31 =	sshll.u32 s30, $0x1;
	[dreg:$0x4] =	wrdreg s26  }
0x15: {  	v37 =	vor.u32 $0xFFFFFE80, v1;
	[tilespmem:$0x1FFE0] =	vst v53;
	s2 =	sshrl.u32 s30, $0x3;
	[dreg:$0x5] =	wrdreg s29;
	s9 =	sadd.s32 s1, s31  }
0x16: {  	v55 =	vor.u32 $0xFFFFFF80, v1;
	[tilespmem:$0x1FF30] =	vst v37;
	s2 =	sadd.s32 s8, s2;
	s25 =	simm.s32 $0x2;
	[dreg:$0x6] =	wrdreg s9  }
0x17: {  	[tilespmem:$0x1FFB0] =	vst v55;
	s26 =	simm.s32 $0xAD00;
	[dreg:$0x7] =	wrdreg s2;
	s2 =	simm.s32 $0x0  }
.LBB2_1:
0x18: {  	[dreg:$0x9] =	wrdreg s2  }
0x19: {  	s0 =	rddreg [dreg:$0x3]  }
0x1a: {  	[tilespmem:s3], [sflag:$0x1] =	stream.linear.gather [hbm4b:s0+s3], $0x7D0, $0x38;
	[tilespmem:$0x13A00] =	vst v63  }
0x1b: {  	s30 =	rddreg [dreg:$0x4]  }
0x1c: {  	[tilespmem:s17], [sflag:$0x1] =	stream.linear.gather [hbm4b:s30+s3], $0x7D0, $0x38;
	[tilespmem:$0x13A00] =	vst v63  }
0x1d: {  	s31 =	rddreg [dreg:$0x5];
	s0 =	simm.s32 $0x0  }
0x1e: {  	[tilespmem:s18], [sflag:$0x1] =	stream.linear.gather [hbm4b:s31+s3], $0x7D0, $0x38;
	[tilespmem:$0x13A00] =	vst v63  }
.LBB2_2:
0x1f: {  	s10 =	smul.u32 $0xFA0, s0;
	_ =	sdelay $0x1  }
0x20: {  	s9 =	sadd.s32 s16, s10  }
0x21: {  	s2 =	sshrl.u32 s9, $0x3  }
0x22: {  	s13 =	simm.s32 $0x800;
	s11 =	sadd.s32 s5, s2  }
0x23: {  	[tilespmem:s13], [sflag:$0x2] =	stream.linear.gather [hbm4b:s11+s3], $0x7D0, $0x38;
	[tilespmem:$0x13A00] =	vst v63  }
0x24: {  	s14 =	sadd.s32 s6, s2  }
0x25: {  	[tilespmem:s20], [sflag:$0x2] =	stream.linear.gather [hbm4b:s14+s3], $0x7D0, $0x38;
	[tilespmem:$0x13A00] =	vst v63  }
0x26: {  	s15 =	sadd.s32 s7, s2  }
0x27: {  	[tilespmem:s21], [sflag:$0x2] =	stream.linear.gather [hbm4b:s15+s3], $0x7D0, $0x38;
	[tilespmem:$0x13A00] =	vst v63  }
0x28: {  	_ =	swait.ge [sflag:s22], $0x7D0  }
0x29: {  	[sflag:s22] =	ssyncset.done $0x0  }
0x2a: {  	[sflag:s22] =	ssyncadd.s32 $0xFFFFF830  }
0x2b: {  	_ =	swait.ge [sflag:s22], $0x7D0  }
0x2c: {  	[sflag:s22] =	ssyncset.done $0x0  }
0x2d: {  	[sflag:s22] =	ssyncadd.s32 $0xFFFFF830  }
0x2e: {  	_ =	swait.ge [sflag:s22], $0x7D0  }
0x2f: {  	p0 =	seq.s32 s0, $0x0;
	[sflag:s22] =	ssyncset.done $0x0  }
0x30: {  	s11 =	simm.s32 @!p0 $0x3;
	[sflag:s22] =	ssyncadd.s32 $0xFFFFF830  }
0x31: {  	_ =	swait.ge @!p0 [sflag:s11], $0x7D00  }
0x32: {  	[sflag:s11] =	ssyncset.done @!p0 $0x0  }
0x33: {  	[sflag:s11] =	ssyncadd.s32 @!p0 $0xFFFF8300  }
0x34: {  	_ =	swait.ge @!p0 [sflag:s11], $0x7D0  }
0x35: {  	[sflag:s11] =	ssyncset.done @!p0 $0x0  }
0x36: {  	s19 =	simm.s32 $0x10;
	[sflag:s11] =	ssyncadd.s32 @!p0 $0xFFFFF830  }
0x37: {  	s15 =	simm.s32 $0x1010;
	v1 =	vld [tilespmem:s19+$0x0]  }
0x38: {  	v18 =	vld [tilespmem:s15+$0x0]  }
0x39: {  	s14 =	simm.s32 $0x2010  }
0x3a: {  	v19 =	vld [tilespmem:s14+$0x0];
	_ =	sdelay $0x1  }
0x3b: {  	v20 =	vld [tilespmem:s15+$0xFFFFFFF0]  }
0x3c: {  	v21 =	vld [tilespmem:s19+$0xFFFFFFF0];
	v1 =	vadd.f32 v18, v1;
	_ =	sdelay $0x1  }
0x3d: {  	v18 =	vld [tilespmem:s14+$0xFFFFFFF0];
	v1 =	vadd.f32 v19, v1;
	_ =	sdelay $0x1  }
0x3e: {  	v19 =	vshra.s32 v1, $0x1;
	v22 =	vmul.f32 $5.000000000e-01, v1  }
0x3f: {  	v20 =	vadd.f32 v20, v21;
	v19 =	vsub.s32 $0x5F3759DF, v19  }
0x40: {  	v21 =	vmul.f32 v19, v22  }
0x41: {  	v18 =	vadd.f32 v18, v20  }
0x42: {  	v20 =	vmul.f32 v19, v21  }
0x43: {  	v23 =	vmul.f32 $5.000000000e-01, v18;
	v21 =	vshra.s32 v18, $0x1  }
0x44: {  	v21 =	vsub.s32 $0x5F3759DF, v21;
	v20 =	vsub.f32 $1.500000000e+00, v20  }
0x45: {  	v24 =	vmul.f32 v21, v23  }
0x46: {  	v19 =	vmul.f32 v19, v20  }
0x47: {  	v20 =	vmul.f32 v21, v24  }
0x48: {  	v24 =	vmul.f32 v19, v22  }
0x49: {  	v20 =	vsub.f32 $1.500000000e+00, v20  }
0x4a: {  	v24 =	vmul.f32 v24, v19  }
0x4b: {  	v20 =	vmul.f32 v21, v20  }
0x4c: {  	v21 =	vsub.f32 $1.500000000e+00, v24  }
0x4d: {  	v24 =	vmul.f32 v20, v23  }
0x4e: {  	v19 =	vmul.f32 v21, v19  }
0x4f: {  	v21 =	vmul.f32 v24, v20  }
0x50: {  	v22 =	vmul.f32 v19, v22  }
0x51: {  	v21 =	vsub.f32 $1.500000000e+00, v21  }
0x52: {  	v22 =	vmul.f32 v22, v19  }
0x53: {  	v20 =	vmul.f32 v21, v20  }
0x54: {  	v21 =	vsub.f32 $1.500000000e+00, v22  }
0x55: {  	v22 =	vmul.f32 v20, v23  }
0x56: {  	v19 =	vmul.f32 v21, v19  }
0x57: {  	v21 =	vmul.f32 v22, v20  }
0x58: {  	v1 =	vmul.f32 v19, v1  }
0x59: {  	v19 =	vsub.f32 $1.500000000e+00, v21  }
0x5a: {  	v21 =	vmul.f32 $1.060660120e+00, v1  }
0x5b: {  	v19 =	vmul.f32 v19, v20  }
0x5c: {  	v20 =	vmul.f32 $1.500000000e+00, v1;
	v22 =	vsub.f32 $0.0e+00, v21  }
0x5d: {  	v1 =	vmul.f32 $1.000000010e-01, v1;
	v23 =	vmul.f32 v19, v18  }
0x5e: {  	v24 =	vsub.f32 $2.828427080e+00, v21;
	v19 =	vmul.f32 v22, v21;
	v22 =	vadd.f32 $-2.828427080e+00, v21  }
0x5f: {  	v18 =	vmul.f32 $1.442695020e+00, v20;
	v26 =	vmul.f32 $2.100000000e+01, v1  }
0x60: {  	v22 =	vmul.f32 v24, v22  }
0x61: {  	s15 =	simm.s32 $0x100;
	(erf) = vpow2.f32 v18;
	v26 =	vsub.f32 $4.800000000e+01, v26;
	v19 =	vmul.f32 $1.442695020e+00, v19  }
0x62: {  	v0 =	vor.u32 s15, v17;
	v24 =	vmul.f32 v1, v1;
	v22 =	vmul.f32 $1.442695020e+00, v22  }
0x63: {  	[tilespmem:$0x1FDB0] =	vst v0;
	v0 =	vor.u32 s15, v10;
	v26 =	vmul.f32 v26, v1;
	(erf) = vpow2.f32 v19  }
0x64: {  	v29 =	vadd.f32 $-5.656854150e+00, v21;
	v30 =	vsub.f32 $5.656854150e+00, v21;
	(erf) = vpow2.f32 v22  }
0x65: {  	v20 =	vmul.f32 $1.060660120e+00, v23;
	v24 =	vmul.f32 v24, v1;
	v26 =	vadd.f32 $-2.800000000e+01, v26  }
0x66: {  	v22 =	vmul.f32 v30, v29;
	v29 =	vadd.f32 $-8.485280990e+00, v21;
	v21 =	vsub.f32 $8.485280990e+00, v21  }
0x67: {  	[tilespmem:$0x1FDC0] =	vst v0;
	v0 =	vor.u32 s15, v34;
	vm0 =	vlt.f32 v1, $1.000000000e+00  }
0x68: {  	v18 =	vsub.f32 $0.0e+00, v20;
	v24 =	vmul.f32 v24, v24;
	v21 =	vmul.f32 v21, v29  }
0x69: {  	v27 =	vadd.f32 $-2.828427080e+00, v20;
	v28 =	vadd.f32 $-5.656854150e+00, v20;
	v22 =	vmul.f32 $1.442695020e+00, v22  }
0x6a: {  	v31 =	vsub.f32 $5.656854150e+00, v20;
	v24 =	vmul.f32 v26, v24;
	v26 =	vpop (erf);
	v21 =	vmul.f32 $1.442695020e+00, v21  }
0x6b: {  	v32 =	vadd.f32 $-8.485280990e+00, v20;
	v29 =	vmul.f32 $6.065306660e-01, v26;
	(erf) = vpow2.f32 v22  }
0x6c: {  	v22 =	vadd.f32 $1.000000000e+00, v24;
	(erf) = vpow2.f32 v21;
	v21 =	vmul.f32 $1.110899630e-02, v26;
	v44 =	vpop (erf)  }
0x6d: {  	v19 =	vsub.f32 $2.828427080e+00, v20;
	v1 =	vmul.f32 $2.231301670e-01, v26;
	v42 =	vmul.f32 v44, v29;
	v40 =	vpop (erf)  }
0x6e: {  	v36 =	vnsel vm0, $0x0, v22;
	v22 =	vmul.f32 $4.086771510e-03, v26;
	v48 =	vmul.f32 v40, v21  }
0x6f: {  	s19 =	simm.s32 $0x30;
	v62 =	vmul.f32 v42, v1;
	v1 =	vsub.f32 $8.485280990e+00, v20;
	v20 =	vmul.f32 v18, v20  }
0x70: {  	s13 =	simm.s32 $0x1030;
	v21 =	vld [tilespmem:s19+$0x0];
	v18 =	vmul.f32 $1.503439150e-03, v26;
	[tilespmem:$0x1FDD0] =	vst v0;
	v0 =	vor.u32 s15, v12;
	v59 =	vmul.f32 v48, v22  }
0x71: {  	v22 =	vld [tilespmem:s13+$0x0];
	[tilespmem:$0x1FDF0] =	vst v0;
	v0 =	vor.u32 s15, v52  }
0x72: {  	v24 =	vmul.f32 $8.208499850e-02, v26;
	v29 =	vld [tilespmem:s13+$0xFFFFFFF0];
	[tilespmem:$0x1FE00] =	vst v0;
	v0 =	vmul.f32 v59, v18  }
0x73: {  	v7 =	vor.u32 s15, v53;
	v6 =	vor.u32 s15, v39  }
0x74: {  	v11 =	vmovc v51;
	s14 =	simm.s32 $0x2030;
	v30 =	vor.u32 s15, v4;
	v49 =	vmul.f32 v62, v24;
	v24 =	vmul.f32 $2.034683710e-04, v26;
	[tilespmem:$0x1FDE0] =	vst v0  }
0x75: {  	v50 =	vor.u32 s15, v5;
	v51 =	vand.u32 v55, v30;
	v30 =	vmul.f32 $7.485182860e-05, v26;
	v63 =	vpop (erf);
	v45 =	vld [tilespmem:s14+$0x0];
	[tilespmem:$0x1FE10] =	vst v6  }
0x76: {  	v13 =	vmovc v5;
	v46 =	vor.u32 s15, v15;
	v60 =	vmul.f32 v63, v24;
	v24 =	vmul.f32 v31, v28;
	v28 =	vld [tilespmem:s19+$0xFFFFFFF0]  }
0x77: {  	v57 =	vor.u32 s15, v35;
	v5 =	vmovc v53;
	v53 =	vmovc v9;
	v25 =	vmul.f32 $1.500000000e+00, v23;
	v47 =	vmul.f32 $3.726653180e-06, v26;
	[tilespmem:$0x1FE20] =	vst v46  }
0x78: {  	v9 =	vmov v8;
	v27 =	vmul.f32 v19, v27;
	v8 =	vpop (erf);
	v56 =	vmul.f32 v60, v30;
	v30 =	vld [tilespmem:s14+$0xFFFFFFF0]  }
0x79: {  	v58 =	vmul.f32 v8, v47;
	v21 =	vadd.f32 v22, v21;
	v22 =	vmul.f32 $1.370959130e-06, v26  }
0x7a: {  	v61 =	vor.u32 s15, v16;
	v25 =	vmul.f32 $1.442695020e+00, v25;
	v27 =	vmul.f32 $1.442695020e+00, v27  }
0x7b: {  	v31 =	vmul.f32 $2.753644910e-05, v26;
	[tilespmem:$0x1FE40] =	vst v61;
	v61 =	vmul.f32 v58, v22;
	v22 =	vadd.f32 v29, v28  }
0x7c: {  	v3 =	vmovc v35;
	(erf) = vpow2.f32 v25;
	v1 =	vmul.f32 v1, v32;
	v35 =	vadd.f32 v45, v21  }
0x7d: {  	v20 =	vmul.f32 $1.442695020e+00, v20;
	v14 =	vmul.f32 v56, v31;
	v47 =	vadd.f32 v30, v22  }
0x7e: {  	v21 =	vmul.f32 $5.043476680e-07, v26;
	v26 =	vshra.s32 v35, $0x1;
	v28 =	vmul.f32 $5.000000000e-01, v35  }
0x7f: {  	v22 =	vsub.s32 $0x5F3759DF, v26;
	v25 =	vshra.s32 v47, $0x1;
	v31 =	vmul.f32 $5.000000000e-01, v47  }
0x80: {  	v1 =	vmul.f32 $1.442695020e+00, v1;
	v26 =	vmul.f32 v22, v28;
	v25 =	vsub.s32 $0x5F3759DF, v25  }
0x81: {  	(erf) = vpow2.f32 v20;
	v20 =	vmul.f32 v25, v31  }
0x82: {  	v24 =	vmul.f32 $1.442695020e+00, v24;
	v26 =	vmul.f32 v22, v26  }
0x83: {  	(erf) = vpow2.f32 v27;
	v20 =	vmul.f32 v25, v20  }
0x84: {  	(erf) = vpow2.f32 v24;
	v26 =	vsub.f32 $1.500000000e+00, v26  }
0x85: {  	v23 =	vmul.f32 $1.000000010e-01, v23;
	(erf) = vpow2.f32 v1;
	v1 =	vsub.f32 $1.500000000e+00, v20  }
0x86: {  	s11 =	simm.s32 $0x0;
	v32 =	vor.u32 s15, v9;
	v22 =	vmul.f32 v22, v26  }
0x87: {  	v26 =	vmul.f32 $2.100000000e+01, v23;
	v29 =	vmul.f32 v25, v1;
	v1 =	vor.u32 s11, v17  }
0x88: {  	v54 =	vor.u32 s15, v33;
	v0 =	vmov v33;
	v33 =	vor.u32 s15, v53;
	[tilespmem:$0x1FE50] =	vst v32  }
0x89: {  	[tilespmem:$0x1FE60] =	vst v33;
	v26 =	vsub.f32 $4.800000000e+01, v26  }
0x8a: {  	v2 =	vmov v34;
	v34 =	vor.u32 s15, v11;
	[tilespmem:$0x1FEA0] =	vst v1;
	v1 =	vpop (erf)  }
0x8b: {  	v43 =	vor.u32 s11, v5;
	[tilespmem:$0x1FE70] =	vst v34;
	v32 =	vmul.f32 v26, v23;
	v26 =	vmul.f32 $6.065306660e-01, v1  }
0x8c: {  	v24 =	vor.u32 s11, v4;
	[tilespmem:$0x1FEB0] =	vst v43  }
0x8d: {  	v41 =	vand.u32 v37, v24;
	[tilespmem:$0x1FE30] =	vst v14;
	v38 =	vmul.f32 v61, v21  }
0x8e: {  	[tilespmem:$0x1FE90] =	vst v41;
	v21 =	vmul.f32 v22, v28;
	v46 =	vpop (erf)  }
0x8f: {  	[tilespmem:$0x1FE80] =	vst v38;
	v14 =	vmul.f32 v46, v26;
	v26 =	vmov v46;
	v46 =	vor.u32 s11, v3  }
0x90: {  	s19 =	simm.s32 $0x12A10;
	v21 =	vmul.f32 v21, v22;
	[tilespmem:$0x1FDA0] =	vst v46  }
0x91: {  	v20 =	vmul.f32 v23, v23;
	v24 =	vmul.f32 v29, v31;
	[tilespmem:s19+$0x0] =	vst v36  }
0x92: {  	v21 =	vsub.f32 $1.500000000e+00, v21;
	[tilespmem:v51+s23+$0x0] =	vst.idx.msk $0xffff, v44  }
0x93: {  	vm14 =	vlt.f32 v23, $1.000000000e+00;
	v20 =	vmul.f32 v20, v23;
	v23 =	vmul.f32 v24, v29;
	v51 =	vld [tilespmem:$0x1FDB0]  }
0x94: {  	v41 =	vmul.f32 v21, v22  }
0x95: {  	v43 =	vmul.f32 v20, v20;
	v45 =	vmul.f32 $2.034683710e-04, v1;
	v25 =	vpop (erf);
	v20 =	vsub.f32 $1.500000000e+00, v23  }
0x96: {  	v21 =	vpop (erf);
	v28 =	vmul.f32 v41, v28  }
0x97: {  	v23 =	vmul.f32 v21, v45;
	v45 =	vmul.f32 v20, v29  }
0x98: {  	v28 =	vmul.f32 v28, v41  }
0x99: {  	v32 =	vadd.f32 $-2.800000000e+01, v32;
	v34 =	vmul.f32 $3.726653180e-06, v1;
	v37 =	vmul.f32 v45, v31  }
0x9a: {  	v19 =	vmul.f32 $7.485182860e-05, v1;
	v6 =	vmul.f32 $1.370959130e-06, v1;
	v28 =	vsub.f32 $1.500000000e+00, v28  }
0x9b: {  	v38 =	vmul.f32 v32, v43;
	v22 =	vpop (erf);
	v37 =	vmul.f32 v37, v45;
	[tilespmem:v51+s23+$0x0] =	vst.idx.msk $0xffff, v42  }
0x9c: {  	v20 =	vmul.f32 v22, v34;
	v28 =	vmul.f32 v28, v41;
	[tilespmem:v7+s23+$0x0] =	vst.idx.msk $0xffff, v62  }
0x9d: {  	v18 =	vsub.f32 $1.500000000e+00, v37;
	v37 =	vmul.f32 v23, v19;
	[tilespmem:v50+s23+$0x0] =	vst.idx.msk $0xffff, v49  }
0x9e: {  	v19 =	vmul.f32 v28, v35;
	v28 =	vmul.f32 v20, v6;
	v6 =	vadd.f32 $1.000000000e+00, v38;
	[tilespmem:v57+s23+$0x0] =	vst.idx.msk $0xffff, v40  }
0x9f: {  	[tilespmem:v54+s23+$0x0] =	vst.idx.msk $0xffff, v48  }
0xa0: {  	v57 =	vnsel vm14, $0x0, v6;
	v6 =	vld [tilespmem:$0x1FDC0];
	_ =	sdelay $0x3  }
0xa1: {  	v33 =	vmul.f32 $2.231301670e-01, v1;
	_ =	sdelay $0x1  }
0xa2: {  	v43 =	vmul.f32 v14, v33;
	v33 =	vor.u32 s11, v52;
	v52 =	vmul.f32 $1.060660120e+00, v19;
	_ =	sdelay $0x1  }
0xa3: {  	v36 =	vor.u32 s11, v15;
	v15 =	vsub.f32 $0.0e+00, v52;
	[tilespmem:v6+s23+$0x0] =	vst.idx.msk $0xffff, v59  }
0xa4: {  	v6 =	vld [tilespmem:$0x1FDD0]  }
0xa5: {  	v7 =	vmul.f32 v15, v52;
	_ =	sdelay $0x1  }
0xa6: {  	v49 =	vmul.f32 $1.442695020e+00, v7;
	v7 =	vld [tilespmem:$0x1FDE0];
	_ =	sdelay $0x4  }
0xa7: {  	[tilespmem:v6+s23+$0x0] =	vst.idx.msk $0xffff, v7  }
0xa8: {  	v6 =	vld [tilespmem:$0x1FDF0];
	_ =	sdelay $0x7  }
0xa9: {  	[tilespmem:v6+s23+$0x0] =	vst.idx.msk $0xffff, v63  }
0xaa: {  	v6 =	vld [tilespmem:$0x1FE00];
	_ =	sdelay $0x7  }
0xab: {  	[tilespmem:v6+s23+$0x0] =	vst.idx.msk $0xffff, v60  }
0xac: {  	v6 =	vld [tilespmem:$0x1FE10];
	_ =	sdelay $0x7  }
0xad: {  	[tilespmem:v6+s23+$0x0] =	vst.idx.msk $0xffff, v56  }
0xae: {  	v6 =	vld [tilespmem:$0x1FE20];
	_ =	sdelay $0x2  }
0xaf: {  	v7 =	vld [tilespmem:$0x1FE30];
	_ =	sdelay $0x4  }
0xb0: {  	[tilespmem:v6+s23+$0x0] =	vst.idx.msk $0xffff, v7  }
0xb1: {  	v6 =	vld [tilespmem:$0x1FE40];
	_ =	sdelay $0x7  }
0xb2: {  	[tilespmem:v6+s23+$0x0] =	vst.idx.msk $0xffff, v8  }
0xb3: {  	v6 =	vld [tilespmem:$0x1FE50];
	_ =	sdelay $0x7  }
0xb4: {  	[tilespmem:v6+s23+$0x0] =	vst.idx.msk $0xffff, v58  }
0xb5: {  	v6 =	vld [tilespmem:$0x1FE60]  }
0xb6: {  	v27 =	vmul.f32 $1.110899630e-02, v1;
	_ =	sdelay $0x1  }
0xb7: {  	v30 =	vmul.f32 v25, v27;
	v18 =	vmul.f32 v18, v45  }
0xb8: {  	v46 =	vmul.f32 $4.086771510e-03, v1;
	v44 =	vmul.f32 $2.753644910e-05, v1  }
0xb9: {  	v47 =	vmul.f32 v18, v47;
	v18 =	vmul.f32 $1.500000000e+00, v19  }
0xba: {  	v41 =	vmul.f32 v30, v46;
	v46 =	vmul.f32 $8.208499850e-02, v1  }
0xbb: {  	v34 =	vor.u32 s11, v39;
	v45 =	vmul.f32 $1.503439150e-03, v1;
	v18 =	vmul.f32 $1.442695020e+00, v18  }
0xbc: {  	v39 =	vor.u32 s11, v53;
	v42 =	vmul.f32 $5.043476680e-07, v1;
	v1 =	vmul.f32 $1.000000010e-01, v19;
	[tilespmem:v6+s23+$0x0] =	vst.idx.msk $0xffff, v61  }
0xbd: {  	v19 =	vadd.f32 $-2.828427080e+00, v52;
	(erf) = vpow2.f32 v18;
	v18 =	vsub.f32 $2.828427080e+00, v52;
	v53 =	vld [tilespmem:$0x1FE70];
	_ =	sdelay $0x1  }
0xbe: {  	v38 =	vor.u32 s11, v9;
	v9 =	vmul.f32 $2.100000000e+01, v1;
	v18 =	vmul.f32 v18, v19  }
0xbf: {  	v6 =	vld [tilespmem:$0x1FE80]  }
0xc0: {  	v15 =	vsub.f32 $4.800000000e+01, v9;
	v9 =	vmul.f32 $1.442695020e+00, v18  }
0xc1: {  	v40 =	vor.u32 s11, v11;
	v11 =	vmul.f32 v1, v1;
	(erf) = vpow2.f32 v49  }
0xc2: {  	(erf) = vpow2.f32 v9;
	v9 =	vsub.f32 $5.656854150e+00, v52  }
0xc3: {  	v56 =	vmul.f32 v11, v1;
	v11 =	vmul.f32 v15, v1;
	v15 =	vadd.f32 $-5.656854150e+00, v52;
	[tilespmem:s19+$0xFFFFFFF0] =	vst v57  }
0xc4: {  	s29 =	simm.s32 $0x300;
	[tilespmem:v53+s23+$0x0] =	vst.idx.msk $0xffff, v6  }
0xc5: {  	v54 =	vmul.f32 v9, v15;
	v15 =	vor.u32 s29, v4;
	v4 =	vld [tilespmem:$0x1FE90];
	_ =	sdelay $0x6  }
0xc6: {  	v56 =	vmul.f32 v56, v56;
	v63 =	vadd.f32 $-2.800000000e+01, v11  }
0xc7: {  	[tilespmem:v4+s23+$0x0] =	vst.idx.msk $0xffff, v26  }
0xc8: {  	v56 =	vmul.f32 v63, v56;
	v4 =	vld [tilespmem:$0x1FEA0]  }
0xc9: {  	v11 =	vsub.f32 $8.485280990e+00, v52;
	v63 =	vand.u32 v55, v15  }
0xca: {  	v56 =	vadd.f32 $1.000000000e+00, v56;
	v58 =	vadd.f32 $-8.485280990e+00, v52;
	v52 =	vpop (erf);
	v61 =	vor.u32 s29, v17  }
0xcb: {  	vm15 =	vlt.f32 v1, $1.000000000e+00;
	v9 =	vmul.f32 $6.065306660e-01, v52  }
0xcc: {  	s15 =	simm.s32 $0x12A30;
	v56 =	vnsel vm15, $0x0, v56;
	v15 =	vpop (erf)  }
0xcd: {  	v5 =	vor.u32 s29, v5;
	v24 =	vor.u32 s11, v13;
	v1 =	vmul.f32 v15, v9;
	[tilespmem:s15+$0x0] =	vst v56  }
0xce: {  	v32 =	vor.u32 s11, v12;
	v27 =	vor.u32 s11, v0;
	v62 =	vmul.f32 $1.060660120e+00, v47;
	[tilespmem:v63+s23+$0x0] =	vst.idx.msk $0xffff, v15  }
0xcf: {  	v29 =	vor.u32 s11, v10;
	v31 =	vor.u32 s11, v2;
	v35 =	vor.u32 s11, v16;
	[tilespmem:v61+s23+$0x0] =	vst.idx.msk $0xffff, v1  }
0xd0: {  	v51 =	vsub.f32 $2.828427080e+00, v62;
	v50 =	vadd.f32 $-8.485280990e+00, v62;
	v48 =	vmul.f32 $1.500000000e+00, v47;
	[tilespmem:v4+s23+$0x0] =	vst.idx.msk $0xffff, v14  }
0xd1: {  	v19 =	vadd.f32 $-2.828427080e+00, v62;
	v11 =	vmul.f32 v11, v58;
	v56 =	vor.u32 s29, v3;
	v3 =	vld [tilespmem:$0x1FEB0]  }
0xd2: {  	v49 =	vadd.f32 $-5.656854150e+00, v62;
	v18 =	vsub.f32 $5.656854150e+00, v62;
	v60 =	vmul.f32 $2.231301670e-01, v52  }
0xd3: {  	v54 =	vmul.f32 $1.442695020e+00, v54;
	v9 =	vor.u32 s29, v13;
	v8 =	vmul.f32 $1.442695020e+00, v11  }
0xd4: {  	v59 =	vsub.f32 $0.0e+00, v62;
	v11 =	vmul.f32 $8.208499850e-02, v52;
	v13 =	vmul.f32 v1, v60  }
0xd5: {  	v55 =	vor.u32 s29, v12;
	(erf) = vpow2.f32 v54;
	v14 =	vmul.f32 $1.110899630e-02, v52  }
0xd6: {  	v54 =	vmul.f32 v59, v62;
	v59 =	vor.u32 s29, v10;
	v15 =	vmul.f32 v13, v11;
	v61 =	vpop (erf)  }
0xd7: {  	v58 =	vor.u32 s29, v0;
	v1 =	vmul.f32 $4.086771510e-03, v52;
	[tilespmem:v5+s23+$0x0] =	vst.idx.msk $0xffff, v13;
	v60 =	vmul.f32 v61, v14  }
0xd8: {  	s31 =	simm.s32 $0x2;
	(erf) = vpow2.f32 v8;
	v53 =	vsub.f32 $8.485280990e+00, v62;
	v62 =	vmul.f32 $1.503439150e-03, v52;
	[tilespmem:v9+s23+$0x0] =	vst.idx.msk $0xffff, v15  }
0xd9: {  	s30 =	simm.s32 $0x200;
	s11 =	sadd.s32 s4, s10;
	v57 =	vor.u32 s29, v2;
	s19 =	simm.s32 $0x50;
	v63 =	vmul.f32 v60, v1;
	v1 =	vmul.f32 $2.034683710e-04, v52;
	[tilespmem:v3+s23+$0x0] =	vst.idx.msk $0xffff, v43  }
.LBB2_3:
0xda: {  	v17 =	vld [tilespmem:s19+$0x0]  }
0xdb: {  	v15 =	vld [tilespmem:$0x1FF40]  }
0xdc: {  	v16 =	vld [tilespmem:$0x1FF50]  }
0xdd: {  	v8 =	vld [tilespmem:$0x1FF60]  }
0xde: {  	v9 =	vld [tilespmem:$0x1FF70]  }
0xdf: {  	v0 =	vld [tilespmem:s19+$0xFFFFFFF0]  }
0xe0: {  	[tilespmem:v56+s23+$0x0] =	vst.idx.msk $0xffff, v61;
	s13 =	sadd.s32 $0x20, s13;
	v11 =	vld [tilespmem:$0x1FF80]  }
0xe1: {  	v13 =	vmul.f32 $7.485182860e-05, v52;
	v2 =	vld [tilespmem:s13+$0x0];
	[tilespmem:v58+s23+$0x0] =	vst.idx.msk $0xffff, v60  }
0xe2: {  	s14 =	sadd.s32 $0x20, s14;
	v47 =	vmul.f32 $1.000000010e-01, v47;
	v5 =	vmul.f32 v63, v62;
	v62 =	vld [tilespmem:s13+$0xFFFFFFF0];
	[tilespmem:v59+s23+$0x0] =	vst.idx.msk $0xffff, v63  }
0xe3: {  	v43 =	vmul.f32 v43, v46;
	v19 =	vmul.f32 v51, v19;
	v14 =	vpop (erf);
	v63 =	vld [tilespmem:s14+$0x0];
	v51 =	vor.u32 s29, v15  }
0xe4: {  	v45 =	vmul.f32 v41, v45;
	[tilespmem:v57+s23+$0x0] =	vst.idx.msk $0xffff, v5;
	v5 =	vld [tilespmem:$0x1FF90];
	v1 =	vmul.f32 v14, v1;
	v12 =	vor.u32 s29, v16  }
0xe5: {  	v4 =	vld [tilespmem:$0x1FDA0];
	v42 =	vmul.f32 v28, v42;
	v49 =	vmul.f32 v18, v49;
	v59 =	vor.u32 s29, v8  }
0xe6: {  	v18 =	vmul.f32 $2.753644910e-05, v52;
	v61 =	vld [tilespmem:s14+$0xFFFFFFF0];
	[tilespmem:v24+s23+$0x0] =	vst.idx.msk $0xffff, v43;
	v57 =	vor.u32 s29, v9;
	v56 =	vmul.f32 v1, v13  }
0xe7: {  	v50 =	vmul.f32 v53, v50;
	v24 =	vmul.f32 v47, v47;
	[tilespmem:v55+s23+$0x0] =	vst.idx.msk $0xffff, v14;
	v53 =	vor.u32 s29, v11  }
0xe8: {  	v13 =	vmul.f32 $3.726653180e-06, v52;
	v2 =	vadd.f32 v2, v17;
	[tilespmem:v51+s23+$0x0] =	vst.idx.msk $0xffff, v1;
	v1 =	vmul.f32 v56, v18  }
0xe9: {  	v3 =	vpop (erf);
	v17 =	vmul.f32 $1.442695020e+00, v48;
	v0 =	vadd.f32 v62, v0;
	v58 =	vor.u32 s29, v5;
	[tilespmem:v12+s23+$0x0] =	vst.idx.msk $0xffff, v56  }
0xea: {  	v14 =	vmul.f32 $1.370959130e-06, v52;
	v51 =	vmul.f32 v3, v13;
	v18 =	vadd.f32 v63, v2;
	[tilespmem:v59+s23+$0x0] =	vst.idx.msk $0xffff, v1  }
0xeb: {  	v48 =	vadd.f32 v61, v0;
	(erf) = vpow2.f32 v17;
	v13 =	vmul.f32 $5.043476680e-07, v52;
	[tilespmem:v57+s23+$0x0] =	vst.idx.msk $0xffff, v3  }
0xec: {  	v1 =	vmul.f32 v51, v14;
	v59 =	vshra.s32 v18, $0x1;
	[tilespmem:v53+s23+$0x0] =	vst.idx.msk $0xffff, v51;
	v51 =	vmul.f32 $5.000000000e-01, v18  }
0xed: {  	v7 =	vld [tilespmem:$0x1FFA0];
	[tilespmem:v4+s23+$0x0] =	vst.idx.msk $0xffff, v25;
	v2 =	vmul.f32 $1.442695020e+00, v54;
	v14 =	vmul.f32 $1.442695020e+00, v19;
	v0 =	vsub.s32 $0x5F3759DF, v59  }
0xee: {  	v26 =	vld [tilespmem:$0x1FFF0];
	v19 =	vmul.f32 v1, v13;
	[tilespmem:v58+s23+$0x0] =	vst.idx.msk $0xffff, v1;
	v1 =	vmul.f32 v0, v51  }
0xef: {  	v6 =	vld [tilespmem:$0x1FFC0];
	vm0 =	vlt.f32 v47, $1.000000000e+00;
	[tilespmem:v27+s23+$0x0] =	vst.idx.msk $0xffff, v30;
	v17 =	vmul.f32 $5.000000000e-01, v48;
	(erf) = vpow2.f32 v2  }
0xf0: {  	[tilespmem:v29+s23+$0x0] =	vst.idx.msk $0xffff, v41;
	v2 =	vshra.s32 v48, $0x1;
	v3 =	vmul.f32 $1.442695020e+00, v49;
	v1 =	vmul.f32 v0, v1  }
0xf1: {  	v43 =	vmul.f32 v37, v44;
	[tilespmem:v31+s23+$0x0] =	vst.idx.msk $0xffff, v45;
	v2 =	vsub.s32 $0x5F3759DF, v2;
	(erf) = vpow2.f32 v14  }
0xf2: {  	v56 =	vld [tilespmem:$0x1FFE0];
	[tilespmem:v32+s23+$0x0] =	vst.idx.msk $0xffff, v21;
	(erf) = vpow2.f32 v3;
	v3 =	vmul.f32 v2, v17;
	v1 =	vsub.f32 $1.500000000e+00, v1  }
0xf3: {  	v50 =	vmul.f32 $1.442695020e+00, v50;
	v10 =	vor.u32 s29, v7;
	v12 =	vor.u32 s30, v26;
	[tilespmem:v33+s23+$0x0] =	vst.idx.msk $0xffff, v23  }
0xf4: {  	v49 =	vor.u32 s30, v6;
	[tilespmem:v34+s23+$0x0] =	vst.idx.msk $0xffff, v37;
	v3 =	vmul.f32 v2, v3;
	v0 =	vmul.f32 v0, v1  }
0xf5: {  	v33 =	vor.u32 s30, v15;
	v34 =	vor.u32 s30, v16;
	[tilespmem:v36+s23+$0x0] =	vst.idx.msk $0xffff, v43;
	v36 =	vor.u32 s30, v8  }
0xf6: {  	v59 =	vld [tilespmem:$0x1FEE0];
	(erf) = vpow2.f32 v50;
	v52 =	vpop (erf);
	v3 =	vsub.f32 $1.500000000e+00, v3;
	v13 =	vmul.f32 v0, v51  }
0xf7: {  	v50 =	vor.u32 s30, v56;
	v31 =	vmul.f32 $6.065306660e-01, v52;
	v61 =	vmul.f32 $1.110899630e-02, v52  }
0xf8: {  	[tilespmem:v35+s23+$0x0] =	vst.idx.msk $0xffff, v22;
	v35 =	vor.u32 s30, v9;
	v2 =	vmul.f32 v2, v3;
	v29 =	vmul.f32 v13, v0  }
0xf9: {  	[tilespmem:v38+s23+$0x0] =	vst.idx.msk $0xffff, v20;
	v38 =	vor.u32 s30, v11;
	v62 =	vmul.f32 $2.034683710e-04, v52;
	v46 =	vmul.f32 $3.726653180e-06, v52  }
0xfa: {  	v14 =	vld [tilespmem:$0x1FF20];
	v1 =	vmul.f32 $2.100000000e+01, v47;
	v30 =	vmul.f32 v2, v17;
	v29 =	vsub.f32 $1.500000000e+00, v29  }
0xfb: {  	[tilespmem:v10+s23+$0x0] =	vst.idx.msk $0xffff, v19;
	v10 =	vld [tilespmem:$0x1FF30];
	v27 =	vor.u32 s30, v59;
	v45 =	vmul.f32 $1.503439150e-03, v52;
	v44 =	vmul.f32 $2.753644910e-05, v52  }
0xfc: {  	[tilespmem:v39+s23+$0x0] =	vst.idx.msk $0xffff, v28;
	v1 =	vsub.f32 $4.800000000e+01, v1;
	v23 =	vmul.f32 v30, v2;
	v0 =	vmul.f32 v29, v0  }
0xfd: {  	v39 =	vor.u32 s30, v5;
	[tilespmem:v40+s23+$0x0] =	vst.idx.msk $0xffff, v42;
	v42 =	vmul.f32 $5.043476680e-07, v52;
	v3 =	vmul.f32 v24, v47  }
0xfe: {  	v53 =	vpop (erf);
	v1 =	vmul.f32 v1, v47;
	v47 =	vsub.f32 $1.500000000e+00, v23;
	v58 =	vmul.f32 v0, v51  }
0xff: {  	v32 =	vor.u32 s30, v14;
	v57 =	vmul.f32 v53, v31;
	v25 =	vpop (erf);
	v3 =	vmul.f32 v3, v3  }
0x100: {  	v19 =	vand.u32 v10, v12;
	v12 =	vld [tilespmem:$0x1FF00];
	v21 =	vpop (erf);
	v2 =	vmul.f32 v47, v2;
	v28 =	vmul.f32 v58, v0  }
0x101: {  	v63 =	vpop (erf);
	v30 =	vmul.f32 v25, v61;
	v61 =	vmul.f32 $4.086771510e-03, v52;
	v1 =	vadd.f32 $-2.800000000e+01, v1  }
0x102: {  	v4 =	vld [tilespmem:$0x1FFD0];
	v20 =	vmul.f32 v63, v46;
	v17 =	vmul.f32 v2, v17;
	v28 =	vsub.f32 $1.500000000e+00, v28  }
0x103: {  	s29 =	sadd.s32 $0x200, s29;
	v40 =	vor.u32 s30, v7;
	v22 =	vmovc v63;
	v63 =	vmul.f32 $1.370959130e-06, v52;
	v1 =	vmul.f32 v1, v3  }
0x104: {  	v55 =	vor.u32 s29, v14;
	v10 =	vld [tilespmem:$0x1FEF0];
	v17 =	vmul.f32 v17, v2;
	v0 =	vmul.f32 v28, v0  }
0x105: {  	v60 =	vor.u32 s30, v12;
	v46 =	vmul.f32 $8.208499850e-02, v52;
	v23 =	vmul.f32 v21, v62  }
0x106: {  	v1 =	vadd.f32 $1.000000000e+00, v1;
	v3 =	vsub.f32 $1.500000000e+00, v17;
	v0 =	vmul.f32 v0, v18  }
0x107: {  	v24 =	vor.u32 s30, v4;
	[tilespmem:$0x1FDA0] =	vst v60;
	v60 =	vmul.f32 $2.231301670e-01, v52;
	v62 =	vmul.f32 $7.485182860e-05, v52  }
0x108: {  	v1 =	vnsel vm0, $0x0, v1;
	v2 =	vmul.f32 v3, v2;
	v3 =	vmul.f32 $1.060660120e+00, v0  }
0x109: {  	v13 =	vld [tilespmem:$0x1FF10];
	v31 =	vor.u32 s30, v10;
	v41 =	vmul.f32 v30, v61;
	[tilespmem:s15+$0xFFFFFFF0] =	vst v1;
	v1 =	vmul.f32 $1.500000000e+00, v0  }
0x10a: {  	v43 =	vmul.f32 v57, v60;
	v47 =	vmul.f32 v2, v48;
	v2 =	vsub.f32 $0.0e+00, v3  }
0x10b: {  	v37 =	vmul.f32 v23, v62;
	v62 =	vor.u32 s29, v56;
	v1 =	vmul.f32 $1.442695020e+00, v1  }
0x10c: {  	v56 =	vor.u32 s29, v12;
	v0 =	vmul.f32 $1.000000010e-01, v0;
	v2 =	vmul.f32 v2, v3  }
0x10d: {  	[tilespmem:v19+s23+$0x0] =	vst.idx.msk $0xffff, v53;
	v18 =	vadd.f32 $-2.828427080e+00, v3;
	v7 =	vsub.f32 $2.828427080e+00, v3;
	(erf) = vpow2.f32 v1  }
0x10e: {  	v29 =	vor.u32 s30, v13;
	[tilespmem:v49+s23+$0x0] =	vst.idx.msk $0xffff, v57;
	v1 =	vmul.f32 $2.100000000e+01, v0;
	v2 =	vmul.f32 $1.442695020e+00, v2  }
0x10f: {  	v58 =	vor.u32 s29, v59;
	v28 =	vmul.f32 v20, v63;
	[tilespmem:v50+s23+$0x0] =	vst.idx.msk $0xffff, v43;
	v50 =	vmul.f32 v7, v18  }
0x110: {  	v17 =	vmul.f32 $1.060660120e+00, v47;
	v1 =	vsub.f32 $4.800000000e+01, v1;
	(erf) = vpow2.f32 v2  }
0x111: {  	v59 =	vor.u32 s29, v13;
	v8 =	vmul.f32 $1.442695020e+00, v50;
	v2 =	vmul.f32 v0, v0  }
0x112: {  	v9 =	vadd.f32 $-5.656854150e+00, v3;
	v11 =	vsub.f32 $5.656854150e+00, v3;
	v1 =	vmul.f32 v1, v0  }
0x113: {  	v57 =	vor.u32 s29, v6;
	v63 =	vld [tilespmem:$0x1FFB0];
	(erf) = vpow2.f32 v8;
	v2 =	vmul.f32 v2, v0  }
0x114: {  	v48 =	vmul.f32 $1.500000000e+00, v47;
	v15 =	vadd.f32 $-8.485280990e+00, v3;
	v53 =	vmul.f32 v11, v9  }
0x115: {  	v3 =	vsub.f32 $8.485280990e+00, v3;
	v1 =	vadd.f32 $-2.800000000e+01, v1;
	v2 =	vmul.f32 v2, v2  }
0x116: {  	v54 =	vsub.f32 $0.0e+00, v17;
	v19 =	vadd.f32 $-2.828427080e+00, v17;
	v53 =	vmul.f32 $1.442695020e+00, v53  }
0x117: {  	v3 =	vmul.f32 v3, v15;
	v52 =	vpop (erf);
	v1 =	vmul.f32 v1, v2;
	v2 =	vor.u32 s29, v26  }
0x118: {  	vm15 =	vlt.f32 v0, $1.000000000e+00;
	v7 =	vmul.f32 $6.065306660e-01, v52;
	v2 =	vand.u32 v63, v2  }
0x119: {  	v3 =	vmul.f32 $1.442695020e+00, v3;
	(erf) = vpow2.f32 v53;
	v1 =	vadd.f32 $1.000000000e+00, v1;
	v9 =	vpop (erf)  }
0x11a: {  	s31 =	sadd.s32 $0x2, s31;
	v8 =	vor.u32 s29, v4;
	v11 =	vmul.f32 $2.231301670e-01, v52;
	v0 =	vmul.f32 v9, v7  }
0x11b: {  	p1 =	slt.u32 s31, $0x7A;
	s15 =	sadd.s32 $0x20, s15;
	(erf) = vpow2.f32 v3;
	v3 =	vmul.f32 $1.110899630e-02, v52;
	v1 =	vnsel vm15, $0x0, v1  }
.Ltmp0:
0x11c: {  	v51 =	vsub.f32 $2.828427080e+00, v17;
	v15 =	vmul.f32 $8.208499850e-02, v52;
	v61 =	vpop (erf);
	[tilespmem:s15+$0x0] =	vst v1;
	v1 =	vmul.f32 v0, v11;
	(pc) =	sbr.rel @p1 .LBB2_3-.Ltmp0, $4  }
0x11d: {  	v49 =	vadd.f32 $-5.656854150e+00, v17;
	v54 =	vmul.f32 v54, v17;
	v60 =	vmul.f32 v61, v3;
	[tilespmem:v2+s23+$0x0] =	vst.idx.msk $0xffff, v9  }
0x11e: {  	v18 =	vsub.f32 $5.656854150e+00, v17;
	v2 =	vmul.f32 $4.086771510e-03, v52;
	[tilespmem:v57+s23+$0x0] =	vst.idx.msk $0xffff, v0;
	v0 =	vmul.f32 v1, v15  }
0x11f: {  	v50 =	vadd.f32 $-8.485280990e+00, v17;
	v53 =	vsub.f32 $8.485280990e+00, v17;
	[tilespmem:v62+s23+$0x0] =	vst.idx.msk $0xffff, v1;
	v62 =	vmul.f32 $1.503439150e-03, v52  }
0x120: {  	s19 =	sadd.s32 $0x20, s19;
	s30 =	sadd.s32 $0xFFFFFF00, s29;
	v57 =	vor.u32 s29, v10;
	v63 =	vmul.f32 v60, v2;
	v1 =	vmul.f32 $2.034683710e-04, v52;
	[tilespmem:v8+s23+$0x0] =	vst.idx.msk $0xffff, v0  }
0x121: {  	_ =	sdelay $0x3  }
0x122: {  	[tilespmem:v56+s23+$0x0] =	vst.idx.msk $0xffff, v61  }
0x123: {  	v8 =	vld [tilespmem:$0x1FF40];
	[tilespmem:v58+s23+$0x0] =	vst.idx.msk $0xffff, v60  }
0x124: {  	v10 =	vld [tilespmem:$0x1FF50];
	_ =	sdelay $0x2  }
0x125: {  	v17 =	vmul.f32 v63, v62  }
0x126: {  	[tilespmem:v59+s23+$0x0] =	vst.idx.msk $0xffff, v63;
	v0 =	vor.u32 s29, v8  }
0x127: {  	v3 =	vpop (erf);
	v9 =	vld [tilespmem:$0x1FF60];
	[tilespmem:v57+s23+$0x0] =	vst.idx.msk $0xffff, v17;
	v56 =	vor.u32 s29, v10  }
0x128: {  	v2 =	vmul.f32 $7.485182860e-05, v52;
	v1 =	vmul.f32 v3, v1;
	v16 =	vld [tilespmem:$0x1FF70];
	[tilespmem:v55+s23+$0x0] =	vst.idx.msk $0xffff, v3  }
0x129: {  	v6 =	vld [tilespmem:$0x1FF80]  }
0x12a: {  	v2 =	vmul.f32 v1, v2  }
0x12b: {  	[tilespmem:v0+s23+$0x0] =	vst.idx.msk $0xffff, v1  }
0x12c: {  	v59 =	vor.u32 s29, v9;
	v5 =	vld [tilespmem:$0x1FF90];
	[tilespmem:v56+s23+$0x0] =	vst.idx.msk $0xffff, v2  }
0x12d: {  	v14 =	vmul.f32 $2.753644910e-05, v52;
	v17 =	vor.u32 s29, v16;
	v7 =	vld [tilespmem:$0x1FFA0]  }
0x12e: {  	v3 =	vor.u32 s29, v6  }
0x12f: {  	v11 =	vmul.f32 $3.726653180e-06, v52;
	v0 =	vmul.f32 v2, v14  }
0x130: {  	v12 =	vpop (erf)  }
0x131: {  	v13 =	vmul.f32 $1.370959130e-06, v52;
	v1 =	vmul.f32 v12, v11;
	[tilespmem:v59+s23+$0x0] =	vst.idx.msk $0xffff, v0;
	v14 =	vor.u32 s29, v5  }
0x132: {  	v56 =	vmul.f32 $5.043476680e-07, v52;
	[tilespmem:v17+s23+$0x0] =	vst.idx.msk $0xffff, v12;
	v2 =	vor.u32 s29, v7  }
0x133: {  	v0 =	vmul.f32 v1, v13;
	[tilespmem:v3+s23+$0x0] =	vst.idx.msk $0xffff, v1;
	v3 =	vmul.f32 v43, v46;
	_ =	sdelay $0x1  }
0x134: {  	v1 =	vmul.f32 v0, v56;
	[tilespmem:v24+s23+$0x0] =	vst.idx.msk $0xffff, v3  }
0x135: {  	[tilespmem:v14+s23+$0x0] =	vst.idx.msk $0xffff, v0  }
0x136: {  	[tilespmem:v2+s23+$0x0] =	vst.idx.msk $0xffff, v1  }
0x137: {  	v3 =	vld [tilespmem:$0x1FDA0];
	_ =	sdelay $0x5  }
0x138: {  	v17 =	vmul.f32 $1.442695020e+00, v48  }
0x139: {  	v19 =	vmul.f32 v51, v19;
	v58 =	vmul.f32 $1.442695020e+00, v54  }
0x13a: {  	(erf) = vpow2.f32 v17;
	v0 =	vmul.f32 $1.000000010e-01, v47;
	[tilespmem:v3+s23+$0x0] =	vst.idx.msk $0xffff, v25  }
0x13b: {  	v2 =	vmul.f32 $1.442695020e+00, v19;
	v3 =	vmul.f32 v41, v45;
	[tilespmem:v27+s23+$0x0] =	vst.idx.msk $0xffff, v30  }
0x13c: {  	v1 =	vmul.f32 $2.100000000e+01, v0;
	v17 =	vmul.f32 v0, v0;
	[tilespmem:v29+s23+$0x0] =	vst.idx.msk $0xffff, v41  }
0x13d: {  	v18 =	vmul.f32 v18, v49;
	(erf) = vpow2.f32 v58;
	[tilespmem:v31+s23+$0x0] =	vst.idx.msk $0xffff, v3  }
0x13e: {  	(erf) = vpow2.f32 v2;
	v1 =	vsub.f32 $4.800000000e+01, v1;
	v2 =	vmul.f32 v17, v0;
	[tilespmem:v32+s23+$0x0] =	vst.idx.msk $0xffff, v21  }
0x13f: {  	v17 =	vmul.f32 $1.442695020e+00, v18;
	v18 =	vmul.f32 v37, v44;
	[tilespmem:v33+s23+$0x0] =	vst.idx.msk $0xffff, v23  }
0x140: {  	v1 =	vmul.f32 v1, v0;
	v4 =	vld [tilespmem:$0x1FFF0];
	[tilespmem:v34+s23+$0x0] =	vst.idx.msk $0xffff, v37  }
0x141: {  	v45 =	vld [tilespmem:$0x1FF30];
	[tilespmem:v36+s23+$0x0] =	vst.idx.msk $0xffff, v18  }
0x142: {  	v2 =	vmul.f32 v2, v2;
	v1 =	vadd.f32 $-2.800000000e+01, v1;
	v15 =	vld [tilespmem:$0x1FFC0];
	[tilespmem:v35+s23+$0x0] =	vst.idx.msk $0xffff, v22  }
0x143: {  	v3 =	vmul.f32 v53, v50;
	v14 =	vld [tilespmem:$0x1FFE0]  }
0x144: {  	v1 =	vmul.f32 v1, v2  }
0x145: {  	(erf) = vpow2.f32 v17;
	v3 =	vmul.f32 $1.442695020e+00, v3;
	v19 =	vor.u32 s30, v4  }
0x146: {  	v17 =	vpop (erf);
	v1 =	vadd.f32 $1.000000000e+00, v1;
	v21 =	vmul.f32 v28, v42;
	v19 =	vand.u32 v45, v19  }
0x147: {  	(erf) = vpow2.f32 v3;
	v3 =	vmul.f32 $6.065306660e-01, v17;
	[tilespmem:v38+s23+$0x0] =	vst.idx.msk $0xffff, v20;
	v2 =	vor.u32 s30, v15  }
0x148: {  	vm0 =	vlt.f32 v0, $1.000000000e+00;
	v22 =	vpop (erf);
	[tilespmem:v39+s23+$0x0] =	vst.idx.msk $0xffff, v28;
	v18 =	vor.u32 s30, v14  }
0x149: {  	v1 =	vnsel vm0, $0x0, v1;
	v0 =	vmul.f32 v22, v3;
	v3 =	vmul.f32 $2.231301670e-01, v17;
	v48 =	vld [tilespmem:$0x1FFD0];
	[tilespmem:v40+s23+$0x0] =	vst.idx.msk $0xffff, v21  }
0x14a: {  	v41 =	vld [tilespmem:$0x1FF00];
	[tilespmem:s15+$0xFFFFFFF0] =	vst v1  }
0x14b: {  	v3 =	vmul.f32 v0, v3;
	v52 =	vld [tilespmem:$0x1FEE0];
	[tilespmem:v19+s23+$0x0] =	vst.idx.msk $0xffff, v22  }
0x14c: {  	v11 =	vld [tilespmem:$0x1FF10];
	[tilespmem:v2+s23+$0x0] =	vst.idx.msk $0xffff, v0  }
0x14d: {  	v56 =	vld [tilespmem:$0x1FEF0];
	[tilespmem:v18+s23+$0x0] =	vst.idx.msk $0xffff, v3  }
0x14e: {  	v23 =	vmul.f32 $1.110899630e-02, v17;
	v20 =	vor.u32 s30, v48;
	v13 =	vld [tilespmem:$0x1FF20]  }
0x14f: {  	v25 =	vmul.f32 $8.208499850e-02, v17;
	v24 =	vpop (erf);
	v21 =	vor.u32 s30, v41  }
0x150: {  	v23 =	vmul.f32 v24, v23;
	v1 =	vor.u32 s30, v52  }
0x151: {  	v22 =	vmul.f32 $4.086771510e-03, v17;
	v0 =	vmul.f32 v3, v25;
	v19 =	vor.u32 s30, v11  }
0x152: {  	v2 =	vmul.f32 $2.034683710e-04, v17;
	v25 =	vor.u32 s30, v56  }
0x153: {  	v26 =	vmul.f32 $1.503439150e-03, v17;
	v3 =	vpop (erf);
	v22 =	vmul.f32 v23, v22;
	[tilespmem:v20+s23+$0x0] =	vst.idx.msk $0xffff, v0;
	v18 =	vor.u32 s30, v13  }
0x154: {  	v0 =	vmul.f32 v3, v2;
	v2 =	vor.u32 s30, v8;
	[tilespmem:v21+s23+$0x0] =	vst.idx.msk $0xffff, v24  }
0x155: {  	v20 =	vor.u32 s30, v10;
	v21 =	vmul.f32 $7.485182860e-05, v17;
	v24 =	vmul.f32 v22, v26;
	[tilespmem:v1+s23+$0x0] =	vst.idx.msk $0xffff, v23  }
0x156: {  	v1 =	vmul.f32 $3.726653180e-06, v17;
	v23 =	vor.u32 s30, v9;
	[tilespmem:v19+s23+$0x0] =	vst.idx.msk $0xffff, v22  }
0x157: {  	v26 =	vmul.f32 $2.753644910e-05, v17;
	v21 =	vmul.f32 v0, v21;
	v19 =	vpop (erf);
	v22 =	vor.u32 s30, v16;
	[tilespmem:v25+s23+$0x0] =	vst.idx.msk $0xffff, v24  }
0x158: {  	v1 =	vmul.f32 v19, v1;
	v24 =	vor.u32 s30, v6;
	[tilespmem:v18+s23+$0x0] =	vst.idx.msk $0xffff, v3  }
0x159: {  	v25 =	vmul.f32 v21, v26;
	v3 =	vmul.f32 $1.370959130e-06, v17;
	v18 =	vor.u32 s30, v5;
	[tilespmem:v2+s23+$0x0] =	vst.idx.msk $0xffff, v0  }
0x15a: {  	v0 =	vor.u32 s30, v7;
	[tilespmem:v20+s23+$0x0] =	vst.idx.msk $0xffff, v21  }
0x15b: {  	v2 =	vmul.f32 v1, v3;
	v3 =	vmul.f32 $5.043476680e-07, v17;
	[tilespmem:v23+s23+$0x0] =	vst.idx.msk $0xffff, v25  }
0x15c: {  	[tilespmem:v22+s23+$0x0] =	vst.idx.msk $0xffff, v19  }
0x15d: {  	v3 =	vmul.f32 v2, v3;
	[tilespmem:v24+s23+$0x0] =	vst.idx.msk $0xffff, v1  }
0x15e: {  	[tilespmem:v18+s23+$0x0] =	vst.idx.msk $0xffff, v2  }
0x15f: {  	[tilespmem:v0+s23+$0x0] =	vst.idx.msk $0xffff, v3  }
0x160: {  	v0 =	vld [tilespmem:$0x7C0]  }
0x161: {  	v1 =	vld [tilespmem:$0x17C0];
	_ =	sdelay $0x1  }
0x162: {  	v2 =	vld [tilespmem:$0x27C0];
	_ =	sdelay $0x2  }
0x163: {  	v0 =	vadd.f32 v1, v0;
	_ =	sdelay $0x1  }
0x164: {  	v0 =	vadd.f32 v2, v0;
	_ =	sdelay $0x1  }
0x165: {  	v1 =	vshra.s32 v0, $0x1;
	v2 =	vmul.f32 $5.000000000e-01, v0  }
0x166: {  	v1 =	vsub.s32 $0x5F3759DF, v1  }
0x167: {  	v3 =	vmul.f32 v1, v2;
	_ =	sdelay $0x1  }
0x168: {  	v3 =	vmul.f32 v1, v3;
	_ =	sdelay $0x1  }
0x169: {  	v3 =	vsub.f32 $1.500000000e+00, v3;
	_ =	sdelay $0x1  }
0x16a: {  	v1 =	vmul.f32 v1, v3;
	_ =	sdelay $0x1  }
0x16b: {  	v3 =	vmul.f32 v1, v2;
	_ =	sdelay $0x1  }
0x16c: {  	v3 =	vmul.f32 v3, v1;
	_ =	sdelay $0x1  }
0x16d: {  	v3 =	vsub.f32 $1.500000000e+00, v3;
	_ =	sdelay $0x1  }
0x16e: {  	v1 =	vmul.f32 v3, v1;
	_ =	sdelay $0x1  }
0x16f: {  	v2 =	vmul.f32 v1, v2;
	_ =	sdelay $0x1  }
0x170: {  	v2 =	vmul.f32 v2, v1;
	_ =	sdelay $0x1  }
0x171: {  	v2 =	vsub.f32 $1.500000000e+00, v2;
	_ =	sdelay $0x1  }
0x172: {  	v1 =	vmul.f32 v2, v1;
	_ =	sdelay $0x1  }
0x173: {  	v0 =	vmul.f32 v1, v0;
	_ =	sdelay $0x1  }
0x174: {  	v1 =	vmul.f32 $1.060660120e+00, v0  }
0x175: {  	v2 =	vmul.f32 $1.500000000e+00, v0  }
0x176: {  	v3 =	vsub.f32 $0.0e+00, v1  }
0x177: {  	v2 =	vmul.f32 $1.442695020e+00, v2  }
0x178: {  	v0 =	vmul.f32 $1.000000010e-01, v0;
	v3 =	vmul.f32 v3, v1  }
0x179: {  	v17 =	vadd.f32 $-2.828427080e+00, v1;
	(erf) = vpow2.f32 v2  }
0x17a: {  	v18 =	vsub.f32 $2.828427080e+00, v1;
	v2 =	vmul.f32 $1.442695020e+00, v3;
	v3 =	vmul.f32 $-2.100000000e+01, v0  }
0x17b: {  	v19 =	vmul.f32 v0, v0  }
0x17c: {  	(erf) = vpow2.f32 v2;
	v2 =	vadd.f32 $4.800000000e+01, v3;
	v3 =	vmul.f32 v18, v17  }
0x17d: {  	v17 =	vmul.f32 v19, v0;
	v18 =	vadd.f32 $-5.656854150e+00, v1;
	v19 =	vsub.f32 $5.656854150e+00, v1  }
0x17e: {  	v3 =	vmul.f32 $1.442695020e+00, v3  }
0x17f: {  	v18 =	vmul.f32 v19, v18  }
0x180: {  	(erf) = vpow2.f32 v3  }
0x181: {  	v3 =	vmul.f32 $1.442695020e+00, v18;
	v18 =	vadd.f32 $-8.485280990e+00, v1;
	v1 =	vsub.f32 $8.485280990e+00, v1;
	_ =	sdelay $0x1  }
0x182: {  	v1 =	vmul.f32 v1, v18  }
0x183: {  	v2 =	vmul.f32 v2, v0;
	v17 =	vmul.f32 v17, v17  }
0x184: {  	v1 =	vmul.f32 $1.442695020e+00, v1  }
0x185: {  	v2 =	vadd.f32 $-2.800000000e+01, v2;
	(erf) = vpow2.f32 v3  }
0x186: {  	(erf) = vpow2.f32 v1;
	v1 =	vld [tilespmem:$0x1FEC0]  }
0x187: {  	v2 =	vmul.f32 v2, v17;
	v17 =	vpop (erf)  }
0x188: {  	v19 =	vmul.f32 $6.065306660e-01, v17  }
0x189: {  	vm12 =	vlt.f32 v0, $1.000000000e+00;
	v3 =	vpop (erf)  }
0x18a: {  	v18 =	vmul.f32 $2.231301670e-01, v17;
	v2 =	vadd.f32 $1.000000000e+00, v2;
	v0 =	vmul.f32 v3, v19;
	_ =	sdelay $0x1  }
0x18b: {  	v2 =	vnsel vm12, $0x0, v2;
	v19 =	vmul.f32 $8.208499850e-02, v17;
	v18 =	vmul.f32 v0, v18  }
0x18c: {  	[tilespmem:$0x131C0] =	vst v2  }
0x18d: {  	[tilespmem:v1+s23+$0x0] =	vst.idx.msk $0xffff, v3;
	v1 =	vmul.f32 v18, v19;
	v19 =	vld [tilespmem:$0x1FED0];
	_ =	sdelay $0x1  }
0x18e: {  	v20 =	vor.u32 $0x7C02, v4  }
0x18f: {  	v22 =	vor.u32 $0x7C03, v4;
	[tilespmem:$0x1FC20] =	vst v20  }
0x190: {  	v21 =	vor.u32 $0x7C04, v4;
	[tilespmem:$0x1FC30] =	vst v22  }
0x191: {  	v23 =	vor.u32 $0x7C05, v4;
	[tilespmem:$0x1FC40] =	vst v21  }
0x192: {  	v24 =	vor.u32 $0x7C06, v4;
	[tilespmem:$0x1FC50] =	vst v23  }
0x193: {  	[tilespmem:$0x1FC60] =	vst v24  }
0x194: {  	[tilespmem:v19+s23+$0x0] =	vst.idx.msk $0xffff, v0  }
0x195: {  	[tilespmem:v20+s23+$0x0] =	vst.idx.msk $0xffff, v18  }
0x196: {  	v2 =	vmul.f32 $1.110899630e-02, v17;
	v20 =	vor.u32 $0x7C07, v4;
	[tilespmem:v22+s23+$0x0] =	vst.idx.msk $0xffff, v1  }
0x197: {  	v3 =	vpop (erf);
	[tilespmem:$0x1FC70] =	vst v20  }
0x198: {  	v0 =	vmul.f32 v3, v2;
	v2 =	vmul.f32 $4.086771510e-03, v17;
	v22 =	vor.u32 $0x7C08, v4;
	[tilespmem:v21+s23+$0x0] =	vst.idx.msk $0xffff, v3  }
0x199: {  	v18 =	vmul.f32 $2.034683710e-04, v17;
	[tilespmem:$0x1FC80] =	vst v22  }
0x19a: {  	v19 =	vpop (erf);
	v1 =	vmul.f32 v0, v2;
	v2 =	vmul.f32 $1.503439150e-03, v17;
	v21 =	vor.u32 $0x7C09, v4;
	[tilespmem:v23+s23+$0x0] =	vst.idx.msk $0xffff, v0  }
0x19b: {  	v3 =	vmul.f32 v19, v18;
	[tilespmem:$0x1FC90] =	vst v21  }
0x19c: {  	v18 =	vmul.f32 $7.485182860e-05, v17;
	v0 =	vmul.f32 v1, v2;
	v23 =	vor.u32 $0x7C0A, v4;
	[tilespmem:v24+s23+$0x0] =	vst.idx.msk $0xffff, v1  }
0x19d: {  	[tilespmem:$0x1FCA0] =	vst v23  }
0x19e: {  	v2 =	vmul.f32 $2.753644910e-05, v17;
	v1 =	vmul.f32 v3, v18;
	v24 =	vor.u32 $0x7C0B, v4;
	[tilespmem:v20+s23+$0x0] =	vst.idx.msk $0xffff, v0  }
0x19f: {  	v20 =	vor.u32 $0x7C0C, v4;
	v0 =	vmul.f32 $3.726653180e-06, v17;
	[tilespmem:$0x1FCB0] =	vst v24  }
0x1a0: {  	[tilespmem:v22+s23+$0x0] =	vst.idx.msk $0xffff, v19;
	v2 =	vmul.f32 v1, v2;
	v18 =	vpop (erf);
	v19 =	vor.u32 $0x7C0D, v4  }
0x1a1: {  	[tilespmem:v21+s23+$0x0] =	vst.idx.msk $0xffff, v3;
	v0 =	vmul.f32 v18, v0;
	v3 =	vmul.f32 $1.370959130e-06, v17;
	v21 =	vor.u32 $0x7C0E, v4  }
0x1a2: {  	v22 =	vor.u32 $0x7C0F, v4;
	[tilespmem:v23+s23+$0x0] =	vst.idx.msk $0xffff, v1  }
0x1a3: {  	[tilespmem:v24+s23+$0x0] =	vst.idx.msk $0xffff, v2;
	v1 =	vmul.f32 v0, v3;
	v2 =	vmul.f32 $5.043476680e-07, v17  }
0x1a4: {  	[tilespmem:v20+s23+$0x0] =	vst.idx.msk $0xffff, v18  }
0x1a5: {  	[tilespmem:v19+s23+$0x0] =	vst.idx.msk $0xffff, v0;
	v0 =	vmul.f32 v1, v2  }
0x1a6: {  	s13 =	sshll.u32 s11, $0x1;
	[tilespmem:v21+s23+$0x0] =	vst.idx.msk $0xffff, v1  }
0x1a7: {  	s19 =	sshrl.u32 s11, $0x3;
	s10 =	sadd.s32 s10, s12;
	s13 =	sadd.s32 s1, s13;
	[tilespmem:v22+s23+$0x0] =	vst.idx.msk $0xffff, v0  }
0x1a8: {  	[hbm4b:s13+s3] =	stream.linear.scatter [tilespmem:s23], [sflag:$0x3], $0x7D00, $0x38;
	[tilespmem:$0x13A00] =	vst v63  }
0x1a9: {  	s11 =	sadd.s32 s8, s19;
	s10 =	sshrl.u32 s10, $0x3;
	[tilespmem:$0x1FCC0] =	vst v20  }
0x1aa: {  	[hbm4b:s11+s3] =	stream.linear.scatter [tilespmem:s24], [sflag:$0x3], $0x7D0, $0x38;
	[tilespmem:$0x13A00] =	vst v63  }
0x1ab: {  	s30 =	sadd.s32 s5, s10;
	[tilespmem:$0x1FCD0] =	vst v19  }
0x1ac: {  	[tilespmem:s3], [sflag:$0x1] =	stream.linear.gather [hbm4b:s30+s3], $0x7D0, $0x38;
	[tilespmem:$0x13A00] =	vst v63  }
0x1ad: {  	s31 =	sadd.s32 s6, s10;
	[tilespmem:$0x1FCF0] =	vst v22  }
0x1ae: {  	[tilespmem:s17], [sflag:$0x1] =	stream.linear.gather [hbm4b:s31+s3], $0x7D0, $0x38;
	[tilespmem:$0x13A00] =	vst v63  }
0x1af: {  	s10 =	sadd.s32 s7, s10;
	[tilespmem:$0x1FCE0] =	vst v21  }
0x1b0: {  	[tilespmem:s18], [sflag:$0x1] =	stream.linear.gather [hbm4b:s10+s3], $0x7D0, $0x38;
	[tilespmem:$0x13A00] =	vst v63  }
0x1b1: {  	_ =	swait.ge [sflag:s25], $0x7D0  }
0x1b2: {  	[sflag:s25] =	ssyncset.done $0x0  }
0x1b3: {  	[sflag:s25] =	ssyncadd.s32 $0xFFFFF830  }
0x1b4: {  	_ =	swait.ge [sflag:s25], $0x7D0  }
0x1b5: {  	[sflag:s25] =	ssyncset.done $0x0  }
0x1b6: {  	[sflag:s25] =	ssyncadd.s32 $0xFFFFF830  }
0x1b7: {  	_ =	swait.ge [sflag:s25], $0x7D0  }
0x1b8: {  	[sflag:s25] =	ssyncset.done $0x0  }
0x1b9: {  	s10 =	simm.s32 @!p0 $0x4;
	[sflag:s25] =	ssyncadd.s32 $0xFFFFF830  }
0x1ba: {  	_ =	swait.ge @!p0 [sflag:s10], $0x7D00  }
0x1bb: {  	[sflag:s10] =	ssyncset.done @!p0 $0x0  }
0x1bc: {  	[sflag:s10] =	ssyncadd.s32 @!p0 $0xFFFF8300  }
0x1bd: {  	_ =	swait.ge @!p0 [sflag:s10], $0x7D0  }
0x1be: {  	[sflag:s10] =	ssyncset.done @!p0 $0x0  }
0x1bf: {  	s13 =	simm.s32 $0x810;
	[sflag:s10] =	ssyncadd.s32 @!p0 $0xFFFFF830  }
0x1c0: {  	s14 =	simm.s32 $0x1810;
	v0 =	vld [tilespmem:s13+$0x0]  }
0x1c1: {  	v1 =	vld [tilespmem:s14+$0x0]  }
0x1c2: {  	s15 =	simm.s32 $0x2810  }
0x1c3: {  	v2 =	vld [tilespmem:s15+$0x0]  }
0x1c4: {  	v3 =	vld [tilespmem:s14+$0xFFFFFFF0]  }
0x1c5: {  	v17 =	vld [tilespmem:s13+$0xFFFFFFF0]  }
0x1c6: {  	v0 =	vadd.f32 v1, v0  }
0x1c7: {  	v1 =	vld [tilespmem:s15+$0xFFFFFFF0]  }
0x1c8: {  	v0 =	vadd.f32 v2, v0;
	_ =	sdelay $0x1  }
0x1c9: {  	v3 =	vadd.f32 v3, v17;
	v2 =	vshra.s32 v0, $0x1;
	v18 =	vmul.f32 $5.000000000e-01, v0  }
0x1ca: {  	v2 =	vsub.s32 $0x5F3759DF, v2  }
0x1cb: {  	v1 =	vadd.f32 v1, v3;
	v17 =	vmul.f32 v2, v18;
	_ =	sdelay $0x1  }
0x1cc: {  	v19 =	vmul.f32 $5.000000000e-01, v1;
	v3 =	vmul.f32 v2, v17;
	v17 =	vshra.s32 v1, $0x1  }
0x1cd: {  	v17 =	vsub.s32 $0x5F3759DF, v17  }
0x1ce: {  	v3 =	vsub.f32 $1.500000000e+00, v3;
	v20 =	vmul.f32 v17, v19;
	_ =	sdelay $0x1  }
0x1cf: {  	v2 =	vmul.f32 v2, v3;
	v3 =	vmul.f32 v17, v20;
	_ =	sdelay $0x1  }
0x1d0: {  	v20 =	vmul.f32 v2, v18;
	v3 =	vsub.f32 $1.500000000e+00, v3;
	_ =	sdelay $0x1  }
0x1d1: {  	v20 =	vmul.f32 v20, v2;
	v3 =	vmul.f32 v17, v3;
	_ =	sdelay $0x1  }
0x1d2: {  	v17 =	vsub.f32 $1.500000000e+00, v20;
	v20 =	vmul.f32 v3, v19;
	_ =	sdelay $0x1  }
0x1d3: {  	v2 =	vmul.f32 v17, v2;
	v17 =	vmul.f32 v20, v3;
	_ =	sdelay $0x1  }
0x1d4: {  	v18 =	vmul.f32 v2, v18;
	v17 =	vsub.f32 $1.500000000e+00, v17;
	_ =	sdelay $0x1  }
0x1d5: {  	v18 =	vmul.f32 v18, v2;
	v3 =	vmul.f32 v17, v3;
	_ =	sdelay $0x1  }
0x1d6: {  	v17 =	vsub.f32 $1.500000000e+00, v18;
	v18 =	vmul.f32 v3, v19;
	_ =	sdelay $0x1  }
0x1d7: {  	v2 =	vmul.f32 v17, v2;
	v17 =	vmul.f32 v18, v3;
	_ =	sdelay $0x1  }
0x1d8: {  	v0 =	vmul.f32 v2, v0;
	v2 =	vsub.f32 $1.500000000e+00, v17;
	_ =	sdelay $0x1  }
0x1d9: {  	v17 =	vmul.f32 $1.060660120e+00, v0;
	v2 =	vmul.f32 v2, v3  }
0x1da: {  	v3 =	vmul.f32 $1.500000000e+00, v0;
	v0 =	vmul.f32 $1.000000010e-01, v0  }
0x1db: {  	v18 =	vsub.f32 $0.0e+00, v17;
	v1 =	vmul.f32 v2, v1  }
0x1dc: {  	v2 =	vmul.f32 $1.442695020e+00, v3;
	v19 =	vmul.f32 $2.100000000e+01, v0  }
0x1dd: {  	v20 =	vadd.f32 $-5.656854150e+00, v17;
	v21 =	vsub.f32 $5.656854150e+00, v17;
	v3 =	vmul.f32 v18, v17  }
0x1de: {  	(erf) = vpow2.f32 v2;
	v2 =	vadd.f32 $-2.828427080e+00, v17;
	v18 =	vsub.f32 $2.828427080e+00, v17  }
0x1df: {  	v22 =	vadd.f32 $-8.485280990e+00, v17;
	v23 =	vmul.f32 $1.060660120e+00, v1;
	v24 =	vmul.f32 $1.500000000e+00, v1  }
0x1e0: {  	vm13 =	vlt.f32 v0, $1.000000000e+00;
	v20 =	vmul.f32 v21, v20;
	v2 =	vmul.f32 v18, v2  }
0x1e1: {  	v19 =	vsub.f32 $4.800000000e+01, v19;
	v1 =	vmul.f32 $1.000000010e-01, v1;
	v3 =	vmul.f32 $1.442695020e+00, v3  }
0x1e2: {  	s14 =	simm.s32 $0x830;
	v25 =	vadd.f32 $-2.828427080e+00, v23;
	v18 =	vmul.f32 v0, v0;
	v2 =	vmul.f32 $1.442695020e+00, v2  }
0x1e3: {  	s10 =	simm.s32 $0x1830;
	v21 =	vld [tilespmem:s14+$0x0];
	v26 =	vsub.f32 $0.0e+00, v23;
	v27 =	vadd.f32 $-5.656854150e+00, v23;
	(erf) = vpow2.f32 v3  }
0x1e4: {  	v28 =	vsub.f32 $5.656854150e+00, v23;
	(erf) = vpow2.f32 v2;
	v2 =	vsub.f32 $8.485280990e+00, v17;
	v17 =	vld [tilespmem:s10+$0x0]  }
0x1e5: {  	s11 =	simm.s32 $0x2830;
	v19 =	vmul.f32 v19, v0;
	v30 =	vadd.f32 $-8.485280990e+00, v23;
	v20 =	vmul.f32 $1.442695020e+00, v20  }
0x1e6: {  	v59 =	vld [tilespmem:s11+$0x0];
	v3 =	vsub.f32 $2.828427080e+00, v23;
	v18 =	vmul.f32 v18, v0;
	v32 =	vmul.f32 v26, v23  }
0x1e7: {  	v23 =	vsub.f32 $8.485280990e+00, v23;
	v27 =	vmul.f32 v28, v27;
	v2 =	vmul.f32 v2, v22  }
0x1e8: {  	v60 =	vadd.f32 $-2.800000000e+01, v19;
	v29 =	vmul.f32 v18, v18;
	v3 =	vmul.f32 v3, v25  }
0x1e9: {  	v0 =	vmul.f32 v23, v30;
	v2 =	vmul.f32 $1.442695020e+00, v2;
	v17 =	vadd.f32 v17, v21  }
0x1ea: {  	v35 =	vld [tilespmem:s10+$0xFFFFFFF0];
	v32 =	vmul.f32 $1.442695020e+00, v32;
	(erf) = vpow2.f32 v20  }
0x1eb: {  	v29 =	vmul.f32 v60, v29;
	v31 =	vpop (erf);
	(erf) = vpow2.f32 v2;
	v2 =	vld [tilespmem:s14+$0xFFFFFFF0];
	v17 =	vadd.f32 v59, v17  }
0x1ec: {  	v57 =	vmov v8;
	v8 =	vld [tilespmem:$0x1FFB0];
	v61 =	vmul.f32 $6.065306660e-01, v31;
	v62 =	vmul.f32 $2.231301670e-01, v31  }
0x1ed: {  	s19 =	simm.s32 $0x100;
	v55 =	vmovc v9;
	v46 =	vld [tilespmem:s11+$0xFFFFFFF0];
	v63 =	vmul.f32 $8.208499850e-02, v31;
	v54 =	vshra.s32 v17, $0x1;
	v37 =	vmul.f32 $5.000000000e-01, v17  }
0x1ee: {  	v9 =	vmul.f32 $1.110899630e-02, v31;
	v21 =	vor.u32 s19, v4;
	v22 =	vpop (erf);
	v26 =	vsub.s32 $0x5F3759DF, v54  }
0x1ef: {  	v20 =	vmul.f32 v22, v61;
	v59 =	vmul.f32 v26, v37  }
0x1f0: {  	v12 =	vmul.f32 $4.086771510e-03, v31;
	v58 =	vmul.f32 $1.503439150e-03, v31;
	v2 =	vadd.f32 v35, v2  }
0x1f1: {  	v42 =	vand.u32 v8, v21;
	v21 =	vpop (erf);
	v44 =	vmul.f32 v20, v62;
	v25 =	vmul.f32 v26, v59  }
0x1f2: {  	v60 =	vmul.f32 $2.034683710e-04, v31;
	v40 =	vmul.f32 v21, v9;
	v2 =	vadd.f32 v46, v2  }
0x1f3: {  	v62 =	vmul.f32 $7.485182860e-05, v31;
	v61 =	vmul.f32 v44, v63;
	v25 =	vsub.f32 $1.500000000e+00, v25  }
0x1f4: {  	v51 =	vmul.f32 v40, v12;
	v54 =	vpop (erf);
	v33 =	vshra.s32 v2, $0x1;
	v34 =	vmul.f32 $5.000000000e-01, v2  }
0x1f5: {  	v53 =	vmul.f32 v54, v60;
	v33 =	vsub.s32 $0x5F3759DF, v33;
	v25 =	vmul.f32 v26, v25  }
0x1f6: {  	v63 =	vmul.f32 v51, v58;
	v8 =	vmul.f32 v33, v34  }
0x1f7: {  	v28 =	vmul.f32 $2.753644910e-05, v31;
	v30 =	vmul.f32 v25, v37  }
0x1f8: {  	v62 =	vmul.f32 v53, v62;
	v35 =	vmul.f32 v33, v8  }
0x1f9: {  	v26 =	vmul.f32 $3.726653180e-06, v31;
	v30 =	vmul.f32 v30, v25  }
0x1fa: {  	v9 =	vmul.f32 $1.370959130e-06, v31;
	[tilespmem:$0x1FD30] =	vst v63;
	v12 =	vmul.f32 v62, v28;
	v63 =	vpop (erf);
	v35 =	vsub.f32 $1.500000000e+00, v35  }
0x1fb: {  	v28 =	vmul.f32 $1.442695020e+00, v24;
	v23 =	vmul.f32 v63, v26;
	v30 =	vsub.f32 $1.500000000e+00, v30  }
0x1fc: {  	v31 =	vmul.f32 $5.043476680e-07, v31;
	v33 =	vmul.f32 v33, v35  }
0x1fd: {  	v24 =	vmul.f32 v23, v9;
	v30 =	vmul.f32 v30, v25  }
0x1fe: {  	v3 =	vmul.f32 $1.442695020e+00, v3;
	v35 =	vmul.f32 v33, v34  }
0x1ff: {  	v36 =	vmul.f32 v24, v31;
	v31 =	vmul.f32 v30, v37  }
0x200: {  	v39 =	vmov v10;
	(erf) = vpow2.f32 v28;
	v28 =	vmul.f32 v35, v33  }
0x201: {  	v38 =	vor.u32 s19, v39;
	(erf) = vpow2.f32 v32;
	v31 =	vmul.f32 v31, v30  }
0x202: {  	(erf) = vpow2.f32 v3;
	v3 =	vmul.f32 $2.100000000e+01, v1;
	v28 =	vsub.f32 $1.500000000e+00, v28  }
0x203: {  	v27 =	vmul.f32 $1.442695020e+00, v27;
	v0 =	vmul.f32 $1.442695020e+00, v0;
	v31 =	vsub.f32 $1.500000000e+00, v31  }
0x204: {  	v9 =	vmovc v39;
	v39 =	vmul.f32 v1, v1;
	v3 =	vsub.f32 $4.800000000e+01, v3;
	v28 =	vmul.f32 v28, v33  }
0x205: {  	(erf) = vpow2.f32 v27;
	v27 =	vmul.f32 v31, v30  }
0x206: {  	v29 =	vadd.f32 $1.000000000e+00, v29;
	v3 =	vmul.f32 v3, v1;
	v33 =	vmul.f32 v28, v34  }
0x207: {  	v31 =	vmul.f32 v39, v1;
	v17 =	vmul.f32 v27, v17  }
0x208: {  	v58 =	vnsel vm13, $0x0, v29;
	(erf) = vpow2.f32 v0;
	v0 =	vmul.f32 v33, v28  }
0x209: {  	v3 =	vadd.f32 $-2.800000000e+01, v3;
	v31 =	vmul.f32 v31, v31;
	v29 =	vmul.f32 $1.060660120e+00, v17  }
0x20a: {  	v0 =	vsub.f32 $1.500000000e+00, v0  }
0x20b: {  	v10 =	vmovc v16;
	v16 =	vmov v7;
	v7 =	vld [tilespmem:$0x1FF90];
	v3 =	vmul.f32 v3, v31;
	v31 =	vsub.f32 $0.0e+00, v29  }
0x20c: {  	v0 =	vmul.f32 v0, v28;
	v28 =	vmul.f32 $1.500000000e+00, v17  }
0x20d: {  	[tilespmem:$0x1FD50] =	vst v38;
	v35 =	vadd.f32 $-2.828427080e+00, v29;
	v38 =	vsub.f32 $2.828427080e+00, v29;
	v31 =	vmul.f32 v31, v29  }
0x20e: {  	v60 =	vor.u32 s19, v56;
	v8 =	vmovc v56;
	v56 =	vmul.f32 v0, v2;
	v0 =	vmul.f32 $1.442695020e+00, v28  }
0x20f: {  	v28 =	vmul.f32 $1.442695020e+00, v31;
	v31 =	vmul.f32 v38, v35  }
0x210: {  	[tilespmem:$0x1FD60] =	vst v12;
	v12 =	vor.u32 s19, v7;
	v33 =	vpop (erf);
	(erf) = vpow2.f32 v0  }
0x211: {  	[tilespmem:$0x1FD70] =	vst v12;
	v2 =	vpop (erf);
	(erf) = vpow2.f32 v28;
	v28 =	vmul.f32 $1.442695020e+00, v31  }
0x212: {  	s30 =	simm.s32 $0x0;
	[tilespmem:$0x1FD80] =	vst v36;
	v37 =	vor.u32 s19, v57;
	v27 =	vor.u32 s19, v16  }
0x213: {  	v12 =	vmovc v16;
	[tilespmem:$0x1FD40] =	vst v37;
	v16 =	vor.u32 s30, v14;
	(erf) = vpow2.f32 v28;
	v28 =	vor.u32 s30, v48  }
0x214: {  	s31 =	simm.s32 $0x13210;
	[tilespmem:$0x1FD90] =	vst v16;
	v38 =	vpop (erf)  }
0x215: {  	v43 =	vor.u32 s19, v15;
	v34 =	vmul.f32 $6.065306660e-01, v33;
	v35 =	vpop (erf);
	v31 =	vmul.f32 $3.726653180e-06, v33;
	[tilespmem:$0x1FD00] =	vst v28  }
0x216: {  	v47 =	vor.u32 s19, v14;
	vm14 =	vlt.f32 v1, $1.000000000e+00;
	v46 =	vor.u32 s19, v48;
	[tilespmem:s31+$0x0] =	vst v58;
	v28 =	vpop (erf)  }
0x217: {  	v1 =	vmul.f32 v2, v34;
	[tilespmem:$0x1FD10] =	vst v28;
	v34 =	vmul.f32 v28, v31;
	v28 =	vor.u32 s30, v41  }
0x218: {  	v49 =	vor.u32 s19, v41;
	[tilespmem:$0x1FD20] =	vst v28  }
0x219: {  	v50 =	vor.u32 s19, v52;
	[tilespmem:v42+s26+$0x0] =	vst.idx.msk $0xffff, v22  }
0x21a: {  	v59 =	vor.u32 s19, v11;
	[tilespmem:v43+s26+$0x0] =	vst.idx.msk $0xffff, v20  }
0x21b: {  	[tilespmem:v47+s26+$0x0] =	vst.idx.msk $0xffff, v44  }
0x21c: {  	[tilespmem:v46+s26+$0x0] =	vst.idx.msk $0xffff, v61  }
0x21d: {  	[tilespmem:v49+s26+$0x0] =	vst.idx.msk $0xffff, v21  }
0x21e: {  	[tilespmem:v50+s26+$0x0] =	vst.idx.msk $0xffff, v40  }
0x21f: {  	[tilespmem:v59+s26+$0x0] =	vst.idx.msk $0xffff, v51  }
0x220: {  	v46 =	vor.u32 s30, v9;
	v9 =	vld [tilespmem:$0x1FD30]  }
0x221: {  	v19 =	vor.u32 s19, v13;
	_ =	sdelay $0x3  }
0x222: {  	[tilespmem:v60+s26+$0x0] =	vst.idx.msk $0xffff, v9  }
0x223: {  	v5 =	vmov v55;
	[tilespmem:v19+s26+$0x0] =	vst.idx.msk $0xffff, v54  }
0x224: {  	v50 =	vor.u32 s30, v5;
	v5 =	vld [tilespmem:$0x1FD40];
	_ =	sdelay $0x7  }
0x225: {  	[tilespmem:v5+s26+$0x0] =	vst.idx.msk $0xffff, v53  }
0x226: {  	v5 =	vld [tilespmem:$0x1FD50];
	_ =	sdelay $0x7  }
0x227: {  	[tilespmem:v5+s26+$0x0] =	vst.idx.msk $0xffff, v62  }
0x228: {  	v32 =	vor.u32 s19, v55;
	v5 =	vld [tilespmem:$0x1FD60]  }
0x229: {  	v30 =	vor.u32 s19, v10  }
0x22a: {  	v18 =	vor.u32 s19, v6;
	_ =	sdelay $0x2  }
0x22b: {  	[tilespmem:v32+s26+$0x0] =	vst.idx.msk $0xffff, v5  }
0x22c: {  	[tilespmem:v30+s26+$0x0] =	vst.idx.msk $0xffff, v63  }
0x22d: {  	[tilespmem:v18+s26+$0x0] =	vst.idx.msk $0xffff, v23  }
0x22e: {  	v5 =	vld [tilespmem:$0x1FD70];
	_ =	sdelay $0x1  }
0x22f: {  	v39 =	vor.u32 s30, v4;
	v36 =	vmul.f32 $1.110899630e-02, v33  }
0x230: {  	v37 =	vmul.f32 $2.034683710e-04, v33;
	v55 =	vsub.f32 $5.656854150e+00, v29;
	v0 =	vadd.f32 $-5.656854150e+00, v29  }
0x231: {  	v26 =	vand.u32 v45, v39;
	v17 =	vmul.f32 $1.000000010e-01, v17;
	v45 =	vmul.f32 v38, v36  }
0x232: {  	v0 =	vmul.f32 v55, v0;
	v22 =	vmul.f32 $4.086771510e-03, v33  }
0x233: {  	v37 =	vmul.f32 v35, v37;
	v20 =	vmul.f32 $7.485182860e-05, v33  }
0x234: {  	v55 =	vmul.f32 v45, v22;
	v22 =	vmul.f32 $2.100000000e+01, v17  }
0x235: {  	v36 =	vmovc v52;
	v42 =	vor.u32 s30, v52;
	v52 =	vmul.f32 v37, v20;
	v20 =	vmul.f32 $1.370959130e-06, v33;
	[tilespmem:v5+s26+$0x0] =	vst.idx.msk $0xffff, v24  }
0x236: {  	v21 =	vsub.f32 $4.800000000e+01, v22;
	v19 =	vmul.f32 v17, v17;
	v39 =	vld [tilespmem:$0x1FD80]  }
0x237: {  	v40 =	vmul.f32 v34, v20  }
0x238: {  	v20 =	vmul.f32 v21, v17;
	v19 =	vmul.f32 v19, v17;
	_ =	sdelay $0x1  }
0x239: {  	v22 =	vadd.f32 $-2.800000000e+01, v20;
	v30 =	vmul.f32 v19, v19  }
0x23a: {  	s15 =	simm.s32 $0x300;
	[tilespmem:v27+s26+$0x0] =	vst.idx.msk $0xffff, v39  }
0x23b: {  	v3 =	vadd.f32 $1.000000000e+00, v3;
	v23 =	vmul.f32 v22, v30;
	v30 =	vor.u32 s15, v4;
	v4 =	vld [tilespmem:$0x1FFB0];
	_ =	sdelay $0x1  }
0x23c: {  	v25 =	vor.u32 s30, v15;
	v3 =	vnsel vm14, $0x0, v3;
	v28 =	vmul.f32 $2.231301670e-01, v33  }
0x23d: {  	vm15 =	vlt.f32 v17, $1.000000000e+00;
	v31 =	vadd.f32 $-8.485280990e+00, v29;
	v29 =	vsub.f32 $8.485280990e+00, v29  }
0x23e: {  	v16 =	vmovc v48;
	v48 =	vor.u32 s30, v13;
	v0 =	vmul.f32 $1.442695020e+00, v0;
	v58 =	vmul.f32 v1, v28  }
0x23f: {  	v43 =	vor.u32 s30, v11;
	v27 =	vmul.f32 v29, v31;
	v29 =	vand.u32 v4, v30  }
0x240: {  	v28 =	vmul.f32 $1.060660120e+00, v56;
	v22 =	vpop (erf);
	v23 =	vadd.f32 $1.000000000e+00, v23;
	v24 =	vor.u32 s15, v15;
	[tilespmem:s31+$0xFFFFFFF0] =	vst v3  }
0x241: {  	v47 =	vor.u32 s30, v8;
	v44 =	vor.u32 s30, v10;
	[tilespmem:v26+s26+$0x0] =	vst.idx.msk $0xffff, v2;
	v30 =	vmul.f32 $6.065306660e-01, v22  }
0x242: {  	s13 =	simm.s32 $0x13230;
	v61 =	vmul.f32 $8.208499850e-02, v33;
	v10 =	vsub.f32 $0.0e+00, v28;
	v31 =	vpop (erf);
	[tilespmem:v25+s26+$0x0] =	vst.idx.msk $0xffff, v1;
	v1 =	vnsel vm15, $0x0, v23  }
0x243: {  	v49 =	vor.u32 s30, v57;
	v57 =	vmul.f32 $5.043476680e-07, v33;
	[tilespmem:s13+$0x0] =	vst v1;
	v2 =	vmul.f32 v31, v30  }
0x244: {  	v51 =	vor.u32 s30, v6;
	v59 =	vmul.f32 $2.753644910e-05, v33;
	v21 =	vsub.f32 $2.828427080e+00, v28;
	[tilespmem:v29+s26+$0x0] =	vst.idx.msk $0xffff, v31  }
0x245: {  	v20 =	vadd.f32 $-2.828427080e+00, v28;
	v60 =	vmul.f32 $1.503439150e-03, v33;
	v54 =	vor.u32 s30, v12;
	[tilespmem:v24+s26+$0x0] =	vst.idx.msk $0xffff, v2  }
0x246: {  	v53 =	vor.u32 s30, v7;
	v62 =	vmul.f32 $1.500000000e+00, v56;
	v26 =	vor.u32 s15, v41;
	v41 =	vld [tilespmem:$0x1FD90]  }
0x247: {  	v19 =	vadd.f32 $-5.656854150e+00, v28;
	v17 =	vmul.f32 $2.231301670e-01, v22;
	v3 =	vor.u32 s15, v14  }
0x248: {  	(erf) = vpow2.f32 v0;
	v0 =	vmul.f32 $1.442695020e+00, v27;
	v25 =	vor.u32 s15, v16  }
0x249: {  	v63 =	vsub.f32 $5.656854150e+00, v28;
	v1 =	vmul.f32 $8.208499850e-02, v22;
	v17 =	vmul.f32 v2, v17  }
0x24a: {  	v18 =	vadd.f32 $-8.485280990e+00, v28;
	(erf) = vpow2.f32 v0;
	v0 =	vmul.f32 $1.110899630e-02, v22  }
0x24b: {  	v32 =	vmul.f32 $1.503439150e-03, v22;
	v27 =	vor.u32 s15, v8;
	v31 =	vpop (erf);
	v1 =	vmul.f32 v17, v1  }
0x24c: {  	v23 =	vsub.f32 $8.485280990e+00, v28;
	v2 =	vmul.f32 $4.086771510e-03, v22;
	v30 =	vmul.f32 v31, v0;
	[tilespmem:v3+s26+$0x0] =	vst.idx.msk $0xffff, v17  }
0x24d: {  	v29 =	vor.u32 s15, v36;
	v24 =	vmul.f32 v10, v28;
	v28 =	vor.u32 s15, v11;
	[tilespmem:v25+s26+$0x0] =	vst.idx.msk $0xffff, v1  }
0x24e: {  	s29 =	simm.s32 $0x2;
	s14 =	simm.s32 $0x200;
	s19 =	simm.s32 $0x850;
	v33 =	vmul.f32 v30, v2;
	v25 =	vor.u32 s15, v13;
	v1 =	vmul.f32 $2.034683710e-04, v22;
	[tilespmem:v41+s26+$0x0] =	vst.idx.msk $0xffff, v58  }
.LBB2_5:
0x24f: {  	v0 =	vld [tilespmem:s19+$0x0]  }
0x250: {  	v15 =	vld [tilespmem:$0x1FF40]  }
0x251: {  	v16 =	vld [tilespmem:$0x1FF50]  }
0x252: {  	v8 =	vld [tilespmem:$0x1FF60]  }
0x253: {  	v9 =	vld [tilespmem:$0x1FF70]  }
0x254: {  	v36 =	vld [tilespmem:s19+$0xFFFFFFF0]  }
0x255: {  	[tilespmem:v26+s26+$0x0] =	vst.idx.msk $0xffff, v31;
	v17 =	vmul.f32 $7.485182860e-05, v22;
	s10 =	sadd.s32 $0x20, s10;
	v11 =	vld [tilespmem:$0x1FF80];
	v2 =	vmul.f32 v21, v20  }
0x256: {  	v21 =	vld [tilespmem:s10+$0x0];
	v26 =	vmul.f32 v33, v32;
	v19 =	vmul.f32 v63, v19  }
0x257: {  	v5 =	vld [tilespmem:$0x1FF90];
	[tilespmem:v29+s26+$0x0] =	vst.idx.msk $0xffff, v30;
	v23 =	vmul.f32 v23, v18;
	v18 =	vmul.f32 $1.370959130e-06, v22;
	v20 =	vpop (erf);
	v3 =	vor.u32 s15, v15  }
0x258: {  	s11 =	sadd.s32 $0x20, s11;
	v7 =	vld [tilespmem:$0x1FFA0];
	[tilespmem:v28+s26+$0x0] =	vst.idx.msk $0xffff, v33;
	v28 =	vmul.f32 $2.753644910e-05, v22;
	v1 =	vmul.f32 v20, v1;
	v29 =	vor.u32 s15, v16  }
0x259: {  	v13 =	vld [tilespmem:s11+$0x0];
	[tilespmem:v27+s26+$0x0] =	vst.idx.msk $0xffff, v26;
	v27 =	vmul.f32 $3.726653180e-06, v22;
	v22 =	vmul.f32 $5.043476680e-07, v22;
	v31 =	vor.u32 s15, v8  }
0x25a: {  	v30 =	vld [tilespmem:s10+$0xFFFFFFF0];
	v2 =	vmul.f32 $1.442695020e+00, v2;
	v17 =	vmul.f32 v1, v17;
	v26 =	vor.u32 s15, v9  }
0x25b: {  	v14 =	vpop (erf);
	[tilespmem:v25+s26+$0x0] =	vst.idx.msk $0xffff, v20;
	v20 =	vor.u32 s15, v11;
	v0 =	vadd.f32 v21, v0;
	v21 =	vmul.f32 $1.442695020e+00, v62  }
0x25c: {  	v25 =	vld [tilespmem:s11+$0xFFFFFFF0];
	[tilespmem:v3+s26+$0x0] =	vst.idx.msk $0xffff, v1;
	v1 =	vmul.f32 v17, v28;
	v3 =	vmul.f32 v14, v27  }
0x25d: {  	v23 =	vmul.f32 $1.442695020e+00, v23;
	(erf) = vpow2.f32 v21;
	v27 =	vor.u32 s15, v5;
	[tilespmem:v29+s26+$0x0] =	vst.idx.msk $0xffff, v17  }
0x25e: {  	v17 =	vor.u32 s15, v7;
	[tilespmem:v31+s26+$0x0] =	vst.idx.msk $0xffff, v1;
	v1 =	vmul.f32 v3, v18;
	v18 =	vadd.f32 v13, v0  }
0x25f: {  	v4 =	vld [tilespmem:$0x1FD00];
	v0 =	vmul.f32 $1.442695020e+00, v24;
	v24 =	vadd.f32 v30, v36;
	v30 =	vmul.f32 v40, v57;
	[tilespmem:v26+s26+$0x0] =	vst.idx.msk $0xffff, v14  }
0x260: {  	v26 =	vmul.f32 $1.442695020e+00, v19;
	[tilespmem:v20+s26+$0x0] =	vst.idx.msk $0xffff, v3;
	v3 =	vmul.f32 v1, v22  }
0x261: {  	v19 =	vshra.s32 v18, $0x1;
	v22 =	vmul.f32 $5.000000000e-01, v18;
	v20 =	vadd.f32 v25, v24  }
0x262: {  	(erf) = vpow2.f32 v0;
	v24 =	vmul.f32 v58, v61;
	[tilespmem:v27+s26+$0x0] =	vst.idx.msk $0xffff, v1;
	v1 =	vsub.s32 $0x5F3759DF, v19  }
0x263: {  	(erf) = vpow2.f32 v2;
	[tilespmem:v17+s26+$0x0] =	vst.idx.msk $0xffff, v3;
	v3 =	vmul.f32 v1, v22  }
0x264: {  	v41 =	vld [tilespmem:$0x1FFF0];
	v0 =	vshra.s32 v20, $0x1;
	v17 =	vmul.f32 $5.000000000e-01, v20;
	(erf) = vpow2.f32 v26  }
0x265: {  	v10 =	vld [tilespmem:$0x1FF30];
	v0 =	vsub.s32 $0x5F3759DF, v0;
	(erf) = vpow2.f32 v23;
	v2 =	vmul.f32 v1, v3  }
0x266: {  	v23 =	vmul.f32 $1.000000010e-01, v56;
	v56 =	vld [tilespmem:$0x1FD20];
	v3 =	vmul.f32 v0, v17  }
0x267: {  	v27 =	vmul.f32 v52, v59;
	v26 =	vmul.f32 v55, v60;
	[tilespmem:v4+s26+$0x0] =	vst.idx.msk $0xffff, v24;
	v4 =	vld [tilespmem:$0x1FFD0];
	v29 =	vpop (erf);
	v2 =	vsub.f32 $1.500000000e+00, v2  }
0x268: {  	v6 =	vld [tilespmem:$0x1FFC0];
	v31 =	vmul.f32 $1.110899630e-02, v29;
	v3 =	vmul.f32 v0, v3  }
0x269: {  	v28 =	vor.u32 s14, v41;
	v59 =	vmul.f32 $2.034683710e-04, v29;
	v1 =	vmul.f32 v1, v2  }
0x26a: {  	v61 =	vmul.f32 $3.726653180e-06, v29;
	v2 =	vmul.f32 $2.100000000e+01, v23;
	v3 =	vsub.f32 $1.500000000e+00, v3  }
0x26b: {  	v39 =	vld [tilespmem:$0x1FFE0];
	v19 =	vand.u32 v10, v28;
	v12 =	vmul.f32 v23, v23;
	v28 =	vmul.f32 v1, v22  }
0x26c: {  	v36 =	vld [tilespmem:$0x1FEE0];
	v57 =	vor.u32 s14, v4;
	v2 =	vsub.f32 $4.800000000e+01, v2;
	v0 =	vmul.f32 v0, v3  }
0x26d: {  	v21 =	vor.u32 s14, v6;
	v13 =	vld [tilespmem:$0x1FF10];
	[tilespmem:$0x1FD00] =	vst v57;
	v3 =	vmul.f32 v12, v23;
	v28 =	vmul.f32 v28, v1  }
0x26e: {  	v10 =	vld [tilespmem:$0x1FEF0];
	vm0 =	vlt.f32 v23, $1.000000000e+00;
	v24 =	vpop (erf);
	[tilespmem:v56+s26+$0x0] =	vst.idx.msk $0xffff, v38;
	v2 =	vmul.f32 v2, v23;
	v23 =	vmul.f32 v0, v17  }
0x26f: {  	v57 =	vmul.f32 $5.043476680e-07, v29;
	v12 =	vld [tilespmem:$0x1FF00];
	v38 =	vpop (erf);
	[tilespmem:v42+s26+$0x0] =	vst.idx.msk $0xffff, v45;
	v3 =	vmul.f32 v3, v3;
	v28 =	vsub.f32 $1.500000000e+00, v28  }
0x270: {  	v14 =	vld [tilespmem:$0x1FF20];
	v25 =	vor.u32 s14, v39;
	v45 =	vmul.f32 v38, v31;
	[tilespmem:v43+s26+$0x0] =	vst.idx.msk $0xffff, v55;
	v23 =	vmul.f32 v23, v0  }
0x271: {  	v42 =	vor.u32 s14, v36;
	[tilespmem:v47+s26+$0x0] =	vst.idx.msk $0xffff, v26;
	v26 =	vmul.f32 $6.065306660e-01, v29;
	v1 =	vmul.f32 v28, v1  }
0x272: {  	v43 =	vor.u32 s14, v13;
	v2 =	vadd.f32 $-2.800000000e+01, v2;
	v23 =	vsub.f32 $1.500000000e+00, v23  }
0x273: {  	v47 =	vor.u32 s14, v10;
	[tilespmem:v48+s26+$0x0] =	vst.idx.msk $0xffff, v35;
	v35 =	vpop (erf);
	v26 =	vmul.f32 v24, v26;
	v22 =	vmul.f32 v1, v22  }
0x274: {  	v62 =	vld [tilespmem:$0x1FD10];
	v58 =	vor.u32 s14, v12;
	[tilespmem:v49+s26+$0x0] =	vst.idx.msk $0xffff, v37;
	v37 =	vmul.f32 v35, v59;
	v0 =	vmul.f32 v23, v0  }
0x275: {  	v48 =	vor.u32 s14, v14;
	v28 =	vmul.f32 $7.485182860e-05, v29;
	v22 =	vmul.f32 v22, v1  }
0x276: {  	s15 =	sadd.s32 $0x200, s15;
	[tilespmem:$0x1FD20] =	vst v58;
	v49 =	vor.u32 s14, v15;
	v2 =	vmul.f32 v2, v3;
	v17 =	vmul.f32 v0, v17  }
0x277: {  	v59 =	vmul.f32 $2.753644910e-05, v29;
	[tilespmem:v46+s26+$0x0] =	vst.idx.msk $0xffff, v52;
	v23 =	vmul.f32 $2.231301670e-01, v29;
	v22 =	vsub.f32 $1.500000000e+00, v22  }
0x278: {  	v15 =	vor.u32 s15, v39;
	[tilespmem:v50+s26+$0x0] =	vst.idx.msk $0xffff, v27;
	v27 =	vmul.f32 $4.086771510e-03, v29;
	v17 =	vmul.f32 v17, v0  }
0x279: {  	v60 =	vpop (erf);
	v46 =	vor.u32 s14, v16;
	v52 =	vmul.f32 v37, v28;
	[tilespmem:v44+s26+$0x0] =	vst.idx.msk $0xffff, v62;
	v1 =	vmul.f32 v22, v1  }
0x27a: {  	[tilespmem:v51+s26+$0x0] =	vst.idx.msk $0xffff, v34;
	v34 =	vmul.f32 v60, v61;
	v58 =	vmul.f32 v26, v23;
	v3 =	vsub.f32 $1.500000000e+00, v17  }
0x27b: {  	v50 =	vor.u32 s14, v8;
	v55 =	vmul.f32 v45, v27;
	v1 =	vmul.f32 v1, v18  }
0x27c: {  	v2 =	vadd.f32 $1.000000000e+00, v2;
	v61 =	vmul.f32 $8.208499850e-02, v29;
	[tilespmem:v53+s26+$0x0] =	vst.idx.msk $0xffff, v40;
	v0 =	vmul.f32 v3, v0  }
0x27d: {  	v44 =	vor.u32 s14, v9;
	[tilespmem:v54+s26+$0x0] =	vst.idx.msk $0xffff, v30;
	v30 =	vmul.f32 $1.370959130e-06, v29;
	v3 =	vmul.f32 $1.060660120e+00, v1  }
0x27e: {  	v2 =	vnsel vm0, $0x0, v2;
	v56 =	vmul.f32 v0, v20;
	v0 =	vmul.f32 $1.500000000e+00, v1  }
0x27f: {  	v63 =	vmovc v60;
	v51 =	vor.u32 s14, v11;
	v60 =	vmul.f32 $1.503439150e-03, v29;
	[tilespmem:s13+$0xFFFFFFF0] =	vst v2;
	v2 =	vsub.f32 $0.0e+00, v3  }
0x280: {  	v27 =	vor.u32 s15, v6;
	v40 =	vmul.f32 v34, v30;
	v0 =	vmul.f32 $1.442695020e+00, v0  }
0x281: {  	v53 =	vor.u32 s14, v5;
	v1 =	vmul.f32 $1.000000010e-01, v1;
	v2 =	vmul.f32 v2, v3  }
0x282: {  	v18 =	vadd.f32 $-2.828427080e+00, v3;
	v22 =	vsub.f32 $2.828427080e+00, v3;
	(erf) = vpow2.f32 v0  }
0x283: {  	v54 =	vor.u32 s14, v7;
	v0 =	vmul.f32 $2.100000000e+01, v1;
	v2 =	vmul.f32 $1.442695020e+00, v2  }
0x284: {  	v29 =	vor.u32 s15, v36;
	v17 =	vmul.f32 $1.060660120e+00, v56;
	v18 =	vmul.f32 v22, v18  }
0x285: {  	[tilespmem:v19+s26+$0x0] =	vst.idx.msk $0xffff, v24;
	v62 =	vmul.f32 $1.500000000e+00, v56;
	v0 =	vsub.f32 $4.800000000e+01, v0;
	(erf) = vpow2.f32 v2  }
0x286: {  	[tilespmem:v21+s26+$0x0] =	vst.idx.msk $0xffff, v26;
	v26 =	vor.u32 s15, v12;
	v22 =	vmul.f32 $1.442695020e+00, v18;
	v2 =	vmul.f32 v1, v1  }
0x287: {  	[tilespmem:v25+s26+$0x0] =	vst.idx.msk $0xffff, v58;
	v23 =	vadd.f32 $-5.656854150e+00, v3;
	v25 =	vsub.f32 $5.656854150e+00, v3;
	v0 =	vmul.f32 v0, v1  }
0x288: {  	v39 =	vld [tilespmem:$0x1FFB0];
	vm15 =	vlt.f32 v1, $1.000000000e+00;
	(erf) = vpow2.f32 v22;
	v2 =	vmul.f32 v2, v1  }
0x289: {  	v24 =	vsub.f32 $0.0e+00, v17;
	v23 =	vmul.f32 v25, v23;
	v25 =	vadd.f32 $-8.485280990e+00, v3  }
0x28a: {  	v3 =	vsub.f32 $8.485280990e+00, v3;
	v0 =	vadd.f32 $-2.800000000e+01, v0;
	v2 =	vmul.f32 v2, v2  }
0x28b: {  	v20 =	vadd.f32 $-2.828427080e+00, v17;
	v21 =	vsub.f32 $2.828427080e+00, v17;
	v23 =	vmul.f32 $1.442695020e+00, v23  }
0x28c: {  	v3 =	vmul.f32 v3, v25;
	v22 =	vpop (erf);
	v0 =	vmul.f32 v0, v2;
	v2 =	vor.u32 s15, v41  }
0x28d: {  	v24 =	vmul.f32 v24, v17;
	v25 =	vmul.f32 $6.065306660e-01, v22;
	v2 =	vand.u32 v39, v2  }
0x28e: {  	v3 =	vmul.f32 $1.442695020e+00, v3;
	(erf) = vpow2.f32 v23;
	v0 =	vadd.f32 $1.000000000e+00, v0;
	v28 =	vpop (erf)  }
0x28f: {  	s29 =	sadd.s32 $0x2, s29;
	v41 =	vor.u32 s15, v4;
	v23 =	vmul.f32 $2.231301670e-01, v22;
	v1 =	vmul.f32 v28, v25  }
0x290: {  	p0 =	slt.u32 s29, $0x7A;
	[tilespmem:$0x1FD10] =	vst v63;
	s13 =	sadd.s32 $0x20, s13;
	(erf) = vpow2.f32 v3;
	v3 =	vmul.f32 $1.110899630e-02, v22;
	v0 =	vnsel vm15, $0x0, v0  }
.Ltmp1:
0x291: {  	v19 =	vadd.f32 $-5.656854150e+00, v17;
	v25 =	vmul.f32 $8.208499850e-02, v22;
	v31 =	vpop (erf);
	[tilespmem:s13+$0x0] =	vst v0;
	v0 =	vmul.f32 v1, v23;
	(pc) =	sbr.rel @p0 .LBB2_5-.Ltmp1, $4  }
0x292: {  	v63 =	vsub.f32 $5.656854150e+00, v17;
	v32 =	vmul.f32 $1.503439150e-03, v22;
	v30 =	vmul.f32 v31, v3;
	[tilespmem:v2+s26+$0x0] =	vst.idx.msk $0xffff, v28  }
0x293: {  	v18 =	vadd.f32 $-8.485280990e+00, v17;
	v2 =	vmul.f32 $4.086771510e-03, v22;
	[tilespmem:v27+s26+$0x0] =	vst.idx.msk $0xffff, v1;
	v1 =	vmul.f32 v0, v25  }
0x294: {  	v23 =	vsub.f32 $8.485280990e+00, v17;
	v28 =	vor.u32 s15, v13;
	v27 =	vor.u32 s15, v10;
	[tilespmem:v15+s26+$0x0] =	vst.idx.msk $0xffff, v0  }
0x295: {  	s19 =	sadd.s32 $0x20, s19;
	s14 =	sadd.s32 $0xFFFFFF00, s15;
	v33 =	vmul.f32 v30, v2;
	v25 =	vor.u32 s15, v14;
	[tilespmem:v41+s26+$0x0] =	vst.idx.msk $0xffff, v1;
	v1 =	vmul.f32 $2.034683710e-04, v22  }
0x296: {  	_ =	sdelay $0x3  }
0x297: {  	[tilespmem:v26+s26+$0x0] =	vst.idx.msk $0xffff, v31  }
0x298: {  	v14 =	vld [tilespmem:$0x1FF40];
	[tilespmem:v29+s26+$0x0] =	vst.idx.msk $0xffff, v30  }
0x299: {  	v39 =	vld [tilespmem:$0x1FF50];
	_ =	sdelay $0x3  }
0x29a: {  	v0 =	vor.u32 s15, v14  }
0x29b: {  	v3 =	vpop (erf);
	v17 =	vmul.f32 v33, v32;
	v26 =	vor.u32 s15, v39  }
0x29c: {  	v2 =	vmul.f32 $7.485182860e-05, v22;
	v1 =	vmul.f32 v3, v1;
	[tilespmem:v28+s26+$0x0] =	vst.idx.msk $0xffff, v33  }
0x29d: {  	v15 =	vld [tilespmem:$0x1FF60];
	[tilespmem:v27+s26+$0x0] =	vst.idx.msk $0xffff, v17  }
0x29e: {  	v2 =	vmul.f32 v1, v2;
	v16 =	vld [tilespmem:$0x1FF70];
	[tilespmem:v25+s26+$0x0] =	vst.idx.msk $0xffff, v3  }
0x29f: {  	v9 =	vld [tilespmem:$0x1FF80];
	[tilespmem:v0+s26+$0x0] =	vst.idx.msk $0xffff, v1  }
0x2a0: {  	v11 =	vld [tilespmem:$0x1FF90];
	[tilespmem:v26+s26+$0x0] =	vst.idx.msk $0xffff, v2  }
0x2a1: {  	v26 =	vld [tilespmem:$0x1FFA0]  }
0x2a2: {  	v29 =	vor.u32 s15, v15  }
0x2a3: {  	v36 =	vmul.f32 $2.753644910e-05, v22;
	v41 =	vmul.f32 $3.726653180e-06, v22;
	v17 =	vor.u32 s15, v16  }
0x2a4: {  	v31 =	vmul.f32 $1.370959130e-06, v22;
	v30 =	vpop (erf);
	v3 =	vor.u32 s15, v9  }
0x2a5: {  	v33 =	vmul.f32 v30, v41;
	v32 =	vmul.f32 v2, v36;
	v36 =	vor.u32 s15, v11  }
0x2a6: {  	v41 =	vor.u32 s15, v26  }
0x2a7: {  	v28 =	vmul.f32 v33, v31;
	[tilespmem:v29+s26+$0x0] =	vst.idx.msk $0xffff, v32;
	v29 =	vmul.f32 $5.043476680e-07, v22  }
0x2a8: {  	[tilespmem:v17+s26+$0x0] =	vst.idx.msk $0xffff, v30  }
0x2a9: {  	[tilespmem:v3+s26+$0x0] =	vst.idx.msk $0xffff, v33;
	v3 =	vmul.f32 v28, v29  }
0x2aa: {  	[tilespmem:v36+s26+$0x0] =	vst.idx.msk $0xffff, v28  }
0x2ab: {  	[tilespmem:v41+s26+$0x0] =	vst.idx.msk $0xffff, v3  }
0x2ac: {  	v2 =	vld [tilespmem:$0x1FD00];
	_ =	sdelay $0x5  }
0x2ad: {  	v31 =	vmul.f32 v58, v61;
	_ =	sdelay $0x1  }
0x2ae: {  	[tilespmem:v2+s26+$0x0] =	vst.idx.msk $0xffff, v31  }
0x2af: {  	v2 =	vld [tilespmem:$0x1FD20];
	_ =	sdelay $0x7  }
0x2b0: {  	v32 =	vmul.f32 $1.000000010e-01, v56;
	[tilespmem:v2+s26+$0x0] =	vst.idx.msk $0xffff, v38  }
0x2b1: {  	v17 =	vmul.f32 v21, v20;
	[tilespmem:v42+s26+$0x0] =	vst.idx.msk $0xffff, v45;
	v42 =	vmul.f32 v55, v60  }
0x2b2: {  	v3 =	vmul.f32 v32, v32;
	[tilespmem:v43+s26+$0x0] =	vst.idx.msk $0xffff, v55  }
0x2b3: {  	v41 =	vmul.f32 $1.442695020e+00, v17;
	v17 =	vmul.f32 v63, v19;
	[tilespmem:v47+s26+$0x0] =	vst.idx.msk $0xffff, v42  }
0x2b4: {  	v30 =	vmul.f32 $1.442695020e+00, v62;
	v45 =	vmul.f32 v3, v32;
	[tilespmem:v48+s26+$0x0] =	vst.idx.msk $0xffff, v35  }
0x2b5: {  	v3 =	vmul.f32 $1.442695020e+00, v17;
	v17 =	vmul.f32 v52, v59;
	[tilespmem:v49+s26+$0x0] =	vst.idx.msk $0xffff, v37  }
0x2b6: {  	[tilespmem:v46+s26+$0x0] =	vst.idx.msk $0xffff, v52  }
0x2b7: {  	v33 =	vmul.f32 $1.442695020e+00, v24;
	(erf) = vpow2.f32 v30;
	v4 =	vld [tilespmem:$0x1FFF0];
	[tilespmem:v50+s26+$0x0] =	vst.idx.msk $0xffff, v17  }
0x2b8: {  	v36 =	vmul.f32 $2.100000000e+01, v32;
	v5 =	vld [tilespmem:$0x1FD10]  }
0x2b9: {  	(erf) = vpow2.f32 v33  }
0x2ba: {  	v0 =	vsub.f32 $4.800000000e+01, v36;
	_ =	sdelay $0x1  }
0x2bb: {  	v0 =	vmul.f32 v0, v32;
	v37 =	vld [tilespmem:$0x1FF30]  }
0x2bc: {  	[tilespmem:v44+s26+$0x0] =	vst.idx.msk $0xffff, v5  }
0x2bd: {  	v0 =	vadd.f32 $-2.800000000e+01, v0;
	v1 =	vmul.f32 v45, v45;
	v5 =	vld [tilespmem:$0x1FFC0];
	[tilespmem:v51+s26+$0x0] =	vst.idx.msk $0xffff, v34  }
0x2be: {  	(erf) = vpow2.f32 v41;
	v47 =	vmul.f32 v23, v18;
	v6 =	vld [tilespmem:$0x1FFE0];
	[tilespmem:v53+s26+$0x0] =	vst.idx.msk $0xffff, v40  }
0x2bf: {  	(erf) = vpow2.f32 v3;
	v48 =	vpop (erf);
	v0 =	vmul.f32 v0, v1;
	v18 =	vor.u32 s14, v4;
	v7 =	vld [tilespmem:$0x1FFD0]  }
0x2c0: {  	v2 =	vmul.f32 $1.442695020e+00, v47;
	v49 =	vmul.f32 $6.065306660e-01, v48;
	v3 =	vand.u32 v37, v18  }
0x2c1: {  	vm0 =	vlt.f32 v32, $1.000000000e+00;
	v19 =	vmul.f32 v40, v57;
	v50 =	vpop (erf);
	v0 =	vadd.f32 $1.000000000e+00, v0  }
0x2c2: {  	(erf) = vpow2.f32 v2;
	v2 =	vmul.f32 v50, v49;
	v17 =	vor.u32 s14, v5  }
0x2c3: {  	v0 =	vnsel vm0, $0x0, v0;
	v51 =	vmul.f32 $2.231301670e-01, v48;
	[tilespmem:v54+s26+$0x0] =	vst.idx.msk $0xffff, v19;
	v18 =	vor.u32 s14, v6  }
0x2c4: {  	v35 =	vld [tilespmem:$0x1FF00];
	[tilespmem:s13+$0xFFFFFFF0] =	vst v0;
	v52 =	vor.u32 s14, v7  }
0x2c5: {  	v56 =	vmul.f32 $8.208499850e-02, v48;
	v20 =	vmul.f32 v2, v51;
	[tilespmem:v3+s26+$0x0] =	vst.idx.msk $0xffff, v50  }
0x2c6: {  	v33 =	vld [tilespmem:$0x1FEE0]  }
0x2c7: {  	v0 =	vmul.f32 v20, v56;
	v10 =	vld [tilespmem:$0x1FF10];
	[tilespmem:v17+s26+$0x0] =	vst.idx.msk $0xffff, v2  }
0x2c8: {  	[tilespmem:v18+s26+$0x0] =	vst.idx.msk $0xffff, v20  }
0x2c9: {  	v34 =	vld [tilespmem:$0x1FEF0];
	[tilespmem:v52+s26+$0x0] =	vst.idx.msk $0xffff, v0  }
0x2ca: {  	v12 =	vld [tilespmem:$0x1FF20]  }
0x2cb: {  	v53 =	vmul.f32 $1.110899630e-02, v48;
	v19 =	vor.u32 s14, v35  }
0x2cc: {  	v55 =	vpop (erf);
	v3 =	vor.u32 s14, v33  }
0x2cd: {  	v59 =	vmul.f32 $4.086771510e-03, v48;
	v57 =	vmul.f32 v55, v53;
	v58 =	vor.u32 s14, v10  }
0x2ce: {  	v17 =	vmul.f32 $2.034683710e-04, v48;
	v18 =	vor.u32 s14, v34  }
0x2cf: {  	v62 =	vmul.f32 $1.503439150e-03, v48;
	v60 =	vpop (erf);
	v2 =	vmul.f32 v57, v59;
	v61 =	vor.u32 s14, v12  }
0x2d0: {  	v17 =	vmul.f32 v60, v17;
	[tilespmem:v19+s26+$0x0] =	vst.idx.msk $0xffff, v55;
	v19 =	vor.u32 s14, v14  }
0x2d1: {  	v63 =	vor.u32 s14, v39;
	v28 =	vmul.f32 v2, v62;
	[tilespmem:v3+s26+$0x0] =	vst.idx.msk $0xffff, v57;
	v3 =	vmul.f32 $7.485182860e-05, v48  }
0x2d2: {  	v30 =	vor.u32 s14, v15;
	v29 =	vmul.f32 $3.726653180e-06, v48;
	[tilespmem:v58+s26+$0x0] =	vst.idx.msk $0xffff, v2  }
0x2d3: {  	v32 =	vmul.f32 $2.753644910e-05, v48;
	v31 =	vpop (erf);
	v3 =	vmul.f32 v17, v3;
	[tilespmem:v18+s26+$0x0] =	vst.idx.msk $0xffff, v28;
	v18 =	vor.u32 s14, v16  }
0x2d4: {  	v38 =	vor.u32 s14, v9;
	v36 =	vmul.f32 v31, v29;
	[tilespmem:v61+s26+$0x0] =	vst.idx.msk $0xffff, v60  }
0x2d5: {  	v21 =	vmul.f32 v3, v32;
	[tilespmem:v19+s26+$0x0] =	vst.idx.msk $0xffff, v17;
	v17 =	vmul.f32 $1.370959130e-06, v48;
	v19 =	vor.u32 s14, v11  }
0x2d6: {  	[tilespmem:v63+s26+$0x0] =	vst.idx.msk $0xffff, v3;
	v3 =	vor.u32 s14, v26  }
0x2d7: {  	v1 =	vmul.f32 $5.043476680e-07, v48;
	[tilespmem:v30+s26+$0x0] =	vst.idx.msk $0xffff, v21;
	v40 =	vmul.f32 v36, v17  }
0x2d8: {  	[tilespmem:v18+s26+$0x0] =	vst.idx.msk $0xffff, v31  }
0x2d9: {  	v1 =	vmul.f32 v40, v1;
	[tilespmem:v38+s26+$0x0] =	vst.idx.msk $0xffff, v36  }
0x2da: {  	[tilespmem:v19+s26+$0x0] =	vst.idx.msk $0xffff, v40  }
0x2db: {  	[tilespmem:v3+s26+$0x0] =	vst.idx.msk $0xffff, v1  }
0x2dc: {  	v0 =	vld [tilespmem:$0xFC0]  }
0x2dd: {  	v1 =	vld [tilespmem:$0x1FC0];
	_ =	sdelay $0x1  }
0x2de: {  	v2 =	vld [tilespmem:$0x2FC0];
	_ =	sdelay $0x2  }
0x2df: {  	v0 =	vadd.f32 v1, v0;
	_ =	sdelay $0x1  }
0x2e0: {  	v0 =	vadd.f32 v2, v0;
	_ =	sdelay $0x1  }
0x2e1: {  	v41 =	vshra.s32 v0, $0x1;
	v2 =	vmul.f32 $5.000000000e-01, v0  }
0x2e2: {  	v1 =	vsub.s32 $0x5F3759DF, v41  }
0x2e3: {  	v3 =	vmul.f32 v1, v2;
	_ =	sdelay $0x1  }
0x2e4: {  	v3 =	vmul.f32 v1, v3;
	_ =	sdelay $0x1  }
0x2e5: {  	v3 =	vsub.f32 $1.500000000e+00, v3;
	_ =	sdelay $0x1  }
0x2e6: {  	v1 =	vmul.f32 v1, v3;
	_ =	sdelay $0x1  }
0x2e7: {  	v3 =	vmul.f32 v1, v2;
	_ =	sdelay $0x1  }
0x2e8: {  	v3 =	vmul.f32 v3, v1;
	_ =	sdelay $0x1  }
0x2e9: {  	v3 =	vsub.f32 $1.500000000e+00, v3;
	_ =	sdelay $0x1  }
0x2ea: {  	v1 =	vmul.f32 v3, v1;
	_ =	sdelay $0x1  }
0x2eb: {  	v2 =	vmul.f32 v1, v2;
	_ =	sdelay $0x1  }
0x2ec: {  	v2 =	vmul.f32 v2, v1;
	_ =	sdelay $0x1  }
0x2ed: {  	v2 =	vsub.f32 $1.500000000e+00, v2;
	_ =	sdelay $0x1  }
0x2ee: {  	v1 =	vmul.f32 v2, v1;
	_ =	sdelay $0x1  }
0x2ef: {  	v0 =	vmul.f32 v1, v0;
	_ =	sdelay $0x1  }
0x2f0: {  	v1 =	vmul.f32 $1.060660120e+00, v0  }
0x2f1: {  	v42 =	vmul.f32 $1.500000000e+00, v0  }
0x2f2: {  	v3 =	vsub.f32 $0.0e+00, v1  }
0x2f3: {  	v2 =	vmul.f32 $1.442695020e+00, v42  }
0x2f4: {  	v0 =	vmul.f32 $1.000000010e-01, v0;
	v3 =	vmul.f32 v3, v1  }
0x2f5: {  	v17 =	vadd.f32 $-2.828427080e+00, v1;
	(erf) = vpow2.f32 v2  }
0x2f6: {  	v18 =	vsub.f32 $2.828427080e+00, v1;
	v43 =	vmul.f32 $1.442695020e+00, v3;
	v3 =	vmul.f32 $-2.100000000e+01, v0  }
0x2f7: {  	v19 =	vmul.f32 v0, v0  }
0x2f8: {  	(erf) = vpow2.f32 v43;
	v44 =	vadd.f32 $4.800000000e+01, v3;
	v3 =	vmul.f32 v18, v17  }
0x2f9: {  	v17 =	vmul.f32 v19, v0;
	v18 =	vadd.f32 $-5.656854150e+00, v1;
	v19 =	vsub.f32 $5.656854150e+00, v1  }
0x2fa: {  	v2 =	vmul.f32 v44, v0;
	v3 =	vmul.f32 $1.442695020e+00, v3  }
0x2fb: {  	v18 =	vmul.f32 v19, v18;
	v17 =	vmul.f32 v17, v17;
	_ =	sdelay $0x1  }
0x2fc: {  	v2 =	vadd.f32 $-2.800000000e+01, v2;
	(erf) = vpow2.f32 v3;
	v3 =	vmul.f32 $1.442695020e+00, v18;
	_ =	sdelay $0x1  }
0x2fd: {  	v18 =	vadd.f32 $-8.485280990e+00, v1;
	v1 =	vsub.f32 $8.485280990e+00, v1;
	v2 =	vmul.f32 v2, v17;
	v17 =	vpop (erf)  }
0x2fe: {  	v19 =	vmul.f32 $6.065306660e-01, v17  }
0x2ff: {  	(erf) = vpow2.f32 v3;
	v1 =	vmul.f32 v1, v18;
	v3 =	vpop (erf)  }
0x300: {  	v18 =	vmul.f32 v3, v19;
	v19 =	vmul.f32 $2.231301670e-01, v17;
	_ =	sdelay $0x1  }
0x301: {  	v47 =	vmul.f32 v18, v19;
	v19 =	vmul.f32 $8.208499850e-02, v17  }
0x302: {  	v49 =	vld [tilespmem:$0x1FEC0]  }
0x303: {  	v50 =	vmul.f32 v47, v19;
	v19 =	vld [tilespmem:$0x1FED0];
	_ =	sdelay $0x2  }
0x304: {  	v2 =	vadd.f32 $1.000000000e+00, v2  }
0x305: {  	vm15 =	vlt.f32 v0, $1.000000000e+00  }
0x306: {  	v46 =	vnsel vm15, $0x0, v2  }
0x307: {  	[tilespmem:$0x139C0] =	vst v46  }
0x308: {  	[tilespmem:v49+s26+$0x0] =	vst.idx.msk $0xffff, v3  }
0x309: {  	[tilespmem:v19+s26+$0x0] =	vst.idx.msk $0xffff, v18;
	v19 =	vld [tilespmem:$0x1FC20];
	_ =	sdelay $0x4  }
0x30a: {  	v48 =	vmul.f32 $1.110899630e-02, v17  }
0x30b: {  	v45 =	vmul.f32 $1.442695020e+00, v1;
	v3 =	vpop (erf)  }
0x30c: {  	v1 =	vmul.f32 v3, v48;
	v18 =	vmul.f32 $4.086771510e-03, v17  }
0x30d: {  	[tilespmem:v19+s26+$0x0] =	vst.idx.msk $0xffff, v47;
	v19 =	vld [tilespmem:$0x1FC30]  }
0x30e: {  	v20 =	vld [tilespmem:$0x1FC40];
	v52 =	vmul.f32 v1, v18;
	v18 =	vmul.f32 $1.503439150e-03, v17  }
0x30f: {  	v53 =	vld [tilespmem:$0x1FC50]  }
0x310: {  	v54 =	vmul.f32 v52, v18;
	v18 =	vld [tilespmem:$0x1FC60];
	_ =	sdelay $0x4  }
0x311: {  	[tilespmem:v19+s26+$0x0] =	vst.idx.msk $0xffff, v50  }
0x312: {  	[tilespmem:v20+s26+$0x0] =	vst.idx.msk $0xffff, v3  }
0x313: {  	[tilespmem:v53+s26+$0x0] =	vst.idx.msk $0xffff, v1  }
0x314: {  	[tilespmem:v18+s26+$0x0] =	vst.idx.msk $0xffff, v52;
	v18 =	vld [tilespmem:$0x1FC70];
	_ =	sdelay $0x7  }
0x315: {  	[tilespmem:v18+s26+$0x0] =	vst.idx.msk $0xffff, v54;
	v18 =	vld [tilespmem:$0x1FC80];
	_ =	sdelay $0x5  }
0x316: {  	v51 =	vmul.f32 $2.034683710e-04, v17  }
0x317: {  	v19 =	vpop (erf)  }
0x318: {  	v2 =	vmul.f32 v19, v51;
	[tilespmem:v18+s26+$0x0] =	vst.idx.msk $0xffff, v19;
	v19 =	vld [tilespmem:$0x1FC90];
	_ =	sdelay $0x7  }
0x319: {  	[tilespmem:v19+s26+$0x0] =	vst.idx.msk $0xffff, v2;
	v19 =	vld [tilespmem:$0x1FCA0]  }
0x31a: {  	v58 =	vld [tilespmem:$0x1FCB0];
	_ =	sdelay $0x1  }
0x31b: {  	v3 =	vmul.f32 $7.485182860e-05, v17;
	_ =	sdelay $0x1  }
0x31c: {  	v55 =	vmul.f32 v2, v3;
	v3 =	vmul.f32 $2.753644910e-05, v17;
	_ =	sdelay $0x1  }
0x31d: {  	(erf) = vpow2.f32 v45;
	v3 =	vmul.f32 v55, v3  }
0x31e: {  	[tilespmem:v19+s26+$0x0] =	vst.idx.msk $0xffff, v55  }
0x31f: {  	[tilespmem:v58+s26+$0x0] =	vst.idx.msk $0xffff, v3;
	v3 =	vld [tilespmem:$0x1FCC0];
	_ =	sdelay $0x6  }
0x320: {  	v18 =	vpop (erf)  }
0x321: {  	[tilespmem:v3+s26+$0x0] =	vst.idx.msk $0xffff, v18;
	v3 =	vld [tilespmem:$0x1FCD0]  }
0x322: {  	v62 =	vld [tilespmem:$0x1FCE0]  }
0x323: {  	v63 =	vld [tilespmem:$0x1FCF0];
	v56 =	vmul.f32 $3.726653180e-06, v17;
	_ =	sdelay $0x1  }
0x324: {  	v57 =	vmul.f32 $1.370959130e-06, v17;
	v1 =	vmul.f32 v18, v56;
	_ =	sdelay $0x1  }
0x325: {  	v60 =	vmul.f32 $5.043476680e-07, v17;
	v59 =	vmul.f32 v1, v57  }
0x326: {  	s0 =	sadd.s32 $0x1, s0  }
0x327: {  	s9 =	sshll.u32 s9, $0x1;
	p0 =	sne.s32 s0, $0xC;
	v61 =	vmul.f32 v59, v60;
	[tilespmem:v3+s26+$0x0] =	vst.idx.msk $0xffff, v1  }
.Ltmp2:
0x328: {  	s9 =	sand.u32 $0x1FFFFFE0, s9;
	[tilespmem:v62+s26+$0x0] =	vst.idx.msk $0xffff, v59;
	(pc) =	sbr.rel @p0 .LBB2_2-.Ltmp2, $4  }
0x329: {  	s9 =	sadd.s32 s1, s9;
	[tilespmem:v63+s26+$0x0] =	vst.idx.msk $0xffff, v61  }
0x32a: {  	[hbm4b:s9+s3] =	stream.linear.scatter [tilespmem:s26], [sflag:$0x4], $0x7D00, $0x38;
	[tilespmem:$0x13A00] =	vst v63  }
0x32b: {  	s2 =	sadd.s32 s8, s2;
	v8 =	vmov v9;
	v9 =	vmov v11  }
0x32c: {  	v51 =	vmovc v26;
	v53 =	vmovc v6;
	v17 =	vmov v5;
	v5 =	vmov v7;
	v52 =	vmov v14;
	v55 =	vld [tilespmem:$0x1FFB0];
	[hbm4b:s2+s3] =	stream.linear.scatter [tilespmem:s28], [sflag:$0x4], $0x7D0, $0x38  }
0x32d: {  	_ =	swait.ge [sflag:s22], $0x7D0  }
0x32e: {  	[sflag:s22] =	ssyncset.done $0x0  }
0x32f: {  	[sflag:s22] =	ssyncadd.s32 $0xFFFFF830  }
0x330: {  	_ =	swait.ge [sflag:s22], $0x7D0  }
0x331: {  	[sflag:s22] =	ssyncset.done $0x0  }
0x332: {  	[sflag:s22] =	ssyncadd.s32 $0xFFFFF830  }
0x333: {  	_ =	swait.ge [sflag:s22], $0x7D0  }
0x334: {  	[sflag:s22] =	ssyncset.done $0x0  }
0x335: {  	s15 =	simm.s32 $0x3;
	[sflag:s22] =	ssyncadd.s32 $0xFFFFF830  }
0x336: {  	_ =	swait.ge [sflag:s15], $0x7D00  }
0x337: {  	[sflag:s15] =	ssyncset.done $0x0  }
0x338: {  	[sflag:s15] =	ssyncadd.s32 $0xFFFF8300  }
0x339: {  	_ =	swait.ge [sflag:s15], $0x7D0  }
0x33a: {  	[sflag:s15] =	ssyncset.done $0x0  }
0x33b: {  	s0 =	simm.s32 $0x10;
	[sflag:s15] =	ssyncadd.s32 $0xFFFFF830  }
0x33c: {  	s2 =	simm.s32 $0x1010;
	v0 =	vld [tilespmem:s0+$0x0]  }
0x33d: {  	v1 =	vld [tilespmem:s2+$0x0]  }
0x33e: {  	s9 =	simm.s32 $0x2010  }
0x33f: {  	v2 =	vld [tilespmem:s9+$0x0];
	_ =	sdelay $0x1  }
0x340: {  	v3 =	vld [tilespmem:s2+$0xFFFFFFF0]  }
0x341: {  	v6 =	vmov v17;
	v17 =	vld [tilespmem:s0+$0xFFFFFFF0];
	v0 =	vadd.f32 v1, v0;
	_ =	sdelay $0x1  }
0x342: {  	v1 =	vld [tilespmem:s9+$0xFFFFFFF0];
	v0 =	vadd.f32 v2, v0;
	_ =	sdelay $0x1  }
0x343: {  	v2 =	vshra.s32 v0, $0x1;
	v18 =	vmul.f32 $5.000000000e-01, v0  }
0x344: {  	v3 =	vadd.f32 v3, v17;
	v2 =	vsub.s32 $0x5F3759DF, v2  }
0x345: {  	v17 =	vmul.f32 v2, v18  }
0x346: {  	v1 =	vadd.f32 v1, v3  }
0x347: {  	v3 =	vmul.f32 v2, v17  }
0x348: {  	v19 =	vmul.f32 $5.000000000e-01, v1;
	v17 =	vshra.s32 v1, $0x1  }
0x349: {  	v17 =	vsub.s32 $0x5F3759DF, v17;
	v3 =	vsub.f32 $1.500000000e+00, v3  }
0x34a: {  	v20 =	vmul.f32 v17, v19  }
0x34b: {  	v2 =	vmul.f32 v2, v3  }
0x34c: {  	v3 =	vmul.f32 v17, v20  }
0x34d: {  	v20 =	vmul.f32 v2, v18  }
0x34e: {  	v3 =	vsub.f32 $1.500000000e+00, v3  }
0x34f: {  	v20 =	vmul.f32 v20, v2  }
0x350: {  	v3 =	vmul.f32 v17, v3  }
0x351: {  	v17 =	vsub.f32 $1.500000000e+00, v20  }
0x352: {  	v20 =	vmul.f32 v3, v19  }
0x353: {  	v2 =	vmul.f32 v17, v2  }
0x354: {  	v17 =	vmul.f32 v20, v3  }
0x355: {  	v18 =	vmul.f32 v2, v18  }
0x356: {  	v17 =	vsub.f32 $1.500000000e+00, v17  }
0x357: {  	v18 =	vmul.f32 v18, v2  }
0x358: {  	v3 =	vmul.f32 v17, v3  }
0x359: {  	v17 =	vsub.f32 $1.500000000e+00, v18  }
0x35a: {  	v18 =	vmul.f32 v3, v19  }
0x35b: {  	v2 =	vmul.f32 v17, v2  }
0x35c: {  	v17 =	vmul.f32 v18, v3  }
0x35d: {  	v0 =	vmul.f32 v2, v0  }
0x35e: {  	v2 =	vsub.f32 $1.500000000e+00, v17  }
0x35f: {  	v17 =	vmul.f32 $1.060660120e+00, v0  }
0x360: {  	v2 =	vmul.f32 v2, v3  }
0x361: {  	v3 =	vmul.f32 $1.500000000e+00, v0;
	v18 =	vsub.f32 $0.0e+00, v17  }
0x362: {  	v1 =	vmul.f32 v2, v1  }
0x363: {  	v2 =	vmul.f32 $1.442695020e+00, v3;
	v3 =	vmul.f32 v18, v17  }
0x364: {  	v0 =	vmul.f32 $1.000000010e-01, v0;
	v19 =	vadd.f32 $-2.828427080e+00, v17  }
0x365: {  	v20 =	vsub.f32 $2.828427080e+00, v17;
	(erf) = vpow2.f32 v2;
	v3 =	vmul.f32 $1.442695020e+00, v3  }
0x366: {  	v22 =	vmul.f32 $2.100000000e+01, v0  }
0x367: {  	v19 =	vmul.f32 v20, v19;
	(erf) = vpow2.f32 v3  }
0x368: {  	s10 =	simm.s32 $0x100;
	v20 =	vmul.f32 v0, v0  }
0x369: {  	v7 =	vor.u32 s10, v53;
	v22 =	vsub.f32 $4.800000000e+01, v22;
	v19 =	vmul.f32 $1.442695020e+00, v19  }
0x36a: {  	v25 =	vadd.f32 $-5.656854150e+00, v17;
	v26 =	vsub.f32 $5.656854150e+00, v17;
	v20 =	vmul.f32 v20, v0  }
0x36b: {  	v43 =	vor.u32 s10, v5;
	v22 =	vmul.f32 v22, v0;
	(erf) = vpow2.f32 v19  }
0x36c: {  	v19 =	vmul.f32 v26, v25;
	v25 =	vadd.f32 $-8.485280990e+00, v17;
	v17 =	vsub.f32 $8.485280990e+00, v17  }
0x36d: {  	v44 =	vor.u32 s10, v33;
	v20 =	vmul.f32 v20, v20;
	v22 =	vadd.f32 $-2.800000000e+01, v22  }
0x36e: {  	v46 =	vor.u32 s10, v10;
	v18 =	vmul.f32 $1.060660120e+00, v1;
	v17 =	vmul.f32 v17, v25;
	v26 =	vpop (erf)  }
0x36f: {  	v47 =	vor.u32 s10, v34;
	v20 =	vmul.f32 v22, v20;
	v25 =	vmul.f32 $6.065306660e-01, v26  }
0x370: {  	vm0 =	vlt.f32 v0, $1.000000000e+00;
	v19 =	vmul.f32 $1.442695020e+00, v19;
	v17 =	vmul.f32 $1.442695020e+00, v17;
	v61 =	vpop (erf)  }
0x371: {  	v22 =	vor.u32 s10, v4;
	v0 =	vmul.f32 $2.231301670e-01, v26;
	v58 =	vmul.f32 v61, v25  }
0x372: {  	[tilespmem:$0x1FAE0] =	vst v7;
	v49 =	vand.u32 v55, v22;
	(erf) = vpow2.f32 v19;
	v22 =	vmul.f32 $8.208499850e-02, v26  }
0x373: {  	[tilespmem:$0x1FAF0] =	vst v43;
	v19 =	vadd.f32 $1.000000000e+00, v20;
	(erf) = vpow2.f32 v17;
	v20 =	vmul.f32 v58, v0  }
0x374: {  	v48 =	vor.u32 s10, v12;
	v57 =	vor.u32 s10, v52;
	[tilespmem:$0x1FB20] =	vst v44;
	v23 =	vadd.f32 $-2.828427080e+00, v18  }
0x375: {  	[tilespmem:$0x1FB30] =	vst v46;
	v24 =	vadd.f32 $-5.656854150e+00, v18;
	v0 =	vor.u32 s10, v35;
	v45 =	vmul.f32 v20, v22  }
0x376: {  	v2 =	vmul.f32 $1.500000000e+00, v1;
	v27 =	vsub.f32 $5.656854150e+00, v18;
	v3 =	vsub.f32 $2.828427080e+00, v18;
	[tilespmem:$0x1FB10] =	vst v0  }
0x377: {  	s29 =	simm.s32 $0x30;
	v50 =	vnsel vm0, $0x0, v19;
	v17 =	vmul.f32 $1.110899630e-02, v26;
	v19 =	vmul.f32 $4.086771510e-03, v26;
	[tilespmem:$0x1FB00] =	vst v45  }
0x378: {  	v59 =	vor.u32 s10, v39;
	s0 =	simm.s32 $0x1030;
	v1 =	vmul.f32 $1.000000010e-01, v1;
	v24 =	vmul.f32 v27, v24;
	v62 =	vpop (erf);
	v25 =	vld [tilespmem:s29+$0x0];
	[tilespmem:$0x1FB40] =	vst v47  }
0x379: {  	v60 =	vor.u32 s10, v15;
	v3 =	vmul.f32 v3, v23;
	v54 =	vmul.f32 v62, v17;
	v29 =	vld [tilespmem:s0+$0x0];
	[tilespmem:$0x1FB50] =	vst v48  }
0x37a: {  	s2 =	simm.s32 $0x2030;
	v21 =	vsub.f32 $0.0e+00, v18;
	v2 =	vmul.f32 $1.442695020e+00, v2;
	v24 =	vmul.f32 $1.442695020e+00, v24;
	v23 =	vld [tilespmem:s0+$0xFFFFFFF0];
	[tilespmem:$0x1FB60] =	vst v57  }
0x37b: {  	v28 =	vadd.f32 $-8.485280990e+00, v18;
	v3 =	vmul.f32 $1.442695020e+00, v3;
	v22 =	vmul.f32 v54, v19;
	v19 =	vpop (erf);
	v31 =	vld [tilespmem:s2+$0x0];
	[tilespmem:$0x1FB70] =	vst v59  }
0x37c: {  	v30 =	vmul.f32 $7.485182860e-05, v26;
	v0 =	vsub.f32 $8.485280990e+00, v18;
	v45 =	vmov v35;
	v35 =	vpop (erf);
	v27 =	vld [tilespmem:s29+$0xFFFFFFF0];
	[tilespmem:$0x1FB80] =	vst v60  }
0x37d: {  	v32 =	vmul.f32 $2.753644910e-05, v26;
	v17 =	vmul.f32 v21, v18;
	[tilespmem:$0x1FBB0] =	vst v35  }
0x37e: {  	v21 =	vmul.f32 $2.034683710e-04, v26;
	v0 =	vmul.f32 v0, v28;
	v28 =	vld [tilespmem:s2+$0xFFFFFFF0]  }
0x37f: {  	(erf) = vpow2.f32 v2;
	v17 =	vmul.f32 $1.442695020e+00, v17  }
0x380: {  	v18 =	vmul.f32 $1.503439150e-03, v26;
	v21 =	vmul.f32 v19, v21;
	v25 =	vadd.f32 v29, v25  }
0x381: {  	v11 =	vmul.f32 $3.726653180e-06, v26;
	(erf) = vpow2.f32 v17;
	v23 =	vadd.f32 v23, v27  }
0x382: {  	v63 =	vmul.f32 v22, v18;
	v18 =	vmul.f32 v21, v30;
	v30 =	vadd.f32 v31, v25  }
0x383: {  	(erf) = vpow2.f32 v3;
	v7 =	vmul.f32 v35, v11;
	v28 =	vadd.f32 v28, v23  }
0x384: {  	v29 =	vmul.f32 $1.370959130e-06, v26;
	v25 =	vshra.s32 v30, $0x1;
	v27 =	vmul.f32 $5.000000000e-01, v30  }
0x385: {  	v23 =	vsub.s32 $0x5F3759DF, v25;
	v2 =	vshra.s32 v28, $0x1;
	v31 =	vmul.f32 $5.000000000e-01, v28  }
0x386: {  	v0 =	vmul.f32 $1.442695020e+00, v0;
	v25 =	vmul.f32 v23, v27;
	v2 =	vsub.s32 $0x5F3759DF, v2  }
0x387: {  	[tilespmem:$0x1FBC0] =	vst v7;
	v7 =	vmul.f32 v7, v29;
	v17 =	vmul.f32 v2, v31  }
0x388: {  	v29 =	vmul.f32 $5.043476680e-07, v26;
	v26 =	vmul.f32 v23, v25  }
0x389: {  	(erf) = vpow2.f32 v24;
	v17 =	vmul.f32 v2, v17  }
0x38a: {  	v13 =	vor.u32 s10, v16;
	(erf) = vpow2.f32 v0;
	v3 =	vsub.f32 $1.500000000e+00, v26  }
0x38b: {  	v36 =	vmul.f32 v18, v32;
	v0 =	vsub.f32 $1.500000000e+00, v17;
	v17 =	vmul.f32 v1, v1  }
0x38c: {  	s30 =	simm.s32 $0x0;
	v41 =	vor.u32 s10, v8;
	[tilespmem:$0x1FBA0] =	vst v13;
	v3 =	vmul.f32 v23, v3;
	v23 =	vmul.f32 $2.100000000e+01, v1  }
0x38d: {  	v42 =	vor.u32 s10, v9;
	v43 =	vor.u32 s10, v51;
	v24 =	vor.u32 s30, v4;
	[tilespmem:$0x1FB90] =	vst v36  }
0x38e: {  	v40 =	vmovc v33;
	vm14 =	vlt.f32 v1, $1.000000000e+00;
	[tilespmem:$0x1FBD0] =	vst v41;
	v46 =	vsub.f32 $4.800000000e+01, v23;
	v0 =	vmul.f32 v2, v0  }
0x38f: {  	v47 =	vor.u32 s30, v6;
	[tilespmem:$0x1FBE0] =	vst v42;
	v26 =	vand.u32 v37, v24;
	v2 =	vmul.f32 v17, v1;
	v17 =	vpop (erf)  }
0x390: {  	[tilespmem:$0x1FBF0] =	vst v43;
	v33 =	vmul.f32 v46, v1;
	v1 =	vor.u32 s30, v5;
	v57 =	vmul.f32 v0, v31;
	v24 =	vpop (erf)  }
0x391: {  	v14 =	vmov v39;
	v48 =	vor.u32 s30, v53;
	[tilespmem:$0x1FC00] =	vst v47;
	v39 =	vpop (erf)  }
0x392: {  	v38 =	vmov v34;
	[tilespmem:$0x1FC10] =	vst v48;
	v42 =	vmul.f32 $3.726653180e-06, v17;
	v34 =	vmul.f32 v57, v0;
	v35 =	vpop (erf)  }
0x393: {  	v56 =	vor.u32 s10, v6;
	[tilespmem:$0x1FAB0] =	vst v1;
	v1 =	vpop (erf)  }
0x394: {  	v60 =	vsub.f32 $1.500000000e+00, v34;
	[tilespmem:$0x1FAC0] =	vst v1;
	v34 =	vmul.f32 v1, v42;
	v1 =	vor.u32 s30, v38  }
0x395: {  	s31 =	simm.s32 $0x12A10;
	[tilespmem:$0x1FAD0] =	vst v1  }
0x396: {  	[tilespmem:s31+$0x0] =	vst v50  }
0x397: {  	[tilespmem:v49+s23+$0x0] =	vst.idx.msk $0xffff, v61  }
0x398: {  	[tilespmem:v56+s23+$0x0] =	vst.idx.msk $0xffff, v58  }
0x399: {  	v29 =	vmul.f32 v7, v29;
	v25 =	vmov v7;
	v7 =	vadd.f32 $-2.800000000e+01, v33;
	v33 =	vld [tilespmem:$0x1FAE0];
	_ =	sdelay $0x3  }
0x39a: {  	v44 =	vmul.f32 v3, v27;
	v36 =	vmul.f32 $6.065306660e-01, v17  }
0x39b: {  	v59 =	vmul.f32 $1.110899630e-02, v17;
	v11 =	vmul.f32 $2.231301670e-01, v17  }
0x39c: {  	v32 =	vmul.f32 v44, v3;
	v13 =	vmul.f32 $4.086771510e-03, v17  }
0x39d: {  	v23 =	vmul.f32 v24, v36;
	v44 =	vmul.f32 v39, v59  }
0x39e: {  	v41 =	vmul.f32 $2.034683710e-04, v17;
	[tilespmem:v33+s23+$0x0] =	vst.idx.msk $0xffff, v20  }
0x39f: {  	v57 =	vmul.f32 v23, v11;
	v11 =	vmov v55;
	v55 =	vmul.f32 v44, v13;
	v13 =	vld [tilespmem:$0x1FAF0]  }
0x3a0: {  	v47 =	vmul.f32 $7.485182860e-05, v17;
	v37 =	vmul.f32 v35, v41;
	_ =	sdelay $0x1  }
0x3a1: {  	v1 =	vmov v51;
	v51 =	vmul.f32 v37, v47;
	v47 =	vor.u32 s30, v52;
	v52 =	vld [tilespmem:$0x1FB00];
	_ =	sdelay $0x3  }
0x3a2: {  	v2 =	vmul.f32 v2, v2  }
0x3a3: {  	[tilespmem:v13+s23+$0x0] =	vst.idx.msk $0xffff, v52  }
0x3a4: {  	v2 =	vmul.f32 v7, v2;
	v7 =	vmov v4;
	v4 =	vmov v53;
	v53 =	vld [tilespmem:$0x1FB10];
	_ =	sdelay $0x7  }
0x3a5: {  	[tilespmem:v53+s23+$0x0] =	vst.idx.msk $0xffff, v62  }
0x3a6: {  	v52 =	vor.u32 s30, v8;
	v8 =	vld [tilespmem:$0x1FB20];
	_ =	sdelay $0x7  }
0x3a7: {  	[tilespmem:v8+s23+$0x0] =	vst.idx.msk $0xffff, v54  }
0x3a8: {  	v8 =	vld [tilespmem:$0x1FB30];
	_ =	sdelay $0x7  }
0x3a9: {  	[tilespmem:v8+s23+$0x0] =	vst.idx.msk $0xffff, v22  }
0x3aa: {  	v8 =	vld [tilespmem:$0x1FB40];
	_ =	sdelay $0x7  }
0x3ab: {  	[tilespmem:v8+s23+$0x0] =	vst.idx.msk $0xffff, v63  }
0x3ac: {  	v54 =	vor.u32 s30, v1;
	v1 =	vld [tilespmem:$0x1FB50];
	_ =	sdelay $0x7  }
0x3ad: {  	[tilespmem:v1+s23+$0x0] =	vst.idx.msk $0xffff, v19  }
0x3ae: {  	v1 =	vld [tilespmem:$0x1FB60];
	_ =	sdelay $0x7  }
0x3af: {  	[tilespmem:v1+s23+$0x0] =	vst.idx.msk $0xffff, v21  }
0x3b0: {  	v1 =	vld [tilespmem:$0x1FB70];
	_ =	sdelay $0x7  }
0x3b1: {  	[tilespmem:v1+s23+$0x0] =	vst.idx.msk $0xffff, v18  }
0x3b2: {  	v1 =	vld [tilespmem:$0x1FB80];
	_ =	sdelay $0x2  }
0x3b3: {  	v8 =	vld [tilespmem:$0x1FB90];
	_ =	sdelay $0x4  }
0x3b4: {  	[tilespmem:v1+s23+$0x0] =	vst.idx.msk $0xffff, v8  }
0x3b5: {  	v1 =	vld [tilespmem:$0x1FBA0];
	_ =	sdelay $0x2  }
0x3b6: {  	v8 =	vld [tilespmem:$0x1FBB0];
	_ =	sdelay $0x4  }
0x3b7: {  	v32 =	vsub.f32 $1.500000000e+00, v32;
	[tilespmem:v1+s23+$0x0] =	vst.idx.msk $0xffff, v8  }
0x3b8: {  	v8 =	vld [tilespmem:$0x1FBD0]  }
0x3b9: {  	v3 =	vmul.f32 v32, v3;
	_ =	sdelay $0x1  }
0x3ba: {  	v27 =	vmul.f32 v3, v27;
	v1 =	vld [tilespmem:$0x1FBC0]  }
0x3bb: {  	v0 =	vmul.f32 v60, v0  }
0x3bc: {  	v27 =	vmul.f32 v27, v3  }
0x3bd: {  	v31 =	vmul.f32 v0, v31  }
0x3be: {  	v27 =	vsub.f32 $1.500000000e+00, v27  }
0x3bf: {  	v31 =	vmul.f32 v31, v0;
	[tilespmem:v8+s23+$0x0] =	vst.idx.msk $0xffff, v1  }
0x3c0: {  	v3 =	vmul.f32 v27, v3;
	v1 =	vld [tilespmem:$0x1FBE0]  }
0x3c1: {  	v27 =	vsub.f32 $1.500000000e+00, v31  }
0x3c2: {  	v3 =	vmul.f32 v3, v30  }
0x3c3: {  	v0 =	vmul.f32 v27, v0  }
0x3c4: {  	v27 =	vmul.f32 $1.060660120e+00, v3  }
0x3c5: {  	v61 =	vmul.f32 v0, v28;
	v0 =	vmul.f32 $1.500000000e+00, v3  }
0x3c6: {  	v28 =	vsub.f32 $0.0e+00, v27  }
0x3c7: {  	v48 =	vmul.f32 $1.370959130e-06, v17;
	v0 =	vmul.f32 $1.442695020e+00, v0  }
0x3c8: {  	v3 =	vmul.f32 $1.000000010e-01, v3;
	v20 =	vmul.f32 v28, v27;
	[tilespmem:v1+s23+$0x0] =	vst.idx.msk $0xffff, v25  }
0x3c9: {  	v28 =	vadd.f32 $-2.828427080e+00, v27;
	(erf) = vpow2.f32 v0;
	v0 =	vsub.f32 $2.828427080e+00, v27;
	v1 =	vld [tilespmem:$0x1FBF0]  }
0x3ca: {  	v59 =	vmul.f32 $1.503439150e-03, v17;
	v22 =	vmul.f32 $2.100000000e+01, v3  }
0x3cb: {  	v20 =	vmul.f32 $1.442695020e+00, v20;
	v0 =	vmul.f32 v0, v28  }
0x3cc: {  	v2 =	vadd.f32 $1.000000000e+00, v2;
	v30 =	vmul.f32 v3, v3;
	v22 =	vsub.f32 $4.800000000e+01, v22  }
0x3cd: {  	(erf) = vpow2.f32 v20;
	v0 =	vmul.f32 $1.442695020e+00, v0  }
0x3ce: {  	v2 =	vnsel vm14, $0x0, v2;
	v30 =	vmul.f32 v30, v3;
	v22 =	vmul.f32 v22, v3  }
0x3cf: {  	v31 =	vadd.f32 $-5.656854150e+00, v27;
	(erf) = vpow2.f32 v0;
	v0 =	vsub.f32 $5.656854150e+00, v27;
	[tilespmem:s31+$0xFFFFFFF0] =	vst v2  }
0x3d0: {  	s11 =	simm.s32 $0x300;
	v42 =	vmul.f32 v34, v48;
	v30 =	vmul.f32 v30, v30;
	v22 =	vadd.f32 $-2.800000000e+01, v22;
	[tilespmem:v26+s23+$0x0] =	vst.idx.msk $0xffff, v24  }
0x3d1: {  	v48 =	vor.u32 s30, v14;
	v14 =	vor.u32 s11, v7;
	v0 =	vmul.f32 v0, v31;
	[tilespmem:v1+s23+$0x0] =	vst.idx.msk $0xffff, v29  }
0x3d2: {  	v31 =	vadd.f32 $-8.485280990e+00, v27;
	v27 =	vsub.f32 $8.485280990e+00, v27;
	v30 =	vmul.f32 v22, v30;
	v33 =	vld [tilespmem:$0x1FC00]  }
0x3d3: {  	v60 =	vmul.f32 $8.208499850e-02, v17;
	v13 =	vor.u32 s11, v6;
	v29 =	vand.u32 v11, v14  }
0x3d4: {  	v0 =	vmul.f32 $1.442695020e+00, v0;
	v22 =	vpop (erf);
	v2 =	vmul.f32 v27, v31;
	v27 =	vadd.f32 $1.000000000e+00, v30  }
0x3d5: {  	v50 =	vor.u32 s30, v15;
	vm15 =	vlt.f32 v3, $1.000000000e+00;
	v15 =	vmul.f32 $6.065306660e-01, v22  }
0x3d6: {  	s9 =	simm.s32 $0x12A30;
	v30 =	vpop (erf);
	(erf) = vpow2.f32 v0;
	v0 =	vmul.f32 $1.442695020e+00, v2;
	v2 =	vnsel vm15, $0x0, v27  }
0x3d7: {  	v58 =	vmul.f32 $2.753644910e-05, v17;
	v3 =	vmul.f32 v30, v15;
	[tilespmem:s9+$0x0] =	vst v2  }
0x3d8: {  	v56 =	vmul.f32 $5.043476680e-07, v17;
	v17 =	vmul.f32 $1.060660120e+00, v61;
	[tilespmem:v29+s23+$0x0] =	vst.idx.msk $0xffff, v30  }
0x3d9: {  	v43 =	vor.u32 s30, v10;
	v46 =	vor.u32 s30, v12;
	v36 =	vor.u32 s30, v45;
	[tilespmem:v13+s23+$0x0] =	vst.idx.msk $0xffff, v3  }
0x3da: {  	v41 =	vor.u32 s30, v40;
	v49 =	vor.u32 s30, v16;
	v28 =	vsub.f32 $0.0e+00, v17;
	[tilespmem:v33+s23+$0x0] =	vst.idx.msk $0xffff, v23  }
0x3db: {  	v20 =	vadd.f32 $-2.828427080e+00, v17;
	v24 =	vmul.f32 $2.231301670e-01, v22;
	v1 =	vor.u32 s11, v4;
	v4 =	vld [tilespmem:$0x1FC10]  }
0x3dc: {  	v62 =	vmul.f32 $1.500000000e+00, v61;
	v53 =	vor.u32 s30, v9;
	v32 =	vmul.f32 $1.503439150e-03, v22  }
0x3dd: {  	v25 =	vor.u32 s11, v5;
	v27 =	vmul.f32 v3, v24;
	v2 =	vmul.f32 $8.208499850e-02, v22  }
0x3de: {  	v63 =	vadd.f32 $-5.656854150e+00, v17;
	(erf) = vpow2.f32 v0;
	v0 =	vmul.f32 $1.110899630e-02, v22  }
0x3df: {  	v19 =	vsub.f32 $5.656854150e+00, v17;
	v21 =	vsub.f32 $2.828427080e+00, v17;
	v31 =	vpop (erf);
	v2 =	vmul.f32 v27, v2  }
0x3e0: {  	v18 =	vadd.f32 $-8.485280990e+00, v17;
	v30 =	vmul.f32 v31, v0;
	v3 =	vmul.f32 $4.086771510e-03, v22  }
0x3e1: {  	v26 =	vor.u32 s11, v45;
	v24 =	vmul.f32 v28, v17;
	v28 =	vor.u32 s11, v10;
	[tilespmem:v1+s23+$0x0] =	vst.idx.msk $0xffff, v27  }
0x3e2: {  	v29 =	vor.u32 s11, v40;
	v23 =	vsub.f32 $8.485280990e+00, v17;
	v33 =	vmul.f32 v30, v3;
	[tilespmem:v25+s23+$0x0] =	vst.idx.msk $0xffff, v2  }
0x3e3: {  	s13 =	simm.s32 $0x2;
	s14 =	simm.s32 $0x50;
	s10 =	simm.s32 $0x200;
	v27 =	vor.u32 s11, v38;
	v1 =	vmul.f32 $2.034683710e-04, v22;
	v25 =	vor.u32 s11, v12;
	[tilespmem:v4+s23+$0x0] =	vst.idx.msk $0xffff, v57  }
.LBB2_8:
0x3e4: {  	v0 =	vld [tilespmem:s14+$0x0]  }
0x3e5: {  	v15 =	vld [tilespmem:$0x1FF40]  }
0x3e6: {  	v16 =	vld [tilespmem:$0x1FF50]  }
0x3e7: {  	v8 =	vld [tilespmem:$0x1FF60]  }
0x3e8: {  	v9 =	vld [tilespmem:$0x1FF70]  }
0x3e9: {  	v45 =	vld [tilespmem:s14+$0xFFFFFFF0]  }
0x3ea: {  	[tilespmem:v26+s23+$0x0] =	vst.idx.msk $0xffff, v31;
	v17 =	vmul.f32 $7.485182860e-05, v22;
	s0 =	sadd.s32 $0x20, s0;
	v11 =	vld [tilespmem:$0x1FF80]  }
0x3eb: {  	v2 =	vmul.f32 v21, v20;
	v21 =	vld [tilespmem:s0+$0x0];
	v26 =	vmul.f32 v33, v32  }
0x3ec: {  	v5 =	vld [tilespmem:$0x1FF90];
	[tilespmem:v29+s23+$0x0] =	vst.idx.msk $0xffff, v30;
	v19 =	vmul.f32 v19, v63;
	v23 =	vmul.f32 v23, v18;
	v20 =	vpop (erf);
	v3 =	vor.u32 s11, v15  }
0x3ed: {  	s2 =	sadd.s32 $0x20, s2;
	v7 =	vld [tilespmem:$0x1FFA0];
	v18 =	vmul.f32 $1.370959130e-06, v22;
	[tilespmem:v28+s23+$0x0] =	vst.idx.msk $0xffff, v33;
	v1 =	vmul.f32 v20, v1;
	v29 =	vor.u32 s11, v16  }
0x3ee: {  	v28 =	vmul.f32 $2.753644910e-05, v22;
	v14 =	vld [tilespmem:s2+$0x0];
	[tilespmem:v27+s23+$0x0] =	vst.idx.msk $0xffff, v26;
	v27 =	vmul.f32 $3.726653180e-06, v22;
	v31 =	vor.u32 s11, v8  }
0x3ef: {  	v30 =	vld [tilespmem:s0+$0xFFFFFFF0];
	v22 =	vmul.f32 $5.043476680e-07, v22;
	v17 =	vmul.f32 v1, v17;
	v26 =	vor.u32 s11, v9  }
0x3f0: {  	v38 =	vpop (erf);
	[tilespmem:v25+s23+$0x0] =	vst.idx.msk $0xffff, v20;
	v20 =	vor.u32 s11, v11;
	v0 =	vadd.f32 v21, v0;
	v21 =	vmul.f32 $1.442695020e+00, v62  }
0x3f1: {  	v25 =	vld [tilespmem:s2+$0xFFFFFFF0];
	[tilespmem:v3+s23+$0x0] =	vst.idx.msk $0xffff, v1;
	v1 =	vmul.f32 v17, v28;
	v3 =	vmul.f32 v38, v27;
	v27 =	vor.u32 s11, v5  }
0x3f2: {  	v2 =	vmul.f32 $1.442695020e+00, v2;
	v23 =	vmul.f32 $1.442695020e+00, v23;
	[tilespmem:v29+s23+$0x0] =	vst.idx.msk $0xffff, v17;
	v17 =	vor.u32 s11, v7  }
0x3f3: {  	(erf) = vpow2.f32 v21;
	[tilespmem:v31+s23+$0x0] =	vst.idx.msk $0xffff, v1;
	v1 =	vmul.f32 v3, v18;
	v18 =	vadd.f32 v14, v0  }
0x3f4: {  	v0 =	vmul.f32 $1.442695020e+00, v24;
	v24 =	vadd.f32 v30, v45;
	[tilespmem:v26+s23+$0x0] =	vst.idx.msk $0xffff, v38;
	v26 =	vmul.f32 $1.442695020e+00, v19  }
0x3f5: {  	v6 =	vld [tilespmem:$0x1FFC0];
	[tilespmem:v20+s23+$0x0] =	vst.idx.msk $0xffff, v3;
	v3 =	vmul.f32 v1, v22;
	v19 =	vshra.s32 v18, $0x1;
	v22 =	vmul.f32 $5.000000000e-01, v18  }
0x3f6: {  	v40 =	vld [tilespmem:$0x1FFF0];
	v30 =	vmul.f32 v42, v56;
	v20 =	vadd.f32 v25, v24;
	[tilespmem:v27+s23+$0x0] =	vst.idx.msk $0xffff, v1;
	v1 =	vsub.s32 $0x5F3759DF, v19  }
0x3f7: {  	v4 =	vld [tilespmem:$0x1FAB0];
	(erf) = vpow2.f32 v0;
	[tilespmem:v17+s23+$0x0] =	vst.idx.msk $0xffff, v3;
	v3 =	vmul.f32 v1, v22  }
0x3f8: {  	v10 =	vld [tilespmem:$0x1FF30];
	v24 =	vmul.f32 v57, v60;
	v0 =	vshra.s32 v20, $0x1;
	v17 =	vmul.f32 $5.000000000e-01, v20  }
0x3f9: {  	(erf) = vpow2.f32 v2;
	v0 =	vsub.s32 $0x5F3759DF, v0;
	v2 =	vmul.f32 v1, v3  }
0x3fa: {  	v21 =	vor.u32 s10, v6;
	v38 =	vld [tilespmem:$0x1FFE0];
	(erf) = vpow2.f32 v26;
	v3 =	vmul.f32 v0, v17  }
0x3fb: {  	v27 =	vmul.f32 v51, v58;
	(erf) = vpow2.f32 v23;
	v2 =	vsub.f32 $1.500000000e+00, v2  }
0x3fc: {  	v28 =	vor.u32 s10, v40;
	v58 =	vld [tilespmem:$0x1FAD0];
	v23 =	vmul.f32 $1.000000010e-01, v61;
	v3 =	vmul.f32 v0, v3  }
0x3fd: {  	v19 =	vand.u32 v10, v28;
	v10 =	vld [tilespmem:$0x1FEF0];
	v26 =	vmul.f32 v55, v59;
	v29 =	vpop (erf);
	v1 =	vmul.f32 v1, v2  }
0x3fe: {  	v13 =	vld [tilespmem:$0x1FF10];
	v31 =	vmul.f32 $1.110899630e-02, v29;
	v2 =	vmul.f32 $2.100000000e+01, v23;
	v3 =	vsub.f32 $1.500000000e+00, v3  }
0x3ff: {  	[tilespmem:v4+s23+$0x0] =	vst.idx.msk $0xffff, v24;
	v4 =	vld [tilespmem:$0x1FFD0];
	v25 =	vor.u32 s10, v38;
	v12 =	vmul.f32 v23, v23;
	v28 =	vmul.f32 v1, v22  }
0x400: {  	[tilespmem:v36+s23+$0x0] =	vst.idx.msk $0xffff, v39;
	v36 =	vld [tilespmem:$0x1FEE0];
	v59 =	vmul.f32 $2.034683710e-04, v29;
	v2 =	vsub.f32 $4.800000000e+01, v2;
	v0 =	vmul.f32 v0, v3  }
0x401: {  	[tilespmem:v41+s23+$0x0] =	vst.idx.msk $0xffff, v44;
	vm0 =	vlt.f32 v23, $1.000000000e+00;
	v3 =	vmul.f32 v12, v23;
	v28 =	vmul.f32 v28, v1  }
0x402: {  	[tilespmem:v43+s23+$0x0] =	vst.idx.msk $0xffff, v55;
	v14 =	vor.u32 s10, v10;
	v2 =	vmul.f32 v2, v23;
	v23 =	vmul.f32 v0, v17  }
0x403: {  	v61 =	vmul.f32 $3.726653180e-06, v29;
	v56 =	vmul.f32 $5.043476680e-07, v29;
	[tilespmem:$0x1FAD0] =	vst v14;
	v28 =	vsub.f32 $1.500000000e+00, v28  }
0x404: {  	v43 =	vor.u32 s10, v13;
	v14 =	vld [tilespmem:$0x1FF20];
	[tilespmem:v58+s23+$0x0] =	vst.idx.msk $0xffff, v26;
	v26 =	vmul.f32 $6.065306660e-01, v29;
	v23 =	vmul.f32 v23, v0  }
0x405: {  	v57 =	vor.u32 s10, v4;
	v41 =	vor.u32 s10, v36;
	v24 =	vpop (erf);
	v1 =	vmul.f32 v28, v1  }
0x406: {  	v62 =	vld [tilespmem:$0x1FAC0];
	v58 =	vmul.f32 $2.753644910e-05, v29;
	v39 =	vpop (erf);
	[tilespmem:v46+s23+$0x0] =	vst.idx.msk $0xffff, v35;
	v26 =	vmul.f32 v24, v26;
	v23 =	vsub.f32 $1.500000000e+00, v23  }
0x407: {  	s11 =	sadd.s32 $0x200, s11;
	[tilespmem:v47+s23+$0x0] =	vst.idx.msk $0xffff, v37;
	v44 =	vmul.f32 v39, v31;
	v47 =	vor.u32 s10, v15;
	v22 =	vmul.f32 v1, v22  }
0x408: {  	v35 =	vpop (erf);
	v15 =	vor.u32 s11, v38;
	v3 =	vmul.f32 v3, v3;
	v0 =	vmul.f32 v23, v0  }
0x409: {  	[tilespmem:v48+s23+$0x0] =	vst.idx.msk $0xffff, v51;
	v37 =	vmul.f32 v35, v59;
	v46 =	vor.u32 s10, v14;
	v22 =	vmul.f32 v22, v1  }
0x40a: {  	v12 =	vld [tilespmem:$0x1FF00];
	v48 =	vor.u32 s10, v16;
	v59 =	vmul.f32 $1.503439150e-03, v29;
	[tilespmem:v50+s23+$0x0] =	vst.idx.msk $0xffff, v27;
	v17 =	vmul.f32 v0, v17  }
0x40b: {  	v60 =	vpop (erf);
	v27 =	vmul.f32 $4.086771510e-03, v29;
	v50 =	vor.u32 s10, v8;
	[tilespmem:v49+s23+$0x0] =	vst.idx.msk $0xffff, v62;
	v22 =	vsub.f32 $1.500000000e+00, v22  }
0x40c: {  	v2 =	vadd.f32 $-2.800000000e+01, v2;
	[tilespmem:v52+s23+$0x0] =	vst.idx.msk $0xffff, v34;
	v34 =	vmul.f32 v60, v61;
	v17 =	vmul.f32 v17, v0  }
0x40d: {  	v49 =	vor.u32 s10, v9;
	v55 =	vmul.f32 v44, v27;
	v1 =	vmul.f32 v22, v1  }
0x40e: {  	v63 =	vmovc v60;
	v60 =	vmul.f32 $8.208499850e-02, v29;
	v2 =	vmul.f32 v2, v3;
	v3 =	vsub.f32 $1.500000000e+00, v17  }
0x40f: {  	v45 =	vor.u32 s10, v12;
	[tilespmem:v53+s23+$0x0] =	vst.idx.msk $0xffff, v42;
	v28 =	vmul.f32 $7.485182860e-05, v29;
	v1 =	vmul.f32 v1, v18  }
0x410: {  	[tilespmem:v54+s23+$0x0] =	vst.idx.msk $0xffff, v30;
	v30 =	vmul.f32 $1.370959130e-06, v29;
	v2 =	vadd.f32 $1.000000000e+00, v2;
	v0 =	vmul.f32 v3, v0  }
0x411: {  	v52 =	vor.u32 s10, v11;
	v23 =	vmul.f32 $2.231301670e-01, v29;
	v3 =	vmul.f32 $1.060660120e+00, v1  }
0x412: {  	v2 =	vnsel vm0, $0x0, v2;
	v61 =	vmul.f32 v0, v20;
	v0 =	vmul.f32 $1.500000000e+00, v1  }
0x413: {  	v51 =	vmul.f32 v37, v28;
	v42 =	vmul.f32 v34, v30;
	[tilespmem:s9+$0xFFFFFFF0] =	vst v2;
	v2 =	vsub.f32 $0.0e+00, v3  }
0x414: {  	[tilespmem:$0x1FAB0] =	vst v57;
	v27 =	vor.u32 s11, v6;
	v57 =	vmul.f32 v26, v23;
	v0 =	vmul.f32 $1.442695020e+00, v0  }
0x415: {  	v53 =	vor.u32 s10, v5;
	v1 =	vmul.f32 $1.000000010e-01, v1;
	v2 =	vmul.f32 v2, v3  }
0x416: {  	[tilespmem:v19+s23+$0x0] =	vst.idx.msk $0xffff, v24;
	v18 =	vadd.f32 $-2.828427080e+00, v3;
	v19 =	vsub.f32 $2.828427080e+00, v3;
	(erf) = vpow2.f32 v0  }
0x417: {  	v54 =	vor.u32 s10, v7;
	v0 =	vmul.f32 $2.100000000e+01, v1;
	v2 =	vmul.f32 $1.442695020e+00, v2  }
0x418: {  	v29 =	vor.u32 s11, v36;
	v17 =	vmul.f32 $1.060660120e+00, v61;
	v18 =	vmul.f32 v19, v18  }
0x419: {  	v62 =	vmul.f32 $1.500000000e+00, v61;
	v0 =	vsub.f32 $4.800000000e+01, v0;
	(erf) = vpow2.f32 v2  }
0x41a: {  	[tilespmem:v21+s23+$0x0] =	vst.idx.msk $0xffff, v26;
	v26 =	vor.u32 s11, v12;
	v22 =	vmul.f32 $1.442695020e+00, v18;
	v2 =	vmul.f32 v1, v1  }
0x41b: {  	[tilespmem:v25+s23+$0x0] =	vst.idx.msk $0xffff, v57;
	v23 =	vadd.f32 $-5.656854150e+00, v3;
	v25 =	vsub.f32 $5.656854150e+00, v3;
	v0 =	vmul.f32 v0, v1  }
0x41c: {  	v38 =	vld [tilespmem:$0x1FFB0];
	vm15 =	vlt.f32 v1, $1.000000000e+00;
	(erf) = vpow2.f32 v22;
	v2 =	vmul.f32 v2, v1  }
0x41d: {  	v24 =	vsub.f32 $0.0e+00, v17;
	v23 =	vmul.f32 v25, v23;
	v25 =	vadd.f32 $-8.485280990e+00, v3  }
0x41e: {  	v3 =	vsub.f32 $8.485280990e+00, v3;
	v0 =	vadd.f32 $-2.800000000e+01, v0;
	v2 =	vmul.f32 v2, v2  }
0x41f: {  	v20 =	vadd.f32 $-2.828427080e+00, v17;
	v21 =	vsub.f32 $2.828427080e+00, v17;
	v23 =	vmul.f32 $1.442695020e+00, v23  }
0x420: {  	v3 =	vmul.f32 v3, v25;
	v22 =	vpop (erf);
	v0 =	vmul.f32 v0, v2;
	v2 =	vor.u32 s11, v40  }
0x421: {  	v24 =	vmul.f32 v24, v17;
	v25 =	vmul.f32 $6.065306660e-01, v22;
	v2 =	vand.u32 v38, v2  }
0x422: {  	v3 =	vmul.f32 $1.442695020e+00, v3;
	(erf) = vpow2.f32 v23;
	v0 =	vadd.f32 $1.000000000e+00, v0;
	v28 =	vpop (erf)  }
0x423: {  	s13 =	sadd.s32 $0x2, s13;
	v40 =	vor.u32 s11, v4;
	v23 =	vmul.f32 $2.231301670e-01, v22;
	v1 =	vmul.f32 v28, v25  }
0x424: {  	p0 =	slt.u32 s13, $0x7A;
	[tilespmem:$0x1FAC0] =	vst v63;
	s9 =	sadd.s32 $0x20, s9;
	(erf) = vpow2.f32 v3;
	v3 =	vmul.f32 $1.110899630e-02, v22;
	v0 =	vnsel vm15, $0x0, v0  }
.Ltmp3:
0x425: {  	v63 =	vadd.f32 $-5.656854150e+00, v17;
	v25 =	vmul.f32 $8.208499850e-02, v22;
	v31 =	vpop (erf);
	[tilespmem:s9+$0x0] =	vst v0;
	v0 =	vmul.f32 v1, v23;
	(pc) =	sbr.rel @p0 .LBB2_8-.Ltmp3, $4  }
0x426: {  	v19 =	vsub.f32 $5.656854150e+00, v17;
	v32 =	vmul.f32 $1.503439150e-03, v22;
	v30 =	vmul.f32 v31, v3;
	[tilespmem:v2+s23+$0x0] =	vst.idx.msk $0xffff, v28  }
0x427: {  	v18 =	vadd.f32 $-8.485280990e+00, v17;
	v2 =	vmul.f32 $4.086771510e-03, v22;
	[tilespmem:v27+s23+$0x0] =	vst.idx.msk $0xffff, v1;
	v1 =	vmul.f32 v0, v25  }
0x428: {  	v23 =	vsub.f32 $8.485280990e+00, v17;
	v28 =	vor.u32 s11, v13;
	v27 =	vor.u32 s11, v10;
	[tilespmem:v15+s23+$0x0] =	vst.idx.msk $0xffff, v0  }
0x429: {  	s14 =	sadd.s32 $0x20, s14;
	s10 =	sadd.s32 $0xFFFFFF00, s11;
	v36 =	vmovc v45;
	v33 =	vmul.f32 v30, v2;
	v25 =	vor.u32 s11, v14;
	[tilespmem:v40+s23+$0x0] =	vst.idx.msk $0xffff, v1;
	v1 =	vmul.f32 $2.034683710e-04, v22  }
0x42a: {  	_ =	sdelay $0x3  }
0x42b: {  	[tilespmem:v26+s23+$0x0] =	vst.idx.msk $0xffff, v31  }
0x42c: {  	v13 =	vld [tilespmem:$0x1FF40];
	[tilespmem:v29+s23+$0x0] =	vst.idx.msk $0xffff, v30  }
0x42d: {  	v14 =	vld [tilespmem:$0x1FF50];
	_ =	sdelay $0x3  }
0x42e: {  	v0 =	vor.u32 s11, v13  }
0x42f: {  	v3 =	vpop (erf);
	v17 =	vmul.f32 v33, v32;
	v26 =	vor.u32 s11, v14  }
0x430: {  	v2 =	vmul.f32 $7.485182860e-05, v22;
	v1 =	vmul.f32 v3, v1;
	[tilespmem:v28+s23+$0x0] =	vst.idx.msk $0xffff, v33  }
0x431: {  	v15 =	vld [tilespmem:$0x1FF60];
	[tilespmem:v27+s23+$0x0] =	vst.idx.msk $0xffff, v17  }
0x432: {  	v2 =	vmul.f32 v1, v2;
	v16 =	vld [tilespmem:$0x1FF70];
	[tilespmem:v25+s23+$0x0] =	vst.idx.msk $0xffff, v3  }
0x433: {  	v8 =	vld [tilespmem:$0x1FF80];
	[tilespmem:v0+s23+$0x0] =	vst.idx.msk $0xffff, v1  }
0x434: {  	v9 =	vld [tilespmem:$0x1FF90];
	[tilespmem:v26+s23+$0x0] =	vst.idx.msk $0xffff, v2  }
0x435: {  	v11 =	vld [tilespmem:$0x1FFA0]  }
0x436: {  	v29 =	vor.u32 s11, v15  }
0x437: {  	v40 =	vmul.f32 $2.753644910e-05, v22;
	v45 =	vmul.f32 $3.726653180e-06, v22;
	v17 =	vor.u32 s11, v16  }
0x438: {  	v33 =	vmul.f32 $1.370959130e-06, v22;
	v30 =	vpop (erf);
	v3 =	vor.u32 s11, v8  }
0x439: {  	v38 =	vmul.f32 v2, v40;
	v40 =	vmul.f32 v30, v45;
	v45 =	vor.u32 s11, v9  }
0x43a: {  	v26 =	vor.u32 s11, v11  }
0x43b: {  	v28 =	vmul.f32 v40, v33;
	[tilespmem:v29+s23+$0x0] =	vst.idx.msk $0xffff, v38;
	v29 =	vmul.f32 $5.043476680e-07, v22  }
0x43c: {  	[tilespmem:v17+s23+$0x0] =	vst.idx.msk $0xffff, v30  }
0x43d: {  	[tilespmem:v3+s23+$0x0] =	vst.idx.msk $0xffff, v40;
	v3 =	vmul.f32 v28, v29  }
0x43e: {  	[tilespmem:v45+s23+$0x0] =	vst.idx.msk $0xffff, v28  }
0x43f: {  	[tilespmem:v26+s23+$0x0] =	vst.idx.msk $0xffff, v3  }
0x440: {  	v2 =	vld [tilespmem:$0x1FAB0];
	_ =	sdelay $0x5  }
0x441: {  	v31 =	vmul.f32 v57, v60;
	_ =	sdelay $0x1  }
0x442: {  	[tilespmem:v2+s23+$0x0] =	vst.idx.msk $0xffff, v31  }
0x443: {  	[tilespmem:v36+s23+$0x0] =	vst.idx.msk $0xffff, v39  }
0x444: {  	[tilespmem:v41+s23+$0x0] =	vst.idx.msk $0xffff, v44  }
0x445: {  	[tilespmem:v43+s23+$0x0] =	vst.idx.msk $0xffff, v55  }
0x446: {  	v44 =	vld [tilespmem:$0x1FAD0];
	_ =	sdelay $0x4  }
0x447: {  	v32 =	vmul.f32 $1.000000010e-01, v61  }
0x448: {  	v17 =	vmul.f32 v21, v20;
	v41 =	vmul.f32 v55, v59  }
0x449: {  	v3 =	vmul.f32 v32, v32  }
0x44a: {  	v40 =	vmul.f32 $1.442695020e+00, v17;
	v17 =	vmul.f32 v19, v63;
	[tilespmem:v44+s23+$0x0] =	vst.idx.msk $0xffff, v41  }
0x44b: {  	v45 =	vmul.f32 v3, v32;
	[tilespmem:v46+s23+$0x0] =	vst.idx.msk $0xffff, v35  }
0x44c: {  	v3 =	vmul.f32 $1.442695020e+00, v17;
	v17 =	vmul.f32 v51, v58;
	[tilespmem:v47+s23+$0x0] =	vst.idx.msk $0xffff, v37  }
0x44d: {  	v30 =	vmul.f32 $1.442695020e+00, v62;
	[tilespmem:v48+s23+$0x0] =	vst.idx.msk $0xffff, v51  }
0x44e: {  	v38 =	vmul.f32 $2.100000000e+01, v32;
	v6 =	vld [tilespmem:$0x1FFF0];
	[tilespmem:v50+s23+$0x0] =	vst.idx.msk $0xffff, v17  }
0x44f: {  	v33 =	vmul.f32 $1.442695020e+00, v24;
	(erf) = vpow2.f32 v30;
	v4 =	vld [tilespmem:$0x1FAC0]  }
0x450: {  	v0 =	vsub.f32 $4.800000000e+01, v38  }
0x451: {  	(erf) = vpow2.f32 v33  }
0x452: {  	v0 =	vmul.f32 v0, v32  }
0x453: {  	v37 =	vld [tilespmem:$0x1FF30]  }
0x454: {  	v0 =	vadd.f32 $-2.800000000e+01, v0;
	v1 =	vmul.f32 v45, v45;
	[tilespmem:v49+s23+$0x0] =	vst.idx.msk $0xffff, v4  }
0x455: {  	v5 =	vld [tilespmem:$0x1FFC0];
	[tilespmem:v52+s23+$0x0] =	vst.idx.msk $0xffff, v34  }
0x456: {  	v19 =	vmul.f32 v42, v56;
	v0 =	vmul.f32 v0, v1;
	v55 =	vld [tilespmem:$0x1FFE0];
	[tilespmem:v53+s23+$0x0] =	vst.idx.msk $0xffff, v42  }
0x457: {  	(erf) = vpow2.f32 v40;
	v46 =	vmul.f32 v23, v18;
	v18 =	vor.u32 s10, v6;
	v4 =	vld [tilespmem:$0x1FFD0]  }
0x458: {  	(erf) = vpow2.f32 v3;
	v0 =	vadd.f32 $1.000000000e+00, v0;
	v48 =	vpop (erf);
	v3 =	vand.u32 v37, v18  }
0x459: {  	vm0 =	vlt.f32 v32, $1.000000000e+00;
	v2 =	vmul.f32 $1.442695020e+00, v46;
	v49 =	vmul.f32 $6.065306660e-01, v48  }
0x45a: {  	v0 =	vnsel vm0, $0x0, v0;
	v50 =	vpop (erf);
	v51 =	vmul.f32 $2.231301670e-01, v48;
	v17 =	vor.u32 s10, v5  }
0x45b: {  	(erf) = vpow2.f32 v2;
	v2 =	vmul.f32 v50, v49;
	[tilespmem:v54+s23+$0x0] =	vst.idx.msk $0xffff, v19;
	v18 =	vor.u32 s10, v55  }
0x45c: {  	v35 =	vld [tilespmem:$0x1FF00];
	[tilespmem:s9+$0xFFFFFFF0] =	vst v0;
	v52 =	vor.u32 s10, v4  }
0x45d: {  	v56 =	vmul.f32 $8.208499850e-02, v48;
	v20 =	vmul.f32 v2, v51;
	[tilespmem:v3+s23+$0x0] =	vst.idx.msk $0xffff, v50  }
0x45e: {  	v33 =	vld [tilespmem:$0x1FEE0]  }
0x45f: {  	v10 =	vld [tilespmem:$0x1FF10];
	v0 =	vmul.f32 v20, v56;
	[tilespmem:v17+s23+$0x0] =	vst.idx.msk $0xffff, v2  }
0x460: {  	[tilespmem:v18+s23+$0x0] =	vst.idx.msk $0xffff, v20  }
0x461: {  	v34 =	vld [tilespmem:$0x1FEF0];
	[tilespmem:v52+s23+$0x0] =	vst.idx.msk $0xffff, v0  }
0x462: {  	v12 =	vld [tilespmem:$0x1FF20]  }
0x463: {  	v53 =	vmul.f32 $1.110899630e-02, v48;
	v19 =	vor.u32 s10, v35  }
0x464: {  	v54 =	vpop (erf);
	v3 =	vor.u32 s10, v33  }
0x465: {  	v59 =	vmul.f32 $4.086771510e-03, v48;
	v57 =	vmul.f32 v54, v53;
	v58 =	vor.u32 s10, v10  }
0x466: {  	v17 =	vmul.f32 $2.034683710e-04, v48;
	v18 =	vor.u32 s10, v34  }
0x467: {  	v62 =	vmul.f32 $1.503439150e-03, v48;
	v60 =	vpop (erf);
	v2 =	vmul.f32 v57, v59;
	v61 =	vor.u32 s10, v12  }
0x468: {  	v17 =	vmul.f32 v60, v17;
	[tilespmem:v19+s23+$0x0] =	vst.idx.msk $0xffff, v54;
	v19 =	vor.u32 s10, v13  }
0x469: {  	v63 =	vor.u32 s10, v14;
	v28 =	vmul.f32 v2, v62;
	[tilespmem:v3+s23+$0x0] =	vst.idx.msk $0xffff, v57;
	v3 =	vmul.f32 $7.485182860e-05, v48  }
0x46a: {  	v30 =	vor.u32 s10, v15;
	v29 =	vmul.f32 $3.726653180e-06, v48;
	[tilespmem:v58+s23+$0x0] =	vst.idx.msk $0xffff, v2  }
0x46b: {  	v32 =	vmul.f32 $2.753644910e-05, v48;
	v31 =	vpop (erf);
	v3 =	vmul.f32 v17, v3;
	[tilespmem:v18+s23+$0x0] =	vst.idx.msk $0xffff, v28;
	v18 =	vor.u32 s10, v16  }
0x46c: {  	v38 =	vor.u32 s10, v8;
	v36 =	vmul.f32 v31, v29;
	[tilespmem:v61+s23+$0x0] =	vst.idx.msk $0xffff, v60  }
0x46d: {  	v21 =	vmul.f32 v3, v32;
	[tilespmem:v19+s23+$0x0] =	vst.idx.msk $0xffff, v17;
	v17 =	vmul.f32 $1.370959130e-06, v48;
	v19 =	vor.u32 s10, v9  }
0x46e: {  	[tilespmem:v63+s23+$0x0] =	vst.idx.msk $0xffff, v3;
	v3 =	vor.u32 s10, v11  }
0x46f: {  	v1 =	vmul.f32 $5.043476680e-07, v48;
	[tilespmem:v30+s23+$0x0] =	vst.idx.msk $0xffff, v21;
	v39 =	vmul.f32 v36, v17  }
0x470: {  	[tilespmem:v18+s23+$0x0] =	vst.idx.msk $0xffff, v31  }
0x471: {  	v1 =	vmul.f32 v39, v1;
	[tilespmem:v38+s23+$0x0] =	vst.idx.msk $0xffff, v36  }
0x472: {  	[tilespmem:v19+s23+$0x0] =	vst.idx.msk $0xffff, v39  }
0x473: {  	[tilespmem:v3+s23+$0x0] =	vst.idx.msk $0xffff, v1  }
0x474: {  	v0 =	vld [tilespmem:$0x7C0]  }
0x475: {  	v1 =	vld [tilespmem:$0x17C0];
	_ =	sdelay $0x1  }
0x476: {  	v2 =	vld [tilespmem:$0x27C0];
	_ =	sdelay $0x2  }
0x477: {  	v0 =	vadd.f32 v1, v0;
	_ =	sdelay $0x1  }
0x478: {  	v0 =	vadd.f32 v2, v0;
	_ =	sdelay $0x1  }
0x479: {  	v40 =	vshra.s32 v0, $0x1;
	v2 =	vmul.f32 $5.000000000e-01, v0  }
0x47a: {  	v1 =	vsub.s32 $0x5F3759DF, v40  }
0x47b: {  	v3 =	vmul.f32 v1, v2;
	_ =	sdelay $0x1  }
0x47c: {  	v3 =	vmul.f32 v1, v3;
	_ =	sdelay $0x1  }
0x47d: {  	v3 =	vsub.f32 $1.500000000e+00, v3;
	_ =	sdelay $0x1  }
0x47e: {  	v1 =	vmul.f32 v1, v3;
	_ =	sdelay $0x1  }
0x47f: {  	v3 =	vmul.f32 v1, v2;
	_ =	sdelay $0x1  }
0x480: {  	v3 =	vmul.f32 v3, v1;
	_ =	sdelay $0x1  }
0x481: {  	v3 =	vsub.f32 $1.500000000e+00, v3;
	_ =	sdelay $0x1  }
0x482: {  	v1 =	vmul.f32 v3, v1;
	_ =	sdelay $0x1  }
0x483: {  	v2 =	vmul.f32 v1, v2;
	_ =	sdelay $0x1  }
0x484: {  	v2 =	vmul.f32 v2, v1;
	_ =	sdelay $0x1  }
0x485: {  	v2 =	vsub.f32 $1.500000000e+00, v2;
	_ =	sdelay $0x1  }
0x486: {  	v1 =	vmul.f32 v2, v1;
	_ =	sdelay $0x1  }
0x487: {  	v0 =	vmul.f32 v1, v0;
	_ =	sdelay $0x1  }
0x488: {  	v1 =	vmul.f32 $1.060660120e+00, v0  }
0x489: {  	v41 =	vmul.f32 $1.500000000e+00, v0  }
0x48a: {  	v3 =	vsub.f32 $0.0e+00, v1  }
0x48b: {  	v2 =	vmul.f32 $1.442695020e+00, v41  }
0x48c: {  	v0 =	vmul.f32 $1.000000010e-01, v0;
	v3 =	vmul.f32 v3, v1  }
0x48d: {  	v17 =	vadd.f32 $-2.828427080e+00, v1;
	(erf) = vpow2.f32 v2  }
0x48e: {  	v18 =	vsub.f32 $2.828427080e+00, v1;
	v42 =	vmul.f32 $1.442695020e+00, v3;
	v3 =	vmul.f32 $-2.100000000e+01, v0  }
0x48f: {  	v19 =	vmul.f32 v0, v0  }
0x490: {  	(erf) = vpow2.f32 v42;
	v43 =	vadd.f32 $4.800000000e+01, v3;
	v3 =	vmul.f32 v18, v17  }
0x491: {  	v17 =	vmul.f32 v19, v0;
	v18 =	vadd.f32 $-5.656854150e+00, v1;
	v19 =	vsub.f32 $5.656854150e+00, v1  }
0x492: {  	v2 =	vmul.f32 v43, v0;
	v3 =	vmul.f32 $1.442695020e+00, v3  }
0x493: {  	v18 =	vmul.f32 v19, v18;
	v17 =	vmul.f32 v17, v17;
	_ =	sdelay $0x1  }
0x494: {  	v2 =	vadd.f32 $-2.800000000e+01, v2;
	(erf) = vpow2.f32 v3;
	v3 =	vmul.f32 $1.442695020e+00, v18;
	_ =	sdelay $0x1  }
0x495: {  	v18 =	vadd.f32 $-8.485280990e+00, v1;
	v1 =	vsub.f32 $8.485280990e+00, v1;
	v2 =	vmul.f32 v2, v17;
	v17 =	vpop (erf)  }
0x496: {  	v19 =	vmul.f32 $6.065306660e-01, v17  }
0x497: {  	(erf) = vpow2.f32 v3;
	v1 =	vmul.f32 v1, v18;
	v3 =	vpop (erf)  }
0x498: {  	v18 =	vmul.f32 v3, v19;
	v19 =	vmul.f32 $2.231301670e-01, v17;
	_ =	sdelay $0x1  }
0x499: {  	v46 =	vmul.f32 v18, v19;
	v19 =	vmul.f32 $8.208499850e-02, v17  }
0x49a: {  	v48 =	vld [tilespmem:$0x1FEC0]  }
0x49b: {  	v49 =	vmul.f32 v46, v19;
	v19 =	vld [tilespmem:$0x1FED0];
	_ =	sdelay $0x2  }
0x49c: {  	v2 =	vadd.f32 $1.000000000e+00, v2  }
0x49d: {  	vm15 =	vlt.f32 v0, $1.000000000e+00  }
0x49e: {  	v45 =	vnsel vm15, $0x0, v2  }
0x49f: {  	[tilespmem:$0x131C0] =	vst v45  }
0x4a0: {  	[tilespmem:v48+s23+$0x0] =	vst.idx.msk $0xffff, v3  }
0x4a1: {  	[tilespmem:v19+s23+$0x0] =	vst.idx.msk $0xffff, v18;
	v19 =	vld [tilespmem:$0x1FC20];
	_ =	sdelay $0x4  }
0x4a2: {  	v47 =	vmul.f32 $1.110899630e-02, v17  }
0x4a3: {  	v3 =	vpop (erf)  }
0x4a4: {  	v0 =	vmul.f32 v3, v47;
	v18 =	vmul.f32 $4.086771510e-03, v17  }
0x4a5: {  	[tilespmem:v19+s23+$0x0] =	vst.idx.msk $0xffff, v46;
	v19 =	vld [tilespmem:$0x1FC30]  }
0x4a6: {  	v20 =	vld [tilespmem:$0x1FC40];
	v51 =	vmul.f32 v0, v18;
	v18 =	vmul.f32 $1.503439150e-03, v17  }
0x4a7: {  	v52 =	vld [tilespmem:$0x1FC50]  }
0x4a8: {  	v53 =	vmul.f32 v51, v18;
	v18 =	vld [tilespmem:$0x1FC60];
	_ =	sdelay $0x4  }
0x4a9: {  	[tilespmem:v19+s23+$0x0] =	vst.idx.msk $0xffff, v49  }
0x4aa: {  	[tilespmem:v20+s23+$0x0] =	vst.idx.msk $0xffff, v3  }
0x4ab: {  	[tilespmem:v52+s23+$0x0] =	vst.idx.msk $0xffff, v0  }
0x4ac: {  	[tilespmem:v18+s23+$0x0] =	vst.idx.msk $0xffff, v51;
	v18 =	vld [tilespmem:$0x1FC70];
	_ =	sdelay $0x7  }
0x4ad: {  	[tilespmem:v18+s23+$0x0] =	vst.idx.msk $0xffff, v53;
	v18 =	vld [tilespmem:$0x1FC80];
	_ =	sdelay $0x5  }
0x4ae: {  	v50 =	vmul.f32 $2.034683710e-04, v17  }
0x4af: {  	v19 =	vpop (erf)  }
0x4b0: {  	v2 =	vmul.f32 v19, v50;
	[tilespmem:v18+s23+$0x0] =	vst.idx.msk $0xffff, v19;
	v19 =	vld [tilespmem:$0x1FC90];
	_ =	sdelay $0x7  }
0x4b1: {  	[tilespmem:v19+s23+$0x0] =	vst.idx.msk $0xffff, v2;
	v19 =	vld [tilespmem:$0x1FCA0]  }
0x4b2: {  	v58 =	vld [tilespmem:$0x1FCB0];
	_ =	sdelay $0x1  }
0x4b3: {  	v3 =	vmul.f32 $7.485182860e-05, v17  }
0x4b4: {  	v44 =	vmul.f32 $1.442695020e+00, v1  }
0x4b5: {  	v54 =	vmul.f32 v2, v3;
	v3 =	vmul.f32 $2.753644910e-05, v17;
	_ =	sdelay $0x1  }
0x4b6: {  	(erf) = vpow2.f32 v44;
	v3 =	vmul.f32 v54, v3  }
0x4b7: {  	[tilespmem:v19+s23+$0x0] =	vst.idx.msk $0xffff, v54  }
0x4b8: {  	[tilespmem:v58+s23+$0x0] =	vst.idx.msk $0xffff, v3;
	v3 =	vld [tilespmem:$0x1FCC0];
	_ =	sdelay $0x6  }
0x4b9: {  	v18 =	vpop (erf)  }
0x4ba: {  	[tilespmem:v3+s23+$0x0] =	vst.idx.msk $0xffff, v18;
	v3 =	vld [tilespmem:$0x1FCD0]  }
0x4bb: {  	v62 =	vld [tilespmem:$0x1FCE0]  }
0x4bc: {  	v63 =	vld [tilespmem:$0x1FCF0];
	v56 =	vmul.f32 $3.726653180e-06, v17;
	_ =	sdelay $0x1  }
0x4bd: {  	v57 =	vmul.f32 $1.370959130e-06, v17;
	v0 =	vmul.f32 v18, v56;
	_ =	sdelay $0x1  }
0x4be: {  	v60 =	vmul.f32 $5.043476680e-07, v17;
	v59 =	vmul.f32 v0, v57;
	_ =	sdelay $0x1  }
0x4bf: {  	v61 =	vmul.f32 v59, v60;
	[tilespmem:v3+s23+$0x0] =	vst.idx.msk $0xffff, v0  }
0x4c0: {  	[tilespmem:v62+s23+$0x0] =	vst.idx.msk $0xffff, v59  }
0x4c1: {  	s0 =	rddreg [dreg:$0x6];
	[tilespmem:v63+s23+$0x0] =	vst.idx.msk $0xffff, v61  }
0x4c2: {  	[hbm4b:s0+s3] =	stream.linear.scatter [tilespmem:s23], [sflag:$0x3], $0x7D00, $0x38;
	[tilespmem:$0x13A00] =	vst v63  }
0x4c3: {  	s30 =	simm.s32 $0x4;
	s29 =	rddreg [dreg:$0x7]  }
0x4c4: {  	[hbm4b:s29+s3] =	stream.linear.scatter [tilespmem:s24], [sflag:$0x3], $0x7D0, $0x38;
	[tilespmem:$0x13A00] =	vst v63  }
0x4c5: {  	_ =	swait.ge [sflag:s30], $0x7D00  }
0x4c6: {  	[sflag:s30] =	ssyncset.done $0x0  }
0x4c7: {  	[sflag:s30] =	ssyncadd.s32 $0xFFFF8300  }
0x4c8: {  	_ =	swait.ge [sflag:s30], $0x7D0  }
0x4c9: {  	[sflag:s30] =	ssyncset.done $0x0  }
0x4ca: {  	[sflag:s30] =	ssyncadd.s32 $0xFFFFF830  }
0x4cb: {  	_ =	swait.ge [sflag:s15], $0x7D00  }
0x4cc: {  	[sflag:s15] =	ssyncset.done $0x0  }
0x4cd: {  	[sflag:s15] =	ssyncadd.s32 $0xFFFF8300  }
0x4ce: {  	_ =	swait.ge [sflag:s15], $0x7D0  }
0x4cf: {  	s2 =	rddreg [dreg:$0x9]  }
0x4d0: {  	s31 =	rddreg [dreg:$0x8];
	s2 =	sadd.s32 $0x1, s2  }
0x4d1: {  	p0 =	sne.s32 s2, s31  }
.Ltmp4:
0x4d2: {  	_ = 	snop;
	(pc) =	sbr.rel @p0 .LBB2_1-.Ltmp4, $3  }
0x4d3: {  	_ =	sdelay $0x1  }
0x4d4: {  	v39 =	vmov v14;
	v52 =	vmov v13;
	[sflag:s15] =	ssyncset.done $0x0  }
0x4d5: {  	v17 =	vmovc v5;
	v5 =	vmovc v4;
	v4 =	vmov v6;
	v51 =	vmov v11;
	v53 =	vmov v55;
	v55 =	vld [tilespmem:$0x1FFB0];
	[sflag:s15] =	ssyncadd.s32 $0xFFFFF830  }
0x4d6: {  	_ =	sfence.sel $0x180000  }
0x4d7: {  	[bflag:$0x0] =	sbarrier.arrive $0xFFFF  }
0x4d8: {  	_ =	strace $0x9000004D  }
0x4d9: {  	s0 =	stileid.u32;
	[bflag:$0x2] =	sbarrier.arrive $0xFFFF  }
0x4da: {  	p0 =	sne.s32 s0, $0x0;
	s0 =	rddreg [dreg:$0x2]  }
0x4db: {  	s0 =	sadd.s32 @!p0 $0x100000, s0  }
0x4dc: {  	[sflag:s0] =	ssyncadd.tile.s32 @!p0 $0x1;
	_ =	shalt  }
.Lfunc_end2:
_tile_overlayer_lowered:
.L_overlay_start_2:
0x4dd: {  	(tag) =	ssettag $0x2  }
0x4de: {  	s0 =	rddreg [dreg:$0x0];
	s2 =	stileid.u32  }
0x4df: {  	s1 =	rddreg [dreg:$0x1];
	p0 =	sne.s32 s2, $0x0  }
0x4e0: {  	s3 =	rddreg [dreg:$0x2];
	[bflag:$0x3] =	sbarrier.arrive $0xFFFF;
	s2 =	simm.s32 @!p0 $0x1C05  }
0x4e1: {  	[timem:s3], [sflag:s2] =	dma.local @!p0 [hbm:s0], s1  }
0x4e2: {  	s0 =	simm.s32 @!p0 $0x5  }
0x4e3: {  	_ =	swait.ge @!p0 [sflag:s0], s1  }
0x4e4: {  	s1 =	ssub.s32 @!p0 $0x0, s1;
	[sflag:s0] =	ssyncset.done @!p0 $0x0  }
0x4e5: {  	[sflag:s0] =	ssyncadd.s32 @!p0 s1  }
0x4e6: {  	[bflag:$0x3] =	sbarrier.arrive $0xFFFF  }
0x4e7: {  	_ =	shalt  }

// kernel: kernel.6.cloned.1.call-start
scs
__scs_entry_jumppad:
0x0: {  	(pc) =	sbr.rel $0x88, $3  }
0x1: {  	(tag) =	ssettag $0x0;
	lr =	simm.s32 $0x1  }
0x2: {  	[smem:$0x3F9D] =	sst lr;
	_ =	strace $0xD0000000  }
0x3: {  	_ = 	snop  }
0x4: {  	_ = 	snop  }
0x5: {  	_ = 	snop  }
0x6: {  	_ = 	snop  }
0x7: {  	_ = 	snop  }
__scs_overlays_trampoline_lowered:
0x8: {  	[smem:$0x3FAC] =	sst s0  }
0x9: {  	[smem:$0x3FAD] =	sst s1  }
0xa: {  	[smem:$0x3FAE] =	sst s2  }
0xb: {  	[smem:$0x3FAF] =	sst s3  }
0xc: {  	[smem:$0x3FB0] =	sst s4  }
0xd: {  	[smem:$0x3FB1] =	sst s5  }
0xe: {  	[smem:$0x3FB2] =	sst s6  }
0xf: {  	[smem:$0x3FB3] =	sst s7  }
0x10: {  	[smem:$0x3FB4] =	sst s8  }
0x11: {  	[smem:$0x3FB5] =	sst s9;
	s0 =	simm.s32 @!p0 $0x0  }
0x12: {  	s1 =	sld [smem:$0x3F9B];
	s0 =	simm.s32 @p0 $0x1  }
0x13: {  	[smem:$0x3FB6] =	sst s0;
	s0 =	simm.s32 @!p1 $0x0  }
0x14: {  	s2 =	sld [smem:$0x3F9A];
	s0 =	simm.s32 @p1 $0x1  }
0x15: {  	[smem:$0x3FB7] =	sst s0;
	s0 =	simm.s32 @!p2 $0x0  }
0x16: {  	s3 =	sld [smem:$0x3FDB];
	s0 =	simm.s32 @p2 $0x1  }
0x17: {  	s4 =	simm.s32 $0x1BF5;
	[smem:$0x3FB9] =	sst s0  }
0x18: {  	s0 =	sld [smem:$0x3F9C];
	_ =	swait.ge [sflag:s4], $0x0  }
0x19: {  	s7 =	sld [smem:$0x3F9D]  }
0x1a: {  	s8 =	sadd.s32 $0xFFFFE003, lr  }
0x1b: {  	s9 =	sadd.s32 $0xFFFFFEF7, lr;
	s5 =	simm.s32 $0xFFFFFFFF;
	p2 =	slt.u32 s8, $0xFFFFF086  }
0x1c: {  	p1 =	slt.u32 s9, $0xF7A;
	s5 =	simm.s32 @!p2 $0x0  }
0x1d: {  	s5 =	simm.s32 @p1 $0x1;
	p0 =	seq.s32 s7, s2  }
0x1e: {  	s7 =	smul.u32 @!p0 $0xF7A, s2;
	p2 =	seq.s32 @!p0 s5, $0x0  }
0x1f: {  	s9 =	smul.u32 $0xF7A, s1;
	s8 =	simm.s32 @!p0 $0x1BF5;
	p2 =	por !p2, p0  }
0x20: {  	[sflag:s8] =	ssyncset.s32 @!p0 $0xFFFFF086;
	s6 =	sadd.s32 @!p0 s3, s7;
	s7 =	simm.s32 @!p0 $0x108  }
0x21: {  	s3 =	sadd.s32 s3, s9;
	s6 =	sadd.s32 @!p0 $0x88, s6;
	s7 =	simm.s32 @p2 $0x1082  }
0x22: {  	[simem:s7], [sflag:s8] =	dma.local @!p0 [hbm:s6], $0xF7A  }
0x23: {  	s9 =	sor.u32 $0xD0000000, s2;
	s6 =	simm.s32 $0x108;
	_ =	swait.ge @!p0 [sflag:s8], $0x0  }
0x24: {  	s3 =	sadd.s32 $0x88, s3;
	s6 =	simm.s32 @!p1 $0x1082;
	[sflag:s4] =	ssyncset.s32 $0xFFFFF086  }
0x25: {  	[simem:s6], [sflag:s4] =	dma.local [hbm:s3], $0xF7A  }
0x26: {  	[smem:$0x3F9D] =	sst s1;
	(tag) =	ssettag s2;
	_ =	strace s9  }
0x27: {  	s1 =	sld [smem:$0x3FAD]  }
0x28: {  	s2 =	sld [smem:$0x3FAE]  }
0x29: {  	s4 =	sld [smem:$0x3FB0]  }
0x2a: {  	p0 =	seq.s32 s5, $0x0;
	s5 =	sld [smem:$0x3FB1]  }
0x2b: {  	s6 =	sld [smem:$0x3FB2]  }
0x2c: {  	s7 =	sld [smem:$0x3FB3]  }
0x2d: {  	s3 =	simm.s32 $0x108;
	s8 =	sld [smem:$0x3FB4]  }
0x2e: {  	s3 =	simm.s32 @!p0 $0x1082;
	s9 =	sld [smem:$0x3FB5]  }
0x2f: {  	lr =	sadd.s32 s0, s3;
	s0 =	sld [smem:$0x3FAC]  }
0x30: {  	s3 =	sld [smem:$0x3FAF]  }
0x31: {  	[smem:$0x3FB8] =	sst s10  }
0x32: {  	s10 =	sld [smem:$0x3FB6];
	_ =	sdelay $0x3  }
0x33: {  	p0 =	seq.s32 s10, $0x1;
	s10 =	sld [smem:$0x3FB8];
	_ =	sdelay $0x3  }
0x34: {  	[smem:$0x3FB8] =	sst s10  }
0x35: {  	s10 =	sld [smem:$0x3FB7];
	_ =	sdelay $0x3  }
0x36: {  	p1 =	seq.s32 s10, $0x1;
	s10 =	sld [smem:$0x3FB8];
	_ =	sdelay $0x3  }
0x37: {  	[smem:$0x3FB8] =	sst s10  }
0x38: {  	s10 =	sld [smem:$0x3FB9]  }
0x39: {  	_ = 	snop;
	(pc) =	sbr.ind lr, $3  }
0x3a: {  	_ = 	snop  }
0x3b: {  	_ = 	snop  }
0x3c: {  	p2 =	seq.s32 s10, $0x1;
	s10 =	sld [smem:$0x3FB8]  }
0x3d: {  	_ =	shalt  }
0x3e: {  	_ =	shalt  }
0x3f: {  	_ =	shalt  }
0x40: {  	_ =	shalt  }
0x41: {  	_ =	shalt  }
0x42: {  	_ =	shalt  }
0x43: {  	_ =	shalt  }
0x44: {  	_ =	shalt  }
0x45: {  	_ =	shalt  }
0x46: {  	_ =	shalt  }
0x47: {  	_ =	shalt  }
0x48: {  	_ =	shalt  }
0x49: {  	_ =	shalt  }
0x4a: {  	_ =	shalt  }
0x4b: {  	_ =	shalt  }
0x4c: {  	_ =	shalt  }
0x4d: {  	_ =	shalt  }
0x4e: {  	_ =	shalt  }
0x4f: {  	_ =	shalt  }
0x50: {  	_ =	shalt  }
0x51: {  	_ =	shalt  }
0x52: {  	_ =	shalt  }
0x53: {  	_ =	shalt  }
0x54: {  	_ =	shalt  }
0x55: {  	_ =	shalt  }
0x56: {  	_ =	shalt  }
0x57: {  	_ =	shalt  }
0x58: {  	_ =	shalt  }
0x59: {  	_ =	shalt  }
0x5a: {  	_ =	shalt  }
0x5b: {  	_ =	shalt  }
0x5c: {  	_ =	shalt  }
0x5d: {  	_ =	shalt  }
0x5e: {  	_ =	shalt  }
0x5f: {  	_ =	shalt  }
0x60: {  	_ =	shalt  }
0x61: {  	_ =	shalt  }
0x62: {  	_ =	shalt  }
0x63: {  	_ =	shalt  }
0x64: {  	_ =	shalt  }
0x65: {  	_ =	shalt  }
0x66: {  	_ =	shalt  }
0x67: {  	_ =	shalt  }
0x68: {  	_ =	shalt  }
0x69: {  	_ =	shalt  }
0x6a: {  	_ =	shalt  }
0x6b: {  	_ =	shalt  }
0x6c: {  	_ =	shalt  }
0x6d: {  	_ =	shalt  }
0x6e: {  	_ =	shalt  }
0x6f: {  	_ =	shalt  }
0x70: {  	_ =	shalt  }
0x71: {  	_ =	shalt  }
0x72: {  	_ =	shalt  }
0x73: {  	_ =	shalt  }
0x74: {  	_ =	shalt  }
0x75: {  	_ =	shalt  }
0x76: {  	_ =	shalt  }
0x77: {  	_ =	shalt  }
0x78: {  	_ =	shalt  }
0x79: {  	_ =	shalt  }
0x7a: {  	_ =	shalt  }
0x7b: {  	_ =	shalt  }
0x7c: {  	_ =	shalt  }
0x7d: {  	_ =	shalt  }
0x7e: {  	_ =	shalt  }
0x7f: {  	_ =	shalt  }
0x80: {  	_ =	shalt  }
0x81: {  	_ =	shalt  }
0x82: {  	_ =	shalt  }
0x83: {  	_ =	shalt  }
0x84: {  	_ =	shalt  }
0x85: {  	_ =	shalt  }
0x86: {  	_ =	shalt  }
0x87: {  	_ =	shalt  }
.Lfunc_end0:
.L_simem_size_0:
called_computation.1_lowered:
.L_overlay_start_0:
0x88: {  	s2 =	sld [smem:$0x3FD9]  }
0x89: {  	s3 =	sld [smem:$0x3FFE];
	_ =	sdelay $0x1  }
0x8a: {  	s1 =	srdreg.scid  }
0x8b: {  	s0 =	sand.u32 $0x1, s1  }
0x8c: {  	s14 =	sshll.u32 s0, $0xA;
	s2 =	sadd.s32 s3, s2  }
0x8d: {  	s2 =	sadd.s32 s2, s14  }
0x8e: {  	[smem:$0x3FC4] =	sst s2  }
0x8f: {  	_ = 	snop  }
0x90: {  	s2 =	sld [smem:$0x3FD0];
	_ =	sdelay $0x2  }
0x91: {  	s15 =	simm.s32 $0xA;
	s4 =	simm.s32 $0x10  }
0x92: {  	[smem:s4], [sflag:s15] =	dma.local [hbm:s2], $0x1  }
0x93: {  	_ =	swait.eq [sflag:s15], $0x1  }
0x94: {  	[sflag:s15] =	ssyncset.done $0x0  }
0x95: {  	s16 =	sld [smem:$0x11];
	[sflag:s15] =	ssyncadd.s32 $0xFFFFFFFF  }
0x96: {  	s17 =	sld [smem:$0x12];
	(tm) =	ssettm $0x1  }
0x97: {  	s18 =	sld [smem:$0x3FFB];
	_ =	sdelay $0x3  }
0x98: {  	_ =	strace s18  }
0x99: {  	s4 =	sld [smem:$0x3FFC];
	_ =	sdelay $0x3  }
0x9a: {  	_ =	strace s4  }
0x9b: {  	s4 =	sld [smem:$0x3FFD];
	_ =	sdelay $0x3  }
0x9c: {  	_ =	strace s4  }
0x9d: {  	_ =	strace $0x8FFFFFFF  }
0x9e: {  	s19 =	sld [smem:$0x3FDB];
	_ =	sdelay $0x1  }
0x9f: {  	s5 =	simm.s32 $_scs_section_size  }
0xa0: {  	s6 =	simm.s32 $_size__tile_overlayer_lowered;
	s7 =	simm.s32 $_tile_overlayer_lowered  }
0xa1: {  	s22 =	simm.s32 $0x1BFF;
	s21 =	sshll.u32 s7, $0x1;
	s4 =	sadd.s32 s5, s19  }
0xa2: {  	s8 =	simm.s32 $0x0;
	s20 =	sshll.u32 s6, $0x1;
	s6 =	sadd.s32 s21, s4  }
0xa3: {  	[timem:s8], [sflag:s22] =	dma.local [hbm:s6], s20  }
0xa4: {  	_ =	swait.ge [sflag:s22], s20  }
0xa5: {  	s5 =	ssub.s32 $0x0, s20;
	[sflag:s22] =	ssyncset.done $0x0  }
0xa6: {  	[sflag:s22] =	ssyncadd.s32 s5;
	_ =	sdelay $0x1  }
0xa7: {  	s23 =	simm.s32 $0x1B8B  }
0xa8: {  	_ =	swait.ge [sflag:s23], $0x1  }
0xa9: {  	[sflag:s23] =	ssyncset.done $0x0  }
0xaa: {  	s25 =	simm.s32 $0x1B8E;
	s24 =	sld [smem:$0x3FFE];
	[sflag:s23] =	ssyncadd.s32 $0xFFFFFFFF  }
0xab: {  	s26 =	simm.s32 $execute0_lowered;
	[smem:$0x3FD2] =	sst s25  }
0xac: {  	s6 =	sshll.u32 s26, $0x1;
	_ =	strace $0x80000046;
	[dreg:$0x1] =	wrdreg $0xFFFFFFFF  }
0xad: {  	s28 =	simm.s32 $_size_execute0_lowered;
	s4 =	sadd.s32 s4, s6;
	[dreg:$0x0] =	wrdreg $0x0  }
0xae: {  	s6 =	sshll.u32 s28, $0x1;
	[dreg:$0x2] =	wrdreg s4  }
0xaf: {  	[dreg:$0x3] =	wrdreg s6  }
0xb0: {  	[dreg:$0x4] =	wrdreg $0xC0  }
0xb1: {  	_ =	task [dreg:s8], $0x5FFFF  }
0xb2: {  	[dreg:$0x1] =	wrdreg $0xFFFFFFFF  }
0xb3: {  	[dreg:$0x0] =	wrdreg $0x60  }
0xb4: {  	[dreg:$0x2] =	wrdreg s17  }
0xb5: {  	[dreg:$0x3] =	wrdreg s16  }
0xb6: {  	[dreg:$0x4] =	wrdreg s24  }
0xb7: {  	[dreg:$0x5] =	wrdreg $0x9  }
0xb8: {  	_ =	task.clear_ibuf [dreg:s8], $0x6FFFF;
	_ =	strace $0x90000046  }
0xb9: {  	s29 =	simm.s32 $0x9;
	_ =	strace $0x80000048  }
0xba: {  	_ =	swait.ge [sflag:s29], $0x1  }
0xbb: {  	[sflag:s29] =	ssyncadd.s32 $0xFFFFFFFF  }
0xbc: {  	_ =	strace $0x90000048  }
0xbd: {  	_ =	sfence  }
0xbe: {  	s30 =	sld [smem:$0x0];
	_ =	sdelay $0x2  }
0xbf: {  	s31 =	sshll.u32 s1, $0xD;
	s1 =	sshrl.u32 s1, $0x2  }
0xc0: {  	s3 =	sand.u32 $0x4000, s31;
	s1 =	sadd.s32 s1, s30  }
0xc1: {  	s0 =	sor.u32 s3, s0;
	s1 =	sshll.u32 s1, $0x11  }
0xc2: {  	s0 =	sor.u32 s1, s0  }
0xc3: {  	s0 =	sadd.s32 $0x8F2B, s0  }
0xc4: {  	[sflag:s0] =	ssyncadd.remote.s32 $0x1  }
0xc5: {  	_ =	sfence.sel $0xFFFF  }
0xc6: {  	[dreg:$0x0] =	wrdreg $0xFFFFFFFF;
	(pc) =	sbr.abs _section_cstart, $3  }
0xc7: {  	[dreg:$0x1] =	wrdreg $0xFFFFFFFF  }
0xc8: {  	_ =	task.clear_ibuf [dreg:s8], $0x2FFFF;
	_ =	strace $0x9FFFFFFF  }
0xc9: {  	(tm) =	ssettm $0x7FFFFFFF  }
tec
execute0_lowered:
.L_overlay_start_1:
0x0: {  	(tag) =	ssettag $0x1  }
0x1: {  	s0 =	srdreg.scid;
	s3 =	rddreg [dreg:$0x0]  }
0x2: {  	s5 =	rddreg [dreg:$0x1];
	s4 =	sand.u32 $0x1, s0  }
0x3: {  	s6 =	rddreg [dreg:$0x2];
	s0 =	stileid.u32;
	s1 =	sshll.u32 s4, $0x4  }
0x4: {  	s2 =	simm.s32 $0x0;
	s10 =	simm.s32 $0x3200;
	s7 =	sor.u32 s0, s1  }
0x5: {  	s11 =	simm.s32 $0x3E80;
	s12 =	simm.s32 $0x0;
	s8 =	smul.u32 $0x190, s7  }
0x6: {  	[smem:$0x7FF] =	sst s2;
	s4 =	ssub.s32 $0x2, s4;
	s7 =	smul.u32 $0x4B0, s7  }
0x7: {  	s1 =	rddreg [dreg:$0x3];
	_ =	strace $0x80000047;
	s9 =	sshrl.u32 s4, $0x1  }
0x8: {  	v0 =	vlaneseq.u32;
	s9 =	ssub.s32 s4, s9;
	s6 =	sadd.s32 s8, s6;
	s3 =	sadd.s32 s3, s7  }
0x9: {  	v0 =	vmul.u32 $0x3, v0;
	s4 =	sadd.s32 s5, s8;
	s7 =	smax.u32 s9, $0x1;
	s8 =	simm.s32 $0x1  }
0xa: {  	s9 =	simm.s32 $0x2580;
	s5 =	sadd.s32 $0x3800, s6;
	s6 =	sadd.s32 $0x6A00, s6  }
.LBB2_1:
0xb: {  	s13 =	simm.s32 $0x0  }
0xc: {  	v1 =	vadd.s32 s13, v0  }
0xd: {  	[tilespmem:s2], [sflag:$0x1] =	stream.linear.gather [hbm4b:s3+s2], $0x2580, $0x38;
	[tilespmem:$0x4B00] =	vst v63  }
0xe: {  	_ =	swait.ge [sflag:s8], $0x2580  }
0xf: {  	[sflag:s8] =	ssyncset.done $0x0  }
0x10: {  	[sflag:s8] =	ssyncadd.s32 $0xFFFFDA80  }
0x11: {  	s28 =	simm.s32 $0x1;
	v1 =	vld.idx.msk [tilespmem:v1+s2+$0x0], $0xffff  }
0x12: {  	v2 =	vadd.s32 s28, v0;
	_ =	sdelay $0x3  }
0x13: {  	[tilespmem:s9+$0x0] =	vst v1  }
0x14: {  	s29 =	simm.s32 $0x2;
	v1 =	vld.idx.msk [tilespmem:v2+s2+$0x0], $0xffff  }
0x15: {  	v2 =	vadd.s32 s29, v0;
	_ =	sdelay $0x3  }
0x16: {  	[tilespmem:s10+$0x0] =	vst v1  }
0x17: {  	s30 =	simm.s32 $0x30;
	v1 =	vld.idx.msk [tilespmem:v2+s2+$0x0], $0xffff  }
0x18: {  	v2 =	vadd.s32 s30, v0;
	_ =	sdelay $0x3  }
0x19: {  	[tilespmem:s11+$0x0] =	vst v1  }
0x1a: {  	s31 =	simm.s32 $0x31;
	v1 =	vld.idx.msk [tilespmem:v2+s2+$0x0], $0xffff  }
0x1b: {  	v2 =	vadd.s32 s31, v0;
	_ =	sdelay $0x2  }
0x1c: {  	s13 =	simm.s32 $0x2590  }
0x1d: {  	[tilespmem:s13+$0x0] =	vst v1  }
0x1e: {  	s14 =	simm.s32 $0x32;
	v1 =	vld.idx.msk [tilespmem:v2+s2+$0x0], $0xffff  }
0x1f: {  	v2 =	vadd.s32 s14, v0;
	_ =	sdelay $0x2  }
0x20: {  	s14 =	simm.s32 $0x3210  }
0x21: {  	s15 =	simm.s32 $0x62;
	[tilespmem:s14+$0x0] =	vst v1  }
0x22: {  	s18 =	simm.s32 $0x60;
	s17 =	simm.s32 $0x92;
	s16 =	simm.s32 $0x3E80;
	v1 =	vld.idx.msk [tilespmem:v2+s2+$0x0], $0xffff  }
.LBB2_2:
0x23: {  	p0 =	sne.s32 s17, $0x2552;
	v2 =	vadd.s32 s18, v0;
	_ =	sdelay $0x2  }
0x24: {  	s16 =	sadd.s32 $0x10, s16  }
0x25: {  	[tilespmem:s16+$0x0] =	vst v1  }
0x26: {  	v1 =	vld.idx.msk [tilespmem:v2+s2+$0x0], $0xffff  }
0x27: {  	s18 =	sadd.s32 $0xFFFFFFFF, s15  }
0x28: {  	v2 =	vadd.s32 s18, v0;
	_ =	sdelay $0x2  }
0x29: {  	s13 =	sadd.s32 $0x10, s13  }
0x2a: {  	[tilespmem:s13+$0x0] =	vst v1  }
0x2b: {  	v1 =	vld.idx.msk [tilespmem:v2+s2+$0x0], $0xffff;
	_ =	sdelay $0x1  }
0x2c: {  	v2 =	vadd.s32 s15, v0;
	s15 =	smov.u32 s17;
	_ =	sdelay $0x1  }
.Ltmp0:
0x2d: {  	(pc) =	sbr.rel @p0 .LBB2_2-.Ltmp0, $4  }
0x2e: {  	s14 =	sadd.s32 $0x10, s14  }
0x2f: {  	[tilespmem:s14+$0x0] =	vst v1  }
0x30: {  	v1 =	vld.idx.msk [tilespmem:v2+s2+$0x0], $0xffff  }
0x31: {  	s17 =	sadd.s32 $0x30, s17;
	s18 =	sadd.s32 $0xFFFFFFFE, s15  }
0x32: {  	v2 =	vadd.s32 s18, v0;
	_ =	sdelay $0x2  }
0x33: {  	s16 =	sadd.s32 $0x10, s16  }
0x34: {  	[tilespmem:s16+$0x0] =	vst v1  }
0x35: {  	s17 =	sadd.s32 $0xFFFFFFFF, s15;
	v1 =	vld.idx.msk [tilespmem:v2+s2+$0x0], $0xffff  }
0x36: {  	v2 =	vadd.s32 s17, v0;
	_ =	sdelay $0x2  }
0x37: {  	s13 =	sadd.s32 $0x10, s13  }
0x38: {  	[tilespmem:s13+$0x0] =	vst v1  }
0x39: {  	v1 =	vld.idx.msk [tilespmem:v2+s2+$0x0], $0xffff  }
0x3a: {  	v2 =	vadd.s32 s15, v0;
	_ =	sdelay $0x2  }
0x3b: {  	s30 =	sadd.s32 $0x10, s14  }
0x3c: {  	[tilespmem:s30+$0x0] =	vst v1  }
0x3d: {  	v1 =	vld.idx.msk [tilespmem:v2+s2+$0x0], $0xffff;
	_ =	sdelay $0x3  }
0x3e: {  	s31 =	sadd.s32 $0x10, s16  }
0x3f: {  	[tilespmem:s31+$0x0] =	vst v1  }
0x40: {  	[hbm4b:s4+s2] =	stream.linear.scatter [tilespmem:s9], [sflag:$0x1], $0xC80, $0x38;
	[tilespmem:$0x4B00] =	vst v63  }
0x41: {  	_ =	swait.ge [sflag:s8], $0xC80  }
0x42: {  	[sflag:s8] =	ssyncset.done $0x0  }
0x43: {  	[sflag:s8] =	ssyncadd.s32 $0xFFFFF380  }
0x44: {  	[hbm4b:s5+s2] =	stream.linear.scatter [tilespmem:s10], [sflag:$0x1], $0xC80, $0x38;
	[tilespmem:$0x4B00] =	vst v63  }
0x45: {  	s12 =	sadd.s32 $0x1, s12;
	_ =	swait.ge [sflag:s8], $0xC80  }
0x46: {  	p0 =	sne.s32 s12, s7;
	[sflag:s8] =	ssyncset.done $0x0  }
.Ltmp1:
0x47: {  	[sflag:s8] =	ssyncadd.s32 $0xFFFFF380;
	(pc) =	sbr.rel @p0 .LBB2_1-.Ltmp1, $4  }
0x48: {  	[hbm4b:s6+s2] =	stream.linear.scatter [tilespmem:s11], [sflag:$0x1], $0xC80, $0x38;
	[tilespmem:$0x4B00] =	vst v63  }
0x49: {  	_ =	swait.ge [sflag:s8], $0xC80  }
0x4a: {  	[sflag:s8] =	ssyncset.done $0x0  }
0x4b: {  	[sflag:s8] =	ssyncadd.s32 $0xFFFFF380  }
0x4c: {  	_ =	sfence.sel $0x180000  }
0x4d: {  	[bflag:$0x0] =	sbarrier.arrive $0xFFFF  }
0x4e: {  	p0 =	sne.s32 s0, $0x0;
	_ =	strace $0x90000047  }
0x4f: {  	s0 =	sadd.s32 @!p0 $0x100000, s1;
	[bflag:$0x2] =	sbarrier.arrive $0xFFFF  }
0x50: {  	[sflag:s0] =	ssyncadd.tile.s32 @!p0 $0x1;
	_ =	shalt  }
.Lfunc_end2:
_tile_overlayer_lowered:
.L_overlay_start_2:
0x51: {  	(tag) =	ssettag $0x2  }
0x52: {  	s0 =	rddreg [dreg:$0x0];
	s2 =	stileid.u32  }
0x53: {  	s1 =	rddreg [dreg:$0x1];
	p0 =	sne.s32 s2, $0x0  }
0x54: {  	s3 =	rddreg [dreg:$0x2];
	[bflag:$0x3] =	sbarrier.arrive $0xFFFF;
	s2 =	simm.s32 @!p0 $0x1C01  }
0x55: {  	[timem:s3], [sflag:s2] =	dma.local @!p0 [hbm:s0], s1  }
0x56: {  	s0 =	simm.s32 @!p0 $0x1  }
0x57: {  	_ =	swait.ge @!p0 [sflag:s0], s1  }
0x58: {  	s1 =	ssub.s32 @!p0 $0x0, s1;
	[sflag:s0] =	ssyncset.done @!p0 $0x0  }
0x59: {  	[sflag:s0] =	ssyncadd.s32 @!p0 s1  }
0x5a: {  	[bflag:$0x3] =	sbarrier.arrive $0xFFFF  }
0x5b: {  	_ =	shalt  }

// kernel: kernel.9.cloned.1.call-start
scs
__scs_entry_jumppad:
0x0: {  	(pc) =	sbr.rel $0x88, $3  }
0x1: {  	(tag) =	ssettag $0x0;
	lr =	simm.s32 $0x1  }
0x2: {  	[smem:$0x3F9D] =	sst lr;
	_ =	strace $0xD0000000  }
0x3: {  	_ = 	snop  }
0x4: {  	_ = 	snop  }
0x5: {  	_ = 	snop  }
0x6: {  	_ = 	snop  }
0x7: {  	_ = 	snop  }
__scs_overlays_trampoline_lowered:
0x8: {  	[smem:$0x3FAC] =	sst s0  }
0x9: {  	[smem:$0x3FAD] =	sst s1  }
0xa: {  	[smem:$0x3FAE] =	sst s2  }
0xb: {  	[smem:$0x3FAF] =	sst s3  }
0xc: {  	[smem:$0x3FB0] =	sst s4  }
0xd: {  	[smem:$0x3FB1] =	sst s5  }
0xe: {  	[smem:$0x3FB2] =	sst s6  }
0xf: {  	[smem:$0x3FB3] =	sst s7  }
0x10: {  	[smem:$0x3FB4] =	sst s8  }
0x11: {  	[smem:$0x3FB5] =	sst s9;
	s0 =	simm.s32 @!p0 $0x0  }
0x12: {  	s1 =	sld [smem:$0x3F9B];
	s0 =	simm.s32 @p0 $0x1  }
0x13: {  	[smem:$0x3FB6] =	sst s0;
	s0 =	simm.s32 @!p1 $0x0  }
0x14: {  	s2 =	sld [smem:$0x3F9A];
	s0 =	simm.s32 @p1 $0x1  }
0x15: {  	[smem:$0x3FB7] =	sst s0;
	s0 =	simm.s32 @!p2 $0x0  }
0x16: {  	s3 =	sld [smem:$0x3FDB];
	s0 =	simm.s32 @p2 $0x1  }
0x17: {  	s4 =	simm.s32 $0x1BF5;
	[smem:$0x3FB9] =	sst s0  }
0x18: {  	s0 =	sld [smem:$0x3F9C];
	_ =	swait.ge [sflag:s4], $0x0  }
0x19: {  	s7 =	sld [smem:$0x3F9D]  }
0x1a: {  	s8 =	sadd.s32 $0xFFFFE003, lr  }
0x1b: {  	s9 =	sadd.s32 $0xFFFFFEF7, lr;
	s5 =	simm.s32 $0xFFFFFFFF;
	p2 =	slt.u32 s8, $0xFFFFF086  }
0x1c: {  	p1 =	slt.u32 s9, $0xF7A;
	s5 =	simm.s32 @!p2 $0x0  }
0x1d: {  	s5 =	simm.s32 @p1 $0x1;
	p0 =	seq.s32 s7, s2  }
0x1e: {  	s7 =	smul.u32 @!p0 $0xF7A, s2;
	p2 =	seq.s32 @!p0 s5, $0x0  }
0x1f: {  	s9 =	smul.u32 $0xF7A, s1;
	s8 =	simm.s32 @!p0 $0x1BF5;
	p2 =	por !p2, p0  }
0x20: {  	[sflag:s8] =	ssyncset.s32 @!p0 $0xFFFFF086;
	s6 =	sadd.s32 @!p0 s3, s7;
	s7 =	simm.s32 @!p0 $0x108  }
0x21: {  	s3 =	sadd.s32 s3, s9;
	s6 =	sadd.s32 @!p0 $0x88, s6;
	s7 =	simm.s32 @p2 $0x1082  }
0x22: {  	[simem:s7], [sflag:s8] =	dma.local @!p0 [hbm:s6], $0xF7A  }
0x23: {  	s9 =	sor.u32 $0xD0000000, s2;
	s6 =	simm.s32 $0x108;
	_ =	swait.ge @!p0 [sflag:s8], $0x0  }
0x24: {  	s3 =	sadd.s32 $0x88, s3;
	s6 =	simm.s32 @!p1 $0x1082;
	[sflag:s4] =	ssyncset.s32 $0xFFFFF086  }
0x25: {  	[simem:s6], [sflag:s4] =	dma.local [hbm:s3], $0xF7A  }
0x26: {  	[smem:$0x3F9D] =	sst s1;
	(tag) =	ssettag s2;
	_ =	strace s9  }
0x27: {  	s1 =	sld [smem:$0x3FAD]  }
0x28: {  	s2 =	sld [smem:$0x3FAE]  }
0x29: {  	s4 =	sld [smem:$0x3FB0]  }
0x2a: {  	p0 =	seq.s32 s5, $0x0;
	s5 =	sld [smem:$0x3FB1]  }
0x2b: {  	s6 =	sld [smem:$0x3FB2]  }
0x2c: {  	s7 =	sld [smem:$0x3FB3]  }
0x2d: {  	s3 =	simm.s32 $0x108;
	s8 =	sld [smem:$0x3FB4]  }
0x2e: {  	s3 =	simm.s32 @!p0 $0x1082;
	s9 =	sld [smem:$0x3FB5]  }
0x2f: {  	lr =	sadd.s32 s0, s3;
	s0 =	sld [smem:$0x3FAC]  }
0x30: {  	s3 =	sld [smem:$0x3FAF]  }
0x31: {  	[smem:$0x3FB8] =	sst s10  }
0x32: {  	s10 =	sld [smem:$0x3FB6];
	_ =	sdelay $0x3  }
0x33: {  	p0 =	seq.s32 s10, $0x1;
	s10 =	sld [smem:$0x3FB8];
	_ =	sdelay $0x3  }
0x34: {  	[smem:$0x3FB8] =	sst s10  }
0x35: {  	s10 =	sld [smem:$0x3FB7];
	_ =	sdelay $0x3  }
0x36: {  	p1 =	seq.s32 s10, $0x1;
	s10 =	sld [smem:$0x3FB8];
	_ =	sdelay $0x3  }
0x37: {  	[smem:$0x3FB8] =	sst s10  }
0x38: {  	s10 =	sld [smem:$0x3FB9]  }
0x39: {  	_ = 	snop;
	(pc) =	sbr.ind lr, $3  }
0x3a: {  	_ = 	snop  }
0x3b: {  	_ = 	snop  }
0x3c: {  	p2 =	seq.s32 s10, $0x1;
	s10 =	sld [smem:$0x3FB8]  }
0x3d: {  	_ =	shalt  }
0x3e: {  	_ =	shalt  }
0x3f: {  	_ =	shalt  }
0x40: {  	_ =	shalt  }
0x41: {  	_ =	shalt  }
0x42: {  	_ =	shalt  }
0x43: {  	_ =	shalt  }
0x44: {  	_ =	shalt  }
0x45: {  	_ =	shalt  }
0x46: {  	_ =	shalt  }
0x47: {  	_ =	shalt  }
0x48: {  	_ =	shalt  }
0x49: {  	_ =	shalt  }
0x4a: {  	_ =	shalt  }
0x4b: {  	_ =	shalt  }
0x4c: {  	_ =	shalt  }
0x4d: {  	_ =	shalt  }
0x4e: {  	_ =	shalt  }
0x4f: {  	_ =	shalt  }
0x50: {  	_ =	shalt  }
0x51: {  	_ =	shalt  }
0x52: {  	_ =	shalt  }
0x53: {  	_ =	shalt  }
0x54: {  	_ =	shalt  }
0x55: {  	_ =	shalt  }
0x56: {  	_ =	shalt  }
0x57: {  	_ =	shalt  }
0x58: {  	_ =	shalt  }
0x59: {  	_ =	shalt  }
0x5a: {  	_ =	shalt  }
0x5b: {  	_ =	shalt  }
0x5c: {  	_ =	shalt  }
0x5d: {  	_ =	shalt  }
0x5e: {  	_ =	shalt  }
0x5f: {  	_ =	shalt  }
0x60: {  	_ =	shalt  }
0x61: {  	_ =	shalt  }
0x62: {  	_ =	shalt  }
0x63: {  	_ =	shalt  }
0x64: {  	_ =	shalt  }
0x65: {  	_ =	shalt  }
0x66: {  	_ =	shalt  }
0x67: {  	_ =	shalt  }
0x68: {  	_ =	shalt  }
0x69: {  	_ =	shalt  }
0x6a: {  	_ =	shalt  }
0x6b: {  	_ =	shalt  }
0x6c: {  	_ =	shalt  }
0x6d: {  	_ =	shalt  }
0x6e: {  	_ =	shalt  }
0x6f: {  	_ =	shalt  }
0x70: {  	_ =	shalt  }
0x71: {  	_ =	shalt  }
0x72: {  	_ =	shalt  }
0x73: {  	_ =	shalt  }
0x74: {  	_ =	shalt  }
0x75: {  	_ =	shalt  }
0x76: {  	_ =	shalt  }
0x77: {  	_ =	shalt  }
0x78: {  	_ =	shalt  }
0x79: {  	_ =	shalt  }
0x7a: {  	_ =	shalt  }
0x7b: {  	_ =	shalt  }
0x7c: {  	_ =	shalt  }
0x7d: {  	_ =	shalt  }
0x7e: {  	_ =	shalt  }
0x7f: {  	_ =	shalt  }
0x80: {  	_ =	shalt  }
0x81: {  	_ =	shalt  }
0x82: {  	_ =	shalt  }
0x83: {  	_ =	shalt  }
0x84: {  	_ =	shalt  }
0x85: {  	_ =	shalt  }
0x86: {  	_ =	shalt  }
0x87: {  	_ =	shalt  }
.Lfunc_end0:
.L_simem_size_0:
called_computation.2_lowered:
.L_overlay_start_0:
0x88: {  	s2 =	sld [smem:$0x3FD9]  }
0x89: {  	s3 =	sld [smem:$0x3FFE];
	_ =	sdelay $0x1  }
0x8a: {  	s1 =	srdreg.scid  }
0x8b: {  	s0 =	sand.u32 $0x1, s1  }
0x8c: {  	s14 =	sshll.u32 s0, $0xA;
	s2 =	sadd.s32 s3, s2  }
0x8d: {  	s2 =	sadd.s32 s2, s14  }
0x8e: {  	[smem:$0x3FC4] =	sst s2  }
0x8f: {  	_ = 	snop  }
0x90: {  	s2 =	sld [smem:$0x3FD0];
	_ =	sdelay $0x2  }
0x91: {  	s15 =	simm.s32 $0xA;
	s4 =	simm.s32 $0x10  }
0x92: {  	[smem:s4], [sflag:s15] =	dma.local [hbm:s2], $0x1  }
0x93: {  	_ =	swait.eq [sflag:s15], $0x1  }
0x94: {  	[sflag:s15] =	ssyncset.done $0x0  }
0x95: {  	s16 =	sld [smem:$0x10];
	[sflag:s15] =	ssyncadd.s32 $0xFFFFFFFF  }
0x96: {  	s17 =	sld [smem:$0x11];
	(tm) =	ssettm $0x1  }
0x97: {  	s18 =	sld [smem:$0x3FFB];
	_ =	sdelay $0x3  }
0x98: {  	_ =	strace s18  }
0x99: {  	s4 =	sld [smem:$0x3FFC];
	_ =	sdelay $0x3  }
0x9a: {  	_ =	strace s4  }
0x9b: {  	s4 =	sld [smem:$0x3FFD];
	_ =	sdelay $0x3  }
0x9c: {  	_ =	strace s4  }
0x9d: {  	_ =	strace $0x8FFFFFFF  }
0x9e: {  	s19 =	sld [smem:$0x3FDB];
	_ =	sdelay $0x1  }
0x9f: {  	s5 =	simm.s32 $_scs_section_size  }
0xa0: {  	s6 =	simm.s32 $_size__tile_overlayer_lowered;
	s7 =	simm.s32 $_tile_overlayer_lowered  }
0xa1: {  	s22 =	simm.s32 $0x1BFF;
	s21 =	sshll.u32 s7, $0x1;
	s4 =	sadd.s32 s5, s19  }
0xa2: {  	s8 =	simm.s32 $0x0;
	s20 =	sshll.u32 s6, $0x1;
	s6 =	sadd.s32 s21, s4  }
0xa3: {  	[timem:s8], [sflag:s22] =	dma.local [hbm:s6], s20  }
0xa4: {  	_ =	swait.ge [sflag:s22], s20  }
0xa5: {  	s5 =	ssub.s32 $0x0, s20;
	[sflag:s22] =	ssyncset.done $0x0  }
0xa6: {  	[sflag:s22] =	ssyncadd.s32 s5;
	_ =	sdelay $0x1  }
0xa7: {  	s23 =	simm.s32 $0x1B8B  }
0xa8: {  	_ =	swait.ge [sflag:s23], $0x1  }
0xa9: {  	[sflag:s23] =	ssyncset.done $0x0  }
0xaa: {  	s25 =	simm.s32 $0x1B8E;
	s24 =	sld [smem:$0x3FFE];
	[sflag:s23] =	ssyncadd.s32 $0xFFFFFFFF  }
0xab: {  	s26 =	simm.s32 $execute0_lowered;
	[smem:$0x3FD2] =	sst s25  }
0xac: {  	s6 =	sshll.u32 s26, $0x1;
	_ =	strace $0x80000049;
	[dreg:$0x1] =	wrdreg $0xFFFFFFFF  }
0xad: {  	s28 =	simm.s32 $_size_execute0_lowered;
	s4 =	sadd.s32 s4, s6;
	[dreg:$0x0] =	wrdreg $0x0  }
0xae: {  	s6 =	sshll.u32 s28, $0x1;
	[dreg:$0x2] =	wrdreg s4  }
0xaf: {  	[dreg:$0x3] =	wrdreg s6  }
0xb0: {  	[dreg:$0x4] =	wrdreg $0xC0  }
0xb1: {  	_ =	task [dreg:s8], $0x5FFFF  }
0xb2: {  	[dreg:$0x1] =	wrdreg $0xFFFFFFFF  }
0xb3: {  	[dreg:$0x0] =	wrdreg $0x60  }
0xb4: {  	[dreg:$0x2] =	wrdreg s16  }
0xb5: {  	[dreg:$0x3] =	wrdreg s17  }
0xb6: {  	[dreg:$0x4] =	wrdreg s24  }
0xb7: {  	[dreg:$0x5] =	wrdreg $0x9  }
0xb8: {  	_ =	task.clear_ibuf [dreg:s8], $0x6FFFF;
	_ =	strace $0x90000049  }
0xb9: {  	s29 =	simm.s32 $0x9;
	_ =	strace $0x8000004B  }
0xba: {  	_ =	swait.ge [sflag:s29], $0x1  }
0xbb: {  	[sflag:s29] =	ssyncadd.s32 $0xFFFFFFFF  }
0xbc: {  	_ =	strace $0x9000004B  }
0xbd: {  	_ =	sfence  }
0xbe: {  	s30 =	sld [smem:$0x0];
	_ =	sdelay $0x2  }
0xbf: {  	s31 =	sshll.u32 s1, $0xD;
	s1 =	sshrl.u32 s1, $0x2  }
0xc0: {  	s3 =	sand.u32 $0x4000, s31;
	s1 =	sadd.s32 s1, s30  }
0xc1: {  	s0 =	sor.u32 s3, s0;
	s1 =	sshll.u32 s1, $0x11  }
0xc2: {  	s0 =	sor.u32 s1, s0  }
0xc3: {  	s0 =	sadd.s32 $0x8F2B, s0  }
0xc4: {  	[sflag:s0] =	ssyncadd.remote.s32 $0x1  }
0xc5: {  	_ =	sfence.sel $0xFFFF  }
0xc6: {  	[dreg:$0x0] =	wrdreg $0xFFFFFFFF;
	(pc) =	sbr.abs _section_cstart, $3  }
0xc7: {  	[dreg:$0x1] =	wrdreg $0xFFFFFFFF  }
0xc8: {  	_ =	task.clear_ibuf [dreg:s8], $0x2FFFF;
	_ =	strace $0x9FFFFFFF  }
0xc9: {  	(tm) =	ssettm $0x7FFFFFFF  }
tec
execute0_lowered:
.L_overlay_start_1:
0x0: {  	(tag) =	ssettag $0x1  }
0x1: {  	s1 =	srdreg.scid  }
0x2: {  	s1 =	sand.u32 $0x1, s1  }
0x3: {  	s6 =	stileid.u32;
	s5 =	sshll.u32 s1, $0x4  }
0x4: {  	s5 =	sor.u32 s6, s5  }
0x5: {  	p0 =	sgt.u32 s5, $0x1D  }
.Ltmp0:
0x6: {  	_ = 	snop;
	(pc) =	sbr.rel @p0 .LBB2_9-.Ltmp0, $4  }
0x7: {  	s0 =	rddreg [dreg:$0x0]  }
0x8: {  	s3 =	rddreg [dreg:$0x1];
	s4 =	simm.s32 $0x0  }
0x9: {  	[smem:$0x7FF] =	sst s4  }
0xa: {  	s2 =	rddreg [dreg:$0x2];
	_ =	strace $0x8000004A  }
0xb: {  	s6 =	smul.u32 $0x1A, s5;
	s15 =	sadd.s32 $0x3800, s2  }
0xc: {  	s16 =	sadd.s32 $0x6A00, s2;
	s7 =	sadd.s32 $0x9C00, s2;
	s8 =	sadd.s32 $0x3AA00, s2  }
0xd: {  	s9 =	sadd.s32 $0x6B800, s2;
	s1 =	ssub.s32 $0x2, s1;
	s6 =	sshrl.u32 s6, $0x8  }
0xe: {  	p1 =	sgt.u32 s5, $0x13;
	p0 =	sgt.u32 s5, $0x9;
	s6 =	smul.u32 $0xA, s6  }
0xf: {  	s17 =	simm.s32 $0x19000;
	s18 =	simm.s32 $0x1A000;
	s19 =	simm.s32 $0x19800  }
0x10: {  	s20 =	simm.s32 $0x1A800;
	s21 =	simm.s32 $0x1;
	s6 =	ssub.s32 s5, s6  }
0x11: {  	p2 =	slt.u32 s5, $0x14;
	s22 =	simm.s32 $0x2;
	s6 =	sand.u32 $0xFF, s6  }
0x12: {  	s23 =	simm.s32 $0x0;
	s31 =	sshrl.u32 s1, $0x1;
	s6 =	smul.u32 $0x27100, s6  }
0x13: {  	s15 =	smov.u32 @p1 s16;
	s16 =	simm.s32 $0x5;
	s1 =	ssub.s32 s1, s31  }
0x14: {  	s3 =	smov.u32 @p0 s15;
	s15 =	sadd.s32 $0xFFFFFFF6, s5;
	s10 =	sshrl.u32 s6, $0x3  }
0x15: {  	s14 =	smax.u32 s1, $0x1;
	p1 =	sgt.u32 s15, $0x9;
	s10 =	sadd.s32 s0, s10  }
0x16: {  	s12 =	sadd.s32 $0x7D0, s6;
	s13 =	sadd.s32 $0xFA0, s6;
	s11 =	sadd.s32 $0x30D40, s10  }
.LBB2_2:
0x17: {  	s24 =	simm.s32 $0x0  }
0x18: {  	[tilespmem:s24], [sflag:$0x5] =	stream.linear.gather [hbm4b:s3+s24], $0x19000, $0x38;
	[tilespmem:$0x1C000] =	vst v63  }
0x19: {  	_ =	swait.ge [sflag:s16], $0x19000  }
0x1a: {  	[sflag:s16] =	ssyncset.done $0x0  }
0x1b: {  	[sflag:s16] =	ssyncadd.s32 $0xFFFE7000  }
0x1c: {  	[tilespmem:s17], [sflag:$0x1] =	stream.linear.gather [hbm4b:s10+s24], $0x7D0, $0x38;
	[tilespmem:$0x1C000] =	vst v63  }
0x1d: {  	_ = 	snop  }
0x1e: {  	[tilespmem:s18], [sflag:$0x1] =	stream.linear.gather [hbm4b:s11+s24], $0x7D0, $0x38;
	[tilespmem:$0x1C000] =	vst v63  }
.LBB2_3:
0x1f: {  	s26 =	smul.u32 $0xFA0, s24;
	_ =	sdelay $0x1  }
0x20: {  	s1 =	sadd.s32 s26, s12  }
0x21: {  	s25 =	sshrl.u32 s1, $0x3  }
0x22: {  	s1 =	sadd.s32 s0, s25  }
0x23: {  	[tilespmem:s19], [sflag:$0x2] =	stream.linear.gather [hbm4b:s1+s4], $0x7D0, $0x38;
	[tilespmem:$0x1C000] =	vst v63  }
0x24: {  	s1 =	sadd.s32 $0x30D40, s1  }
0x25: {  	[tilespmem:s20], [sflag:$0x2] =	stream.linear.gather [hbm4b:s1+s4], $0x7D0, $0x38;
	[tilespmem:$0x1C000] =	vst v63  }
0x26: {  	_ =	swait.ge [sflag:s21], $0x7D0  }
0x27: {  	[sflag:s21] =	ssyncset.done $0x0  }
0x28: {  	p5 =	seq.s32 s24, $0x0;
	[sflag:s21] =	ssyncadd.s32 $0xFFFFF830  }
0x29: {  	p3 =	sgt.u32 @!p5 s5, $0x9;
	_ =	swait.ge [sflag:s21], $0x7D0  }
0x2a: {  	p3 =	por p3, p5;
	[sflag:s21] =	ssyncset.done $0x0  }
0x2b: {  	s1 =	simm.s32 @!p3 $0x3;
	[sflag:s21] =	ssyncadd.s32 $0xFFFFF830  }
0x2c: {  	p4 =	sgt.u32 @!p5 s15, $0x9;
	_ =	swait.ge @!p3 [sflag:s1], $0x7D0  }
0x2d: {  	p4 =	por p4, p5;
	[sflag:s1] =	ssyncset.done @!p3 $0x0  }
0x2e: {  	[sflag:s1] =	ssyncadd.s32 @!p3 $0xFFFFF830;
	s1 =	simm.s32 @!p4 $0x3  }
0x2f: {  	p6 =	slt.u32 @!p5 s5, $0x14;
	_ =	swait.ge @!p4 [sflag:s1], $0x7D0  }
0x30: {  	p5 =	por p6, p5;
	[sflag:s1] =	ssyncset.done @!p4 $0x0  }
0x31: {  	[sflag:s1] =	ssyncadd.s32 @!p4 $0xFFFFF830;
	s1 =	simm.s32 @!p5 $0x3  }
0x32: {  	_ =	swait.ge @!p5 [sflag:s1], $0x7D0  }
0x33: {  	[sflag:s1] =	ssyncset.done @!p5 $0x0  }
0x34: {  	[sflag:s1] =	ssyncadd.s32 @!p5 $0xFFFFF830;
	s1 =	simm.s32 $0x19010  }
0x35: {  	s2 =	simm.s32 $0x1A010;
	v0 =	vld [tilespmem:s1+$0xFFFFFFF0]  }
0x36: {  	v1 =	vld [tilespmem:s2+$0x0]  }
0x37: {  	v2 =	vld [tilespmem:s1+$0x0]  }
0x38: {  	s30 =	simm.s32 $0x1A050;
	v3 =	vld [tilespmem:s2+$0xFFFFFFF0]  }
0x39: {  	s1 =	simm.s32 $0x19030;
	v5 =	vld [tilespmem:s30+$0xFFFFFFF0]  }
0x3a: {  	s2 =	simm.s32 $0x1A030;
	v6 =	vld [tilespmem:s1+$0xFFFFFFF0]  }
0x3b: {  	v7 =	vld [tilespmem:s2+$0x0]  }
0x3c: {  	v8 =	vld [tilespmem:s1+$0x0]  }
0x3d: {  	v10 =	vld [tilespmem:s2+$0xFFFFFFF0]  }
0x3e: {  	v9 =	vld.idx.msk [tilespmem:v0+s4+$0x0], $0xffff  }
0x3f: {  	v11 =	vld.idx.msk [tilespmem:v1+s4+$0x0], $0xffff  }
0x40: {  	v2 =	vld.idx.msk [tilespmem:v2+s4+$0x0], $0xffff  }
0x41: {  	s2 =	simm.s32 $0x19050;
	v12 =	vld.idx.msk [tilespmem:v3+s4+$0x0], $0xffff  }
0x42: {  	v4 =	vld [tilespmem:s2+$0x0]  }
0x43: {  	v1 =	vld [tilespmem:s2+$0xFFFFFFF0]  }
0x44: {  	v3 =	vld [tilespmem:s30+$0x0]  }
0x45: {  	v0 =	vld.idx.msk [tilespmem:v6+s4+$0x0], $0xffff;
	v11 =	vsub.f32 v2, v11  }
0x46: {  	v6 =	vld.idx.msk [tilespmem:v8+s4+$0x0], $0xffff;
	v12 =	vsub.f32 v9, v12  }
0x47: {  	s29 =	simm.s32 $0x1B010;
	s31 =	simm.s32 $0x1B010;
	v2 =	vld.idx.msk [tilespmem:v7+s4+$0x0], $0xffff;
	v9 =	vmul.f32 v11, v11  }
0x48: {  	s28 =	sadd.s32 s6, s26;
	s1 =	simm.s32 $0x4;
	s2 =	simm.s32 $0x19070;
	v7 =	vld.idx.msk [tilespmem:v10+s4+$0x0], $0xffff;
	v8 =	vmul.f32 v12, v12  }
.LBB2_4:
0x49: {  	v10 =	vld [tilespmem:s2+$0xFFFFFFF0];
	s1 =	sadd.s32 $0x2, s1;
	s30 =	sadd.s32 $0x20, s30;
	[tilespmem:s29+$0x0] =	vst v9;
	s31 =	sadd.s32 $0x20, s31;
	v11 =	vmov v5  }
0x4a: {  	v12 =	vld [tilespmem:s30+$0x0];
	p6 =	slt.u32 s1, $0x7A;
	[tilespmem:s29+$0xFFFFFFF0] =	vst v8;
	s29 =	smov.u32 s31  }
0x4b: {  	v8 =	vmov v0;
	v13 =	vld [tilespmem:s2+$0x0]  }
.Ltmp1:
0x4c: {  	v5 =	vld [tilespmem:s30+$0xFFFFFFF0];
	(pc) =	sbr.rel @p6 .LBB2_4-.Ltmp1, $4  }
0x4d: {  	v9 =	vsub.f32 v6, v2;
	v0 =	vld.idx.msk [tilespmem:v1+s4+$0x0], $0xffff  }
0x4e: {  	v8 =	vsub.f32 v8, v7;
	v2 =	vld.idx.msk [tilespmem:v3+s4+$0x0], $0xffff;
	v1 =	vmov v10  }
0x4f: {  	v9 =	vmul.f32 v9, v9;
	v6 =	vld.idx.msk [tilespmem:v4+s4+$0x0], $0xffff;
	v3 =	vmov v12  }
0x50: {  	s2 =	sadd.s32 $0x20, s2;
	v8 =	vmul.f32 v8, v8;
	v7 =	vld.idx.msk [tilespmem:v11+s4+$0x0], $0xffff;
	v4 =	vmov v13  }
0x51: {  	_ =	sdelay $0x3  }
0x52: {  	v1 =	vld.idx.msk [tilespmem:v1+s4+$0x0], $0xffff  }
0x53: {  	v3 =	vld.idx.msk [tilespmem:v3+s4+$0x0], $0xffff  }
0x54: {  	v4 =	vld.idx.msk [tilespmem:v4+s4+$0x0], $0xffff  }
0x55: {  	v5 =	vld.idx.msk [tilespmem:v5+s4+$0x0], $0xffff;
	_ =	sdelay $0x1  }
0x56: {  	v2 =	vsub.f32 v6, v2  }
0x57: {  	v0 =	vsub.f32 v0, v7  }
0x58: {  	[tilespmem:s29+$0x0] =	vst v9;
	v2 =	vmul.f32 v2, v2;
	v3 =	vsub.f32 v4, v3  }
0x59: {  	s1 =	sadd.s32 $0x20, s31;
	[tilespmem:s29+$0xFFFFFFF0] =	vst v8;
	v1 =	vsub.f32 v1, v5;
	v0 =	vmul.f32 v0, v0  }
0x5a: {  	[tilespmem:s1+$0x0] =	vst v2;
	v2 =	vmul.f32 v3, v3  }
0x5b: {  	s2 =	sadd.s32 $0x20, s1;
	[tilespmem:s1+$0xFFFFFFF0] =	vst v0;
	v0 =	vmul.f32 v1, v1  }
0x5c: {  	[tilespmem:s2+$0x0] =	vst v2  }
0x5d: {  	[tilespmem:s2+$0xFFFFFFF0] =	vst v0  }
0x5e: {  	v0 =	vld [tilespmem:$0x197C0]  }
0x5f: {  	v1 =	vld [tilespmem:$0x1A7C0];
	_ =	sdelay $0x6  }
0x60: {  	v0 =	vld.idx.msk [tilespmem:v0+s4+$0x0], $0xffff  }
0x61: {  	v1 =	vld.idx.msk [tilespmem:v1+s4+$0x0], $0xffff;
	_ =	sdelay $0x4  }
0x62: {  	v0 =	vsub.f32 v0, v1;
	_ =	sdelay $0x1  }
0x63: {  	v0 =	vmul.f32 v0, v0  }
0x64: {  	s1 =	sshrl.u32 @!p0 s28, $0x3  }
0x65: {  	s29 =	simm.s32 @!p0 $0x1B000;
	s1 =	sadd.s32 @!p0 s7, s1;
	s2 =	simm.s32 @!p0 $0x0;
	[tilespmem:$0x1B7C0] =	vst v0  }
0x66: {  	[hbm4b:s1+s2] =	stream.linear.scatter @!p0 [tilespmem:s29], [sflag:$0x3], $0x7D0, $0x38;
	[tilespmem:$0x1C000] =	vst v63  }
0x67: {  	s1 =	sshrl.u32 @!p1 s28, $0x3  }
0x68: {  	s2 =	simm.s32 @!p1 $0x0;
	s29 =	simm.s32 @!p1 $0x1B000;
	s1 =	sadd.s32 @!p1 s8, s1  }
0x69: {  	[hbm4b:s1+s2] =	stream.linear.scatter @!p1 [tilespmem:s29], [sflag:$0x3], $0x7D0, $0x38;
	[tilespmem:$0x1C000] =	vst v63  }
0x6a: {  	p6 =	seq.s32 s24, $0x27;
	s1 =	sshrl.u32 @!p2 s28, $0x3  }
0x6b: {  	s2 =	simm.s32 @!p2 $0x0;
	s28 =	simm.s32 @!p2 $0x1B000;
	s1 =	sadd.s32 @!p2 s9, s1  }
0x6c: {  	[hbm4b:s1+s2] =	stream.linear.scatter @!p2 [tilespmem:s28], [sflag:$0x3], $0x7D0, $0x38;
	[tilespmem:$0x1C000] =	vst v63  }
0x6d: {  	s1 =	sadd.s32 @!p6 s26, s13  }
0x6e: {  	s1 =	sshrl.u32 @!p6 s1, $0x3  }
0x6f: {  	s2 =	simm.s32 @!p6 $0x0;
	s26 =	simm.s32 @!p6 $0x19000;
	s1 =	sadd.s32 @!p6 s0, s1  }
0x70: {  	[tilespmem:s26], [sflag:$0x1] =	stream.linear.gather @!p6 [hbm4b:s1+s2], $0x7D0, $0x38;
	[tilespmem:$0x1C000] =	vst v63  }
0x71: {  	s1 =	sadd.s32 @!p6 $0x30D40, s1;
	s26 =	simm.s32 @!p6 $0x1A000  }
0x72: {  	[tilespmem:s26], [sflag:$0x1] =	stream.linear.gather @!p6 [hbm4b:s1+s2], $0x7D0, $0x38;
	[tilespmem:$0x1C000] =	vst v63  }
0x73: {  	_ =	swait.ge [sflag:s22], $0x7D0  }
0x74: {  	[sflag:s22] =	ssyncset.done $0x0  }
0x75: {  	[sflag:s22] =	ssyncadd.s32 $0xFFFFF830  }
0x76: {  	_ =	swait.ge [sflag:s22], $0x7D0  }
0x77: {  	[sflag:s22] =	ssyncset.done $0x0  }
0x78: {  	s1 =	simm.s32 @!p3 $0x4;
	[sflag:s22] =	ssyncadd.s32 $0xFFFFF830  }
0x79: {  	_ =	swait.ge @!p3 [sflag:s1], $0x7D0  }
0x7a: {  	[sflag:s1] =	ssyncset.done @!p3 $0x0  }
0x7b: {  	[sflag:s1] =	ssyncadd.s32 @!p3 $0xFFFFF830;
	s1 =	simm.s32 @!p4 $0x4  }
0x7c: {  	_ =	swait.ge @!p4 [sflag:s1], $0x7D0  }
0x7d: {  	[sflag:s1] =	ssyncset.done @!p4 $0x0  }
0x7e: {  	[sflag:s1] =	ssyncadd.s32 @!p4 $0xFFFFF830;
	s1 =	simm.s32 @!p5 $0x4  }
0x7f: {  	_ =	swait.ge @!p5 [sflag:s1], $0x7D0  }
0x80: {  	[sflag:s1] =	ssyncset.done @!p5 $0x0  }
0x81: {  	s30 =	simm.s32 $0x19810;
	[sflag:s1] =	ssyncadd.s32 @!p5 $0xFFFFF830  }
0x82: {  	s31 =	simm.s32 $0x1A810;
	v0 =	vld [tilespmem:s30+$0xFFFFFFF0]  }
0x83: {  	v1 =	vld [tilespmem:s31+$0x0]  }
0x84: {  	v2 =	vld [tilespmem:s30+$0x0]  }
0x85: {  	s26 =	simm.s32 $0x19830;
	v3 =	vld [tilespmem:s31+$0xFFFFFFF0]  }
0x86: {  	v6 =	vld [tilespmem:s26+$0xFFFFFFF0]  }
0x87: {  	s28 =	simm.s32 $0x1A850;
	v8 =	vld [tilespmem:s26+$0x0]  }
0x88: {  	s30 =	simm.s32 $0x1A830;
	v5 =	vld [tilespmem:s28+$0xFFFFFFF0]  }
0x89: {  	v7 =	vld [tilespmem:s30+$0x0]  }
0x8a: {  	v10 =	vld [tilespmem:s30+$0xFFFFFFF0]  }
0x8b: {  	v9 =	vld.idx.msk [tilespmem:v0+s4+$0x0], $0xffff  }
0x8c: {  	v11 =	vld.idx.msk [tilespmem:v1+s4+$0x0], $0xffff  }
0x8d: {  	v2 =	vld.idx.msk [tilespmem:v2+s4+$0x0], $0xffff  }
0x8e: {  	s31 =	simm.s32 $0x19850;
	v12 =	vld.idx.msk [tilespmem:v3+s4+$0x0], $0xffff  }
0x8f: {  	v4 =	vld [tilespmem:s31+$0x0]  }
0x90: {  	v1 =	vld [tilespmem:s31+$0xFFFFFFF0]  }
0x91: {  	v3 =	vld [tilespmem:s28+$0x0]  }
0x92: {  	v0 =	vld.idx.msk [tilespmem:v6+s4+$0x0], $0xffff;
	v11 =	vsub.f32 v2, v11  }
0x93: {  	v6 =	vld.idx.msk [tilespmem:v8+s4+$0x0], $0xffff;
	v12 =	vsub.f32 v9, v12  }
0x94: {  	s29 =	simm.s32 $0x1B810;
	v2 =	vld.idx.msk [tilespmem:v7+s4+$0x0], $0xffff;
	v9 =	vmul.f32 v11, v11  }
0x95: {  	s2 =	simm.s32 $0x19870;
	s1 =	simm.s32 $0x4;
	s26 =	simm.s32 $0x1B810;
	v7 =	vld.idx.msk [tilespmem:v10+s4+$0x0], $0xffff;
	v8 =	vmul.f32 v12, v12  }
.LBB2_6:
0x96: {  	v10 =	vld [tilespmem:s2+$0xFFFFFFF0];
	s1 =	sadd.s32 $0x2, s1;
	s28 =	sadd.s32 $0x20, s28;
	[tilespmem:s26+$0x0] =	vst v9;
	s29 =	sadd.s32 $0x20, s29;
	v11 =	vmov v5  }
0x97: {  	v12 =	vld [tilespmem:s28+$0x0];
	p3 =	slt.u32 s1, $0x7A;
	[tilespmem:s26+$0xFFFFFFF0] =	vst v8;
	s26 =	smov.u32 s29  }
0x98: {  	v8 =	vmov v0;
	v13 =	vld [tilespmem:s2+$0x0]  }
.Ltmp2:
0x99: {  	v5 =	vld [tilespmem:s28+$0xFFFFFFF0];
	(pc) =	sbr.rel @p3 .LBB2_6-.Ltmp2, $4  }
0x9a: {  	v9 =	vsub.f32 v6, v2;
	v0 =	vld.idx.msk [tilespmem:v1+s4+$0x0], $0xffff  }
0x9b: {  	v8 =	vsub.f32 v8, v7;
	v2 =	vld.idx.msk [tilespmem:v3+s4+$0x0], $0xffff;
	v1 =	vmov v10  }
0x9c: {  	v9 =	vmul.f32 v9, v9;
	v6 =	vld.idx.msk [tilespmem:v4+s4+$0x0], $0xffff;
	v3 =	vmov v12  }
0x9d: {  	s2 =	sadd.s32 $0x20, s2;
	v8 =	vmul.f32 v8, v8;
	v7 =	vld.idx.msk [tilespmem:v11+s4+$0x0], $0xffff;
	v4 =	vmov v13  }
0x9e: {  	_ =	sdelay $0x3  }
0x9f: {  	v1 =	vld.idx.msk [tilespmem:v1+s4+$0x0], $0xffff  }
0xa0: {  	v3 =	vld.idx.msk [tilespmem:v3+s4+$0x0], $0xffff  }
0xa1: {  	v4 =	vld.idx.msk [tilespmem:v4+s4+$0x0], $0xffff  }
0xa2: {  	v5 =	vld.idx.msk [tilespmem:v5+s4+$0x0], $0xffff;
	_ =	sdelay $0x1  }
0xa3: {  	v2 =	vsub.f32 v6, v2  }
0xa4: {  	v0 =	vsub.f32 v0, v7  }
0xa5: {  	[tilespmem:s26+$0x0] =	vst v9;
	v2 =	vmul.f32 v2, v2;
	v3 =	vsub.f32 v4, v3  }
0xa6: {  	s1 =	sadd.s32 $0x20, s29;
	[tilespmem:s26+$0xFFFFFFF0] =	vst v8;
	v1 =	vsub.f32 v1, v5;
	v0 =	vmul.f32 v0, v0  }
0xa7: {  	[tilespmem:s1+$0x0] =	vst v2;
	v61 =	vmul.f32 v3, v3  }
0xa8: {  	s2 =	sadd.s32 $0x20, s1;
	v62 =	vmul.f32 v1, v1;
	[tilespmem:s1+$0xFFFFFFF0] =	vst v0  }
0xa9: {  	[tilespmem:s2+$0x0] =	vst v61  }
0xaa: {  	[tilespmem:s2+$0xFFFFFFF0] =	vst v62  }
0xab: {  	v0 =	vld [tilespmem:$0x19FC0]  }
0xac: {  	v63 =	vld [tilespmem:$0x1AFC0];
	_ =	sdelay $0x6  }
0xad: {  	v0 =	vld.idx.msk [tilespmem:v0+s4+$0x0], $0xffff  }
0xae: {  	v1 =	vld.idx.msk [tilespmem:v63+s4+$0x0], $0xffff;
	_ =	sdelay $0x4  }
0xaf: {  	v0 =	vsub.f32 v0, v1;
	_ =	sdelay $0x1  }
0xb0: {  	v0 =	vmul.f32 v0, v0  }
0xb1: {  	s24 =	sadd.s32 $0x1, s24;
	s26 =	simm.s32 @!p0 $0x1B800  }
0xb2: {  	p3 =	sne.s32 s24, $0x28;
	s1 =	sadd.s32 @!p0 s7, s25;
	s2 =	simm.s32 @!p0 $0x0;
	[tilespmem:$0x1BFC0] =	vst v0  }
0xb3: {  	[hbm4b:s1+s2] =	stream.linear.scatter @!p0 [tilespmem:s26], [sflag:$0x4], $0x7D0, $0x38;
	[tilespmem:$0x1C000] =	vst v63  }
.Ltmp3:
0xb4: {  	_ = 	snop;
	(pc) =	sbr.rel @p3 .LBB2_3-.Ltmp3, $4  }
0xb5: {  	s1 =	sadd.s32 @!p1 s8, s25;
	s2 =	simm.s32 @!p1 $0x0;
	s26 =	simm.s32 @!p1 $0x1B800  }
0xb6: {  	[hbm4b:s1+s2] =	stream.linear.scatter @!p1 [tilespmem:s26], [sflag:$0x4], $0x7D0, $0x38;
	[tilespmem:$0x1C000] =	vst v63  }
0xb7: {  	s1 =	sadd.s32 @!p2 s9, s25;
	s2 =	simm.s32 @!p2 $0x0;
	s25 =	simm.s32 @!p2 $0x1B800  }
0xb8: {  	[hbm4b:s1+s2] =	stream.linear.scatter @!p2 [tilespmem:s25], [sflag:$0x4], $0x7D0, $0x38;
	[tilespmem:$0x1C000] =	vst v63  }
0xb9: {  	s1 =	simm.s32 @!p0 $0x3  }
0xba: {  	_ =	swait.ge @!p0 [sflag:s1], $0x7D0  }
0xbb: {  	[sflag:s1] =	ssyncset.done @!p0 $0x0  }
0xbc: {  	[sflag:s1] =	ssyncadd.s32 @!p0 $0xFFFFF830;
	s1 =	simm.s32 @!p0 $0x4  }
0xbd: {  	_ =	swait.ge @!p0 [sflag:s1], $0x7D0  }
0xbe: {  	[sflag:s1] =	ssyncset.done @!p0 $0x0  }
0xbf: {  	[sflag:s1] =	ssyncadd.s32 @!p0 $0xFFFFF830;
	s1 =	simm.s32 @!p1 $0x3  }
0xc0: {  	_ =	swait.ge @!p1 [sflag:s1], $0x7D0  }
0xc1: {  	[sflag:s1] =	ssyncset.done @!p1 $0x0  }
0xc2: {  	[sflag:s1] =	ssyncadd.s32 @!p1 $0xFFFFF830;
	s1 =	simm.s32 @!p1 $0x4  }
0xc3: {  	_ =	swait.ge @!p1 [sflag:s1], $0x7D0  }
0xc4: {  	[sflag:s1] =	ssyncset.done @!p1 $0x0  }
0xc5: {  	s23 =	sadd.s32 $0x1, s23;
	[sflag:s1] =	ssyncadd.s32 @!p1 $0xFFFFF830;
	s1 =	simm.s32 @!p2 $0x3  }
0xc6: {  	p3 =	sne.s32 s23, s14;
	_ =	swait.ge @!p2 [sflag:s1], $0x7D0  }
.Ltmp4:
0xc7: {  	[sflag:s1] =	ssyncset.done @!p2 $0x0;
	(pc) =	sbr.rel @p3 .LBB2_2-.Ltmp4, $4  }
0xc8: {  	[sflag:s1] =	ssyncadd.s32 @!p2 $0xFFFFF830;
	s1 =	simm.s32 @!p2 $0x4  }
0xc9: {  	_ =	swait.ge @!p2 [sflag:s1], $0x7D0  }
0xca: {  	[sflag:s1] =	ssyncset.done @!p2 $0x0  }
0xcb: {  	[sflag:s1] =	ssyncadd.s32 @!p2 $0xFFFFF830  }
.LBB2_9:
0xcc: {  	_ =	sfence.sel $0x180000  }
0xcd: {  	[bflag:$0x0] =	sbarrier.arrive $0xFFFF  }
0xce: {  	_ =	strace $0x9000004A  }
0xcf: {  	s0 =	stileid.u32;
	[bflag:$0x2] =	sbarrier.arrive $0xFFFF  }
0xd0: {  	p0 =	sne.s32 s0, $0x0;
	s0 =	rddreg [dreg:$0x3]  }
0xd1: {  	s0 =	sadd.s32 @!p0 $0x100000, s0  }
0xd2: {  	[sflag:s0] =	ssyncadd.tile.s32 @!p0 $0x1;
	_ =	shalt  }
.Lfunc_end2:
_tile_overlayer_lowered:
.L_overlay_start_2:
0xd3: {  	(tag) =	ssettag $0x2  }
0xd4: {  	s0 =	rddreg [dreg:$0x0];
	s2 =	stileid.u32  }
0xd5: {  	s1 =	rddreg [dreg:$0x1];
	p0 =	sne.s32 s2, $0x0  }
0xd6: {  	s3 =	rddreg [dreg:$0x2];
	[bflag:$0x3] =	sbarrier.arrive $0xFFFF;
	s2 =	simm.s32 @!p0 $0x1C05  }
0xd7: {  	[timem:s3], [sflag:s2] =	dma.local @!p0 [hbm:s0], s1  }
0xd8: {  	s0 =	simm.s32 @!p0 $0x5  }
0xd9: {  	_ =	swait.ge @!p0 [sflag:s0], s1  }
0xda: {  	s1 =	ssub.s32 @!p0 $0x0, s1;
	[sflag:s0] =	ssyncset.done @!p0 $0x0  }
0xdb: {  	[sflag:s0] =	ssyncadd.s32 @!p0 s1  }
0xdc: {  	[bflag:$0x3] =	sbarrier.arrive $0xFFFF  }
0xdd: {  	_ =	shalt  }

// kernel: sparse-core-data-format-call.cloned.1.call-start
scs
called_computation_lowered:
.L_overlay_start_0:
0x0: {  	s2 =	sld [smem:$0x3FD9]  }
0x1: {  	s3 =	sld [smem:$0x3FFE];
	_ =	sdelay $0x1  }
0x2: {  	s1 =	srdreg.scid  }
0x3: {  	s0 =	sand.u32 $0x1, s1  }
0x4: {  	s15 =	sshll.u32 s0, $0xA;
	s2 =	sadd.s32 s3, s2  }
0x5: {  	s2 =	sadd.s32 s2, s15  }
0x6: {  	[smem:$0x3FC4] =	sst s2  }
0x7: {  	_ = 	snop  }
0x8: {  	s2 =	sld [smem:$0x3FD0];
	_ =	sdelay $0x2  }
0x9: {  	s16 =	simm.s32 $0xA;
	s4 =	simm.s32 $0x10  }
0xa: {  	[smem:s4], [sflag:s16] =	dma.local [hbm:s2], $0x1  }
0xb: {  	_ =	swait.eq [sflag:s16], $0x1  }
0xc: {  	[sflag:s16] =	ssyncset.done $0x0  }
0xd: {  	[sflag:s16] =	ssyncadd.s32 $0xFFFFFFFF  }
0xe: {  	s17 =	sld [smem:$0x11];
	(tm) =	ssettm $0x1  }
0xf: {  	s18 =	sld [smem:$0x3FFB];
	_ =	sdelay $0x3  }
0x10: {  	_ =	strace s18  }
0x11: {  	s3 =	sld [smem:$0x3FFC];
	_ =	sdelay $0x3  }
0x12: {  	_ =	strace s3  }
0x13: {  	s3 =	sld [smem:$0x3FFD];
	_ =	sdelay $0x3  }
0x14: {  	_ =	strace s3  }
0x15: {  	_ =	strace $0x8FFFFFFF  }
0x16: {  	s19 =	sld [smem:$0x3FDB];
	_ =	sdelay $0x1  }
0x17: {  	s20 =	simm.s32 $_scs_section_size  }
0x18: {  	s5 =	simm.s32 $_size__tile_overlayer_lowered;
	s6 =	simm.s32 $_tile_overlayer_lowered  }
0x19: {  	s23 =	simm.s32 $0x1BFF;
	s22 =	sshll.u32 s6, $0x1;
	s3 =	sadd.s32 s20, s19  }
0x1a: {  	s7 =	simm.s32 $0x0;
	s21 =	sshll.u32 s5, $0x1;
	s5 =	sadd.s32 s22, s3  }
0x1b: {  	[timem:s7], [sflag:s23] =	dma.local [hbm:s5], s21  }
0x1c: {  	_ =	swait.ge [sflag:s23], s21  }
0x1d: {  	s4 =	ssub.s32 $0x0, s21;
	[sflag:s23] =	ssyncset.done $0x0  }
0x1e: {  	[sflag:s23] =	ssyncadd.s32 s4;
	_ =	sdelay $0x1  }
0x1f: {  	s24 =	simm.s32 $0x1B8B  }
0x20: {  	_ =	swait.ge [sflag:s24], $0x1  }
0x21: {  	[sflag:s24] =	ssyncset.done $0x0  }
0x22: {  	s26 =	simm.s32 $0x1B8E;
	s25 =	sld [smem:$0x3FFE];
	[sflag:s24] =	ssyncadd.s32 $0xFFFFFFFF  }
0x23: {  	s27 =	simm.s32 $execute0_lowered;
	[smem:$0x3FD2] =	sst s26  }
0x24: {  	s5 =	sshll.u32 s27, $0x1;
	_ =	strace $0x8000004F;
	[dreg:$0x1] =	wrdreg $0xFFFFFFFF  }
0x25: {  	s28 =	simm.s32 $_size_execute0_lowered;
	s3 =	sadd.s32 s3, s5;
	[dreg:$0x0] =	wrdreg $0x0  }
0x26: {  	s5 =	sshll.u32 s28, $0x1;
	[dreg:$0x2] =	wrdreg s3  }
0x27: {  	[dreg:$0x3] =	wrdreg s5  }
0x28: {  	[dreg:$0x4] =	wrdreg $0xC0  }
0x29: {  	_ =	task [dreg:s7], $0x5FFFF  }
0x2a: {  	[dreg:$0x1] =	wrdreg $0xFFFFFFFF  }
0x2b: {  	[dreg:$0x0] =	wrdreg $0x60  }
0x2c: {  	[dreg:$0x2] =	wrdreg s25  }
0x2d: {  	[dreg:$0x3] =	wrdreg s17  }
0x2e: {  	[dreg:$0x4] =	wrdreg $0x9  }
0x2f: {  	_ =	task.clear_ibuf [dreg:s7], $0x5FFFF;
	_ =	strace $0x9000004F  }
0x30: {  	s29 =	simm.s32 $0x9;
	_ =	strace $0x80000051  }
0x31: {  	_ =	swait.ge [sflag:s29], $0x1  }
0x32: {  	[sflag:s29] =	ssyncadd.s32 $0xFFFFFFFF  }
0x33: {  	_ =	strace $0x90000051  }
0x34: {  	_ =	sfence  }
0x35: {  	s30 =	sld [smem:$0x0];
	_ =	sdelay $0x2  }
0x36: {  	s31 =	sshll.u32 s1, $0xD;
	s1 =	sshrl.u32 s1, $0x2  }
0x37: {  	s3 =	sand.u32 $0x4000, s31;
	s1 =	sadd.s32 s1, s30  }
0x38: {  	s0 =	sor.u32 s3, s0;
	s1 =	sshll.u32 s1, $0x11  }
0x39: {  	s0 =	sor.u32 s1, s0  }
0x3a: {  	s0 =	sadd.s32 $0x8F2B, s0  }
0x3b: {  	[sflag:s0] =	ssyncadd.remote.s32 $0x1  }
0x3c: {  	_ =	sfence.sel $0xFFFF  }
0x3d: {  	[dreg:$0x0] =	wrdreg $0xFFFFFFFF;
	(pc) =	sbr.abs _section_cstart, $3  }
0x3e: {  	[dreg:$0x1] =	wrdreg $0xFFFFFFFF  }
0x3f: {  	_ =	task.clear_ibuf [dreg:s7], $0x2FFFF;
	_ =	strace $0x9FFFFFFF  }
0x40: {  	(tm) =	ssettm $0x7FFFFFFF  }
0x41: {  	_ =	shalt  }
tec
execute0_lowered:
.L_overlay_start_1:
0x0: {  	(tag) =	ssettag $0x1  }
0x1: {  	s0 =	srdreg.scid  }
0x2: {  	s1 =	sshll.u32 s0, $0x4  }
0x3: {  	s4 =	rddreg [dreg:$0x0];
	s0 =	stileid.u32;
	s1 =	sand.u32 $0x10, s1  }
0x4: {  	s2 =	rddreg [dreg:$0x1];
	s7 =	simm.s32 $0x1;
	s1 =	sor.u32 s0, s1  }
0x5: {  	s8 =	simm.s32 $0x2;
	s11 =	simm.s32 $0x0;
	s3 =	sshll.u32 s1, $0x7  }
0x6: {  	s10 =	simm.s32 $0x0;
	s4 =	sadd.s32 $0xCD400, s4;
	s6 =	ssub.s32 $0x186A00, s3  }
.Ltmp0:
0x7: {  	s1 =	rddreg [dreg:$0x2];
	s5 =	sand.u32 $0xF80, s6;
	(pc) =	sbr.rel .LBB1_1-.Ltmp0, $4  }
0x8: {  	_ =	strace $0x80000050;
	s9 =	smov.u32 s3;
	p0 =	sne.s32 s5, $0x0  }
0x9: {  	s6 =	sshrl.u32 s6, $0xC;
	s5 =	simm.s32 $0x1;
	s7 =	simm.s32 @!p0 $0x0  }
0xa: {  	[sflag:s5] =	ssyncpa.u1 $0x0;
	p0 =	por $0x0, $0x0;
	s6 =	sadd.s32 s7, s6  }
0xb: {  	[sflag:s8] =	ssyncpa.u1 $0x0;
	s8 =	simm.s32 $0xC35000;
	s7 =	sadd.s32 $0x1, s6  }
.LBB1_4:
0xc: {  	s14 =	sshll.u32 s11, $0x3  }
0xd: {  	s14 =	sand.u32 $0xFFFFFC00, s14  }
0xe: {  	s15 =	sshrl.u32 s14, $0x9  }
0xf: {  	s15 =	smulhi.u32 $0xA7C5AD, s15;
	_ =	sdelay $0x1  }
0x10: {  	s15 =	sshrl.u32 s15, $0x3  }
0x11: {  	s28 =	sand.u32 $0x7F, s11;
	s16 =	smul.u32 $0x186A00, s15  }
0x12: {  	[tilespmem:s12+$0xFFFFFFFC ss:$0x81] =	vst.msk $0xffff, v0;
	s11 =	sor.u32 s28, s14  }
0x13: {  	[tilespmem:s12+$0xFFFFFFFD ss:$0x81] =	vst.msk $0xffff, v3;
	s29 =	sand.u32 $0xF, s15;
	s11 =	ssub.s32 s11, s16  }
0x14: {  	[tilespmem:s12+$0xFFFFFFFE ss:$0x81] =	vst.msk $0xffff, v1;
	s14 =	smul.u32 $0x30D40, s29;
	s30 =	sshrl.u32 s11, $0x3;
	s11 =	sand.u32 $0x7, s11  }
0x15: {  	[tilespmem:s12+$0xFFFFFFFF ss:$0x81] =	vst.msk $0xffff, v4;
	s15 =	sadd.s32 s2, s30;
	s11 =	sshll.u32 s11, $0x12  }
0x16: {  	[tilespmem:s12+$0xFFFFFFF9 ss:$0x81] =	vst.msk $0xffff, v2;
	s31 =	sadd.s32 s14, s15;
	s11 =	sor.u32 $0x400, s11  }
0x17: {  	[hbm4b:s31+s11] =	stream.strided.scatter [tilespmem:s13], [sflag:$0x2], $0x800, s8, s11, $0x20;
	[tilespmem:$0x2020] =	vst v63  }
.LBB1_5:
0x18: {  	s13 =	sadd.s32 $0x1000, s9  }
0x19: {  	p2 =	sgt.s32 s13, $0x1869FF  }
0x1a: {  	s13 =	smov.u32 @p2 s3;
	p2 =	sne.s32 s10, s7  }
.Ltmp1:
0x1b: {  	p1 =	slt.u32 s10, $0x2;
	(pc) =	sbr.rel @!p2 .LBB1_6-.Ltmp1, $4  }
0x1c: {  	s12 =	simm.s32 @!p1 $0x2  }
0x1d: {  	s14 =	sadd.s32 $0x1, s10;
	_ =	swait.ge @!p1 [sflag:s12], $0x800  }
0x1e: {  	s11 =	smov.u32 s9;
	p0 =	por !p0, !p0;
	[sflag:s12] =	ssyncset.done @!p1 $0x0  }
0x1f: {  	s10 =	smov.u32 s14;
	s9 =	smov.u32 s13;
	[sflag:s12] =	ssyncadd.s32 @!p1 $0xFFFFF800  }
.LBB1_1:
0x20: {  	p1 =	sge.u32 s10, s6  }
0x21: {  	s12 =	sand.u32 @!p1 $0x1FFFFFF, s9  }
0x22: {  	s13 =	smulhi.u32 @!p1 $0x14F8B59, s12;
	_ =	sdelay $0x1  }
0x23: {  	s13 =	sshrl.u32 @!p1 s13, $0xD  }
0x24: {  	s13 =	smul.u32 @!p1 $0x186A00, s13;
	_ =	sdelay $0x1  }
0x25: {  	s31 =	sadd.s32 $0xFFFFFFFF, s10;
	s14 =	sxor.u32 @!p1 $0xFFFFFFFF, s10;
	s12 =	ssub.s32 @!p1 s12, s13  }
0x26: {  	s15 =	simm.s32 @!p1 $0x80;
	s14 =	sshll.u32 @!p1 s14, $0xB;
	s12 =	sshll.u32 @!p1 s12, $0x4  }
0x27: {  	s13 =	sand.u32 @!p1 $0x800, s14;
	s14 =	simm.s32 @!p1 $0x10;
	s12 =	sadd.s32 @!p1 s4, s12  }
0x28: {  	[tilespmem:s13], [sflag:$0x1] =	stream.strided.gather @!p1 [hbm4b:s12+s14], $0x800, s15, s14, $0x38;
	[tilespmem:$0x2020] =	vst v63  }
0x29: {  	p1 =	sge.u32 s31, s6  }
.Ltmp2:
0x2a: {  	_ = 	snop;
	(pc) =	sbr.rel @p1 .LBB1_5-.Ltmp2, $1  }
0x2b: {  	_ =	sdelay $0x3  }
0x2c: {  	s12 =	simm.s32 $0x1  }
0x2d: {  	_ =	swait.ge [sflag:s5], $0x800;
	s12 =	simm.s32 @!p0 $0x0  }
0x2e: {  	[sflag:s5] =	ssyncset.done $0x0;
	s13 =	sshll.u32 s12, $0xB  }
0x2f: {  	[sflag:s5] =	ssyncadd.s32 $0xFFFFF800;
	s15 =	sor.u32 $0x40, s13  }
0x30: {  	v2 =	vld [tilespmem:s15+$0x30]  }
0x31: {  	s12 =	smul.u32 $0x2040, s12;
	v4 =	vld [tilespmem:s15+$0xFFFFFFD0]  }
0x32: {  	v5 =	vld [tilespmem:s15+$0xFFFFFFE0]  }
0x33: {  	s31 =	sand.u32 $0x1, s10;
	s12 =	sshrl.u32 s12, $0x2;
	v0 =	vld [tilespmem:s15+$0xFFFFFFF0]  }
0x34: {  	s13 =	smul.u32 $0x2040, s31;
	v3 =	vld [tilespmem:s15+$0x0];
	s12 =	sor.u32 $0x1007, s12  }
0x35: {  	v1 =	vld [tilespmem:s15+$0x10];
	[tilespmem:s12+$0x0 ss:$0x81] =	vst.msk $0xffff, v2  }
0x36: {  	s13 =	sshrl.u32 s13, $0x2;
	[tilespmem:s12+$0xFFFFFFFA ss:$0x81] =	vst.msk $0xffff, v4;
	v4 =	vld [tilespmem:s15+$0x20]  }
0x37: {  	s14 =	simm.s32 $0x0;
	s13 =	sor.u32 $0x1000, s13;
	v2 =	vld [tilespmem:s15+$0xFFFFFFC0];
	[tilespmem:s12+$0xFFFFFFFB ss:$0x81] =	vst.msk $0xffff, v5;
	s15 =	sadd.s32 $0x80, s15  }
.LBB1_3:
0x38: {  	v5 =	vld [tilespmem:s15+$0x30];
	s14 =	sadd.s32 $0x8, s14;
	[tilespmem:s12+$0xFFFFFFFC ss:$0x81] =	vst.msk $0xffff, v0  }
0x39: {  	v6 =	vld [tilespmem:s15+$0xFFFFFFD0];
	p1 =	slt.u32 s14, $0x78;
	[tilespmem:s12+$0xFFFFFFFD ss:$0x81] =	vst.msk $0xffff, v3  }
0x3a: {  	v7 =	vld [tilespmem:s15+$0xFFFFFFE0];
	[tilespmem:s12+$0xFFFFFFFE ss:$0x81] =	vst.msk $0xffff, v1  }
.Ltmp3:
0x3b: {  	v0 =	vld [tilespmem:s15+$0xFFFFFFF0];
	[tilespmem:s12+$0xFFFFFFFF ss:$0x81] =	vst.msk $0xffff, v4;
	(pc) =	sbr.rel @p1 .LBB1_3-.Ltmp3, $4  }
0x3c: {  	v3 =	vld [tilespmem:s15+$0x0];
	[tilespmem:s12+$0xFFFFFFF9 ss:$0x81] =	vst.msk $0xffff, v2;
	s12 =	sadd.s32 $0x8, s12  }
0x3d: {  	v1 =	vld [tilespmem:s15+$0x10];
	[tilespmem:s12+$0x0 ss:$0x81] =	vst.msk $0xffff, v5  }
0x3e: {  	[tilespmem:s12+$0xFFFFFFFA ss:$0x81] =	vst.msk $0xffff, v6;
	v4 =	vld [tilespmem:s15+$0x20]  }
0x3f: {  	v2 =	vld [tilespmem:s15+$0xFFFFFFC0];
	[tilespmem:s12+$0xFFFFFFFB ss:$0x81] =	vst.msk $0xffff, v7;
	s15 =	sadd.s32 $0x80, s15  }
.Ltmp4:
0x40: {  	_ = 	snop;
	(pc) =	sbr.rel .LBB1_4-.Ltmp4, $1  }
0x41: {  	_ =	sdelay $0x3  }
.LBB1_6:
0x42: {  	_ =	sfence.sel $0x180000  }
0x43: {  	s2 =	simm.s32 $0x1;
	[bflag:$0x0] =	sbarrier.arrive $0xFFFF  }
0x44: {  	s31 =	simm.s32 $0x2;
	[sflag:s2] =	ssyncpa.u1 $0x1  }
0x45: {  	[sflag:s31] =	ssyncpa.u1 $0x1  }
0x46: {  	p0 =	sne.s32 s0, $0x0;
	_ =	strace $0x90000050  }
0x47: {  	s0 =	sadd.s32 @!p0 $0x100000, s1;
	[bflag:$0x2] =	sbarrier.arrive $0xFFFF  }
0x48: {  	[sflag:s0] =	ssyncadd.tile.s32 @!p0 $0x1;
	_ =	shalt  }
.Lfunc_end1:
_tile_overlayer_lowered:
.L_overlay_start_2:
0x49: {  	(tag) =	ssettag $0x2  }
0x4a: {  	s0 =	rddreg [dreg:$0x0];
	s2 =	stileid.u32  }
0x4b: {  	s1 =	rddreg [dreg:$0x1];
	p0 =	sne.s32 s2, $0x0  }
0x4c: {  	s3 =	rddreg [dreg:$0x2];
	[bflag:$0x3] =	sbarrier.arrive $0xFFFF;
	s2 =	simm.s32 @!p0 $0x1C01  }
0x4d: {  	[timem:s3], [sflag:s2] =	dma.local @!p0 [hbm:s0], s1  }
0x4e: {  	s0 =	simm.s32 @!p0 $0x1  }
0x4f: {  	_ =	swait.ge @!p0 [sflag:s0], s1  }
0x50: {  	s1 =	ssub.s32 @!p0 $0x0, s1;
	[sflag:s0] =	ssyncset.done @!p0 $0x0  }
0x51: {  	[sflag:s0] =	ssyncadd.s32 @!p0 s1  }
0x52: {  	[bflag:$0x3] =	sbarrier.arrive $0xFFFF  }
0x53: {  	_ =	shalt  }

</sc_bundles>
